<compile_context>
chip_gen: v7x
topology: tpu7x:2x2x1
jax: 0.10.2.dev20260603
libtpu: 0.0.44.dev20260713+nightly
codegen_flags: <defaults>
</compile_context>

<pallas_src>
import functools

import jax
import jax.numpy as jnp
from jax import lax
from jax.experimental import pallas as pl
from jax.experimental.pallas import tpu as pltpu
from jax.experimental.pallas import tpu_sc as plsc

N = 10000
E = 320000
D = 128
DE = 16

NC, NS = 2, 16
NT = NC * NS
SUB = 64
GC = 40
CH0 = 240
CH1 = 80
TOT_CH = NS * (CH0 + CH1)
E_PAD = TOT_CH * SUB
N_ACC = 10240
ROWS_I = N_ACC // NS

def _edge_lin_body(ea_ref, w1_ref, b1_ref, w2_ref, b2_ref, o1_ref, o2_ref):
    ea = ea_ref[...]
    o1_ref[...] = (
        jnp.dot(ea, w1_ref[...], preferred_element_type=jnp.float32) + b1_ref[...]
    )
    o2_ref[...] = (
        jnp.dot(ea, w2_ref[...], preferred_element_type=jnp.float32) + b2_ref[...]
    )


def _edge_lin(ea_pad, w1t, b1, w2t, b2):
    BE = 8192
    grid = (E_PAD // BE,)
    return pl.pallas_call(
        _edge_lin_body,
        grid=grid,
        in_specs=[
            pl.BlockSpec((BE, DE), lambda i: (i, 0)),
            pl.BlockSpec((DE, D), lambda i: (0, 0)),
            pl.BlockSpec((1, D), lambda i: (0, 0)),
            pl.BlockSpec((DE, D), lambda i: (0, 0)),
            pl.BlockSpec((1, D), lambda i: (0, 0)),
        ],
        out_specs=[
            pl.BlockSpec((BE, D), lambda i: (i, 0)),
            pl.BlockSpec((BE, D), lambda i: (i, 0)),
        ],
        out_shape=[
            jax.ShapeDtypeStruct((E_PAD, D), jnp.float32),
            jax.ShapeDtypeStruct((E_PAD, D), jnp.float32),
        ],
        compiler_params=pltpu.CompilerParams(
            dimension_semantics=("arbitrary",),
        ),
    )(ea_pad, w1t, b1, w2t, b2)


def _mlp_body(x_ref, p0_ref, p1_ref, w1_ref, b1_ref, w2_ref, b2_ref, o_ref):
    t = x_ref[...] + p0_ref[0] + p1_ref[0]
    a = jnp.maximum(
        jnp.dot(t, w1_ref[...], preferred_element_type=jnp.float32) + b1_ref[...], 0.0
    )
    h = jnp.dot(a, w2_ref[...], preferred_element_type=jnp.float32) + b2_ref[...]
    o_ref[...] = jnp.maximum(h, 0.0)


def _mlp1(x, p0, p1, w1t, b1, w2t, b2):
    BN = 2000
    grid = (N // BN,)
    return pl.pallas_call(
        _mlp_body,
        grid=grid,
        in_specs=[
            pl.BlockSpec((BN, D), lambda i: (i, 0)),
            pl.BlockSpec((1, BN, D), lambda i: (0, i, 0)),
            pl.BlockSpec((1, BN, D), lambda i: (1, i, 0)),
            pl.BlockSpec((D, D), lambda i: (0, 0)),
            pl.BlockSpec((1, D), lambda i: (0, 0)),
            pl.BlockSpec((D, D), lambda i: (0, 0)),
            pl.BlockSpec((1, D), lambda i: (0, 0)),
        ],
        out_specs=pl.BlockSpec((BN, D), lambda i: (i, 0)),
        out_shape=jax.ShapeDtypeStruct((N, D), jnp.float32),
        compiler_params=pltpu.CompilerParams(
            dimension_semantics=("arbitrary",),
        ),
    )(x, p0, p1, w1t, b1, w2t, b2)


def _mlp_bn_body(
    h_ref, q0_ref, q1_ref, w1_ref, b1_ref, w2_ref, b2_ref, g_ref, bb_ref, o_ref
):
    t = h_ref[...] + q0_ref[0] + q1_ref[0]
    a = jnp.maximum(
        jnp.dot(t, w1_ref[...], preferred_element_type=jnp.float32) + b1_ref[...], 0.0
    )
    z = jnp.dot(a, w2_ref[...], preferred_element_type=jnp.float32) + b2_ref[...]
    mean = jnp.mean(z, axis=0, keepdims=True)
    var = jnp.mean((z - mean) ** 2, axis=0, keepdims=True)
    o_ref[...] = g_ref[...] * (z - mean) * lax.rsqrt(var + 1e-5) + bb_ref[...]


def _mlp2_bn(h, q0, q1, w1t, b1, w2t, b2, g, bb):
    return pl.pallas_call(
        _mlp_bn_body,
        grid=(1,),
        in_specs=[
            pl.BlockSpec((N, D), lambda i: (0, 0)),
            pl.BlockSpec((1, N, D), lambda i: (0, 0, 0)),
            pl.BlockSpec((1, N, D), lambda i: (1, 0, 0)),
            pl.BlockSpec((D, D), lambda i: (0, 0)),
            pl.BlockSpec((1, D), lambda i: (0, 0)),
            pl.BlockSpec((D, D), lambda i: (0, 0)),
            pl.BlockSpec((1, D), lambda i: (0, 0)),
            pl.BlockSpec((1, D), lambda i: (0, 0)),
            pl.BlockSpec((1, D), lambda i: (0, 0)),
        ],
        out_specs=pl.BlockSpec((N, D), lambda i: (0, 0)),
        out_shape=jax.ShapeDtypeStruct((N, D), jnp.float32),
    )(h, q0, q1, w1t, b1, w2t, b2, g, bb)


def _sc_aggr(xp, e, src3, dst3, zeros):
    @functools.partial(
        pl.kernel,
        out_type=jax.ShapeDtypeStruct((NC, N_ACC, D), jnp.float32),
        mesh=plsc.VectorSubcoreMesh(
            core_axis_name="c", subcore_axis_name="s", num_cores=NC, num_subcores=NS
        ),
        scratch_types=[
            pltpu.VMEM((GC, SUB), jnp.int32),
            pltpu.VMEM((GC, SUB), jnp.int32),
            pltpu.VMEM((SUB, D), jnp.float32),
            pltpu.VMEM((SUB, D), jnp.float32),
            pltpu.VMEM((SUB, D), jnp.float32),
            pltpu.VMEM((SUB, D), jnp.float32),
            pltpu.SemaphoreType.DMA,
            pltpu.SemaphoreType.DMA,
            pltpu.VMEM_SHARED((N_ACC, D), jnp.float32),
        ],
    )
    def k(x_hbm, e_hbm, src_hbm, dst_hbm, z_hbm, out_hbm,
          src_v, dst_v, xs0, es0, xs1, es1, sem0, sem1, acc):
        c = lax.axis_index("c")
        s = lax.axis_index("s")
        pltpu.sync_copy(
            z_hbm.at[pl.ds(s * ROWS_I, ROWS_I)], acc.at[pl.ds(s * ROWS_I, ROWS_I)]
        )
        plsc.subcore_barrier()
        chc = jnp.where(c == 0, CH0, CH1)
        cbase = c * NS * CH0 + s * chc

        def body(g, carry0):
            gbase = cbase + g * GC
            ebase = gbase * SUB

            def start(j, xsb, esb, sem):
                pltpu.async_copy(x_hbm.at[src_v.at[j]], xsb, sem)
                pltpu.async_copy(e_hbm.at[pl.ds(ebase + j * SUB, SUB)], esb, sem)

            def finish(j, xsb, esb, sem):
                pltpu.make_async_copy(x_hbm.at[src_v.at[j]], xsb, sem).wait()
                pltpu.make_async_copy(
                    e_hbm.at[pl.ds(ebase + j * SUB, SUB)], esb, sem
                ).wait()

            def work(j, xsb, esb):
                def row(r, carry2):
                    for kq in range(D // 16):
                        sl = pl.ds(kq * 16, 16)
                        esb[r, sl] = jnp.maximum(xsb[r, sl] + esb[r, sl], 0.0)
                    return carry2

                lax.fori_loop(0, SUB, row, 0)
                pltpu.sync_copy(esb, acc.at[dst_v.at[j]], add=True)

            pltpu.sync_copy(src_hbm.at[pl.ds(gbase, GC)], src_v)
            pltpu.sync_copy(dst_hbm.at[pl.ds(gbase, GC)], dst_v)
            start(0, xs0, es0, sem0)

            def pair(j2, carry):
                j = 2 * j2
                start(j + 1, xs1, es1, sem1)
                finish(j, xs0, es0, sem0)
                work(j, xs0, es0)
                start(j + 2, xs0, es0, sem0)
                finish(j + 1, xs1, es1, sem1)
                work(j + 1, xs1, es1)
                return carry

            lax.fori_loop(0, GC // 2 - 1, pair, 0)
            start(GC - 1, xs1, es1, sem1)
            finish(GC - 2, xs0, es0, sem0)
            work(GC - 2, xs0, es0)
            finish(GC - 1, xs1, es1, sem1)
            work(GC - 1, xs1, es1)
            return carry0

        lax.fori_loop(0, chc // GC, body, 0)
        plsc.subcore_barrier()
        pltpu.sync_copy(
            acc.at[pl.ds(s * ROWS_I, ROWS_I)],
            out_hbm.at[c, pl.ds(s * ROWS_I, ROWS_I)],
        )

    return k(xp, e, src3, dst3, zeros)


def kernel(x, edge_index, edge_attr, eW1, eb1, m1W1, m1b1, m1W2, m1b2,
           eW2, eb2, m2W1, m2b1, m2W2, m2b2, bn_g, bn_b):
    ep = E_PAD - E
    src3 = jnp.concatenate(
        [edge_index[0], jnp.zeros((ep,), jnp.int32)]
    ).reshape(TOT_CH, SUB)
    pad_dst = N + (jnp.arange(ep, dtype=jnp.int32) % (N_ACC - N))
    dst3 = jnp.concatenate([edge_index[1], pad_dst]).reshape(TOT_CH, SUB)
    ea_pad = jnp.concatenate([edge_attr, jnp.zeros((ep, DE), jnp.float32)])
    zeros = jnp.zeros((N_ACC, D), jnp.float32)

    e1, e2 = _edge_lin(
        ea_pad, eW1.T, eb1.reshape(1, D), eW2.T, eb2.reshape(1, D)
    )
    p = _sc_aggr(x, e1, src3, dst3, zeros)
    h = _mlp1(
        x, p, p, m1W1.T, m1b1.reshape(1, D), m1W2.T, m1b2.reshape(1, D)
    )
    q = _sc_aggr(h, e2, src3, dst3, zeros)
    out = _mlp2_bn(
        h, q, q, m2W1.T, m2b1.reshape(1, D), m2W2.T, m2b2.reshape(1, D),
        bn_g.reshape(1, D), bn_b.reshape(1, D),
    )
    return out

# --- scband reference (transcript-rebuilt; emitter-appended) ---
"""Pipeline reference for scband-gineencoder-3642132267186 (READ-ONLY COPY).

The authoritative reference and input builder live on the scoring server;
editing this copy changes nothing except your own understanding.
"""

import jax, jax.numpy as jnp
import numpy as np

N = 10000
E = 320000
D = 128   # node_dim
DE = 16   # edge_dim
H = 128   # hidden_dim
O = 128   # out_dim


def setup_inputs(seed: int = 0) -> dict:
    key = jax.random.key(seed)
    ks = jax.random.split(key, 20)
    inp = {}
    inp['x'] = jax.random.normal(ks[0], (N, D), dtype=jnp.float32)
    inp['edge_index'] = jax.random.randint(ks[1], (2, E), 0, N, dtype=jnp.int32)
    inp['edge_attr'] = jax.random.normal(ks[2], (E, DE), dtype=jnp.float32)
    # conv1: lin_edge maps edge_dim -> node_dim; mlp1: node_dim -> hidden -> hidden
    inp['eW1'] = jax.random.normal(ks[3], (D, DE), dtype=jnp.float32) / np.sqrt(DE)
    inp['eb1'] = jnp.zeros((D,), dtype=jnp.float32)
    inp['m1W1'] = jax.random.normal(ks[4], (H, D), dtype=jnp.float32) / np.sqrt(D)
    inp['m1b1'] = jnp.zeros((H,), dtype=jnp.float32)
    inp['m1W2'] = jax.random.normal(ks[5], (H, H), dtype=jnp.float32) / np.sqrt(H)
    inp['m1b2'] = jnp.zeros((H,), dtype=jnp.float32)
    # conv2: lin_edge maps edge_dim -> hidden_dim; mlp2: hidden -> out -> out
    inp['eW2'] = jax.random.normal(ks[6], (H, DE), dtype=jnp.float32) / np.sqrt(DE)
    inp['eb2'] = jnp.zeros((H,), dtype=jnp.float32)
    inp['m2W1'] = jax.random.normal(ks[7], (O, H), dtype=jnp.float32) / np.sqrt(H)
    inp['m2b1'] = jnp.zeros((O,), dtype=jnp.float32)
    inp['m2W2'] = jax.random.normal(ks[8], (O, O), dtype=jnp.float32) / np.sqrt(O)
    inp['m2b2'] = jnp.zeros((O,), dtype=jnp.float32)
    # batch norm affine params
    inp['bn_g'] = jnp.ones((O,), dtype=jnp.float32)
    inp['bn_b'] = jnp.zeros((O,), dtype=jnp.float32)
    return inp


def _gine_conv(x, edge_index, edge_attr, eW, eb, W1, b1, W2, b2, eps=0.0):
    # GINEConv: out = nn((1+eps)*x + sum_{j->i} ReLU(x_j + lin_edge(e_ji)))
    src = edge_index[0]
    dst = edge_index[1]
    e = edge_attr @ eW.T + eb
    msg = jax.nn.relu(x[src] + e)
    aggr = jax.ops.segment_sum(msg, dst, num_segments=x.shape[0])
    h = (1.0 + eps) * x + aggr
    h = jax.nn.relu(h @ W1.T + b1)
    h = h @ W2.T + b2
    return h


def reference(x, edge_index, edge_attr, eW1, eb1, m1W1, m1b1, m1W2, m1b2,
              eW2, eb2, m2W1, m2b1, m2W2, m2b2, bn_g, bn_b):
    h = _gine_conv(x, edge_index, edge_attr, eW1, eb1, m1W1, m1b1, m1W2, m1b2)
    h = jax.nn.relu(h)
    h = _gine_conv(h, edge_index, edge_attr, eW2, eb2, m2W1, m2b1, m2W2, m2b2)
    # BatchNorm1d (training mode: batch statistics, biased variance)
    mean = jnp.mean(h, axis=0)
    var = jnp.var(h, axis=0)
    out = bn_g * (h - mean) / jnp.sqrt(var + 1e-5) + bn_b
    return out

if __name__ == "__main__":
    import jax
    _d = setup_inputs()
    print(jax.jit(kernel)(*tuple(_d.values())))

</pallas_src>

<mosaic_0001>
#map = affine_map<(d0, d1) -> (0, 0)>
#map1 = affine_map<(d0, d1) -> (0, 0, 0)>
module attributes {stable_mosaic.version = 14 : i64} {
  func.func @k(%arg0: i32, %arg1: i32, %arg2: memref<10000x128xf32, #tpu.memory_space<hbm>>, %arg3: memref<327680x128xf32, #tpu.memory_space<hbm>>, %arg4: memref<5120x64xi32, #tpu.memory_space<hbm>>, %arg5: memref<5120x64xi32, #tpu.memory_space<hbm>>, %arg6: memref<10240x128xf32, #tpu.memory_space<hbm>>, %arg7: memref<2x10240x128xf32, #tpu.memory_space<hbm>>, %arg8: memref<40x64xi32, #tpu.memory_space<vmem>>, %arg9: memref<40x64xi32, #tpu.memory_space<vmem>>, %arg10: memref<64x128xf32, #tpu.memory_space<vmem>>, %arg11: memref<64x128xf32, #tpu.memory_space<vmem>>, %arg12: memref<64x128xf32, #tpu.memory_space<vmem>>, %arg13: memref<64x128xf32, #tpu.memory_space<vmem>>, %arg14: memref<!tpu.dma_semaphore, #tpu.memory_space<semaphore_mem>>, %arg15: memref<!tpu.dma_semaphore, #tpu.memory_space<semaphore_mem>>, %arg16: memref<10240x128xf32, #tpu.memory_space<vmem_shared>>) attributes {dimension_semantics = [#tpu.dimension_semantics<core_parallel>, #tpu.dimension_semantics<subcore_parallel>], iteration_bounds = array<i64: 2, 16>, scalar_prefetch = 0 : i64, scratch_operands = 9 : i64, tpu.core_type = #tpu.core_type<sc_vector_subcore>, window_params = [{transform_indices = #map}, {transform_indices = #map}, {transform_indices = #map}, {transform_indices = #map}, {transform_indices = #map}, {transform_indices = #map1}]} {
    %mul3A = arith.constant 640 : i32
    %mul3A_0 = arith.muli %arg1, %mul3A : i32
    %mul3A_1 = arith.constant 640 : i32
    %mul3A_2 = arith.muli %arg1, %mul3A_1 : i32
    "tpu.region"() ({
      %run_scoped3A = tpu.sem_alloc : memref<!tpu.dma_semaphore, #tpu.memory_space<semaphore_mem>>
      %dma_start3A = arith.constant 0 : i32
      %dma_start3A_42 = tpu.memref_slice %arg16[%mul3A_2, %dma_start3A] : memref<10240x128xf32, #tpu.memory_space<vmem_shared>> -> memref<640x128xf32, #tpu.memory_space<vmem_shared>>
      %dma_start3A_43 = arith.constant 0 : i32
      %dma_start3A_44 = tpu.memref_slice %arg6[%mul3A_0, %dma_start3A_43] : memref<10240x128xf32, #tpu.memory_space<hbm>> -> memref<640x128xf32, #tpu.memory_space<hbm>>
      tpu.enqueue_dma source(%dma_start3A_44 : memref<640x128xf32, #tpu.memory_space<hbm>>) target(%dma_start3A_42 : memref<640x128xf32, #tpu.memory_space<vmem_shared>>) target_semaphore(%run_scoped3A : memref<!tpu.dma_semaphore, #tpu.memory_space<semaphore_mem>>)
      %dma_wait3A = arith.constant 0 : i32
      %dma_wait3A_45 = tpu.memref_slice %arg16[%mul3A_2, %dma_wait3A] : memref<10240x128xf32, #tpu.memory_space<vmem_shared>> -> memref<640x128xf32, #tpu.memory_space<vmem_shared>>
      %dma_wait3A_46 = arith.constant 0 : i32
      %dma_wait3A_47 = tpu.memref_slice %arg6[%mul3A_0, %dma_wait3A_46] : memref<10240x128xf32, #tpu.memory_space<hbm>> -> memref<640x128xf32, #tpu.memory_space<hbm>>
      tpu.wait_dma2 semaphore(%run_scoped3A : memref<!tpu.dma_semaphore, #tpu.memory_space<semaphore_mem>>) src(%dma_wait3A_47 : memref<640x128xf32, #tpu.memory_space<hbm>>) dst(%dma_wait3A_45 : memref<640x128xf32, #tpu.memory_space<vmem_shared>>)
      tpu.yield
    }) : () -> ()
    %barrier3A = arith.constant 0 : index
    tpu.barrier barrier_id(%barrier3A)
    %eq3A = arith.constant 0 : i32
    %eq3A_3 = arith.cmpi eq, %arg0, %eq3A : i32
    %jit3A = arith.constant 240 : i32
    %jit3A_4 = arith.constant 80 : i32
    %select_n3A = arith.select %eq3A_3, %jit3A, %jit3A_4 : i32
    %mul3A_5 = arith.constant 16 : i32
    %mul3A_6 = arith.muli %arg0, %mul3A_5 : i32
    %mul3A_7 = arith.constant 240 : i32
    %mul3A_8 = arith.muli %mul3A_6, %mul3A_7 : i32
    %mul3A_9 = arith.muli %arg1, %select_n3A : i32
    %add3A = arith.addi %mul3A_8, %mul3A_9 : i32
    %jit3A_10 = arith.constant 40 : i32
    %div3A = arith.divsi %select_n3A, %jit3A_10 : i32
    %sign3A = arith.constant 0 : i32
    %sign3A_11 = arith.cmpi sgt, %select_n3A, %sign3A : i32
    %sign3A_12 = arith.extui %sign3A_11 : i1 to i32
    %sign3A_13 = arith.constant 0 : i32
    %sign3A_14 = arith.cmpi slt, %select_n3A, %sign3A_13 : i32
    %sign3A_15 = arith.extui %sign3A_14 : i1 to i32
    %sign3A_16 = arith.subi %sign3A_12, %sign3A_15 : i32
    %sign3A_17 = arith.constant 0 : i32
    %sign3A_18 = arith.cmpi sgt, %jit3A_10, %sign3A_17 : i32
    %sign3A_19 = arith.extui %sign3A_18 : i1 to i32
    %sign3A_20 = arith.constant 0 : i32
    %sign3A_21 = arith.cmpi slt, %jit3A_10, %sign3A_20 : i32
    %sign3A_22 = arith.extui %sign3A_21 : i1 to i32
    %sign3A_23 = arith.subi %sign3A_19, %sign3A_22 : i32
    %ne3A = arith.cmpi ne, %sign3A_16, %sign3A_23 : i32
    %rem3A = arith.remsi %select_n3A, %jit3A_10 : i32
    %ne3A_24 = arith.constant 0 : i32
    %ne3A_25 = arith.cmpi ne, %rem3A, %ne3A_24 : i32
    %and3A = arith.andi %ne3A, %ne3A_25 : i1
    %sub3A = arith.constant 1 : i32
    %sub3A_26 = arith.subi %div3A, %sub3A : i32
    %select_n3A_27 = arith.select %and3A, %sub3A_26, %div3A : i32
    %while3A = arith.constant 0 : i32
    %while3A_28 = arith.constant 0 : i32
    %while3A_29 = arith.subi %select_n3A_27, %while3A_28 : i32
    %while3A_30 = arith.addi %while3A_28, %while3A_29 : i32
    %while3A_31 = arith.constant 1 : i32
    %while3A_32 = arith.divsi %while3A_29, %while3A_31 : i32
    %while3A_33 = arith.muli %while3A_32, %while3A_31 : i32
    %while3A_34 = arith.addi %while3A_28, %while3A_33 : i32
    %while3A_35 = arith.constant 1 : i32
    scf.for %while3A_42 = %while3A_28 to %while3A_34 step %while3A_35  : i32 {
      %mul3A_43 = arith.constant 40 : i32
      %mul3A_44 = arith.muli %while3A_42, %mul3A_43 : i32
      %add3A_45 = arith.addi %add3A, %mul3A_44 : i32
      %mul3A_46 = arith.constant 64 : i32
      %mul3A_47 = arith.muli %add3A_45, %mul3A_46 : i32
      "tpu.region"() ({
        %run_scoped3A_116 = tpu.sem_alloc : memref<!tpu.dma_semaphore, #tpu.memory_space<semaphore_mem>>
        %dma_start3A_117 = arith.constant 0 : i32
        %dma_start3A_118 = tpu.memref_slice %arg4[%add3A_45, %dma_start3A_117] : memref<5120x64xi32, #tpu.memory_space<hbm>> -> memref<40x64xi32, #tpu.memory_space<hbm>>
        %dma_start3A_119 = arith.constant 0 : i32
        %dma_start3A_120 = tpu.memref_slice %arg4[%add3A_45, %dma_start3A_119] : memref<5120x64xi32, #tpu.memory_space<hbm>> -> memref<40x64xi32, #tpu.memory_space<hbm>>
        tpu.enqueue_dma source(%dma_start3A_120 : memref<40x64xi32, #tpu.memory_space<hbm>>) target(%arg8 : memref<40x64xi32, #tpu.memory_space<vmem>>) target_semaphore(%run_scoped3A_116 : memref<!tpu.dma_semaphore, #tpu.memory_space<semaphore_mem>>)
        %dma_wait3A_121 = arith.constant 0 : i32
        %dma_wait3A_122 = tpu.memref_slice %arg4[%add3A_45, %dma_wait3A_121] : memref<5120x64xi32, #tpu.memory_space<hbm>> -> memref<40x64xi32, #tpu.memory_space<hbm>>
        %dma_wait3A_123 = arith.constant 0 : i32
        %dma_wait3A_124 = tpu.memref_slice %arg4[%add3A_45, %dma_wait3A_123] : memref<5120x64xi32, #tpu.memory_space<hbm>> -> memref<40x64xi32, #tpu.memory_space<hbm>>
        tpu.wait_dma2 semaphore(%run_scoped3A_116 : memref<!tpu.dma_semaphore, #tpu.memory_space<semaphore_mem>>) src(%dma_wait3A_124 : memref<40x64xi32, #tpu.memory_space<hbm>>) dst(%arg8 : memref<40x64xi32, #tpu.memory_space<vmem>>)
        tpu.yield
      }) : () -> ()
      "tpu.region"() ({
        %run_scoped3A_116 = tpu.sem_alloc : memref<!tpu.dma_semaphore, #tpu.memory_space<semaphore_mem>>
        %dma_start3A_117 = arith.constant 0 : i32
        %dma_start3A_118 = tpu.memref_slice %arg5[%add3A_45, %dma_start3A_117] : memref<5120x64xi32, #tpu.memory_space<hbm>> -> memref<40x64xi32, #tpu.memory_space<hbm>>
        %dma_start3A_119 = arith.constant 0 : i32
        %dma_start3A_120 = tpu.memref_slice %arg5[%add3A_45, %dma_start3A_119] : memref<5120x64xi32, #tpu.memory_space<hbm>> -> memref<40x64xi32, #tpu.memory_space<hbm>>
        tpu.enqueue_dma source(%dma_start3A_120 : memref<40x64xi32, #tpu.memory_space<hbm>>) target(%arg9 : memref<40x64xi32, #tpu.memory_space<vmem>>) target_semaphore(%run_scoped3A_116 : memref<!tpu.dma_semaphore, #tpu.memory_space<semaphore_mem>>)
        %dma_wait3A_121 = arith.constant 0 : i32
        %dma_wait3A_122 = tpu.memref_slice %arg5[%add3A_45, %dma_wait3A_121] : memref<5120x64xi32, #tpu.memory_space<hbm>> -> memref<40x64xi32, #tpu.memory_space<hbm>>
        %dma_wait3A_123 = arith.constant 0 : i32
        %dma_wait3A_124 = tpu.memref_slice %arg5[%add3A_45, %dma_wait3A_123] : memref<5120x64xi32, #tpu.memory_space<hbm>> -> memref<40x64xi32, #tpu.memory_space<hbm>>
        tpu.wait_dma2 semaphore(%run_scoped3A_116 : memref<!tpu.dma_semaphore, #tpu.memory_space<semaphore_mem>>) src(%dma_wait3A_124 : memref<40x64xi32, #tpu.memory_space<hbm>>) dst(%arg9 : memref<40x64xi32, #tpu.memory_space<vmem>>)
        tpu.yield
      }) : () -> ()
      %dma_start3A = arith.constant 0 : i32
      %dma_start3A_48 = arith.constant 0 : i32
      %dma_start3A_49 = tpu.memref_slice %arg8[%dma_start3A, %dma_start3A_48] : memref<40x64xi32, #tpu.memory_space<vmem>> -> memref<1x64xi32, #tpu.memory_space<vmem>>
      %dma_start3A_50 = tpu.memref_squeeze %dma_start3A_49 : memref<1x64xi32, #tpu.memory_space<vmem>> -> memref<64xi32, #tpu.memory_space<vmem>>
      %dma_start3A_51 = arith.constant 0 : i32
      %dma_start3A_52 = arith.constant 0 : i32
      %dma_start3A_53 = tpu.memref_slice %arg2[%dma_start3A_51, %dma_start3A_52] : memref<10000x128xf32, #tpu.memory_space<hbm>> -> memref<10000x128xf32, #tpu.memory_space<hbm>>
      tpu.enqueue_indirect_dma source(%dma_start3A_53 : memref<10000x128xf32, #tpu.memory_space<hbm>>) target(%arg10 : memref<64x128xf32, #tpu.memory_space<vmem>>) offsets(%dma_start3A_50 : memref<64xi32, #tpu.memory_space<vmem>>) semaphore(%arg14 : memref<!tpu.dma_semaphore, #tpu.memory_space<semaphore_mem>>)
      %add3A_54 = arith.constant 0 : i32
      %add3A_55 = arith.addi %mul3A_47, %add3A_54 : i32
      %dma_start3A_56 = arith.constant 0 : i32
      %dma_start3A_57 = tpu.memref_slice %arg3[%add3A_55, %dma_start3A_56] : memref<327680x128xf32, #tpu.memory_space<hbm>> -> memref<64x128xf32, #tpu.memory_space<hbm>>
      %dma_start3A_58 = arith.constant 0 : i32
      %dma_start3A_59 = tpu.memref_slice %arg3[%add3A_55, %dma_start3A_58] : memref<327680x128xf32, #tpu.memory_space<hbm>> -> memref<64x128xf32, #tpu.memory_space<hbm>>
      tpu.enqueue_dma source(%dma_start3A_59 : memref<64x128xf32, #tpu.memory_space<hbm>>) target(%arg11 : memref<64x128xf32, #tpu.memory_space<vmem>>) target_semaphore(%arg14 : memref<!tpu.dma_semaphore, #tpu.memory_space<semaphore_mem>>)
      %scan3A = arith.constant 0 : i32
      %scan3A_60 = arith.constant 0 : i32
      %scan3A_61 = arith.constant 19 : i32
      %scan3A_62 = arith.addi %scan3A_60, %scan3A_61 : i32
      %scan3A_63 = arith.constant 1 : i32
      scf.for %scan3A_116 = %scan3A_60 to %scan3A_62 step %scan3A_63  : i32 {
        %mul3A_117 = arith.constant 2 : i32
        %mul3A_118 = arith.muli %mul3A_117, %scan3A_116 : i32
        %add3A_119 = arith.constant 1 : i32
        %add3A_120 = arith.addi %mul3A_118, %add3A_119 : i32
        %dma_start3A_121 = arith.constant 0 : i32
        %dma_start3A_122 = tpu.memref_slice %arg8[%add3A_120, %dma_start3A_121] : memref<40x64xi32, #tpu.memory_space<vmem>> -> memref<1x64xi32, #tpu.memory_space<vmem>>
        %dma_start3A_123 = tpu.memref_squeeze %dma_start3A_122 : memref<1x64xi32, #tpu.memory_space<vmem>> -> memref<64xi32, #tpu.memory_space<vmem>>
        %dma_start3A_124 = arith.constant 0 : i32
        %dma_start3A_125 = arith.constant 0 : i32
        %dma_start3A_126 = tpu.memref_slice %arg2[%dma_start3A_124, %dma_start3A_125] : memref<10000x128xf32, #tpu.memory_space<hbm>> -> memref<10000x128xf32, #tpu.memory_space<hbm>>
        tpu.enqueue_indirect_dma source(%dma_start3A_126 : memref<10000x128xf32, #tpu.memory_space<hbm>>) target(%arg12 : memref<64x128xf32, #tpu.memory_space<vmem>>) offsets(%dma_start3A_123 : memref<64xi32, #tpu.memory_space<vmem>>) semaphore(%arg15 : memref<!tpu.dma_semaphore, #tpu.memory_space<semaphore_mem>>)
        %mul3A_127 = arith.constant 64 : i32
        %mul3A_128 = arith.muli %add3A_120, %mul3A_127 : i32
        %add3A_129 = arith.addi %mul3A_47, %mul3A_128 : i32
        %dma_start3A_130 = arith.constant 0 : i32
        %dma_start3A_131 = tpu.memref_slice %arg3[%add3A_129, %dma_start3A_130] : memref<327680x128xf32, #tpu.memory_space<hbm>> -> memref<64x128xf32, #tpu.memory_space<hbm>>
        %dma_start3A_132 = arith.constant 0 : i32
        %dma_start3A_133 = tpu.memref_slice %arg3[%add3A_129, %dma_start3A_132] : memref<327680x128xf32, #tpu.memory_space<hbm>> -> memref<64x128xf32, #tpu.memory_space<hbm>>
        tpu.enqueue_dma source(%dma_start3A_133 : memref<64x128xf32, #tpu.memory_space<hbm>>) target(%arg13 : memref<64x128xf32, #tpu.memory_space<vmem>>) target_semaphore(%arg15 : memref<!tpu.dma_semaphore, #tpu.memory_space<semaphore_mem>>)
        %dma_wait3A_134 = arith.constant 0 : i32
        %dma_wait3A_135 = tpu.memref_slice %arg8[%mul3A_118, %dma_wait3A_134] : memref<40x64xi32, #tpu.memory_space<vmem>> -> memref<1x64xi32, #tpu.memory_space<vmem>>
        %dma_wait3A_136 = tpu.memref_squeeze %dma_wait3A_135 : memref<1x64xi32, #tpu.memory_space<vmem>> -> memref<64xi32, #tpu.memory_space<vmem>>
        %dma_wait3A_137 = arith.constant 0 : i32
        %dma_wait3A_138 = arith.constant 0 : i32
        %dma_wait3A_139 = tpu.memref_slice %arg2[%dma_wait3A_137, %dma_wait3A_138] : memref<10000x128xf32, #tpu.memory_space<hbm>> -> memref<10000x128xf32, #tpu.memory_space<hbm>>
        tpu.wait_indirect_dma semaphore(%arg14 : memref<!tpu.dma_semaphore, #tpu.memory_space<semaphore_mem>>) src(%dma_wait3A_139 : memref<10000x128xf32, #tpu.memory_space<hbm>>) dst(%arg10 : memref<64x128xf32, #tpu.memory_space<vmem>>)
        %mul3A_140 = arith.constant 64 : i32
        %mul3A_141 = arith.muli %mul3A_118, %mul3A_140 : i32
        %add3A_142 = arith.addi %mul3A_47, %mul3A_141 : i32
        %dma_wait3A_143 = arith.constant 0 : i32
        %dma_wait3A_144 = tpu.memref_slice %arg3[%add3A_142, %dma_wait3A_143] : memref<327680x128xf32, #tpu.memory_space<hbm>> -> memref<64x128xf32, #tpu.memory_space<hbm>>
        %dma_wait3A_145 = arith.constant 0 : i32
        %dma_wait3A_146 = tpu.memref_slice %arg3[%add3A_142, %dma_wait3A_145] : memref<327680x128xf32, #tpu.memory_space<hbm>> -> memref<64x128xf32, #tpu.memory_space<hbm>>
        tpu.wait_dma2 semaphore(%arg14 : memref<!tpu.dma_semaphore, #tpu.memory_space<semaphore_mem>>) src(%dma_wait3A_146 : memref<64x128xf32, #tpu.memory_space<hbm>>) dst(%arg11 : memref<64x128xf32, #tpu.memory_space<vmem>>)
        %scan3A_147 = arith.constant 0 : i32
        %scan3A_148 = arith.constant 0 : i32
        %scan3A_149 = arith.constant 64 : i32
        %scan3A_150 = arith.addi %scan3A_148, %scan3A_149 : i32
        %scan3A_151 = arith.constant 1 : i32
        scf.for %scan3A_191 = %scan3A_148 to %scan3A_150 step %scan3A_151  : i32 {
          %get3A = arith.index_cast %scan3A_191 : i32 to index
          %get3A_192 = arith.constant 0 : index
          %get3A_193 = tpu.vector_load %arg10[%get3A, %get3A_192] {strides = array<i32>} : memref<64x128xf32, #tpu.memory_space<vmem>>, vector<1x16xf32>,
          %get3A_194 = vector.shape_cast %get3A_193 : vector<1x16xf32> to vector<16xf32>
          %get3A_195 = arith.index_cast %scan3A_191 : i32 to index
          %get3A_196 = arith.constant 0 : index
          %get3A_197 = tpu.vector_load %arg11[%get3A_195, %get3A_196] {strides = array<i32>} : memref<64x128xf32, #tpu.memory_space<vmem>>, vector<1x16xf32>,
          %get3A_198 = vector.shape_cast %get3A_197 : vector<1x16xf32> to vector<16xf32>
          %add3A_199 = arith.addf %get3A_194, %get3A_198 : vector<16xf32>
          %max3A = arith.constant 0.000000e+00 : f32
          %max3A_200 = vector.broadcast %max3A : f32 to vector<16xf32>
          %max3A_201 = arith.maximumf %add3A_199, %max3A_200 : vector<16xf32>
          %swap3A = arith.index_cast %scan3A_191 : i32 to index
          %swap3A_202 = arith.constant 0 : index
          %swap3A_203 = tpu.vector_load %arg11[%swap3A, %swap3A_202] {strides = array<i32>} : memref<64x128xf32, #tpu.memory_space<vmem>>, vector<1x16xf32>,
          %swap3A_204 = vector.shape_cast %swap3A_203 : vector<1x16xf32> to vector<16xf32>
          %swap3A_205 = vector.shape_cast %max3A_201 : vector<16xf32> to vector<1x16xf32>
          tpu.vector_store %arg11[%swap3A, %swap3A_202], %swap3A_205 {strides = array<i32>} : memref<64x128xf32, #tpu.memory_space<vmem>>, vector<1x16xf32>,
          %get3A_206 = arith.index_cast %scan3A_191 : i32 to index
          %get3A_207 = arith.constant 16 : index
          %get3A_208 = tpu.vector_load %arg10[%get3A_206, %get3A_207] {strides = array<i32>} : memref<64x128xf32, #tpu.memory_space<vmem>>, vector<1x16xf32>,
          %get3A_209 = vector.shape_cast %get3A_208 : vector<1x16xf32> to vector<16xf32>
          %get3A_210 = arith.index_cast %scan3A_191 : i32 to index
          %get3A_211 = arith.constant 16 : index
          %get3A_212 = tpu.vector_load %arg11[%get3A_210, %get3A_211] {strides = array<i32>} : memref<64x128xf32, #tpu.memory_space<vmem>>, vector<1x16xf32>,
          %get3A_213 = vector.shape_cast %get3A_212 : vector<1x16xf32> to vector<16xf32>
          %add3A_214 = arith.addf %get3A_209, %get3A_213 : vector<16xf32>
          %max3A_215 = arith.constant 0.000000e+00 : f32
          %max3A_216 = vector.broadcast %max3A_215 : f32 to vector<16xf32>
          %max3A_217 = arith.maximumf %add3A_214, %max3A_216 : vector<16xf32>
          %swap3A_218 = arith.index_cast %scan3A_191 : i32 to index
          %swap3A_219 = arith.constant 16 : index
          %swap3A_220 = tpu.vector_load %arg11[%swap3A_218, %swap3A_219] {strides = array<i32>} : memref<64x128xf32, #tpu.memory_space<vmem>>, vector<1x16xf32>,
          %swap3A_221 = vector.shape_cast %swap3A_220 : vector<1x16xf32> to vector<16xf32>
          %swap3A_222 = vector.shape_cast %max3A_217 : vector<16xf32> to vector<1x16xf32>
          tpu.vector_store %arg11[%swap3A_218, %swap3A_219], %swap3A_222 {strides = array<i32>} : memref<64x128xf32, #tpu.memory_space<vmem>>, vector<1x16xf32>,
          %get3A_223 = arith.index_cast %scan3A_191 : i32 to index
          %get3A_224 = arith.constant 32 : index
          %get3A_225 = tpu.vector_load %arg10[%get3A_223, %get3A_224] {strides = array<i32>} : memref<64x128xf32, #tpu.memory_space<vmem>>, vector<1x16xf32>,
          %get3A_226 = vector.shape_cast %get3A_225 : vector<1x16xf32> to vector<16xf32>
          %get3A_227 = arith.index_cast %scan3A_191 : i32 to index
          %get3A_228 = arith.constant 32 : index
          %get3A_229 = tpu.vector_load %arg11[%get3A_227, %get3A_228] {strides = array<i32>} : memref<64x128xf32, #tpu.memory_space<vmem>>, vector<1x16xf32>,
          %get3A_230 = vector.shape_cast %get3A_229 : vector<1x16xf32> to vector<16xf32>
          %add3A_231 = arith.addf %get3A_226, %get3A_230 : vector<16xf32>
          %max3A_232 = arith.constant 0.000000e+00 : f32
          %max3A_233 = vector.broadcast %max3A_232 : f32 to vector<16xf32>
          %max3A_234 = arith.maximumf %add3A_231, %max3A_233 : vector<16xf32>
          %swap3A_235 = arith.index_cast %scan3A_191 : i32 to index
          %swap3A_236 = arith.constant 32 : index
          %swap3A_237 = tpu.vector_load %arg11[%swap3A_235, %swap3A_236] {strides = array<i32>} : memref<64x128xf32, #tpu.memory_space<vmem>>, vector<1x16xf32>,
          %swap3A_238 = vector.shape_cast %swap3A_237 : vector<1x16xf32> to vector<16xf32>
          %swap3A_239 = vector.shape_cast %max3A_234 : vector<16xf32> to vector<1x16xf32>
          tpu.vector_store %arg11[%swap3A_235, %swap3A_236], %swap3A_239 {strides = array<i32>} : memref<64x128xf32, #tpu.memory_space<vmem>>, vector<1x16xf32>,
          %get3A_240 = arith.index_cast %scan3A_191 : i32 to index
          %get3A_241 = arith.constant 48 : index
          %get3A_242 = tpu.vector_load %arg10[%get3A_240, %get3A_241] {strides = array<i32>} : memref<64x128xf32, #tpu.memory_space<vmem>>, vector<1x16xf32>,
          %get3A_243 = vector.shape_cast %get3A_242 : vector<1x16xf32> to vector<16xf32>
          %get3A_244 = arith.index_cast %scan3A_191 : i32 to index
          %get3A_245 = arith.constant 48 : index
          %get3A_246 = tpu.vector_load %arg11[%get3A_244, %get3A_245] {strides = array<i32>} : memref<64x128xf32, #tpu.memory_space<vmem>>, vector<1x16xf32>,
          %get3A_247 = vector.shape_cast %get3A_246 : vector<1x16xf32> to vector<16xf32>
          %add3A_248 = arith.addf %get3A_243, %get3A_247 : vector<16xf32>
          %max3A_249 = arith.constant 0.000000e+00 : f32
          %max3A_250 = vector.broadcast %max3A_249 : f32 to vector<16xf32>
          %max3A_251 = arith.maximumf %add3A_248, %max3A_250 : vector<16xf32>
          %swap3A_252 = arith.index_cast %scan3A_191 : i32 to index
          %swap3A_253 = arith.constant 48 : index
          %swap3A_254 = tpu.vector_load %arg11[%swap3A_252, %swap3A_253] {strides = array<i32>} : memref<64x128xf32, #tpu.memory_space<vmem>>, vector<1x16xf32>,
          %swap3A_255 = vector.shape_cast %swap3A_254 : vector<1x16xf32> to vector<16xf32>
          %swap3A_256 = vector.shape_cast %max3A_251 : vector<16xf32> to vector<1x16xf32>
          tpu.vector_store %arg11[%swap3A_252, %swap3A_253], %swap3A_256 {strides = array<i32>} : memref<64x128xf32, #tpu.memory_space<vmem>>, vector<1x16xf32>,
          %get3A_257 = arith.index_cast %scan3A_191 : i32 to index
          %get3A_258 = arith.constant 64 : index
          %get3A_259 = tpu.vector_load %arg10[%get3A_257, %get3A_258] {strides = array<i32>} : memref<64x128xf32, #tpu.memory_space<vmem>>, vector<1x16xf32>,
          %get3A_260 = vector.shape_cast %get3A_259 : vector<1x16xf32> to vector<16xf32>
          %get3A_261 = arith.index_cast %scan3A_191 : i32 to index
          %get3A_262 = arith.constant 64 : index
          %get3A_263 = tpu.vector_load %arg11[%get3A_261, %get3A_262] {strides = array<i32>} : memref<64x128xf32, #tpu.memory_space<vmem>>, vector<1x16xf32>,
          %get3A_264 = vector.shape_cast %get3A_263 : vector<1x16xf32> to vector<16xf32>
          %add3A_265 = arith.addf %get3A_260, %get3A_264 : vector<16xf32>
          %max3A_266 = arith.constant 0.000000e+00 : f32
          %max3A_267 = vector.broadcast %max3A_266 : f32 to vector<16xf32>
          %max3A_268 = arith.maximumf %add3A_265, %max3A_267 : vector<16xf32>
          %swap3A_269 = arith.index_cast %scan3A_191 : i32 to index
          %swap3A_270 = arith.constant 64 : index
          %swap3A_271 = tpu.vector_load %arg11[%swap3A_269, %swap3A_270] {strides = array<i32>} : memref<64x128xf32, #tpu.memory_space<vmem>>, vector<1x16xf32>,
          %swap3A_272 = vector.shape_cast %swap3A_271 : vector<1x16xf32> to vector<16xf32>
          %swap3A_273 = vector.shape_cast %max3A_268 : vector<16xf32> to vector<1x16xf32>
          tpu.vector_store %arg11[%swap3A_269, %swap3A_270], %swap3A_273 {strides = array<i32>} : memref<64x128xf32, #tpu.memory_space<vmem>>, vector<1x16xf32>,
          %get3A_274 = arith.index_cast %scan3A_191 : i32 to index
          %get3A_275 = arith.constant 80 : index
          %get3A_276 = tpu.vector_load %arg10[%get3A_274, %get3A_275] {strides = array<i32>} : memref<64x128xf32, #tpu.memory_space<vmem>>, vector<1x16xf32>,
          %get3A_277 = vector.shape_cast %get3A_276 : vector<1x16xf32> to vector<16xf32>
          %get3A_278 = arith.index_cast %scan3A_191 : i32 to index
          %get3A_279 = arith.constant 80 : index
          %get3A_280 = tpu.vector_load %arg11[%get3A_278, %get3A_279] {strides = array<i32>} : memref<64x128xf32, #tpu.memory_space<vmem>>, vector<1x16xf32>,
          %get3A_281 = vector.shape_cast %get3A_280 : vector<1x16xf32> to vector<16xf32>
          %add3A_282 = arith.addf %get3A_277, %get3A_281 : vector<16xf32>
          %max3A_283 = arith.constant 0.000000e+00 : f32
          %max3A_284 = vector.broadcast %max3A_283 : f32 to vector<16xf32>
          %max3A_285 = arith.maximumf %add3A_282, %max3A_284 : vector<16xf32>
          %swap3A_286 = arith.index_cast %scan3A_191 : i32 to index
          %swap3A_287 = arith.constant 80 : index
          %swap3A_288 = tpu.vector_load %arg11[%swap3A_286, %swap3A_287] {strides = array<i32>} : memref<64x128xf32, #tpu.memory_space<vmem>>, vector<1x16xf32>,
          %swap3A_289 = vector.shape_cast %swap3A_288 : vector<1x16xf32> to vector<16xf32>
          %swap3A_290 = vector.shape_cast %max3A_285 : vector<16xf32> to vector<1x16xf32>
          tpu.vector_store %arg11[%swap3A_286, %swap3A_287], %swap3A_290 {strides = array<i32>} : memref<64x128xf32, #tpu.memory_space<vmem>>, vector<1x16xf32>,
          %get3A_291 = arith.index_cast %scan3A_191 : i32 to index
          %get3A_292 = arith.constant 96 : index
          %get3A_293 = tpu.vector_load %arg10[%get3A_291, %get3A_292] {strides = array<i32>} : memref<64x128xf32, #tpu.memory_space<vmem>>, vector<1x16xf32>,
          %get3A_294 = vector.shape_cast %get3A_293 : vector<1x16xf32> to vector<16xf32>
          %get3A_295 = arith.index_cast %scan3A_191 : i32 to index
          %get3A_296 = arith.constant 96 : index
          %get3A_297 = tpu.vector_load %arg11[%get3A_295, %get3A_296] {strides = array<i32>} : memref<64x128xf32, #tpu.memory_space<vmem>>, vector<1x16xf32>,
          %get3A_298 = vector.shape_cast %get3A_297 : vector<1x16xf32> to vector<16xf32>
          %add3A_299 = arith.addf %get3A_294, %get3A_298 : vector<16xf32>
          %max3A_300 = arith.constant 0.000000e+00 : f32
          %max3A_301 = vector.broadcast %max3A_300 : f32 to vector<16xf32>
          %max3A_302 = arith.maximumf %add3A_299, %max3A_301 : vector<16xf32>
          %swap3A_303 = arith.index_cast %scan3A_191 : i32 to index
          %swap3A_304 = arith.constant 96 : index
          %swap3A_305 = tpu.vector_load %arg11[%swap3A_303, %swap3A_304] {strides = array<i32>} : memref<64x128xf32, #tpu.memory_space<vmem>>, vector<1x16xf32>,
          %swap3A_306 = vector.shape_cast %swap3A_305 : vector<1x16xf32> to vector<16xf32>
          %swap3A_307 = vector.shape_cast %max3A_302 : vector<16xf32> to vector<1x16xf32>
          tpu.vector_store %arg11[%swap3A_303, %swap3A_304], %swap3A_307 {strides = array<i32>} : memref<64x128xf32, #tpu.memory_space<vmem>>, vector<1x16xf32>,
          %get3A_308 = arith.index_cast %scan3A_191 : i32 to index
          %get3A_309 = arith.constant 112 : index
          %get3A_310 = tpu.vector_load %arg10[%get3A_308, %get3A_309] {strides = array<i32>} : memref<64x128xf32, #tpu.memory_space<vmem>>, vector<1x16xf32>,
          %get3A_311 = vector.shape_cast %get3A_310 : vector<1x16xf32> to vector<16xf32>
          %get3A_312 = arith.index_cast %scan3A_191 : i32 to index
          %get3A_313 = arith.constant 112 : index
          %get3A_314 = tpu.vector_load %arg11[%get3A_312, %get3A_313] {strides = array<i32>} : memref<64x128xf32, #tpu.memory_space<vmem>>, vector<1x16xf32>,
          %get3A_315 = vector.shape_cast %get3A_314 : vector<1x16xf32> to vector<16xf32>
          %add3A_316 = arith.addf %get3A_311, %get3A_315 : vector<16xf32>
          %max3A_317 = arith.constant 0.000000e+00 : f32
          %max3A_318 = vector.broadcast %max3A_317 : f32 to vector<16xf32>
          %max3A_319 = arith.maximumf %add3A_316, %max3A_318 : vector<16xf32>
          %swap3A_320 = arith.index_cast %scan3A_191 : i32 to index
          %swap3A_321 = arith.constant 112 : index
          %swap3A_322 = tpu.vector_load %arg11[%swap3A_320, %swap3A_321] {strides = array<i32>} : memref<64x128xf32, #tpu.memory_space<vmem>>, vector<1x16xf32>,
          %swap3A_323 = vector.shape_cast %swap3A_322 : vector<1x16xf32> to vector<16xf32>
          %swap3A_324 = vector.shape_cast %max3A_319 : vector<16xf32> to vector<1x16xf32>
          tpu.vector_store %arg11[%swap3A_320, %swap3A_321], %swap3A_324 {strides = array<i32>} : memref<64x128xf32, #tpu.memory_space<vmem>>, vector<1x16xf32>,
        }
        %scan3A_152 = arith.constant 64 : i32
        "tpu.region"() ({
          %run_scoped3A_191 = tpu.sem_alloc : memref<!tpu.dma_semaphore, #tpu.memory_space<semaphore_mem>>
          %dma_start3A_192 = arith.constant 0 : i32
          %dma_start3A_193 = tpu.memref_slice %arg9[%mul3A_118, %dma_start3A_192] : memref<40x64xi32, #tpu.memory_space<vmem>> -> memref<1x64xi32, #tpu.memory_space<vmem>>
          %dma_start3A_194 = tpu.memref_squeeze %dma_start3A_193 : memref<1x64xi32, #tpu.memory_space<vmem>> -> memref<64xi32, #tpu.memory_space<vmem>>
          %dma_start3A_195 = arith.constant 0 : i32
          %dma_start3A_196 = arith.constant 0 : i32
          %dma_start3A_197 = tpu.memref_slice %arg16[%dma_start3A_195, %dma_start3A_196] : memref<10240x128xf32, #tpu.memory_space<vmem_shared>> -> memref<10240x128xf32, #tpu.memory_space<vmem_shared>>
          tpu.enqueue_indirect_dma source(%arg11 : memref<64x128xf32, #tpu.memory_space<vmem>>) target(%dma_start3A_197 : memref<10240x128xf32, #tpu.memory_space<vmem_shared>>) offsets(%dma_start3A_194 : memref<64xi32, #tpu.memory_space<vmem>>) semaphore(%run_scoped3A_191 : memref<!tpu.dma_semaphore, #tpu.memory_space<semaphore_mem>>) {add = true}
          %dma_wait3A_198 = arith.constant 0 : i32
          %dma_wait3A_199 = tpu.memref_slice %arg9[%mul3A_118, %dma_wait3A_198] : memref<40x64xi32, #tpu.memory_space<vmem>> -> memref<1x64xi32, #tpu.memory_space<vmem>>
          %dma_wait3A_200 = tpu.memref_squeeze %dma_wait3A_199 : memref<1x64xi32, #tpu.memory_space<vmem>> -> memref<64xi32, #tpu.memory_space<vmem>>
          %dma_wait3A_201 = arith.constant 0 : i32
          %dma_wait3A_202 = arith.constant 0 : i32
          %dma_wait3A_203 = tpu.memref_slice %arg16[%dma_wait3A_201, %dma_wait3A_202] : memref<10240x128xf32, #tpu.memory_space<vmem_shared>> -> memref<10240x128xf32, #tpu.memory_space<vmem_shared>>
          tpu.wait_indirect_dma semaphore(%run_scoped3A_191 : memref<!tpu.dma_semaphore, #tpu.memory_space<semaphore_mem>>) src(%arg11 : memref<64x128xf32, #tpu.memory_space<vmem>>) dst(%dma_wait3A_203 : memref<10240x128xf32, #tpu.memory_space<vmem_shared>>)
          tpu.yield
        }) : () -> ()
        %add3A_153 = arith.constant 2 : i32
        %add3A_154 = arith.addi %mul3A_118, %add3A_153 : i32
        %dma_start3A_155 = arith.constant 0 : i32
        %dma_start3A_156 = tpu.memref_slice %arg8[%add3A_154, %dma_start3A_155] : memref<40x64xi32, #tpu.memory_space<vmem>> -> memref<1x64xi32, #tpu.memory_space<vmem>>
        %dma_start3A_157 = tpu.memref_squeeze %dma_start3A_156 : memref<1x64xi32, #tpu.memory_space<vmem>> -> memref<64xi32, #tpu.memory_space<vmem>>
        %dma_start3A_158 = arith.constant 0 : i32
        %dma_start3A_159 = arith.constant 0 : i32
        %dma_start3A_160 = tpu.memref_slice %arg2[%dma_start3A_158, %dma_start3A_159] : memref<10000x128xf32, #tpu.memory_space<hbm>> -> memref<10000x128xf32, #tpu.memory_space<hbm>>
        tpu.enqueue_indirect_dma source(%dma_start3A_160 : memref<10000x128xf32, #tpu.memory_space<hbm>>) target(%arg10 : memref<64x128xf32, #tpu.memory_space<vmem>>) offsets(%dma_start3A_157 : memref<64xi32, #tpu.memory_space<vmem>>) semaphore(%arg14 : memref<!tpu.dma_semaphore, #tpu.memory_space<semaphore_mem>>)
        %mul3A_161 = arith.constant 64 : i32
        %mul3A_162 = arith.muli %add3A_154, %mul3A_161 : i32
        %add3A_163 = arith.addi %mul3A_47, %mul3A_162 : i32
        %dma_start3A_164 = arith.constant 0 : i32
        %dma_start3A_165 = tpu.memref_slice %arg3[%add3A_163, %dma_start3A_164] : memref<327680x128xf32, #tpu.memory_space<hbm>> -> memref<64x128xf32, #tpu.memory_space<hbm>>
        %dma_start3A_166 = arith.constant 0 : i32
        %dma_start3A_167 = tpu.memref_slice %arg3[%add3A_163, %dma_start3A_166] : memref<327680x128xf32, #tpu.memory_space<hbm>> -> memref<64x128xf32, #tpu.memory_space<hbm>>
        tpu.enqueue_dma source(%dma_start3A_167 : memref<64x128xf32, #tpu.memory_space<hbm>>) target(%arg11 : memref<64x128xf32, #tpu.memory_space<vmem>>) target_semaphore(%arg14 : memref<!tpu.dma_semaphore, #tpu.memory_space<semaphore_mem>>)
        %add3A_168 = arith.constant 1 : i32
        %add3A_169 = arith.addi %mul3A_118, %add3A_168 : i32
        %dma_wait3A_170 = arith.constant 0 : i32
        %dma_wait3A_171 = tpu.memref_slice %arg8[%add3A_169, %dma_wait3A_170] : memref<40x64xi32, #tpu.memory_space<vmem>> -> memref<1x64xi32, #tpu.memory_space<vmem>>
        %dma_wait3A_172 = tpu.memref_squeeze %dma_wait3A_171 : memref<1x64xi32, #tpu.memory_space<vmem>> -> memref<64xi32, #tpu.memory_space<vmem>>
        %dma_wait3A_173 = arith.constant 0 : i32
        %dma_wait3A_174 = arith.constant 0 : i32
        %dma_wait3A_175 = tpu.memref_slice %arg2[%dma_wait3A_173, %dma_wait3A_174] : memref<10000x128xf32, #tpu.memory_space<hbm>> -> memref<10000x128xf32, #tpu.memory_space<hbm>>
        tpu.wait_indirect_dma semaphore(%arg15 : memref<!tpu.dma_semaphore, #tpu.memory_space<semaphore_mem>>) src(%dma_wait3A_175 : memref<10000x128xf32, #tpu.memory_space<hbm>>) dst(%arg12 : memref<64x128xf32, #tpu.memory_space<vmem>>)
        %mul3A_176 = arith.constant 64 : i32
        %mul3A_177 = arith.muli %add3A_169, %mul3A_176 : i32
        %add3A_178 = arith.addi %mul3A_47, %mul3A_177 : i32
        %dma_wait3A_179 = arith.constant 0 : i32
        %dma_wait3A_180 = tpu.memref_slice %arg3[%add3A_178, %dma_wait3A_179] : memref<327680x128xf32, #tpu.memory_space<hbm>> -> memref<64x128xf32, #tpu.memory_space<hbm>>
        %dma_wait3A_181 = arith.constant 0 : i32
        %dma_wait3A_182 = tpu.memref_slice %arg3[%add3A_178, %dma_wait3A_181] : memref<327680x128xf32, #tpu.memory_space<hbm>> -> memref<64x128xf32, #tpu.memory_space<hbm>>
        tpu.wait_dma2 semaphore(%arg15 : memref<!tpu.dma_semaphore, #tpu.memory_space<semaphore_mem>>) src(%dma_wait3A_182 : memref<64x128xf32, #tpu.memory_space<hbm>>) dst(%arg13 : memref<64x128xf32, #tpu.memory_space<vmem>>)
        %add3A_183 = arith.constant 1 : i32
        %add3A_184 = arith.addi %mul3A_118, %add3A_183 : i32
        %scan3A_185 = arith.constant 0 : i32
        %scan3A_186 = arith.constant 0 : i32
        %scan3A_187 = arith.constant 64 : i32
        %scan3A_188 = arith.addi %scan3A_186, %scan3A_187 : i32
        %scan3A_189 = arith.constant 1 : i32
        scf.for %scan3A_191 = %scan3A_186 to %scan3A_188 step %scan3A_189  : i32 {
          %get3A = arith.index_cast %scan3A_191 : i32 to index
          %get3A_192 = arith.constant 0 : index
          %get3A_193 = tpu.vector_load %arg12[%get3A, %get3A_192] {strides = array<i32>} : memref<64x128xf32, #tpu.memory_space<vmem>>, vector<1x16xf32>,
          %get3A_194 = vector.shape_cast %get3A_193 : vector<1x16xf32> to vector<16xf32>
          %get3A_195 = arith.index_cast %scan3A_191 : i32 to index
          %get3A_196 = arith.constant 0 : index
          %get3A_197 = tpu.vector_load %arg13[%get3A_195, %get3A_196] {strides = array<i32>} : memref<64x128xf32, #tpu.memory_space<vmem>>, vector<1x16xf32>,
          %get3A_198 = vector.shape_cast %get3A_197 : vector<1x16xf32> to vector<16xf32>
          %add3A_199 = arith.addf %get3A_194, %get3A_198 : vector<16xf32>
          %max3A = arith.constant 0.000000e+00 : f32
          %max3A_200 = vector.broadcast %max3A : f32 to vector<16xf32>
          %max3A_201 = arith.maximumf %add3A_199, %max3A_200 : vector<16xf32>
          %swap3A = arith.index_cast %scan3A_191 : i32 to index
          %swap3A_202 = arith.constant 0 : index
          %swap3A_203 = tpu.vector_load %arg13[%swap3A, %swap3A_202] {strides = array<i32>} : memref<64x128xf32, #tpu.memory_space<vmem>>, vector<1x16xf32>,
          %swap3A_204 = vector.shape_cast %swap3A_203 : vector<1x16xf32> to vector<16xf32>
          %swap3A_205 = vector.shape_cast %max3A_201 : vector<16xf32> to vector<1x16xf32>
          tpu.vector_store %arg13[%swap3A, %swap3A_202], %swap3A_205 {strides = array<i32>} : memref<64x128xf32, #tpu.memory_space<vmem>>, vector<1x16xf32>,
          %get3A_206 = arith.index_cast %scan3A_191 : i32 to index
          %get3A_207 = arith.constant 16 : index
          %get3A_208 = tpu.vector_load %arg12[%get3A_206, %get3A_207] {strides = array<i32>} : memref<64x128xf32, #tpu.memory_space<vmem>>, vector<1x16xf32>,
          %get3A_209 = vector.shape_cast %get3A_208 : vector<1x16xf32> to vector<16xf32>
          %get3A_210 = arith.index_cast %scan3A_191 : i32 to index
          %get3A_211 = arith.constant 16 : index
          %get3A_212 = tpu.vector_load %arg13[%get3A_210, %get3A_211] {strides = array<i32>} : memref<64x128xf32, #tpu.memory_space<vmem>>, vector<1x16xf32>,
          %get3A_213 = vector.shape_cast %get3A_212 : vector<1x16xf32> to vector<16xf32>
          %add3A_214 = arith.addf %get3A_209, %get3A_213 : vector<16xf32>
          %max3A_215 = arith.constant 0.000000e+00 : f32
          %max3A_216 = vector.broadcast %max3A_215 : f32 to vector<16xf32>
          %max3A_217 = arith.maximumf %add3A_214, %max3A_216 : vector<16xf32>
          %swap3A_218 = arith.index_cast %scan3A_191 : i32 to index
          %swap3A_219 = arith.constant 16 : index
          %swap3A_220 = tpu.vector_load %arg13[%swap3A_218, %swap3A_219] {strides = array<i32>} : memref<64x128xf32, #tpu.memory_space<vmem>>, vector<1x16xf32>,
          %swap3A_221 = vector.shape_cast %swap3A_220 : vector<1x16xf32> to vector<16xf32>
          %swap3A_222 = vector.shape_cast %max3A_217 : vector<16xf32> to vector<1x16xf32>
          tpu.vector_store %arg13[%swap3A_218, %swap3A_219], %swap3A_222 {strides = array<i32>} : memref<64x128xf32, #tpu.memory_space<vmem>>, vector<1x16xf32>,
          %get3A_223 = arith.index_cast %scan3A_191 : i32 to index
          %get3A_224 = arith.constant 32 : index
          %get3A_225 = tpu.vector_load %arg12[%get3A_223, %get3A_224] {strides = array<i32>} : memref<64x128xf32, #tpu.memory_space<vmem>>, vector<1x16xf32>,
          %get3A_226 = vector.shape_cast %get3A_225 : vector<1x16xf32> to vector<16xf32>
          %get3A_227 = arith.index_cast %scan3A_191 : i32 to index
          %get3A_228 = arith.constant 32 : index
          %get3A_229 = tpu.vector_load %arg13[%get3A_227, %get3A_228] {strides = array<i32>} : memref<64x128xf32, #tpu.memory_space<vmem>>, vector<1x16xf32>,
          %get3A_230 = vector.shape_cast %get3A_229 : vector<1x16xf32> to vector<16xf32>
          %add3A_231 = arith.addf %get3A_226, %get3A_230 : vector<16xf32>
          %max3A_232 = arith.constant 0.000000e+00 : f32
          %max3A_233 = vector.broadcast %max3A_232 : f32 to vector<16xf32>
          %max3A_234 = arith.maximumf %add3A_231, %max3A_233 : vector<16xf32>
          %swap3A_235 = arith.index_cast %scan3A_191 : i32 to index
          %swap3A_236 = arith.constant 32 : index
          %swap3A_237 = tpu.vector_load %arg13[%swap3A_235, %swap3A_236] {strides = array<i32>} : memref<64x128xf32, #tpu.memory_space<vmem>>, vector<1x16xf32>,
          %swap3A_238 = vector.shape_cast %swap3A_237 : vector<1x16xf32> to vector<16xf32>
          %swap3A_239 = vector.shape_cast %max3A_234 : vector<16xf32> to vector<1x16xf32>
          tpu.vector_store %arg13[%swap3A_235, %swap3A_236], %swap3A_239 {strides = array<i32>} : memref<64x128xf32, #tpu.memory_space<vmem>>, vector<1x16xf32>,
          %get3A_240 = arith.index_cast %scan3A_191 : i32 to index
          %get3A_241 = arith.constant 48 : index
          %get3A_242 = tpu.vector_load %arg12[%get3A_240, %get3A_241] {strides = array<i32>} : memref<64x128xf32, #tpu.memory_space<vmem>>, vector<1x16xf32>,
          %get3A_243 = vector.shape_cast %get3A_242 : vector<1x16xf32> to vector<16xf32>
          %get3A_244 = arith.index_cast %scan3A_191 : i32 to index
          %get3A_245 = arith.constant 48 : index
          %get3A_246 = tpu.vector_load %arg13[%get3A_244, %get3A_245] {strides = array<i32>} : memref<64x128xf32, #tpu.memory_space<vmem>>, vector<1x16xf32>,
          %get3A_247 = vector.shape_cast %get3A_246 : vector<1x16xf32> to vector<16xf32>
          %add3A_248 = arith.addf %get3A_243, %get3A_247 : vector<16xf32>
          %max3A_249 = arith.constant 0.000000e+00 : f32
          %max3A_250 = vector.broadcast %max3A_249 : f32 to vector<16xf32>
          %max3A_251 = arith.maximumf %add3A_248, %max3A_250 : vector<16xf32>
          %swap3A_252 = arith.index_cast %scan3A_191 : i32 to index
          %swap3A_253 = arith.constant 48 : index
          %swap3A_254 = tpu.vector_load %arg13[%swap3A_252, %swap3A_253] {strides = array<i32>} : memref<64x128xf32, #tpu.memory_space<vmem>>, vector<1x16xf32>,
          %swap3A_255 = vector.shape_cast %swap3A_254 : vector<1x16xf32> to vector<16xf32>
          %swap3A_256 = vector.shape_cast %max3A_251 : vector<16xf32> to vector<1x16xf32>
          tpu.vector_store %arg13[%swap3A_252, %swap3A_253], %swap3A_256 {strides = array<i32>} : memref<64x128xf32, #tpu.memory_space<vmem>>, vector<1x16xf32>,
          %get3A_257 = arith.index_cast %scan3A_191 : i32 to index
          %get3A_258 = arith.constant 64 : index
          %get3A_259 = tpu.vector_load %arg12[%get3A_257, %get3A_258] {strides = array<i32>} : memref<64x128xf32, #tpu.memory_space<vmem>>, vector<1x16xf32>,
          %get3A_260 = vector.shape_cast %get3A_259 : vector<1x16xf32> to vector<16xf32>
          %get3A_261 = arith.index_cast %scan3A_191 : i32 to index
          %get3A_262 = arith.constant 64 : index
          %get3A_263 = tpu.vector_load %arg13[%get3A_261, %get3A_262] {strides = array<i32>} : memref<64x128xf32, #tpu.memory_space<vmem>>, vector<1x16xf32>,
          %get3A_264 = vector.shape_cast %get3A_263 : vector<1x16xf32> to vector<16xf32>
          %add3A_265 = arith.addf %get3A_260, %get3A_264 : vector<16xf32>
          %max3A_266 = arith.constant 0.000000e+00 : f32
          %max3A_267 = vector.broadcast %max3A_266 : f32 to vector<16xf32>
          %max3A_268 = arith.maximumf %add3A_265, %max3A_267 : vector<16xf32>
          %swap3A_269 = arith.index_cast %scan3A_191 : i32 to index
          %swap3A_270 = arith.constant 64 : index
          %swap3A_271 = tpu.vector_load %arg13[%swap3A_269, %swap3A_270] {strides = array<i32>} : memref<64x128xf32, #tpu.memory_space<vmem>>, vector<1x16xf32>,
          %swap3A_272 = vector.shape_cast %swap3A_271 : vector<1x16xf32> to vector<16xf32>
          %swap3A_273 = vector.shape_cast %max3A_268 : vector<16xf32> to vector<1x16xf32>
          tpu.vector_store %arg13[%swap3A_269, %swap3A_270], %swap3A_273 {strides = array<i32>} : memref<64x128xf32, #tpu.memory_space<vmem>>, vector<1x16xf32>,
          %get3A_274 = arith.index_cast %scan3A_191 : i32 to index
          %get3A_275 = arith.constant 80 : index
          %get3A_276 = tpu.vector_load %arg12[%get3A_274, %get3A_275] {strides = array<i32>} : memref<64x128xf32, #tpu.memory_space<vmem>>, vector<1x16xf32>,
          %get3A_277 = vector.shape_cast %get3A_276 : vector<1x16xf32> to vector<16xf32>
          %get3A_278 = arith.index_cast %scan3A_191 : i32 to index
          %get3A_279 = arith.constant 80 : index
          %get3A_280 = tpu.vector_load %arg13[%get3A_278, %get3A_279] {strides = array<i32>} : memref<64x128xf32, #tpu.memory_space<vmem>>, vector<1x16xf32>,
          %get3A_281 = vector.shape_cast %get3A_280 : vector<1x16xf32> to vector<16xf32>
          %add3A_282 = arith.addf %get3A_277, %get3A_281 : vector<16xf32>
          %max3A_283 = arith.constant 0.000000e+00 : f32
          %max3A_284 = vector.broadcast %max3A_283 : f32 to vector<16xf32>
          %max3A_285 = arith.maximumf %add3A_282, %max3A_284 : vector<16xf32>
          %swap3A_286 = arith.index_cast %scan3A_191 : i32 to index
          %swap3A_287 = arith.constant 80 : index
          %swap3A_288 = tpu.vector_load %arg13[%swap3A_286, %swap3A_287] {strides = array<i32>} : memref<64x128xf32, #tpu.memory_space<vmem>>, vector<1x16xf32>,
          %swap3A_289 = vector.shape_cast %swap3A_288 : vector<1x16xf32> to vector<16xf32>
          %swap3A_290 = vector.shape_cast %max3A_285 : vector<16xf32> to vector<1x16xf32>
          tpu.vector_store %arg13[%swap3A_286, %swap3A_287], %swap3A_290 {strides = array<i32>} : memref<64x128xf32, #tpu.memory_space<vmem>>, vector<1x16xf32>,
          %get3A_291 = arith.index_cast %scan3A_191 : i32 to index
          %get3A_292 = arith.constant 96 : index
          %get3A_293 = tpu.vector_load %arg12[%get3A_291, %get3A_292] {strides = array<i32>} : memref<64x128xf32, #tpu.memory_space<vmem>>, vector<1x16xf32>,
          %get3A_294 = vector.shape_cast %get3A_293 : vector<1x16xf32> to vector<16xf32>
          %get3A_295 = arith.index_cast %scan3A_191 : i32 to index
          %get3A_296 = arith.constant 96 : index
          %get3A_297 = tpu.vector_load %arg13[%get3A_295, %get3A_296] {strides = array<i32>} : memref<64x128xf32, #tpu.memory_space<vmem>>, vector<1x16xf32>,
          %get3A_298 = vector.shape_cast %get3A_297 : vector<1x16xf32> to vector<16xf32>
          %add3A_299 = arith.addf %get3A_294, %get3A_298 : vector<16xf32>
          %max3A_300 = arith.constant 0.000000e+00 : f32
          %max3A_301 = vector.broadcast %max3A_300 : f32 to vector<16xf32>
          %max3A_302 = arith.maximumf %add3A_299, %max3A_301 : vector<16xf32>
          %swap3A_303 = arith.index_cast %scan3A_191 : i32 to index
          %swap3A_304 = arith.constant 96 : index
          %swap3A_305 = tpu.vector_load %arg13[%swap3A_303, %swap3A_304] {strides = array<i32>} : memref<64x128xf32, #tpu.memory_space<vmem>>, vector<1x16xf32>,
          %swap3A_306 = vector.shape_cast %swap3A_305 : vector<1x16xf32> to vector<16xf32>
          %swap3A_307 = vector.shape_cast %max3A_302 : vector<16xf32> to vector<1x16xf32>
          tpu.vector_store %arg13[%swap3A_303, %swap3A_304], %swap3A_307 {strides = array<i32>} : memref<64x128xf32, #tpu.memory_space<vmem>>, vector<1x16xf32>,
          %get3A_308 = arith.index_cast %scan3A_191 : i32 to index
          %get3A_309 = arith.constant 112 : index
          %get3A_310 = tpu.vector_load %arg12[%get3A_308, %get3A_309] {strides = array<i32>} : memref<64x128xf32, #tpu.memory_space<vmem>>, vector<1x16xf32>,
          %get3A_311 = vector.shape_cast %get3A_310 : vector<1x16xf32> to vector<16xf32>
          %get3A_312 = arith.index_cast %scan3A_191 : i32 to index
          %get3A_313 = arith.constant 112 : index
          %get3A_314 = tpu.vector_load %arg13[%get3A_312, %get3A_313] {strides = array<i32>} : memref<64x128xf32, #tpu.memory_space<vmem>>, vector<1x16xf32>,
          %get3A_315 = vector.shape_cast %get3A_314 : vector<1x16xf32> to vector<16xf32>
          %add3A_316 = arith.addf %get3A_311, %get3A_315 : vector<16xf32>
          %max3A_317 = arith.constant 0.000000e+00 : f32
          %max3A_318 = vector.broadcast %max3A_317 : f32 to vector<16xf32>
          %max3A_319 = arith.maximumf %add3A_316, %max3A_318 : vector<16xf32>
          %swap3A_320 = arith.index_cast %scan3A_191 : i32 to index
          %swap3A_321 = arith.constant 112 : index
          %swap3A_322 = tpu.vector_load %arg13[%swap3A_320, %swap3A_321] {strides = array<i32>} : memref<64x128xf32, #tpu.memory_space<vmem>>, vector<1x16xf32>,
          %swap3A_323 = vector.shape_cast %swap3A_322 : vector<1x16xf32> to vector<16xf32>
          %swap3A_324 = vector.shape_cast %max3A_319 : vector<16xf32> to vector<1x16xf32>
          tpu.vector_store %arg13[%swap3A_320, %swap3A_321], %swap3A_324 {strides = array<i32>} : memref<64x128xf32, #tpu.memory_space<vmem>>, vector<1x16xf32>,
        }
        %scan3A_190 = arith.constant 64 : i32
        "tpu.region"() ({
          %run_scoped3A_191 = tpu.sem_alloc : memref<!tpu.dma_semaphore, #tpu.memory_space<semaphore_mem>>
          %dma_start3A_192 = arith.constant 0 : i32
          %dma_start3A_193 = tpu.memref_slice %arg9[%add3A_184, %dma_start3A_192] : memref<40x64xi32, #tpu.memory_space<vmem>> -> memref<1x64xi32, #tpu.memory_space<vmem>>
          %dma_start3A_194 = tpu.memref_squeeze %dma_start3A_193 : memref<1x64xi32, #tpu.memory_space<vmem>> -> memref<64xi32, #tpu.memory_space<vmem>>
          %dma_start3A_195 = arith.constant 0 : i32
          %dma_start3A_196 = arith.constant 0 : i32
          %dma_start3A_197 = tpu.memref_slice %arg16[%dma_start3A_195, %dma_start3A_196] : memref<10240x128xf32, #tpu.memory_space<vmem_shared>> -> memref<10240x128xf32, #tpu.memory_space<vmem_shared>>
          tpu.enqueue_indirect_dma source(%arg13 : memref<64x128xf32, #tpu.memory_space<vmem>>) target(%dma_start3A_197 : memref<10240x128xf32, #tpu.memory_space<vmem_shared>>) offsets(%dma_start3A_194 : memref<64xi32, #tpu.memory_space<vmem>>) semaphore(%run_scoped3A_191 : memref<!tpu.dma_semaphore, #tpu.memory_space<semaphore_mem>>) {add = true}
          %dma_wait3A_198 = arith.constant 0 : i32
          %dma_wait3A_199 = tpu.memref_slice %arg9[%add3A_184, %dma_wait3A_198] : memref<40x64xi32, #tpu.memory_space<vmem>> -> memref<1x64xi32, #tpu.memory_space<vmem>>
          %dma_wait3A_200 = tpu.memref_squeeze %dma_wait3A_199 : memref<1x64xi32, #tpu.memory_space<vmem>> -> memref<64xi32, #tpu.memory_space<vmem>>
          %dma_wait3A_201 = arith.constant 0 : i32
          %dma_wait3A_202 = arith.constant 0 : i32
          %dma_wait3A_203 = tpu.memref_slice %arg16[%dma_wait3A_201, %dma_wait3A_202] : memref<10240x128xf32, #tpu.memory_space<vmem_shared>> -> memref<10240x128xf32, #tpu.memory_space<vmem_shared>>
          tpu.wait_indirect_dma semaphore(%run_scoped3A_191 : memref<!tpu.dma_semaphore, #tpu.memory_space<semaphore_mem>>) src(%arg13 : memref<64x128xf32, #tpu.memory_space<vmem>>) dst(%dma_wait3A_203 : memref<10240x128xf32, #tpu.memory_space<vmem_shared>>)
          tpu.yield
        }) : () -> ()
      }
      %scan3A_64 = arith.constant 19 : i32
      %dma_start3A_65 = arith.constant 39 : i32
      %dma_start3A_66 = arith.constant 0 : i32
      %dma_start3A_67 = tpu.memref_slice %arg8[%dma_start3A_65, %dma_start3A_66] : memref<40x64xi32, #tpu.memory_space<vmem>> -> memref<1x64xi32, #tpu.memory_space<vmem>>
      %dma_start3A_68 = tpu.memref_squeeze %dma_start3A_67 : memref<1x64xi32, #tpu.memory_space<vmem>> -> memref<64xi32, #tpu.memory_space<vmem>>
      %dma_start3A_69 = arith.constant 0 : i32
      %dma_start3A_70 = arith.constant 0 : i32
      %dma_start3A_71 = tpu.memref_slice %arg2[%dma_start3A_69, %dma_start3A_70] : memref<10000x128xf32, #tpu.memory_space<hbm>> -> memref<10000x128xf32, #tpu.memory_space<hbm>>
      tpu.enqueue_indirect_dma source(%dma_start3A_71 : memref<10000x128xf32, #tpu.memory_space<hbm>>) target(%arg12 : memref<64x128xf32, #tpu.memory_space<vmem>>) offsets(%dma_start3A_68 : memref<64xi32, #tpu.memory_space<vmem>>) semaphore(%arg15 : memref<!tpu.dma_semaphore, #tpu.memory_space<semaphore_mem>>)
      %add3A_72 = arith.constant 2496 : i32
      %add3A_73 = arith.addi %mul3A_47, %add3A_72 : i32
      %dma_start3A_74 = arith.constant 0 : i32
      %dma_start3A_75 = tpu.memref_slice %arg3[%add3A_73, %dma_start3A_74] : memref<327680x128xf32, #tpu.memory_space<hbm>> -> memref<64x128xf32, #tpu.memory_space<hbm>>
      %dma_start3A_76 = arith.constant 0 : i32
      %dma_start3A_77 = tpu.memref_slice %arg3[%add3A_73, %dma_start3A_76] : memref<327680x128xf32, #tpu.memory_space<hbm>> -> memref<64x128xf32, #tpu.memory_space<hbm>>
      tpu.enqueue_dma source(%dma_start3A_77 : memref<64x128xf32, #tpu.memory_space<hbm>>) target(%arg13 : memref<64x128xf32, #tpu.memory_space<vmem>>) target_semaphore(%arg15 : memref<!tpu.dma_semaphore, #tpu.memory_space<semaphore_mem>>)
      %dma_wait3A = arith.constant 38 : i32
      %dma_wait3A_78 = arith.constant 0 : i32
      %dma_wait3A_79 = tpu.memref_slice %arg8[%dma_wait3A, %dma_wait3A_78] : memref<40x64xi32, #tpu.memory_space<vmem>> -> memref<1x64xi32, #tpu.memory_space<vmem>>
      %dma_wait3A_80 = tpu.memref_squeeze %dma_wait3A_79 : memref<1x64xi32, #tpu.memory_space<vmem>> -> memref<64xi32, #tpu.memory_space<vmem>>
      %dma_wait3A_81 = arith.constant 0 : i32
      %dma_wait3A_82 = arith.constant 0 : i32
      %dma_wait3A_83 = tpu.memref_slice %arg2[%dma_wait3A_81, %dma_wait3A_82] : memref<10000x128xf32, #tpu.memory_space<hbm>> -> memref<10000x128xf32, #tpu.memory_space<hbm>>
      tpu.wait_indirect_dma semaphore(%arg14 : memref<!tpu.dma_semaphore, #tpu.memory_space<semaphore_mem>>) src(%dma_wait3A_83 : memref<10000x128xf32, #tpu.memory_space<hbm>>) dst(%arg10 : memref<64x128xf32, #tpu.memory_space<vmem>>)
      %add3A_84 = arith.constant 2432 : i32
      %add3A_85 = arith.addi %mul3A_47, %add3A_84 : i32
      %dma_wait3A_86 = arith.constant 0 : i32
      %dma_wait3A_87 = tpu.memref_slice %arg3[%add3A_85, %dma_wait3A_86] : memref<327680x128xf32, #tpu.memory_space<hbm>> -> memref<64x128xf32, #tpu.memory_space<hbm>>
      %dma_wait3A_88 = arith.constant 0 : i32
      %dma_wait3A_89 = tpu.memref_slice %arg3[%add3A_85, %dma_wait3A_88] : memref<327680x128xf32, #tpu.memory_space<hbm>> -> memref<64x128xf32, #tpu.memory_space<hbm>>
      tpu.wait_dma2 semaphore(%arg14 : memref<!tpu.dma_semaphore, #tpu.memory_space<semaphore_mem>>) src(%dma_wait3A_89 : memref<64x128xf32, #tpu.memory_space<hbm>>) dst(%arg11 : memref<64x128xf32, #tpu.memory_space<vmem>>)
      %scan3A_90 = arith.constant 0 : i32
      %scan3A_91 = arith.constant 0 : i32
      %scan3A_92 = arith.constant 64 : i32
      %scan3A_93 = arith.addi %scan3A_91, %scan3A_92 : i32
      %scan3A_94 = arith.constant 1 : i32
      scf.for %scan3A_116 = %scan3A_91 to %scan3A_93 step %scan3A_94  : i32 {
        %get3A = arith.index_cast %scan3A_116 : i32 to index
        %get3A_117 = arith.constant 0 : index
        %get3A_118 = tpu.vector_load %arg10[%get3A, %get3A_117] {strides = array<i32>} : memref<64x128xf32, #tpu.memory_space<vmem>>, vector<1x16xf32>,
        %get3A_119 = vector.shape_cast %get3A_118 : vector<1x16xf32> to vector<16xf32>
        %get3A_120 = arith.index_cast %scan3A_116 : i32 to index
        %get3A_121 = arith.constant 0 : index
        %get3A_122 = tpu.vector_load %arg11[%get3A_120, %get3A_121] {strides = array<i32>} : memref<64x128xf32, #tpu.memory_space<vmem>>, vector<1x16xf32>,
        %get3A_123 = vector.shape_cast %get3A_122 : vector<1x16xf32> to vector<16xf32>
        %add3A_124 = arith.addf %get3A_119, %get3A_123 : vector<16xf32>
        %max3A = arith.constant 0.000000e+00 : f32
        %max3A_125 = vector.broadcast %max3A : f32 to vector<16xf32>
        %max3A_126 = arith.maximumf %add3A_124, %max3A_125 : vector<16xf32>
        %swap3A = arith.index_cast %scan3A_116 : i32 to index
        %swap3A_127 = arith.constant 0 : index
        %swap3A_128 = tpu.vector_load %arg11[%swap3A, %swap3A_127] {strides = array<i32>} : memref<64x128xf32, #tpu.memory_space<vmem>>, vector<1x16xf32>,
        %swap3A_129 = vector.shape_cast %swap3A_128 : vector<1x16xf32> to vector<16xf32>
        %swap3A_130 = vector.shape_cast %max3A_126 : vector<16xf32> to vector<1x16xf32>
        tpu.vector_store %arg11[%swap3A, %swap3A_127], %swap3A_130 {strides = array<i32>} : memref<64x128xf32, #tpu.memory_space<vmem>>, vector<1x16xf32>,
        %get3A_131 = arith.index_cast %scan3A_116 : i32 to index
        %get3A_132 = arith.constant 16 : index
        %get3A_133 = tpu.vector_load %arg10[%get3A_131, %get3A_132] {strides = array<i32>} : memref<64x128xf32, #tpu.memory_space<vmem>>, vector<1x16xf32>,
        %get3A_134 = vector.shape_cast %get3A_133 : vector<1x16xf32> to vector<16xf32>
        %get3A_135 = arith.index_cast %scan3A_116 : i32 to index
        %get3A_136 = arith.constant 16 : index
        %get3A_137 = tpu.vector_load %arg11[%get3A_135, %get3A_136] {strides = array<i32>} : memref<64x128xf32, #tpu.memory_space<vmem>>, vector<1x16xf32>,
        %get3A_138 = vector.shape_cast %get3A_137 : vector<1x16xf32> to vector<16xf32>
        %add3A_139 = arith.addf %get3A_134, %get3A_138 : vector<16xf32>
        %max3A_140 = arith.constant 0.000000e+00 : f32
        %max3A_141 = vector.broadcast %max3A_140 : f32 to vector<16xf32>
        %max3A_142 = arith.maximumf %add3A_139, %max3A_141 : vector<16xf32>
        %swap3A_143 = arith.index_cast %scan3A_116 : i32 to index
        %swap3A_144 = arith.constant 16 : index
        %swap3A_145 = tpu.vector_load %arg11[%swap3A_143, %swap3A_144] {strides = array<i32>} : memref<64x128xf32, #tpu.memory_space<vmem>>, vector<1x16xf32>,
        %swap3A_146 = vector.shape_cast %swap3A_145 : vector<1x16xf32> to vector<16xf32>
        %swap3A_147 = vector.shape_cast %max3A_142 : vector<16xf32> to vector<1x16xf32>
        tpu.vector_store %arg11[%swap3A_143, %swap3A_144], %swap3A_147 {strides = array<i32>} : memref<64x128xf32, #tpu.memory_space<vmem>>, vector<1x16xf32>,
        %get3A_148 = arith.index_cast %scan3A_116 : i32 to index
        %get3A_149 = arith.constant 32 : index
        %get3A_150 = tpu.vector_load %arg10[%get3A_148, %get3A_149] {strides = array<i32>} : memref<64x128xf32, #tpu.memory_space<vmem>>, vector<1x16xf32>,
        %get3A_151 = vector.shape_cast %get3A_150 : vector<1x16xf32> to vector<16xf32>
        %get3A_152 = arith.index_cast %scan3A_116 : i32 to index
        %get3A_153 = arith.constant 32 : index
        %get3A_154 = tpu.vector_load %arg11[%get3A_152, %get3A_153] {strides = array<i32>} : memref<64x128xf32, #tpu.memory_space<vmem>>, vector<1x16xf32>,
        %get3A_155 = vector.shape_cast %get3A_154 : vector<1x16xf32> to vector<16xf32>
        %add3A_156 = arith.addf %get3A_151, %get3A_155 : vector<16xf32>
        %max3A_157 = arith.constant 0.000000e+00 : f32
        %max3A_158 = vector.broadcast %max3A_157 : f32 to vector<16xf32>
        %max3A_159 = arith.maximumf %add3A_156, %max3A_158 : vector<16xf32>
        %swap3A_160 = arith.index_cast %scan3A_116 : i32 to index
        %swap3A_161 = arith.constant 32 : index
        %swap3A_162 = tpu.vector_load %arg11[%swap3A_160, %swap3A_161] {strides = array<i32>} : memref<64x128xf32, #tpu.memory_space<vmem>>, vector<1x16xf32>,
        %swap3A_163 = vector.shape_cast %swap3A_162 : vector<1x16xf32> to vector<16xf32>
        %swap3A_164 = vector.shape_cast %max3A_159 : vector<16xf32> to vector<1x16xf32>
        tpu.vector_store %arg11[%swap3A_160, %swap3A_161], %swap3A_164 {strides = array<i32>} : memref<64x128xf32, #tpu.memory_space<vmem>>, vector<1x16xf32>,
        %get3A_165 = arith.index_cast %scan3A_116 : i32 to index
        %get3A_166 = arith.constant 48 : index
        %get3A_167 = tpu.vector_load %arg10[%get3A_165, %get3A_166] {strides = array<i32>} : memref<64x128xf32, #tpu.memory_space<vmem>>, vector<1x16xf32>,
        %get3A_168 = vector.shape_cast %get3A_167 : vector<1x16xf32> to vector<16xf32>
        %get3A_169 = arith.index_cast %scan3A_116 : i32 to index
        %get3A_170 = arith.constant 48 : index
        %get3A_171 = tpu.vector_load %arg11[%get3A_169, %get3A_170] {strides = array<i32>} : memref<64x128xf32, #tpu.memory_space<vmem>>, vector<1x16xf32>,
        %get3A_172 = vector.shape_cast %get3A_171 : vector<1x16xf32> to vector<16xf32>
        %add3A_173 = arith.addf %get3A_168, %get3A_172 : vector<16xf32>
        %max3A_174 = arith.constant 0.000000e+00 : f32
        %max3A_175 = vector.broadcast %max3A_174 : f32 to vector<16xf32>
        %max3A_176 = arith.maximumf %add3A_173, %max3A_175 : vector<16xf32>
        %swap3A_177 = arith.index_cast %scan3A_116 : i32 to index
        %swap3A_178 = arith.constant 48 : index
        %swap3A_179 = tpu.vector_load %arg11[%swap3A_177, %swap3A_178] {strides = array<i32>} : memref<64x128xf32, #tpu.memory_space<vmem>>, vector<1x16xf32>,
        %swap3A_180 = vector.shape_cast %swap3A_179 : vector<1x16xf32> to vector<16xf32>
        %swap3A_181 = vector.shape_cast %max3A_176 : vector<16xf32> to vector<1x16xf32>
        tpu.vector_store %arg11[%swap3A_177, %swap3A_178], %swap3A_181 {strides = array<i32>} : memref<64x128xf32, #tpu.memory_space<vmem>>, vector<1x16xf32>,
        %get3A_182 = arith.index_cast %scan3A_116 : i32 to index
        %get3A_183 = arith.constant 64 : index
        %get3A_184 = tpu.vector_load %arg10[%get3A_182, %get3A_183] {strides = array<i32>} : memref<64x128xf32, #tpu.memory_space<vmem>>, vector<1x16xf32>,
        %get3A_185 = vector.shape_cast %get3A_184 : vector<1x16xf32> to vector<16xf32>
        %get3A_186 = arith.index_cast %scan3A_116 : i32 to index
        %get3A_187 = arith.constant 64 : index
        %get3A_188 = tpu.vector_load %arg11[%get3A_186, %get3A_187] {strides = array<i32>} : memref<64x128xf32, #tpu.memory_space<vmem>>, vector<1x16xf32>,
        %get3A_189 = vector.shape_cast %get3A_188 : vector<1x16xf32> to vector<16xf32>
        %add3A_190 = arith.addf %get3A_185, %get3A_189 : vector<16xf32>
        %max3A_191 = arith.constant 0.000000e+00 : f32
        %max3A_192 = vector.broadcast %max3A_191 : f32 to vector<16xf32>
        %max3A_193 = arith.maximumf %add3A_190, %max3A_192 : vector<16xf32>
        %swap3A_194 = arith.index_cast %scan3A_116 : i32 to index
        %swap3A_195 = arith.constant 64 : index
        %swap3A_196 = tpu.vector_load %arg11[%swap3A_194, %swap3A_195] {strides = array<i32>} : memref<64x128xf32, #tpu.memory_space<vmem>>, vector<1x16xf32>,
        %swap3A_197 = vector.shape_cast %swap3A_196 : vector<1x16xf32> to vector<16xf32>
        %swap3A_198 = vector.shape_cast %max3A_193 : vector<16xf32> to vector<1x16xf32>
        tpu.vector_store %arg11[%swap3A_194, %swap3A_195], %swap3A_198 {strides = array<i32>} : memref<64x128xf32, #tpu.memory_space<vmem>>, vector<1x16xf32>,
        %get3A_199 = arith.index_cast %scan3A_116 : i32 to index
        %get3A_200 = arith.constant 80 : index
        %get3A_201 = tpu.vector_load %arg10[%get3A_199, %get3A_200] {strides = array<i32>} : memref<64x128xf32, #tpu.memory_space<vmem>>, vector<1x16xf32>,
        %get3A_202 = vector.shape_cast %get3A_201 : vector<1x16xf32> to vector<16xf32>
        %get3A_203 = arith.index_cast %scan3A_116 : i32 to index
        %get3A_204 = arith.constant 80 : index
        %get3A_205 = tpu.vector_load %arg11[%get3A_203, %get3A_204] {strides = array<i32>} : memref<64x128xf32, #tpu.memory_space<vmem>>, vector<1x16xf32>,
        %get3A_206 = vector.shape_cast %get3A_205 : vector<1x16xf32> to vector<16xf32>
        %add3A_207 = arith.addf %get3A_202, %get3A_206 : vector<16xf32>
        %max3A_208 = arith.constant 0.000000e+00 : f32
        %max3A_209 = vector.broadcast %max3A_208 : f32 to vector<16xf32>
        %max3A_210 = arith.maximumf %add3A_207, %max3A_209 : vector<16xf32>
        %swap3A_211 = arith.index_cast %scan3A_116 : i32 to index
        %swap3A_212 = arith.constant 80 : index
        %swap3A_213 = tpu.vector_load %arg11[%swap3A_211, %swap3A_212] {strides = array<i32>} : memref<64x128xf32, #tpu.memory_space<vmem>>, vector<1x16xf32>,
        %swap3A_214 = vector.shape_cast %swap3A_213 : vector<1x16xf32> to vector<16xf32>
        %swap3A_215 = vector.shape_cast %max3A_210 : vector<16xf32> to vector<1x16xf32>
        tpu.vector_store %arg11[%swap3A_211, %swap3A_212], %swap3A_215 {strides = array<i32>} : memref<64x128xf32, #tpu.memory_space<vmem>>, vector<1x16xf32>,
        %get3A_216 = arith.index_cast %scan3A_116 : i32 to index
        %get3A_217 = arith.constant 96 : index
        %get3A_218 = tpu.vector_load %arg10[%get3A_216, %get3A_217] {strides = array<i32>} : memref<64x128xf32, #tpu.memory_space<vmem>>, vector<1x16xf32>,
        %get3A_219 = vector.shape_cast %get3A_218 : vector<1x16xf32> to vector<16xf32>
        %get3A_220 = arith.index_cast %scan3A_116 : i32 to index
        %get3A_221 = arith.constant 96 : index
        %get3A_222 = tpu.vector_load %arg11[%get3A_220, %get3A_221] {strides = array<i32>} : memref<64x128xf32, #tpu.memory_space<vmem>>, vector<1x16xf32>,
        %get3A_223 = vector.shape_cast %get3A_222 : vector<1x16xf32> to vector<16xf32>
        %add3A_224 = arith.addf %get3A_219, %get3A_223 : vector<16xf32>
        %max3A_225 = arith.constant 0.000000e+00 : f32
        %max3A_226 = vector.broadcast %max3A_225 : f32 to vector<16xf32>
        %max3A_227 = arith.maximumf %add3A_224, %max3A_226 : vector<16xf32>
        %swap3A_228 = arith.index_cast %scan3A_116 : i32 to index
        %swap3A_229 = arith.constant 96 : index
        %swap3A_230 = tpu.vector_load %arg11[%swap3A_228, %swap3A_229] {strides = array<i32>} : memref<64x128xf32, #tpu.memory_space<vmem>>, vector<1x16xf32>,
        %swap3A_231 = vector.shape_cast %swap3A_230 : vector<1x16xf32> to vector<16xf32>
        %swap3A_232 = vector.shape_cast %max3A_227 : vector<16xf32> to vector<1x16xf32>
        tpu.vector_store %arg11[%swap3A_228, %swap3A_229], %swap3A_232 {strides = array<i32>} : memref<64x128xf32, #tpu.memory_space<vmem>>, vector<1x16xf32>,
        %get3A_233 = arith.index_cast %scan3A_116 : i32 to index
        %get3A_234 = arith.constant 112 : index
        %get3A_235 = tpu.vector_load %arg10[%get3A_233, %get3A_234] {strides = array<i32>} : memref<64x128xf32, #tpu.memory_space<vmem>>, vector<1x16xf32>,
        %get3A_236 = vector.shape_cast %get3A_235 : vector<1x16xf32> to vector<16xf32>
        %get3A_237 = arith.index_cast %scan3A_116 : i32 to index
        %get3A_238 = arith.constant 112 : index
        %get3A_239 = tpu.vector_load %arg11[%get3A_237, %get3A_238] {strides = array<i32>} : memref<64x128xf32, #tpu.memory_space<vmem>>, vector<1x16xf32>,
        %get3A_240 = vector.shape_cast %get3A_239 : vector<1x16xf32> to vector<16xf32>
        %add3A_241 = arith.addf %get3A_236, %get3A_240 : vector<16xf32>
        %max3A_242 = arith.constant 0.000000e+00 : f32
        %max3A_243 = vector.broadcast %max3A_242 : f32 to vector<16xf32>
        %max3A_244 = arith.maximumf %add3A_241, %max3A_243 : vector<16xf32>
        %swap3A_245 = arith.index_cast %scan3A_116 : i32 to index
        %swap3A_246 = arith.constant 112 : index
        %swap3A_247 = tpu.vector_load %arg11[%swap3A_245, %swap3A_246] {strides = array<i32>} : memref<64x128xf32, #tpu.memory_space<vmem>>, vector<1x16xf32>,
        %swap3A_248 = vector.shape_cast %swap3A_247 : vector<1x16xf32> to vector<16xf32>
        %swap3A_249 = vector.shape_cast %max3A_244 : vector<16xf32> to vector<1x16xf32>
        tpu.vector_store %arg11[%swap3A_245, %swap3A_246], %swap3A_249 {strides = array<i32>} : memref<64x128xf32, #tpu.memory_space<vmem>>, vector<1x16xf32>,
      }
      %scan3A_95 = arith.constant 64 : i32
      %run_scoped3A = arith.constant 38 : i32
      "tpu.region"() ({
        %run_scoped3A_116 = tpu.sem_alloc : memref<!tpu.dma_semaphore, #tpu.memory_space<semaphore_mem>>
        %dma_start3A_117 = arith.constant 0 : i32
        %dma_start3A_118 = tpu.memref_slice %arg9[%run_scoped3A, %dma_start3A_117] : memref<40x64xi32, #tpu.memory_space<vmem>> -> memref<1x64xi32, #tpu.memory_space<vmem>>
        %dma_start3A_119 = tpu.memref_squeeze %dma_start3A_118 : memref<1x64xi32, #tpu.memory_space<vmem>> -> memref<64xi32, #tpu.memory_space<vmem>>
        %dma_start3A_120 = arith.constant 0 : i32
        %dma_start3A_121 = arith.constant 0 : i32
        %dma_start3A_122 = tpu.memref_slice %arg16[%dma_start3A_120, %dma_start3A_121] : memref<10240x128xf32, #tpu.memory_space<vmem_shared>> -> memref<10240x128xf32, #tpu.memory_space<vmem_shared>>
        tpu.enqueue_indirect_dma source(%arg11 : memref<64x128xf32, #tpu.memory_space<vmem>>) target(%dma_start3A_122 : memref<10240x128xf32, #tpu.memory_space<vmem_shared>>) offsets(%dma_start3A_119 : memref<64xi32, #tpu.memory_space<vmem>>) semaphore(%run_scoped3A_116 : memref<!tpu.dma_semaphore, #tpu.memory_space<semaphore_mem>>) {add = true}
        %dma_wait3A_123 = arith.constant 0 : i32
        %dma_wait3A_124 = tpu.memref_slice %arg9[%run_scoped3A, %dma_wait3A_123] : memref<40x64xi32, #tpu.memory_space<vmem>> -> memref<1x64xi32, #tpu.memory_space<vmem>>
        %dma_wait3A_125 = tpu.memref_squeeze %dma_wait3A_124 : memref<1x64xi32, #tpu.memory_space<vmem>> -> memref<64xi32, #tpu.memory_space<vmem>>
        %dma_wait3A_126 = arith.constant 0 : i32
        %dma_wait3A_127 = arith.constant 0 : i32
        %dma_wait3A_128 = tpu.memref_slice %arg16[%dma_wait3A_126, %dma_wait3A_127] : memref<10240x128xf32, #tpu.memory_space<vmem_shared>> -> memref<10240x128xf32, #tpu.memory_space<vmem_shared>>
        tpu.wait_indirect_dma semaphore(%run_scoped3A_116 : memref<!tpu.dma_semaphore, #tpu.memory_space<semaphore_mem>>) src(%arg11 : memref<64x128xf32, #tpu.memory_space<vmem>>) dst(%dma_wait3A_128 : memref<10240x128xf32, #tpu.memory_space<vmem_shared>>)
        tpu.yield
      }) : () -> ()
      %dma_wait3A_96 = arith.constant 39 : i32
      %dma_wait3A_97 = arith.constant 0 : i32
      %dma_wait3A_98 = tpu.memref_slice %arg8[%dma_wait3A_96, %dma_wait3A_97] : memref<40x64xi32, #tpu.memory_space<vmem>> -> memref<1x64xi32, #tpu.memory_space<vmem>>
      %dma_wait3A_99 = tpu.memref_squeeze %dma_wait3A_98 : memref<1x64xi32, #tpu.memory_space<vmem>> -> memref<64xi32, #tpu.memory_space<vmem>>
      %dma_wait3A_100 = arith.constant 0 : i32
      %dma_wait3A_101 = arith.constant 0 : i32
      %dma_wait3A_102 = tpu.memref_slice %arg2[%dma_wait3A_100, %dma_wait3A_101] : memref<10000x128xf32, #tpu.memory_space<hbm>> -> memref<10000x128xf32, #tpu.memory_space<hbm>>
      tpu.wait_indirect_dma semaphore(%arg15 : memref<!tpu.dma_semaphore, #tpu.memory_space<semaphore_mem>>) src(%dma_wait3A_102 : memref<10000x128xf32, #tpu.memory_space<hbm>>) dst(%arg12 : memref<64x128xf32, #tpu.memory_space<vmem>>)
      %add3A_103 = arith.constant 2496 : i32
      %add3A_104 = arith.addi %mul3A_47, %add3A_103 : i32
      %dma_wait3A_105 = arith.constant 0 : i32
      %dma_wait3A_106 = tpu.memref_slice %arg3[%add3A_104, %dma_wait3A_105] : memref<327680x128xf32, #tpu.memory_space<hbm>> -> memref<64x128xf32, #tpu.memory_space<hbm>>
      %dma_wait3A_107 = arith.constant 0 : i32
      %dma_wait3A_108 = tpu.memref_slice %arg3[%add3A_104, %dma_wait3A_107] : memref<327680x128xf32, #tpu.memory_space<hbm>> -> memref<64x128xf32, #tpu.memory_space<hbm>>
      tpu.wait_dma2 semaphore(%arg15 : memref<!tpu.dma_semaphore, #tpu.memory_space<semaphore_mem>>) src(%dma_wait3A_108 : memref<64x128xf32, #tpu.memory_space<hbm>>) dst(%arg13 : memref<64x128xf32, #tpu.memory_space<vmem>>)
      %scan3A_109 = arith.constant 0 : i32
      %scan3A_110 = arith.constant 0 : i32
      %scan3A_111 = arith.constant 64 : i32
      %scan3A_112 = arith.addi %scan3A_110, %scan3A_111 : i32
      %scan3A_113 = arith.constant 1 : i32
      scf.for %scan3A_116 = %scan3A_110 to %scan3A_112 step %scan3A_113  : i32 {
        %get3A = arith.index_cast %scan3A_116 : i32 to index
        %get3A_117 = arith.constant 0 : index
        %get3A_118 = tpu.vector_load %arg12[%get3A, %get3A_117] {strides = array<i32>} : memref<64x128xf32, #tpu.memory_space<vmem>>, vector<1x16xf32>,
        %get3A_119 = vector.shape_cast %get3A_118 : vector<1x16xf32> to vector<16xf32>
        %get3A_120 = arith.index_cast %scan3A_116 : i32 to index
        %get3A_121 = arith.constant 0 : index
        %get3A_122 = tpu.vector_load %arg13[%get3A_120, %get3A_121] {strides = array<i32>} : memref<64x128xf32, #tpu.memory_space<vmem>>, vector<1x16xf32>,
        %get3A_123 = vector.shape_cast %get3A_122 : vector<1x16xf32> to vector<16xf32>
        %add3A_124 = arith.addf %get3A_119, %get3A_123 : vector<16xf32>
        %max3A = arith.constant 0.000000e+00 : f32
        %max3A_125 = vector.broadcast %max3A : f32 to vector<16xf32>
        %max3A_126 = arith.maximumf %add3A_124, %max3A_125 : vector<16xf32>
        %swap3A = arith.index_cast %scan3A_116 : i32 to index
        %swap3A_127 = arith.constant 0 : index
        %swap3A_128 = tpu.vector_load %arg13[%swap3A, %swap3A_127] {strides = array<i32>} : memref<64x128xf32, #tpu.memory_space<vmem>>, vector<1x16xf32>,
        %swap3A_129 = vector.shape_cast %swap3A_128 : vector<1x16xf32> to vector<16xf32>
        %swap3A_130 = vector.shape_cast %max3A_126 : vector<16xf32> to vector<1x16xf32>
        tpu.vector_store %arg13[%swap3A, %swap3A_127], %swap3A_130 {strides = array<i32>} : memref<64x128xf32, #tpu.memory_space<vmem>>, vector<1x16xf32>,
        %get3A_131 = arith.index_cast %scan3A_116 : i32 to index
        %get3A_132 = arith.constant 16 : index
        %get3A_133 = tpu.vector_load %arg12[%get3A_131, %get3A_132] {strides = array<i32>} : memref<64x128xf32, #tpu.memory_space<vmem>>, vector<1x16xf32>,
        %get3A_134 = vector.shape_cast %get3A_133 : vector<1x16xf32> to vector<16xf32>
        %get3A_135 = arith.index_cast %scan3A_116 : i32 to index
        %get3A_136 = arith.constant 16 : index
        %get3A_137 = tpu.vector_load %arg13[%get3A_135, %get3A_136] {strides = array<i32>} : memref<64x128xf32, #tpu.memory_space<vmem>>, vector<1x16xf32>,
        %get3A_138 = vector.shape_cast %get3A_137 : vector<1x16xf32> to vector<16xf32>
        %add3A_139 = arith.addf %get3A_134, %get3A_138 : vector<16xf32>
        %max3A_140 = arith.constant 0.000000e+00 : f32
        %max3A_141 = vector.broadcast %max3A_140 : f32 to vector<16xf32>
        %max3A_142 = arith.maximumf %add3A_139, %max3A_141 : vector<16xf32>
        %swap3A_143 = arith.index_cast %scan3A_116 : i32 to index
        %swap3A_144 = arith.constant 16 : index
        %swap3A_145 = tpu.vector_load %arg13[%swap3A_143, %swap3A_144] {strides = array<i32>} : memref<64x128xf32, #tpu.memory_space<vmem>>, vector<1x16xf32>,
        %swap3A_146 = vector.shape_cast %swap3A_145 : vector<1x16xf32> to vector<16xf32>
        %swap3A_147 = vector.shape_cast %max3A_142 : vector<16xf32> to vector<1x16xf32>
        tpu.vector_store %arg13[%swap3A_143, %swap3A_144], %swap3A_147 {strides = array<i32>} : memref<64x128xf32, #tpu.memory_space<vmem>>, vector<1x16xf32>,
        %get3A_148 = arith.index_cast %scan3A_116 : i32 to index
        %get3A_149 = arith.constant 32 : index
        %get3A_150 = tpu.vector_load %arg12[%get3A_148, %get3A_149] {strides = array<i32>} : memref<64x128xf32, #tpu.memory_space<vmem>>, vector<1x16xf32>,
        %get3A_151 = vector.shape_cast %get3A_150 : vector<1x16xf32> to vector<16xf32>
        %get3A_152 = arith.index_cast %scan3A_116 : i32 to index
        %get3A_153 = arith.constant 32 : index
        %get3A_154 = tpu.vector_load %arg13[%get3A_152, %get3A_153] {strides = array<i32>} : memref<64x128xf32, #tpu.memory_space<vmem>>, vector<1x16xf32>,
        %get3A_155 = vector.shape_cast %get3A_154 : vector<1x16xf32> to vector<16xf32>
        %add3A_156 = arith.addf %get3A_151, %get3A_155 : vector<16xf32>
        %max3A_157 = arith.constant 0.000000e+00 : f32
        %max3A_158 = vector.broadcast %max3A_157 : f32 to vector<16xf32>
        %max3A_159 = arith.maximumf %add3A_156, %max3A_158 : vector<16xf32>
        %swap3A_160 = arith.index_cast %scan3A_116 : i32 to index
        %swap3A_161 = arith.constant 32 : index
        %swap3A_162 = tpu.vector_load %arg13[%swap3A_160, %swap3A_161] {strides = array<i32>} : memref<64x128xf32, #tpu.memory_space<vmem>>, vector<1x16xf32>,
        %swap3A_163 = vector.shape_cast %swap3A_162 : vector<1x16xf32> to vector<16xf32>
        %swap3A_164 = vector.shape_cast %max3A_159 : vector<16xf32> to vector<1x16xf32>
        tpu.vector_store %arg13[%swap3A_160, %swap3A_161], %swap3A_164 {strides = array<i32>} : memref<64x128xf32, #tpu.memory_space<vmem>>, vector<1x16xf32>,
        %get3A_165 = arith.index_cast %scan3A_116 : i32 to index
        %get3A_166 = arith.constant 48 : index
        %get3A_167 = tpu.vector_load %arg12[%get3A_165, %get3A_166] {strides = array<i32>} : memref<64x128xf32, #tpu.memory_space<vmem>>, vector<1x16xf32>,
        %get3A_168 = vector.shape_cast %get3A_167 : vector<1x16xf32> to vector<16xf32>
        %get3A_169 = arith.index_cast %scan3A_116 : i32 to index
        %get3A_170 = arith.constant 48 : index
        %get3A_171 = tpu.vector_load %arg13[%get3A_169, %get3A_170] {strides = array<i32>} : memref<64x128xf32, #tpu.memory_space<vmem>>, vector<1x16xf32>,
        %get3A_172 = vector.shape_cast %get3A_171 : vector<1x16xf32> to vector<16xf32>
        %add3A_173 = arith.addf %get3A_168, %get3A_172 : vector<16xf32>
        %max3A_174 = arith.constant 0.000000e+00 : f32
        %max3A_175 = vector.broadcast %max3A_174 : f32 to vector<16xf32>
        %max3A_176 = arith.maximumf %add3A_173, %max3A_175 : vector<16xf32>
        %swap3A_177 = arith.index_cast %scan3A_116 : i32 to index
        %swap3A_178 = arith.constant 48 : index
        %swap3A_179 = tpu.vector_load %arg13[%swap3A_177, %swap3A_178] {strides = array<i32>} : memref<64x128xf32, #tpu.memory_space<vmem>>, vector<1x16xf32>,
        %swap3A_180 = vector.shape_cast %swap3A_179 : vector<1x16xf32> to vector<16xf32>
        %swap3A_181 = vector.shape_cast %max3A_176 : vector<16xf32> to vector<1x16xf32>
        tpu.vector_store %arg13[%swap3A_177, %swap3A_178], %swap3A_181 {strides = array<i32>} : memref<64x128xf32, #tpu.memory_space<vmem>>, vector<1x16xf32>,
        %get3A_182 = arith.index_cast %scan3A_116 : i32 to index
        %get3A_183 = arith.constant 64 : index
        %get3A_184 = tpu.vector_load %arg12[%get3A_182, %get3A_183] {strides = array<i32>} : memref<64x128xf32, #tpu.memory_space<vmem>>, vector<1x16xf32>,
        %get3A_185 = vector.shape_cast %get3A_184 : vector<1x16xf32> to vector<16xf32>
        %get3A_186 = arith.index_cast %scan3A_116 : i32 to index
        %get3A_187 = arith.constant 64 : index
        %get3A_188 = tpu.vector_load %arg13[%get3A_186, %get3A_187] {strides = array<i32>} : memref<64x128xf32, #tpu.memory_space<vmem>>, vector<1x16xf32>,
        %get3A_189 = vector.shape_cast %get3A_188 : vector<1x16xf32> to vector<16xf32>
        %add3A_190 = arith.addf %get3A_185, %get3A_189 : vector<16xf32>
        %max3A_191 = arith.constant 0.000000e+00 : f32
        %max3A_192 = vector.broadcast %max3A_191 : f32 to vector<16xf32>
        %max3A_193 = arith.maximumf %add3A_190, %max3A_192 : vector<16xf32>
        %swap3A_194 = arith.index_cast %scan3A_116 : i32 to index
        %swap3A_195 = arith.constant 64 : index
        %swap3A_196 = tpu.vector_load %arg13[%swap3A_194, %swap3A_195] {strides = array<i32>} : memref<64x128xf32, #tpu.memory_space<vmem>>, vector<1x16xf32>,
        %swap3A_197 = vector.shape_cast %swap3A_196 : vector<1x16xf32> to vector<16xf32>
        %swap3A_198 = vector.shape_cast %max3A_193 : vector<16xf32> to vector<1x16xf32>
        tpu.vector_store %arg13[%swap3A_194, %swap3A_195], %swap3A_198 {strides = array<i32>} : memref<64x128xf32, #tpu.memory_space<vmem>>, vector<1x16xf32>,
        %get3A_199 = arith.index_cast %scan3A_116 : i32 to index
        %get3A_200 = arith.constant 80 : index
        %get3A_201 = tpu.vector_load %arg12[%get3A_199, %get3A_200] {strides = array<i32>} : memref<64x128xf32, #tpu.memory_space<vmem>>, vector<1x16xf32>,
        %get3A_202 = vector.shape_cast %get3A_201 : vector<1x16xf32> to vector<16xf32>
        %get3A_203 = arith.index_cast %scan3A_116 : i32 to index
        %get3A_204 = arith.constant 80 : index
        %get3A_205 = tpu.vector_load %arg13[%get3A_203, %get3A_204] {strides = array<i32>} : memref<64x128xf32, #tpu.memory_space<vmem>>, vector<1x16xf32>,
        %get3A_206 = vector.shape_cast %get3A_205 : vector<1x16xf32> to vector<16xf32>
        %add3A_207 = arith.addf %get3A_202, %get3A_206 : vector<16xf32>
        %max3A_208 = arith.constant 0.000000e+00 : f32
        %max3A_209 = vector.broadcast %max3A_208 : f32 to vector<16xf32>
        %max3A_210 = arith.maximumf %add3A_207, %max3A_209 : vector<16xf32>
        %swap3A_211 = arith.index_cast %scan3A_116 : i32 to index
        %swap3A_212 = arith.constant 80 : index
        %swap3A_213 = tpu.vector_load %arg13[%swap3A_211, %swap3A_212] {strides = array<i32>} : memref<64x128xf32, #tpu.memory_space<vmem>>, vector<1x16xf32>,
        %swap3A_214 = vector.shape_cast %swap3A_213 : vector<1x16xf32> to vector<16xf32>
        %swap3A_215 = vector.shape_cast %max3A_210 : vector<16xf32> to vector<1x16xf32>
        tpu.vector_store %arg13[%swap3A_211, %swap3A_212], %swap3A_215 {strides = array<i32>} : memref<64x128xf32, #tpu.memory_space<vmem>>, vector<1x16xf32>,
        %get3A_216 = arith.index_cast %scan3A_116 : i32 to index
        %get3A_217 = arith.constant 96 : index
        %get3A_218 = tpu.vector_load %arg12[%get3A_216, %get3A_217] {strides = array<i32>} : memref<64x128xf32, #tpu.memory_space<vmem>>, vector<1x16xf32>,
        %get3A_219 = vector.shape_cast %get3A_218 : vector<1x16xf32> to vector<16xf32>
        %get3A_220 = arith.index_cast %scan3A_116 : i32 to index
        %get3A_221 = arith.constant 96 : index
        %get3A_222 = tpu.vector_load %arg13[%get3A_220, %get3A_221] {strides = array<i32>} : memref<64x128xf32, #tpu.memory_space<vmem>>, vector<1x16xf32>,
        %get3A_223 = vector.shape_cast %get3A_222 : vector<1x16xf32> to vector<16xf32>
        %add3A_224 = arith.addf %get3A_219, %get3A_223 : vector<16xf32>
        %max3A_225 = arith.constant 0.000000e+00 : f32
        %max3A_226 = vector.broadcast %max3A_225 : f32 to vector<16xf32>
        %max3A_227 = arith.maximumf %add3A_224, %max3A_226 : vector<16xf32>
        %swap3A_228 = arith.index_cast %scan3A_116 : i32 to index
        %swap3A_229 = arith.constant 96 : index
        %swap3A_230 = tpu.vector_load %arg13[%swap3A_228, %swap3A_229] {strides = array<i32>} : memref<64x128xf32, #tpu.memory_space<vmem>>, vector<1x16xf32>,
        %swap3A_231 = vector.shape_cast %swap3A_230 : vector<1x16xf32> to vector<16xf32>
        %swap3A_232 = vector.shape_cast %max3A_227 : vector<16xf32> to vector<1x16xf32>
        tpu.vector_store %arg13[%swap3A_228, %swap3A_229], %swap3A_232 {strides = array<i32>} : memref<64x128xf32, #tpu.memory_space<vmem>>, vector<1x16xf32>,
        %get3A_233 = arith.index_cast %scan3A_116 : i32 to index
        %get3A_234 = arith.constant 112 : index
        %get3A_235 = tpu.vector_load %arg12[%get3A_233, %get3A_234] {strides = array<i32>} : memref<64x128xf32, #tpu.memory_space<vmem>>, vector<1x16xf32>,
        %get3A_236 = vector.shape_cast %get3A_235 : vector<1x16xf32> to vector<16xf32>
        %get3A_237 = arith.index_cast %scan3A_116 : i32 to index
        %get3A_238 = arith.constant 112 : index
        %get3A_239 = tpu.vector_load %arg13[%get3A_237, %get3A_238] {strides = array<i32>} : memref<64x128xf32, #tpu.memory_space<vmem>>, vector<1x16xf32>,
        %get3A_240 = vector.shape_cast %get3A_239 : vector<1x16xf32> to vector<16xf32>
        %add3A_241 = arith.addf %get3A_236, %get3A_240 : vector<16xf32>
        %max3A_242 = arith.constant 0.000000e+00 : f32
        %max3A_243 = vector.broadcast %max3A_242 : f32 to vector<16xf32>
        %max3A_244 = arith.maximumf %add3A_241, %max3A_243 : vector<16xf32>
        %swap3A_245 = arith.index_cast %scan3A_116 : i32 to index
        %swap3A_246 = arith.constant 112 : index
        %swap3A_247 = tpu.vector_load %arg13[%swap3A_245, %swap3A_246] {strides = array<i32>} : memref<64x128xf32, #tpu.memory_space<vmem>>, vector<1x16xf32>,
        %swap3A_248 = vector.shape_cast %swap3A_247 : vector<1x16xf32> to vector<16xf32>
        %swap3A_249 = vector.shape_cast %max3A_244 : vector<16xf32> to vector<1x16xf32>
        tpu.vector_store %arg13[%swap3A_245, %swap3A_246], %swap3A_249 {strides = array<i32>} : memref<64x128xf32, #tpu.memory_space<vmem>>, vector<1x16xf32>,
      }
      %scan3A_114 = arith.constant 64 : i32
      %run_scoped3A_115 = arith.constant 39 : i32
      "tpu.region"() ({
        %run_scoped3A_116 = tpu.sem_alloc : memref<!tpu.dma_semaphore, #tpu.memory_space<semaphore_mem>>
        %dma_start3A_117 = arith.constant 0 : i32
        %dma_start3A_118 = tpu.memref_slice %arg9[%run_scoped3A_115, %dma_start3A_117] : memref<40x64xi32, #tpu.memory_space<vmem>> -> memref<1x64xi32, #tpu.memory_space<vmem>>
        %dma_start3A_119 = tpu.memref_squeeze %dma_start3A_118 : memref<1x64xi32, #tpu.memory_space<vmem>> -> memref<64xi32, #tpu.memory_space<vmem>>
        %dma_start3A_120 = arith.constant 0 : i32
        %dma_start3A_121 = arith.constant 0 : i32
        %dma_start3A_122 = tpu.memref_slice %arg16[%dma_start3A_120, %dma_start3A_121] : memref<10240x128xf32, #tpu.memory_space<vmem_shared>> -> memref<10240x128xf32, #tpu.memory_space<vmem_shared>>
        tpu.enqueue_indirect_dma source(%arg13 : memref<64x128xf32, #tpu.memory_space<vmem>>) target(%dma_start3A_122 : memref<10240x128xf32, #tpu.memory_space<vmem_shared>>) offsets(%dma_start3A_119 : memref<64xi32, #tpu.memory_space<vmem>>) semaphore(%run_scoped3A_116 : memref<!tpu.dma_semaphore, #tpu.memory_space<semaphore_mem>>) {add = true}
        %dma_wait3A_123 = arith.constant 0 : i32
        %dma_wait3A_124 = tpu.memref_slice %arg9[%run_scoped3A_115, %dma_wait3A_123] : memref<40x64xi32, #tpu.memory_space<vmem>> -> memref<1x64xi32, #tpu.memory_space<vmem>>
        %dma_wait3A_125 = tpu.memref_squeeze %dma_wait3A_124 : memref<1x64xi32, #tpu.memory_space<vmem>> -> memref<64xi32, #tpu.memory_space<vmem>>
        %dma_wait3A_126 = arith.constant 0 : i32
        %dma_wait3A_127 = arith.constant 0 : i32
        %dma_wait3A_128 = tpu.memref_slice %arg16[%dma_wait3A_126, %dma_wait3A_127] : memref<10240x128xf32, #tpu.memory_space<vmem_shared>> -> memref<10240x128xf32, #tpu.memory_space<vmem_shared>>
        tpu.wait_indirect_dma semaphore(%run_scoped3A_116 : memref<!tpu.dma_semaphore, #tpu.memory_space<semaphore_mem>>) src(%arg13 : memref<64x128xf32, #tpu.memory_space<vmem>>) dst(%dma_wait3A_128 : memref<10240x128xf32, #tpu.memory_space<vmem_shared>>)
        tpu.yield
      }) : () -> ()
    }
    %while3A_36 = arith.constant 1 : i32
    scf.for %while3A_42 = %while3A_34 to %while3A_30 step %while3A_36  : i32 {
      %mul3A_43 = arith.constant 40 : i32
      %mul3A_44 = arith.muli %while3A_42, %mul3A_43 : i32
      %add3A_45 = arith.addi %add3A, %mul3A_44 : i32
      %mul3A_46 = arith.constant 64 : i32
      %mul3A_47 = arith.muli %add3A_45, %mul3A_46 : i32
      "tpu.region"() ({
        %run_scoped3A_116 = tpu.sem_alloc : memref<!tpu.dma_semaphore, #tpu.memory_space<semaphore_mem>>
        %dma_start3A_117 = arith.constant 0 : i32
        %dma_start3A_118 = tpu.memref_slice %arg4[%add3A_45, %dma_start3A_117] : memref<5120x64xi32, #tpu.memory_space<hbm>> -> memref<40x64xi32, #tpu.memory_space<hbm>>
        %dma_start3A_119 = arith.constant 0 : i32
        %dma_start3A_120 = tpu.memref_slice %arg4[%add3A_45, %dma_start3A_119] : memref<5120x64xi32, #tpu.memory_space<hbm>> -> memref<40x64xi32, #tpu.memory_space<hbm>>
        tpu.enqueue_dma source(%dma_start3A_120 : memref<40x64xi32, #tpu.memory_space<hbm>>) target(%arg8 : memref<40x64xi32, #tpu.memory_space<vmem>>) target_semaphore(%run_scoped3A_116 : memref<!tpu.dma_semaphore, #tpu.memory_space<semaphore_mem>>)
        %dma_wait3A_121 = arith.constant 0 : i32
        %dma_wait3A_122 = tpu.memref_slice %arg4[%add3A_45, %dma_wait3A_121] : memref<5120x64xi32, #tpu.memory_space<hbm>> -> memref<40x64xi32, #tpu.memory_space<hbm>>
        %dma_wait3A_123 = arith.constant 0 : i32
        %dma_wait3A_124 = tpu.memref_slice %arg4[%add3A_45, %dma_wait3A_123] : memref<5120x64xi32, #tpu.memory_space<hbm>> -> memref<40x64xi32, #tpu.memory_space<hbm>>
        tpu.wait_dma2 semaphore(%run_scoped3A_116 : memref<!tpu.dma_semaphore, #tpu.memory_space<semaphore_mem>>) src(%dma_wait3A_124 : memref<40x64xi32, #tpu.memory_space<hbm>>) dst(%arg8 : memref<40x64xi32, #tpu.memory_space<vmem>>)
        tpu.yield
      }) : () -> ()
      "tpu.region"() ({
        %run_scoped3A_116 = tpu.sem_alloc : memref<!tpu.dma_semaphore, #tpu.memory_space<semaphore_mem>>
        %dma_start3A_117 = arith.constant 0 : i32
        %dma_start3A_118 = tpu.memref_slice %arg5[%add3A_45, %dma_start3A_117] : memref<5120x64xi32, #tpu.memory_space<hbm>> -> memref<40x64xi32, #tpu.memory_space<hbm>>
        %dma_start3A_119 = arith.constant 0 : i32
        %dma_start3A_120 = tpu.memref_slice %arg5[%add3A_45, %dma_start3A_119] : memref<5120x64xi32, #tpu.memory_space<hbm>> -> memref<40x64xi32, #tpu.memory_space<hbm>>
        tpu.enqueue_dma source(%dma_start3A_120 : memref<40x64xi32, #tpu.memory_space<hbm>>) target(%arg9 : memref<40x64xi32, #tpu.memory_space<vmem>>) target_semaphore(%run_scoped3A_116 : memref<!tpu.dma_semaphore, #tpu.memory_space<semaphore_mem>>)
        %dma_wait3A_121 = arith.constant 0 : i32
        %dma_wait3A_122 = tpu.memref_slice %arg5[%add3A_45, %dma_wait3A_121] : memref<5120x64xi32, #tpu.memory_space<hbm>> -> memref<40x64xi32, #tpu.memory_space<hbm>>
        %dma_wait3A_123 = arith.constant 0 : i32
        %dma_wait3A_124 = tpu.memref_slice %arg5[%add3A_45, %dma_wait3A_123] : memref<5120x64xi32, #tpu.memory_space<hbm>> -> memref<40x64xi32, #tpu.memory_space<hbm>>
        tpu.wait_dma2 semaphore(%run_scoped3A_116 : memref<!tpu.dma_semaphore, #tpu.memory_space<semaphore_mem>>) src(%dma_wait3A_124 : memref<40x64xi32, #tpu.memory_space<hbm>>) dst(%arg9 : memref<40x64xi32, #tpu.memory_space<vmem>>)
        tpu.yield
      }) : () -> ()
      %dma_start3A = arith.constant 0 : i32
      %dma_start3A_48 = arith.constant 0 : i32
      %dma_start3A_49 = tpu.memref_slice %arg8[%dma_start3A, %dma_start3A_48] : memref<40x64xi32, #tpu.memory_space<vmem>> -> memref<1x64xi32, #tpu.memory_space<vmem>>
      %dma_start3A_50 = tpu.memref_squeeze %dma_start3A_49 : memref<1x64xi32, #tpu.memory_space<vmem>> -> memref<64xi32, #tpu.memory_space<vmem>>
      %dma_start3A_51 = arith.constant 0 : i32
      %dma_start3A_52 = arith.constant 0 : i32
      %dma_start3A_53 = tpu.memref_slice %arg2[%dma_start3A_51, %dma_start3A_52] : memref<10000x128xf32, #tpu.memory_space<hbm>> -> memref<10000x128xf32, #tpu.memory_space<hbm>>
      tpu.enqueue_indirect_dma source(%dma_start3A_53 : memref<10000x128xf32, #tpu.memory_space<hbm>>) target(%arg10 : memref<64x128xf32, #tpu.memory_space<vmem>>) offsets(%dma_start3A_50 : memref<64xi32, #tpu.memory_space<vmem>>) semaphore(%arg14 : memref<!tpu.dma_semaphore, #tpu.memory_space<semaphore_mem>>)
      %add3A_54 = arith.constant 0 : i32
      %add3A_55 = arith.addi %mul3A_47, %add3A_54 : i32
      %dma_start3A_56 = arith.constant 0 : i32
      %dma_start3A_57 = tpu.memref_slice %arg3[%add3A_55, %dma_start3A_56] : memref<327680x128xf32, #tpu.memory_space<hbm>> -> memref<64x128xf32, #tpu.memory_space<hbm>>
      %dma_start3A_58 = arith.constant 0 : i32
      %dma_start3A_59 = tpu.memref_slice %arg3[%add3A_55, %dma_start3A_58] : memref<327680x128xf32, #tpu.memory_space<hbm>> -> memref<64x128xf32, #tpu.memory_space<hbm>>
      tpu.enqueue_dma source(%dma_start3A_59 : memref<64x128xf32, #tpu.memory_space<hbm>>) target(%arg11 : memref<64x128xf32, #tpu.memory_space<vmem>>) target_semaphore(%arg14 : memref<!tpu.dma_semaphore, #tpu.memory_space<semaphore_mem>>)
      %scan3A = arith.constant 0 : i32
      %scan3A_60 = arith.constant 0 : i32
      %scan3A_61 = arith.constant 19 : i32
      %scan3A_62 = arith.addi %scan3A_60, %scan3A_61 : i32
      %scan3A_63 = arith.constant 1 : i32
      scf.for %scan3A_116 = %scan3A_60 to %scan3A_62 step %scan3A_63  : i32 {
        %mul3A_117 = arith.constant 2 : i32
        %mul3A_118 = arith.muli %mul3A_117, %scan3A_116 : i32
        %add3A_119 = arith.constant 1 : i32
        %add3A_120 = arith.addi %mul3A_118, %add3A_119 : i32
        %dma_start3A_121 = arith.constant 0 : i32
        %dma_start3A_122 = tpu.memref_slice %arg8[%add3A_120, %dma_start3A_121] : memref<40x64xi32, #tpu.memory_space<vmem>> -> memref<1x64xi32, #tpu.memory_space<vmem>>
        %dma_start3A_123 = tpu.memref_squeeze %dma_start3A_122 : memref<1x64xi32, #tpu.memory_space<vmem>> -> memref<64xi32, #tpu.memory_space<vmem>>
        %dma_start3A_124 = arith.constant 0 : i32
        %dma_start3A_125 = arith.constant 0 : i32
        %dma_start3A_126 = tpu.memref_slice %arg2[%dma_start3A_124, %dma_start3A_125] : memref<10000x128xf32, #tpu.memory_space<hbm>> -> memref<10000x128xf32, #tpu.memory_space<hbm>>
        tpu.enqueue_indirect_dma source(%dma_start3A_126 : memref<10000x128xf32, #tpu.memory_space<hbm>>) target(%arg12 : memref<64x128xf32, #tpu.memory_space<vmem>>) offsets(%dma_start3A_123 : memref<64xi32, #tpu.memory_space<vmem>>) semaphore(%arg15 : memref<!tpu.dma_semaphore, #tpu.memory_space<semaphore_mem>>)
        %mul3A_127 = arith.constant 64 : i32
        %mul3A_128 = arith.muli %add3A_120, %mul3A_127 : i32
        %add3A_129 = arith.addi %mul3A_47, %mul3A_128 : i32
        %dma_start3A_130 = arith.constant 0 : i32
        %dma_start3A_131 = tpu.memref_slice %arg3[%add3A_129, %dma_start3A_130] : memref<327680x128xf32, #tpu.memory_space<hbm>> -> memref<64x128xf32, #tpu.memory_space<hbm>>
        %dma_start3A_132 = arith.constant 0 : i32
        %dma_start3A_133 = tpu.memref_slice %arg3[%add3A_129, %dma_start3A_132] : memref<327680x128xf32, #tpu.memory_space<hbm>> -> memref<64x128xf32, #tpu.memory_space<hbm>>
        tpu.enqueue_dma source(%dma_start3A_133 : memref<64x128xf32, #tpu.memory_space<hbm>>) target(%arg13 : memref<64x128xf32, #tpu.memory_space<vmem>>) target_semaphore(%arg15 : memref<!tpu.dma_semaphore, #tpu.memory_space<semaphore_mem>>)
        %dma_wait3A_134 = arith.constant 0 : i32
        %dma_wait3A_135 = tpu.memref_slice %arg8[%mul3A_118, %dma_wait3A_134] : memref<40x64xi32, #tpu.memory_space<vmem>> -> memref<1x64xi32, #tpu.memory_space<vmem>>
        %dma_wait3A_136 = tpu.memref_squeeze %dma_wait3A_135 : memref<1x64xi32, #tpu.memory_space<vmem>> -> memref<64xi32, #tpu.memory_space<vmem>>
        %dma_wait3A_137 = arith.constant 0 : i32
        %dma_wait3A_138 = arith.constant 0 : i32
        %dma_wait3A_139 = tpu.memref_slice %arg2[%dma_wait3A_137, %dma_wait3A_138] : memref<10000x128xf32, #tpu.memory_space<hbm>> -> memref<10000x128xf32, #tpu.memory_space<hbm>>
        tpu.wait_indirect_dma semaphore(%arg14 : memref<!tpu.dma_semaphore, #tpu.memory_space<semaphore_mem>>) src(%dma_wait3A_139 : memref<10000x128xf32, #tpu.memory_space<hbm>>) dst(%arg10 : memref<64x128xf32, #tpu.memory_space<vmem>>)
        %mul3A_140 = arith.constant 64 : i32
        %mul3A_141 = arith.muli %mul3A_118, %mul3A_140 : i32
        %add3A_142 = arith.addi %mul3A_47, %mul3A_141 : i32
        %dma_wait3A_143 = arith.constant 0 : i32
        %dma_wait3A_144 = tpu.memref_slice %arg3[%add3A_142, %dma_wait3A_143] : memref<327680x128xf32, #tpu.memory_space<hbm>> -> memref<64x128xf32, #tpu.memory_space<hbm>>
        %dma_wait3A_145 = arith.constant 0 : i32
        %dma_wait3A_146 = tpu.memref_slice %arg3[%add3A_142, %dma_wait3A_145] : memref<327680x128xf32, #tpu.memory_space<hbm>> -> memref<64x128xf32, #tpu.memory_space<hbm>>
        tpu.wait_dma2 semaphore(%arg14 : memref<!tpu.dma_semaphore, #tpu.memory_space<semaphore_mem>>) src(%dma_wait3A_146 : memref<64x128xf32, #tpu.memory_space<hbm>>) dst(%arg11 : memref<64x128xf32, #tpu.memory_space<vmem>>)
        %scan3A_147 = arith.constant 0 : i32
        %scan3A_148 = arith.constant 0 : i32
        %scan3A_149 = arith.constant 64 : i32
        %scan3A_150 = arith.addi %scan3A_148, %scan3A_149 : i32
        %scan3A_151 = arith.constant 1 : i32
        scf.for %scan3A_191 = %scan3A_148 to %scan3A_150 step %scan3A_151  : i32 {
          %get3A = arith.index_cast %scan3A_191 : i32 to index
          %get3A_192 = arith.constant 0 : index
          %get3A_193 = tpu.vector_load %arg10[%get3A, %get3A_192] {strides = array<i32>} : memref<64x128xf32, #tpu.memory_space<vmem>>, vector<1x16xf32>,
          %get3A_194 = vector.shape_cast %get3A_193 : vector<1x16xf32> to vector<16xf32>
          %get3A_195 = arith.index_cast %scan3A_191 : i32 to index
          %get3A_196 = arith.constant 0 : index
          %get3A_197 = tpu.vector_load %arg11[%get3A_195, %get3A_196] {strides = array<i32>} : memref<64x128xf32, #tpu.memory_space<vmem>>, vector<1x16xf32>,
          %get3A_198 = vector.shape_cast %get3A_197 : vector<1x16xf32> to vector<16xf32>
          %add3A_199 = arith.addf %get3A_194, %get3A_198 : vector<16xf32>
          %max3A = arith.constant 0.000000e+00 : f32
          %max3A_200 = vector.broadcast %max3A : f32 to vector<16xf32>
          %max3A_201 = arith.maximumf %add3A_199, %max3A_200 : vector<16xf32>
          %swap3A = arith.index_cast %scan3A_191 : i32 to index
          %swap3A_202 = arith.constant 0 : index
          %swap3A_203 = tpu.vector_load %arg11[%swap3A, %swap3A_202] {strides = array<i32>} : memref<64x128xf32, #tpu.memory_space<vmem>>, vector<1x16xf32>,
          %swap3A_204 = vector.shape_cast %swap3A_203 : vector<1x16xf32> to vector<16xf32>
          %swap3A_205 = vector.shape_cast %max3A_201 : vector<16xf32> to vector<1x16xf32>
          tpu.vector_store %arg11[%swap3A, %swap3A_202], %swap3A_205 {strides = array<i32>} : memref<64x128xf32, #tpu.memory_space<vmem>>, vector<1x16xf32>,
          %get3A_206 = arith.index_cast %scan3A_191 : i32 to index
          %get3A_207 = arith.constant 16 : index
          %get3A_208 = tpu.vector_load %arg10[%get3A_206, %get3A_207] {strides = array<i32>} : memref<64x128xf32, #tpu.memory_space<vmem>>, vector<1x16xf32>,
          %get3A_209 = vector.shape_cast %get3A_208 : vector<1x16xf32> to vector<16xf32>
          %get3A_210 = arith.index_cast %scan3A_191 : i32 to index
          %get3A_211 = arith.constant 16 : index
          %get3A_212 = tpu.vector_load %arg11[%get3A_210, %get3A_211] {strides = array<i32>} : memref<64x128xf32, #tpu.memory_space<vmem>>, vector<1x16xf32>,
          %get3A_213 = vector.shape_cast %get3A_212 : vector<1x16xf32> to vector<16xf32>
          %add3A_214 = arith.addf %get3A_209, %get3A_213 : vector<16xf32>
          %max3A_215 = arith.constant 0.000000e+00 : f32
          %max3A_216 = vector.broadcast %max3A_215 : f32 to vector<16xf32>
          %max3A_217 = arith.maximumf %add3A_214, %max3A_216 : vector<16xf32>
          %swap3A_218 = arith.index_cast %scan3A_191 : i32 to index
          %swap3A_219 = arith.constant 16 : index
          %swap3A_220 = tpu.vector_load %arg11[%swap3A_218, %swap3A_219] {strides = array<i32>} : memref<64x128xf32, #tpu.memory_space<vmem>>, vector<1x16xf32>,
          %swap3A_221 = vector.shape_cast %swap3A_220 : vector<1x16xf32> to vector<16xf32>
          %swap3A_222 = vector.shape_cast %max3A_217 : vector<16xf32> to vector<1x16xf32>
          tpu.vector_store %arg11[%swap3A_218, %swap3A_219], %swap3A_222 {strides = array<i32>} : memref<64x128xf32, #tpu.memory_space<vmem>>, vector<1x16xf32>,
          %get3A_223 = arith.index_cast %scan3A_191 : i32 to index
          %get3A_224 = arith.constant 32 : index
          %get3A_225 = tpu.vector_load %arg10[%get3A_223, %get3A_224] {strides = array<i32>} : memref<64x128xf32, #tpu.memory_space<vmem>>, vector<1x16xf32>,
          %get3A_226 = vector.shape_cast %get3A_225 : vector<1x16xf32> to vector<16xf32>
          %get3A_227 = arith.index_cast %scan3A_191 : i32 to index
          %get3A_228 = arith.constant 32 : index
          %get3A_229 = tpu.vector_load %arg11[%get3A_227, %get3A_228] {strides = array<i32>} : memref<64x128xf32, #tpu.memory_space<vmem>>, vector<1x16xf32>,
          %get3A_230 = vector.shape_cast %get3A_229 : vector<1x16xf32> to vector<16xf32>
          %add3A_231 = arith.addf %get3A_226, %get3A_230 : vector<16xf32>
          %max3A_232 = arith.constant 0.000000e+00 : f32
          %max3A_233 = vector.broadcast %max3A_232 : f32 to vector<16xf32>
          %max3A_234 = arith.maximumf %add3A_231, %max3A_233 : vector<16xf32>
          %swap3A_235 = arith.index_cast %scan3A_191 : i32 to index
          %swap3A_236 = arith.constant 32 : index
          %swap3A_237 = tpu.vector_load %arg11[%swap3A_235, %swap3A_236] {strides = array<i32>} : memref<64x128xf32, #tpu.memory_space<vmem>>, vector<1x16xf32>,
          %swap3A_238 = vector.shape_cast %swap3A_237 : vector<1x16xf32> to vector<16xf32>
          %swap3A_239 = vector.shape_cast %max3A_234 : vector<16xf32> to vector<1x16xf32>
          tpu.vector_store %arg11[%swap3A_235, %swap3A_236], %swap3A_239 {strides = array<i32>} : memref<64x128xf32, #tpu.memory_space<vmem>>, vector<1x16xf32>,
          %get3A_240 = arith.index_cast %scan3A_191 : i32 to index
          %get3A_241 = arith.constant 48 : index
          %get3A_242 = tpu.vector_load %arg10[%get3A_240, %get3A_241] {strides = array<i32>} : memref<64x128xf32, #tpu.memory_space<vmem>>, vector<1x16xf32>,
          %get3A_243 = vector.shape_cast %get3A_242 : vector<1x16xf32> to vector<16xf32>
          %get3A_244 = arith.index_cast %scan3A_191 : i32 to index
          %get3A_245 = arith.constant 48 : index
          %get3A_246 = tpu.vector_load %arg11[%get3A_244, %get3A_245] {strides = array<i32>} : memref<64x128xf32, #tpu.memory_space<vmem>>, vector<1x16xf32>,
          %get3A_247 = vector.shape_cast %get3A_246 : vector<1x16xf32> to vector<16xf32>
          %add3A_248 = arith.addf %get3A_243, %get3A_247 : vector<16xf32>
          %max3A_249 = arith.constant 0.000000e+00 : f32
          %max3A_250 = vector.broadcast %max3A_249 : f32 to vector<16xf32>
          %max3A_251 = arith.maximumf %add3A_248, %max3A_250 : vector<16xf32>
          %swap3A_252 = arith.index_cast %scan3A_191 : i32 to index
          %swap3A_253 = arith.constant 48 : index
          %swap3A_254 = tpu.vector_load %arg11[%swap3A_252, %swap3A_253] {strides = array<i32>} : memref<64x128xf32, #tpu.memory_space<vmem>>, vector<1x16xf32>,
          %swap3A_255 = vector.shape_cast %swap3A_254 : vector<1x16xf32> to vector<16xf32>
          %swap3A_256 = vector.shape_cast %max3A_251 : vector<16xf32> to vector<1x16xf32>
          tpu.vector_store %arg11[%swap3A_252, %swap3A_253], %swap3A_256 {strides = array<i32>} : memref<64x128xf32, #tpu.memory_space<vmem>>, vector<1x16xf32>,
          %get3A_257 = arith.index_cast %scan3A_191 : i32 to index
          %get3A_258 = arith.constant 64 : index
          %get3A_259 = tpu.vector_load %arg10[%get3A_257, %get3A_258] {strides = array<i32>} : memref<64x128xf32, #tpu.memory_space<vmem>>, vector<1x16xf32>,
          %get3A_260 = vector.shape_cast %get3A_259 : vector<1x16xf32> to vector<16xf32>
          %get3A_261 = arith.index_cast %scan3A_191 : i32 to index
          %get3A_262 = arith.constant 64 : index
          %get3A_263 = tpu.vector_load %arg11[%get3A_261, %get3A_262] {strides = array<i32>} : memref<64x128xf32, #tpu.memory_space<vmem>>, vector<1x16xf32>,
          %get3A_264 = vector.shape_cast %get3A_263 : vector<1x16xf32> to vector<16xf32>
          %add3A_265 = arith.addf %get3A_260, %get3A_264 : vector<16xf32>
          %max3A_266 = arith.constant 0.000000e+00 : f32
          %max3A_267 = vector.broadcast %max3A_266 : f32 to vector<16xf32>
          %max3A_268 = arith.maximumf %add3A_265, %max3A_267 : vector<16xf32>
          %swap3A_269 = arith.index_cast %scan3A_191 : i32 to index
          %swap3A_270 = arith.constant 64 : index
          %swap3A_271 = tpu.vector_load %arg11[%swap3A_269, %swap3A_270] {strides = array<i32>} : memref<64x128xf32, #tpu.memory_space<vmem>>, vector<1x16xf32>,
          %swap3A_272 = vector.shape_cast %swap3A_271 : vector<1x16xf32> to vector<16xf32>
          %swap3A_273 = vector.shape_cast %max3A_268 : vector<16xf32> to vector<1x16xf32>
          tpu.vector_store %arg11[%swap3A_269, %swap3A_270], %swap3A_273 {strides = array<i32>} : memref<64x128xf32, #tpu.memory_space<vmem>>, vector<1x16xf32>,
          %get3A_274 = arith.index_cast %scan3A_191 : i32 to index
          %get3A_275 = arith.constant 80 : index
          %get3A_276 = tpu.vector_load %arg10[%get3A_274, %get3A_275] {strides = array<i32>} : memref<64x128xf32, #tpu.memory_space<vmem>>, vector<1x16xf32>,
          %get3A_277 = vector.shape_cast %get3A_276 : vector<1x16xf32> to vector<16xf32>
          %get3A_278 = arith.index_cast %scan3A_191 : i32 to index
          %get3A_279 = arith.constant 80 : index
          %get3A_280 = tpu.vector_load %arg11[%get3A_278, %get3A_279] {strides = array<i32>} : memref<64x128xf32, #tpu.memory_space<vmem>>, vector<1x16xf32>,
          %get3A_281 = vector.shape_cast %get3A_280 : vector<1x16xf32> to vector<16xf32>
          %add3A_282 = arith.addf %get3A_277, %get3A_281 : vector<16xf32>
          %max3A_283 = arith.constant 0.000000e+00 : f32
          %max3A_284 = vector.broadcast %max3A_283 : f32 to vector<16xf32>
          %max3A_285 = arith.maximumf %add3A_282, %max3A_284 : vector<16xf32>
          %swap3A_286 = arith.index_cast %scan3A_191 : i32 to index
          %swap3A_287 = arith.constant 80 : index
          %swap3A_288 = tpu.vector_load %arg11[%swap3A_286, %swap3A_287] {strides = array<i32>} : memref<64x128xf32, #tpu.memory_space<vmem>>, vector<1x16xf32>,
          %swap3A_289 = vector.shape_cast %swap3A_288 : vector<1x16xf32> to vector<16xf32>
          %swap3A_290 = vector.shape_cast %max3A_285 : vector<16xf32> to vector<1x16xf32>
          tpu.vector_store %arg11[%swap3A_286, %swap3A_287], %swap3A_290 {strides = array<i32>} : memref<64x128xf32, #tpu.memory_space<vmem>>, vector<1x16xf32>,
          %get3A_291 = arith.index_cast %scan3A_191 : i32 to index
          %get3A_292 = arith.constant 96 : index
          %get3A_293 = tpu.vector_load %arg10[%get3A_291, %get3A_292] {strides = array<i32>} : memref<64x128xf32, #tpu.memory_space<vmem>>, vector<1x16xf32>,
          %get3A_294 = vector.shape_cast %get3A_293 : vector<1x16xf32> to vector<16xf32>
          %get3A_295 = arith.index_cast %scan3A_191 : i32 to index
          %get3A_296 = arith.constant 96 : index
          %get3A_297 = tpu.vector_load %arg11[%get3A_295, %get3A_296] {strides = array<i32>} : memref<64x128xf32, #tpu.memory_space<vmem>>, vector<1x16xf32>,
          %get3A_298 = vector.shape_cast %get3A_297 : vector<1x16xf32> to vector<16xf32>
          %add3A_299 = arith.addf %get3A_294, %get3A_298 : vector<16xf32>
          %max3A_300 = arith.constant 0.000000e+00 : f32
          %max3A_301 = vector.broadcast %max3A_300 : f32 to vector<16xf32>
          %max3A_302 = arith.maximumf %add3A_299, %max3A_301 : vector<16xf32>
          %swap3A_303 = arith.index_cast %scan3A_191 : i32 to index
          %swap3A_304 = arith.constant 96 : index
          %swap3A_305 = tpu.vector_load %arg11[%swap3A_303, %swap3A_304] {strides = array<i32>} : memref<64x128xf32, #tpu.memory_space<vmem>>, vector<1x16xf32>,
          %swap3A_306 = vector.shape_cast %swap3A_305 : vector<1x16xf32> to vector<16xf32>
          %swap3A_307 = vector.shape_cast %max3A_302 : vector<16xf32> to vector<1x16xf32>
          tpu.vector_store %arg11[%swap3A_303, %swap3A_304], %swap3A_307 {strides = array<i32>} : memref<64x128xf32, #tpu.memory_space<vmem>>, vector<1x16xf32>,
          %get3A_308 = arith.index_cast %scan3A_191 : i32 to index
          %get3A_309 = arith.constant 112 : index
          %get3A_310 = tpu.vector_load %arg10[%get3A_308, %get3A_309] {strides = array<i32>} : memref<64x128xf32, #tpu.memory_space<vmem>>, vector<1x16xf32>,
          %get3A_311 = vector.shape_cast %get3A_310 : vector<1x16xf32> to vector<16xf32>
          %get3A_312 = arith.index_cast %scan3A_191 : i32 to index
          %get3A_313 = arith.constant 112 : index
          %get3A_314 = tpu.vector_load %arg11[%get3A_312, %get3A_313] {strides = array<i32>} : memref<64x128xf32, #tpu.memory_space<vmem>>, vector<1x16xf32>,
          %get3A_315 = vector.shape_cast %get3A_314 : vector<1x16xf32> to vector<16xf32>
          %add3A_316 = arith.addf %get3A_311, %get3A_315 : vector<16xf32>
          %max3A_317 = arith.constant 0.000000e+00 : f32
          %max3A_318 = vector.broadcast %max3A_317 : f32 to vector<16xf32>
          %max3A_319 = arith.maximumf %add3A_316, %max3A_318 : vector<16xf32>
          %swap3A_320 = arith.index_cast %scan3A_191 : i32 to index
          %swap3A_321 = arith.constant 112 : index
          %swap3A_322 = tpu.vector_load %arg11[%swap3A_320, %swap3A_321] {strides = array<i32>} : memref<64x128xf32, #tpu.memory_space<vmem>>, vector<1x16xf32>,
          %swap3A_323 = vector.shape_cast %swap3A_322 : vector<1x16xf32> to vector<16xf32>
          %swap3A_324 = vector.shape_cast %max3A_319 : vector<16xf32> to vector<1x16xf32>
          tpu.vector_store %arg11[%swap3A_320, %swap3A_321], %swap3A_324 {strides = array<i32>} : memref<64x128xf32, #tpu.memory_space<vmem>>, vector<1x16xf32>,
        }
        %scan3A_152 = arith.constant 64 : i32
        "tpu.region"() ({
          %run_scoped3A_191 = tpu.sem_alloc : memref<!tpu.dma_semaphore, #tpu.memory_space<semaphore_mem>>
          %dma_start3A_192 = arith.constant 0 : i32
          %dma_start3A_193 = tpu.memref_slice %arg9[%mul3A_118, %dma_start3A_192] : memref<40x64xi32, #tpu.memory_space<vmem>> -> memref<1x64xi32, #tpu.memory_space<vmem>>
          %dma_start3A_194 = tpu.memref_squeeze %dma_start3A_193 : memref<1x64xi32, #tpu.memory_space<vmem>> -> memref<64xi32, #tpu.memory_space<vmem>>
          %dma_start3A_195 = arith.constant 0 : i32
          %dma_start3A_196 = arith.constant 0 : i32
          %dma_start3A_197 = tpu.memref_slice %arg16[%dma_start3A_195, %dma_start3A_196] : memref<10240x128xf32, #tpu.memory_space<vmem_shared>> -> memref<10240x128xf32, #tpu.memory_space<vmem_shared>>
          tpu.enqueue_indirect_dma source(%arg11 : memref<64x128xf32, #tpu.memory_space<vmem>>) target(%dma_start3A_197 : memref<10240x128xf32, #tpu.memory_space<vmem_shared>>) offsets(%dma_start3A_194 : memref<64xi32, #tpu.memory_space<vmem>>) semaphore(%run_scoped3A_191 : memref<!tpu.dma_semaphore, #tpu.memory_space<semaphore_mem>>) {add = true}
          %dma_wait3A_198 = arith.constant 0 : i32
          %dma_wait3A_199 = tpu.memref_slice %arg9[%mul3A_118, %dma_wait3A_198] : memref<40x64xi32, #tpu.memory_space<vmem>> -> memref<1x64xi32, #tpu.memory_space<vmem>>
          %dma_wait3A_200 = tpu.memref_squeeze %dma_wait3A_199 : memref<1x64xi32, #tpu.memory_space<vmem>> -> memref<64xi32, #tpu.memory_space<vmem>>
          %dma_wait3A_201 = arith.constant 0 : i32
          %dma_wait3A_202 = arith.constant 0 : i32
          %dma_wait3A_203 = tpu.memref_slice %arg16[%dma_wait3A_201, %dma_wait3A_202] : memref<10240x128xf32, #tpu.memory_space<vmem_shared>> -> memref<10240x128xf32, #tpu.memory_space<vmem_shared>>
          tpu.wait_indirect_dma semaphore(%run_scoped3A_191 : memref<!tpu.dma_semaphore, #tpu.memory_space<semaphore_mem>>) src(%arg11 : memref<64x128xf32, #tpu.memory_space<vmem>>) dst(%dma_wait3A_203 : memref<10240x128xf32, #tpu.memory_space<vmem_shared>>)
          tpu.yield
        }) : () -> ()
        %add3A_153 = arith.constant 2 : i32
        %add3A_154 = arith.addi %mul3A_118, %add3A_153 : i32
        %dma_start3A_155 = arith.constant 0 : i32
        %dma_start3A_156 = tpu.memref_slice %arg8[%add3A_154, %dma_start3A_155] : memref<40x64xi32, #tpu.memory_space<vmem>> -> memref<1x64xi32, #tpu.memory_space<vmem>>
        %dma_start3A_157 = tpu.memref_squeeze %dma_start3A_156 : memref<1x64xi32, #tpu.memory_space<vmem>> -> memref<64xi32, #tpu.memory_space<vmem>>
        %dma_start3A_158 = arith.constant 0 : i32
        %dma_start3A_159 = arith.constant 0 : i32
        %dma_start3A_160 = tpu.memref_slice %arg2[%dma_start3A_158, %dma_start3A_159] : memref<10000x128xf32, #tpu.memory_space<hbm>> -> memref<10000x128xf32, #tpu.memory_space<hbm>>
        tpu.enqueue_indirect_dma source(%dma_start3A_160 : memref<10000x128xf32, #tpu.memory_space<hbm>>) target(%arg10 : memref<64x128xf32, #tpu.memory_space<vmem>>) offsets(%dma_start3A_157 : memref<64xi32, #tpu.memory_space<vmem>>) semaphore(%arg14 : memref<!tpu.dma_semaphore, #tpu.memory_space<semaphore_mem>>)
        %mul3A_161 = arith.constant 64 : i32
        %mul3A_162 = arith.muli %add3A_154, %mul3A_161 : i32
        %add3A_163 = arith.addi %mul3A_47, %mul3A_162 : i32
        %dma_start3A_164 = arith.constant 0 : i32
        %dma_start3A_165 = tpu.memref_slice %arg3[%add3A_163, %dma_start3A_164] : memref<327680x128xf32, #tpu.memory_space<hbm>> -> memref<64x128xf32, #tpu.memory_space<hbm>>
        %dma_start3A_166 = arith.constant 0 : i32
        %dma_start3A_167 = tpu.memref_slice %arg3[%add3A_163, %dma_start3A_166] : memref<327680x128xf32, #tpu.memory_space<hbm>> -> memref<64x128xf32, #tpu.memory_space<hbm>>
        tpu.enqueue_dma source(%dma_start3A_167 : memref<64x128xf32, #tpu.memory_space<hbm>>) target(%arg11 : memref<64x128xf32, #tpu.memory_space<vmem>>) target_semaphore(%arg14 : memref<!tpu.dma_semaphore, #tpu.memory_space<semaphore_mem>>)
        %add3A_168 = arith.constant 1 : i32
        %add3A_169 = arith.addi %mul3A_118, %add3A_168 : i32
        %dma_wait3A_170 = arith.constant 0 : i32
        %dma_wait3A_171 = tpu.memref_slice %arg8[%add3A_169, %dma_wait3A_170] : memref<40x64xi32, #tpu.memory_space<vmem>> -> memref<1x64xi32, #tpu.memory_space<vmem>>
        %dma_wait3A_172 = tpu.memref_squeeze %dma_wait3A_171 : memref<1x64xi32, #tpu.memory_space<vmem>> -> memref<64xi32, #tpu.memory_space<vmem>>
        %dma_wait3A_173 = arith.constant 0 : i32
        %dma_wait3A_174 = arith.constant 0 : i32
        %dma_wait3A_175 = tpu.memref_slice %arg2[%dma_wait3A_173, %dma_wait3A_174] : memref<10000x128xf32, #tpu.memory_space<hbm>> -> memref<10000x128xf32, #tpu.memory_space<hbm>>
        tpu.wait_indirect_dma semaphore(%arg15 : memref<!tpu.dma_semaphore, #tpu.memory_space<semaphore_mem>>) src(%dma_wait3A_175 : memref<10000x128xf32, #tpu.memory_space<hbm>>) dst(%arg12 : memref<64x128xf32, #tpu.memory_space<vmem>>)
        %mul3A_176 = arith.constant 64 : i32
        %mul3A_177 = arith.muli %add3A_169, %mul3A_176 : i32
        %add3A_178 = arith.addi %mul3A_47, %mul3A_177 : i32
        %dma_wait3A_179 = arith.constant 0 : i32
        %dma_wait3A_180 = tpu.memref_slice %arg3[%add3A_178, %dma_wait3A_179] : memref<327680x128xf32, #tpu.memory_space<hbm>> -> memref<64x128xf32, #tpu.memory_space<hbm>>
        %dma_wait3A_181 = arith.constant 0 : i32
        %dma_wait3A_182 = tpu.memref_slice %arg3[%add3A_178, %dma_wait3A_181] : memref<327680x128xf32, #tpu.memory_space<hbm>> -> memref<64x128xf32, #tpu.memory_space<hbm>>
        tpu.wait_dma2 semaphore(%arg15 : memref<!tpu.dma_semaphore, #tpu.memory_space<semaphore_mem>>) src(%dma_wait3A_182 : memref<64x128xf32, #tpu.memory_space<hbm>>) dst(%arg13 : memref<64x128xf32, #tpu.memory_space<vmem>>)
        %add3A_183 = arith.constant 1 : i32
        %add3A_184 = arith.addi %mul3A_118, %add3A_183 : i32
        %scan3A_185 = arith.constant 0 : i32
        %scan3A_186 = arith.constant 0 : i32
        %scan3A_187 = arith.constant 64 : i32
        %scan3A_188 = arith.addi %scan3A_186, %scan3A_187 : i32
        %scan3A_189 = arith.constant 1 : i32
        scf.for %scan3A_191 = %scan3A_186 to %scan3A_188 step %scan3A_189  : i32 {
          %get3A = arith.index_cast %scan3A_191 : i32 to index
          %get3A_192 = arith.constant 0 : index
          %get3A_193 = tpu.vector_load %arg12[%get3A, %get3A_192] {strides = array<i32>} : memref<64x128xf32, #tpu.memory_space<vmem>>, vector<1x16xf32>,
          %get3A_194 = vector.shape_cast %get3A_193 : vector<1x16xf32> to vector<16xf32>
          %get3A_195 = arith.index_cast %scan3A_191 : i32 to index
          %get3A_196 = arith.constant 0 : index
          %get3A_197 = tpu.vector_load %arg13[%get3A_195, %get3A_196] {strides = array<i32>} : memref<64x128xf32, #tpu.memory_space<vmem>>, vector<1x16xf32>,
          %get3A_198 = vector.shape_cast %get3A_197 : vector<1x16xf32> to vector<16xf32>
          %add3A_199 = arith.addf %get3A_194, %get3A_198 : vector<16xf32>
          %max3A = arith.constant 0.000000e+00 : f32
          %max3A_200 = vector.broadcast %max3A : f32 to vector<16xf32>
          %max3A_201 = arith.maximumf %add3A_199, %max3A_200 : vector<16xf32>
          %swap3A = arith.index_cast %scan3A_191 : i32 to index
          %swap3A_202 = arith.constant 0 : index
          %swap3A_203 = tpu.vector_load %arg13[%swap3A, %swap3A_202] {strides = array<i32>} : memref<64x128xf32, #tpu.memory_space<vmem>>, vector<1x16xf32>,
          %swap3A_204 = vector.shape_cast %swap3A_203 : vector<1x16xf32> to vector<16xf32>
          %swap3A_205 = vector.shape_cast %max3A_201 : vector<16xf32> to vector<1x16xf32>
          tpu.vector_store %arg13[%swap3A, %swap3A_202], %swap3A_205 {strides = array<i32>} : memref<64x128xf32, #tpu.memory_space<vmem>>, vector<1x16xf32>,
          %get3A_206 = arith.index_cast %scan3A_191 : i32 to index
          %get3A_207 = arith.constant 16 : index
          %get3A_208 = tpu.vector_load %arg12[%get3A_206, %get3A_207] {strides = array<i32>} : memref<64x128xf32, #tpu.memory_space<vmem>>, vector<1x16xf32>,
          %get3A_209 = vector.shape_cast %get3A_208 : vector<1x16xf32> to vector<16xf32>
          %get3A_210 = arith.index_cast %scan3A_191 : i32 to index
          %get3A_211 = arith.constant 16 : index
          %get3A_212 = tpu.vector_load %arg13[%get3A_210, %get3A_211] {strides = array<i32>} : memref<64x128xf32, #tpu.memory_space<vmem>>, vector<1x16xf32>,
          %get3A_213 = vector.shape_cast %get3A_212 : vector<1x16xf32> to vector<16xf32>
          %add3A_214 = arith.addf %get3A_209, %get3A_213 : vector<16xf32>
          %max3A_215 = arith.constant 0.000000e+00 : f32
          %max3A_216 = vector.broadcast %max3A_215 : f32 to vector<16xf32>
          %max3A_217 = arith.maximumf %add3A_214, %max3A_216 : vector<16xf32>
          %swap3A_218 = arith.index_cast %scan3A_191 : i32 to index
          %swap3A_219 = arith.constant 16 : index
          %swap3A_220 = tpu.vector_load %arg13[%swap3A_218, %swap3A_219] {strides = array<i32>} : memref<64x128xf32, #tpu.memory_space<vmem>>, vector<1x16xf32>,
          %swap3A_221 = vector.shape_cast %swap3A_220 : vector<1x16xf32> to vector<16xf32>
          %swap3A_222 = vector.shape_cast %max3A_217 : vector<16xf32> to vector<1x16xf32>
          tpu.vector_store %arg13[%swap3A_218, %swap3A_219], %swap3A_222 {strides = array<i32>} : memref<64x128xf32, #tpu.memory_space<vmem>>, vector<1x16xf32>,
          %get3A_223 = arith.index_cast %scan3A_191 : i32 to index
          %get3A_224 = arith.constant 32 : index
          %get3A_225 = tpu.vector_load %arg12[%get3A_223, %get3A_224] {strides = array<i32>} : memref<64x128xf32, #tpu.memory_space<vmem>>, vector<1x16xf32>,
          %get3A_226 = vector.shape_cast %get3A_225 : vector<1x16xf32> to vector<16xf32>
          %get3A_227 = arith.index_cast %scan3A_191 : i32 to index
          %get3A_228 = arith.constant 32 : index
          %get3A_229 = tpu.vector_load %arg13[%get3A_227, %get3A_228] {strides = array<i32>} : memref<64x128xf32, #tpu.memory_space<vmem>>, vector<1x16xf32>,
          %get3A_230 = vector.shape_cast %get3A_229 : vector<1x16xf32> to vector<16xf32>
          %add3A_231 = arith.addf %get3A_226, %get3A_230 : vector<16xf32>
          %max3A_232 = arith.constant 0.000000e+00 : f32
          %max3A_233 = vector.broadcast %max3A_232 : f32 to vector<16xf32>
          %max3A_234 = arith.maximumf %add3A_231, %max3A_233 : vector<16xf32>
          %swap3A_235 = arith.index_cast %scan3A_191 : i32 to index
          %swap3A_236 = arith.constant 32 : index
          %swap3A_237 = tpu.vector_load %arg13[%swap3A_235, %swap3A_236] {strides = array<i32>} : memref<64x128xf32, #tpu.memory_space<vmem>>, vector<1x16xf32>,
          %swap3A_238 = vector.shape_cast %swap3A_237 : vector<1x16xf32> to vector<16xf32>
          %swap3A_239 = vector.shape_cast %max3A_234 : vector<16xf32> to vector<1x16xf32>
          tpu.vector_store %arg13[%swap3A_235, %swap3A_236], %swap3A_239 {strides = array<i32>} : memref<64x128xf32, #tpu.memory_space<vmem>>, vector<1x16xf32>,
          %get3A_240 = arith.index_cast %scan3A_191 : i32 to index
          %get3A_241 = arith.constant 48 : index
          %get3A_242 = tpu.vector_load %arg12[%get3A_240, %get3A_241] {strides = array<i32>} : memref<64x128xf32, #tpu.memory_space<vmem>>, vector<1x16xf32>,
          %get3A_243 = vector.shape_cast %get3A_242 : vector<1x16xf32> to vector<16xf32>
          %get3A_244 = arith.index_cast %scan3A_191 : i32 to index
          %get3A_245 = arith.constant 48 : index
          %get3A_246 = tpu.vector_load %arg13[%get3A_244, %get3A_245] {strides = array<i32>} : memref<64x128xf32, #tpu.memory_space<vmem>>, vector<1x16xf32>,
          %get3A_247 = vector.shape_cast %get3A_246 : vector<1x16xf32> to vector<16xf32>
          %add3A_248 = arith.addf %get3A_243, %get3A_247 : vector<16xf32>
          %max3A_249 = arith.constant 0.000000e+00 : f32
          %max3A_250 = vector.broadcast %max3A_249 : f32 to vector<16xf32>
          %max3A_251 = arith.maximumf %add3A_248, %max3A_250 : vector<16xf32>
          %swap3A_252 = arith.index_cast %scan3A_191 : i32 to index
          %swap3A_253 = arith.constant 48 : index
          %swap3A_254 = tpu.vector_load %arg13[%swap3A_252, %swap3A_253] {strides = array<i32>} : memref<64x128xf32, #tpu.memory_space<vmem>>, vector<1x16xf32>,
          %swap3A_255 = vector.shape_cast %swap3A_254 : vector<1x16xf32> to vector<16xf32>
          %swap3A_256 = vector.shape_cast %max3A_251 : vector<16xf32> to vector<1x16xf32>
          tpu.vector_store %arg13[%swap3A_252, %swap3A_253], %swap3A_256 {strides = array<i32>} : memref<64x128xf32, #tpu.memory_space<vmem>>, vector<1x16xf32>,
          %get3A_257 = arith.index_cast %scan3A_191 : i32 to index
          %get3A_258 = arith.constant 64 : index
          %get3A_259 = tpu.vector_load %arg12[%get3A_257, %get3A_258] {strides = array<i32>} : memref<64x128xf32, #tpu.memory_space<vmem>>, vector<1x16xf32>,
          %get3A_260 = vector.shape_cast %get3A_259 : vector<1x16xf32> to vector<16xf32>
          %get3A_261 = arith.index_cast %scan3A_191 : i32 to index
          %get3A_262 = arith.constant 64 : index
          %get3A_263 = tpu.vector_load %arg13[%get3A_261, %get3A_262] {strides = array<i32>} : memref<64x128xf32, #tpu.memory_space<vmem>>, vector<1x16xf32>,
          %get3A_264 = vector.shape_cast %get3A_263 : vector<1x16xf32> to vector<16xf32>
          %add3A_265 = arith.addf %get3A_260, %get3A_264 : vector<16xf32>
          %max3A_266 = arith.constant 0.000000e+00 : f32
          %max3A_267 = vector.broadcast %max3A_266 : f32 to vector<16xf32>
          %max3A_268 = arith.maximumf %add3A_265, %max3A_267 : vector<16xf32>
          %swap3A_269 = arith.index_cast %scan3A_191 : i32 to index
          %swap3A_270 = arith.constant 64 : index
          %swap3A_271 = tpu.vector_load %arg13[%swap3A_269, %swap3A_270] {strides = array<i32>} : memref<64x128xf32, #tpu.memory_space<vmem>>, vector<1x16xf32>,
          %swap3A_272 = vector.shape_cast %swap3A_271 : vector<1x16xf32> to vector<16xf32>
          %swap3A_273 = vector.shape_cast %max3A_268 : vector<16xf32> to vector<1x16xf32>
          tpu.vector_store %arg13[%swap3A_269, %swap3A_270], %swap3A_273 {strides = array<i32>} : memref<64x128xf32, #tpu.memory_space<vmem>>, vector<1x16xf32>,
          %get3A_274 = arith.index_cast %scan3A_191 : i32 to index
          %get3A_275 = arith.constant 80 : index
          %get3A_276 = tpu.vector_load %arg12[%get3A_274, %get3A_275] {strides = array<i32>} : memref<64x128xf32, #tpu.memory_space<vmem>>, vector<1x16xf32>,
          %get3A_277 = vector.shape_cast %get3A_276 : vector<1x16xf32> to vector<16xf32>
          %get3A_278 = arith.index_cast %scan3A_191 : i32 to index
          %get3A_279 = arith.constant 80 : index
          %get3A_280 = tpu.vector_load %arg13[%get3A_278, %get3A_279] {strides = array<i32>} : memref<64x128xf32, #tpu.memory_space<vmem>>, vector<1x16xf32>,
          %get3A_281 = vector.shape_cast %get3A_280 : vector<1x16xf32> to vector<16xf32>
          %add3A_282 = arith.addf %get3A_277, %get3A_281 : vector<16xf32>
          %max3A_283 = arith.constant 0.000000e+00 : f32
          %max3A_284 = vector.broadcast %max3A_283 : f32 to vector<16xf32>
          %max3A_285 = arith.maximumf %add3A_282, %max3A_284 : vector<16xf32>
          %swap3A_286 = arith.index_cast %scan3A_191 : i32 to index
          %swap3A_287 = arith.constant 80 : index
          %swap3A_288 = tpu.vector_load %arg13[%swap3A_286, %swap3A_287] {strides = array<i32>} : memref<64x128xf32, #tpu.memory_space<vmem>>, vector<1x16xf32>,
          %swap3A_289 = vector.shape_cast %swap3A_288 : vector<1x16xf32> to vector<16xf32>
          %swap3A_290 = vector.shape_cast %max3A_285 : vector<16xf32> to vector<1x16xf32>
          tpu.vector_store %arg13[%swap3A_286, %swap3A_287], %swap3A_290 {strides = array<i32>} : memref<64x128xf32, #tpu.memory_space<vmem>>, vector<1x16xf32>,
          %get3A_291 = arith.index_cast %scan3A_191 : i32 to index
          %get3A_292 = arith.constant 96 : index
          %get3A_293 = tpu.vector_load %arg12[%get3A_291, %get3A_292] {strides = array<i32>} : memref<64x128xf32, #tpu.memory_space<vmem>>, vector<1x16xf32>,
          %get3A_294 = vector.shape_cast %get3A_293 : vector<1x16xf32> to vector<16xf32>
          %get3A_295 = arith.index_cast %scan3A_191 : i32 to index
          %get3A_296 = arith.constant 96 : index
          %get3A_297 = tpu.vector_load %arg13[%get3A_295, %get3A_296] {strides = array<i32>} : memref<64x128xf32, #tpu.memory_space<vmem>>, vector<1x16xf32>,
          %get3A_298 = vector.shape_cast %get3A_297 : vector<1x16xf32> to vector<16xf32>
          %add3A_299 = arith.addf %get3A_294, %get3A_298 : vector<16xf32>
          %max3A_300 = arith.constant 0.000000e+00 : f32
          %max3A_301 = vector.broadcast %max3A_300 : f32 to vector<16xf32>
          %max3A_302 = arith.maximumf %add3A_299, %max3A_301 : vector<16xf32>
          %swap3A_303 = arith.index_cast %scan3A_191 : i32 to index
          %swap3A_304 = arith.constant 96 : index
          %swap3A_305 = tpu.vector_load %arg13[%swap3A_303, %swap3A_304] {strides = array<i32>} : memref<64x128xf32, #tpu.memory_space<vmem>>, vector<1x16xf32>,
          %swap3A_306 = vector.shape_cast %swap3A_305 : vector<1x16xf32> to vector<16xf32>
          %swap3A_307 = vector.shape_cast %max3A_302 : vector<16xf32> to vector<1x16xf32>
          tpu.vector_store %arg13[%swap3A_303, %swap3A_304], %swap3A_307 {strides = array<i32>} : memref<64x128xf32, #tpu.memory_space<vmem>>, vector<1x16xf32>,
          %get3A_308 = arith.index_cast %scan3A_191 : i32 to index
          %get3A_309 = arith.constant 112 : index
          %get3A_310 = tpu.vector_load %arg12[%get3A_308, %get3A_309] {strides = array<i32>} : memref<64x128xf32, #tpu.memory_space<vmem>>, vector<1x16xf32>,
          %get3A_311 = vector.shape_cast %get3A_310 : vector<1x16xf32> to vector<16xf32>
          %get3A_312 = arith.index_cast %scan3A_191 : i32 to index
          %get3A_313 = arith.constant 112 : index
          %get3A_314 = tpu.vector_load %arg13[%get3A_312, %get3A_313] {strides = array<i32>} : memref<64x128xf32, #tpu.memory_space<vmem>>, vector<1x16xf32>,
          %get3A_315 = vector.shape_cast %get3A_314 : vector<1x16xf32> to vector<16xf32>
          %add3A_316 = arith.addf %get3A_311, %get3A_315 : vector<16xf32>
          %max3A_317 = arith.constant 0.000000e+00 : f32
          %max3A_318 = vector.broadcast %max3A_317 : f32 to vector<16xf32>
          %max3A_319 = arith.maximumf %add3A_316, %max3A_318 : vector<16xf32>
          %swap3A_320 = arith.index_cast %scan3A_191 : i32 to index
          %swap3A_321 = arith.constant 112 : index
          %swap3A_322 = tpu.vector_load %arg13[%swap3A_320, %swap3A_321] {strides = array<i32>} : memref<64x128xf32, #tpu.memory_space<vmem>>, vector<1x16xf32>,
          %swap3A_323 = vector.shape_cast %swap3A_322 : vector<1x16xf32> to vector<16xf32>
          %swap3A_324 = vector.shape_cast %max3A_319 : vector<16xf32> to vector<1x16xf32>
          tpu.vector_store %arg13[%swap3A_320, %swap3A_321], %swap3A_324 {strides = array<i32>} : memref<64x128xf32, #tpu.memory_space<vmem>>, vector<1x16xf32>,
        }
        %scan3A_190 = arith.constant 64 : i32
        "tpu.region"() ({
          %run_scoped3A_191 = tpu.sem_alloc : memref<!tpu.dma_semaphore, #tpu.memory_space<semaphore_mem>>
          %dma_start3A_192 = arith.constant 0 : i32
          %dma_start3A_193 = tpu.memref_slice %arg9[%add3A_184, %dma_start3A_192] : memref<40x64xi32, #tpu.memory_space<vmem>> -> memref<1x64xi32, #tpu.memory_space<vmem>>
          %dma_start3A_194 = tpu.memref_squeeze %dma_start3A_193 : memref<1x64xi32, #tpu.memory_space<vmem>> -> memref<64xi32, #tpu.memory_space<vmem>>
          %dma_start3A_195 = arith.constant 0 : i32
          %dma_start3A_196 = arith.constant 0 : i32
          %dma_start3A_197 = tpu.memref_slice %arg16[%dma_start3A_195, %dma_start3A_196] : memref<10240x128xf32, #tpu.memory_space<vmem_shared>> -> memref<10240x128xf32, #tpu.memory_space<vmem_shared>>
          tpu.enqueue_indirect_dma source(%arg13 : memref<64x128xf32, #tpu.memory_space<vmem>>) target(%dma_start3A_197 : memref<10240x128xf32, #tpu.memory_space<vmem_shared>>) offsets(%dma_start3A_194 : memref<64xi32, #tpu.memory_space<vmem>>) semaphore(%run_scoped3A_191 : memref<!tpu.dma_semaphore, #tpu.memory_space<semaphore_mem>>) {add = true}
          %dma_wait3A_198 = arith.constant 0 : i32
          %dma_wait3A_199 = tpu.memref_slice %arg9[%add3A_184, %dma_wait3A_198] : memref<40x64xi32, #tpu.memory_space<vmem>> -> memref<1x64xi32, #tpu.memory_space<vmem>>
          %dma_wait3A_200 = tpu.memref_squeeze %dma_wait3A_199 : memref<1x64xi32, #tpu.memory_space<vmem>> -> memref<64xi32, #tpu.memory_space<vmem>>
          %dma_wait3A_201 = arith.constant 0 : i32
          %dma_wait3A_202 = arith.constant 0 : i32
          %dma_wait3A_203 = tpu.memref_slice %arg16[%dma_wait3A_201, %dma_wait3A_202] : memref<10240x128xf32, #tpu.memory_space<vmem_shared>> -> memref<10240x128xf32, #tpu.memory_space<vmem_shared>>
          tpu.wait_indirect_dma semaphore(%run_scoped3A_191 : memref<!tpu.dma_semaphore, #tpu.memory_space<semaphore_mem>>) src(%arg13 : memref<64x128xf32, #tpu.memory_space<vmem>>) dst(%dma_wait3A_203 : memref<10240x128xf32, #tpu.memory_space<vmem_shared>>)
          tpu.yield
        }) : () -> ()
      }
      %scan3A_64 = arith.constant 19 : i32
      %dma_start3A_65 = arith.constant 39 : i32
      %dma_start3A_66 = arith.constant 0 : i32
      %dma_start3A_67 = tpu.memref_slice %arg8[%dma_start3A_65, %dma_start3A_66] : memref<40x64xi32, #tpu.memory_space<vmem>> -> memref<1x64xi32, #tpu.memory_space<vmem>>
      %dma_start3A_68 = tpu.memref_squeeze %dma_start3A_67 : memref<1x64xi32, #tpu.memory_space<vmem>> -> memref<64xi32, #tpu.memory_space<vmem>>
      %dma_start3A_69 = arith.constant 0 : i32
      %dma_start3A_70 = arith.constant 0 : i32
      %dma_start3A_71 = tpu.memref_slice %arg2[%dma_start3A_69, %dma_start3A_70] : memref<10000x128xf32, #tpu.memory_space<hbm>> -> memref<10000x128xf32, #tpu.memory_space<hbm>>
      tpu.enqueue_indirect_dma source(%dma_start3A_71 : memref<10000x128xf32, #tpu.memory_space<hbm>>) target(%arg12 : memref<64x128xf32, #tpu.memory_space<vmem>>) offsets(%dma_start3A_68 : memref<64xi32, #tpu.memory_space<vmem>>) semaphore(%arg15 : memref<!tpu.dma_semaphore, #tpu.memory_space<semaphore_mem>>)
      %add3A_72 = arith.constant 2496 : i32
      %add3A_73 = arith.addi %mul3A_47, %add3A_72 : i32
      %dma_start3A_74 = arith.constant 0 : i32
      %dma_start3A_75 = tpu.memref_slice %arg3[%add3A_73, %dma_start3A_74] : memref<327680x128xf32, #tpu.memory_space<hbm>> -> memref<64x128xf32, #tpu.memory_space<hbm>>
      %dma_start3A_76 = arith.constant 0 : i32
      %dma_start3A_77 = tpu.memref_slice %arg3[%add3A_73, %dma_start3A_76] : memref<327680x128xf32, #tpu.memory_space<hbm>> -> memref<64x128xf32, #tpu.memory_space<hbm>>
      tpu.enqueue_dma source(%dma_start3A_77 : memref<64x128xf32, #tpu.memory_space<hbm>>) target(%arg13 : memref<64x128xf32, #tpu.memory_space<vmem>>) target_semaphore(%arg15 : memref<!tpu.dma_semaphore, #tpu.memory_space<semaphore_mem>>)
      %dma_wait3A = arith.constant 38 : i32
      %dma_wait3A_78 = arith.constant 0 : i32
      %dma_wait3A_79 = tpu.memref_slice %arg8[%dma_wait3A, %dma_wait3A_78] : memref<40x64xi32, #tpu.memory_space<vmem>> -> memref<1x64xi32, #tpu.memory_space<vmem>>
      %dma_wait3A_80 = tpu.memref_squeeze %dma_wait3A_79 : memref<1x64xi32, #tpu.memory_space<vmem>> -> memref<64xi32, #tpu.memory_space<vmem>>
      %dma_wait3A_81 = arith.constant 0 : i32
      %dma_wait3A_82 = arith.constant 0 : i32
      %dma_wait3A_83 = tpu.memref_slice %arg2[%dma_wait3A_81, %dma_wait3A_82] : memref<10000x128xf32, #tpu.memory_space<hbm>> -> memref<10000x128xf32, #tpu.memory_space<hbm>>
      tpu.wait_indirect_dma semaphore(%arg14 : memref<!tpu.dma_semaphore, #tpu.memory_space<semaphore_mem>>) src(%dma_wait3A_83 : memref<10000x128xf32, #tpu.memory_space<hbm>>) dst(%arg10 : memref<64x128xf32, #tpu.memory_space<vmem>>)
      %add3A_84 = arith.constant 2432 : i32
      %add3A_85 = arith.addi %mul3A_47, %add3A_84 : i32
      %dma_wait3A_86 = arith.constant 0 : i32
      %dma_wait3A_87 = tpu.memref_slice %arg3[%add3A_85, %dma_wait3A_86] : memref<327680x128xf32, #tpu.memory_space<hbm>> -> memref<64x128xf32, #tpu.memory_space<hbm>>
      %dma_wait3A_88 = arith.constant 0 : i32
      %dma_wait3A_89 = tpu.memref_slice %arg3[%add3A_85, %dma_wait3A_88] : memref<327680x128xf32, #tpu.memory_space<hbm>> -> memref<64x128xf32, #tpu.memory_space<hbm>>
      tpu.wait_dma2 semaphore(%arg14 : memref<!tpu.dma_semaphore, #tpu.memory_space<semaphore_mem>>) src(%dma_wait3A_89 : memref<64x128xf32, #tpu.memory_space<hbm>>) dst(%arg11 : memref<64x128xf32, #tpu.memory_space<vmem>>)
      %scan3A_90 = arith.constant 0 : i32
      %scan3A_91 = arith.constant 0 : i32
      %scan3A_92 = arith.constant 64 : i32
      %scan3A_93 = arith.addi %scan3A_91, %scan3A_92 : i32
      %scan3A_94 = arith.constant 1 : i32
      scf.for %scan3A_116 = %scan3A_91 to %scan3A_93 step %scan3A_94  : i32 {
        %get3A = arith.index_cast %scan3A_116 : i32 to index
        %get3A_117 = arith.constant 0 : index
        %get3A_118 = tpu.vector_load %arg10[%get3A, %get3A_117] {strides = array<i32>} : memref<64x128xf32, #tpu.memory_space<vmem>>, vector<1x16xf32>,
        %get3A_119 = vector.shape_cast %get3A_118 : vector<1x16xf32> to vector<16xf32>
        %get3A_120 = arith.index_cast %scan3A_116 : i32 to index
        %get3A_121 = arith.constant 0 : index
        %get3A_122 = tpu.vector_load %arg11[%get3A_120, %get3A_121] {strides = array<i32>} : memref<64x128xf32, #tpu.memory_space<vmem>>, vector<1x16xf32>,
        %get3A_123 = vector.shape_cast %get3A_122 : vector<1x16xf32> to vector<16xf32>
        %add3A_124 = arith.addf %get3A_119, %get3A_123 : vector<16xf32>
        %max3A = arith.constant 0.000000e+00 : f32
        %max3A_125 = vector.broadcast %max3A : f32 to vector<16xf32>
        %max3A_126 = arith.maximumf %add3A_124, %max3A_125 : vector<16xf32>
        %swap3A = arith.index_cast %scan3A_116 : i32 to index
        %swap3A_127 = arith.constant 0 : index
        %swap3A_128 = tpu.vector_load %arg11[%swap3A, %swap3A_127] {strides = array<i32>} : memref<64x128xf32, #tpu.memory_space<vmem>>, vector<1x16xf32>,
        %swap3A_129 = vector.shape_cast %swap3A_128 : vector<1x16xf32> to vector<16xf32>
        %swap3A_130 = vector.shape_cast %max3A_126 : vector<16xf32> to vector<1x16xf32>
        tpu.vector_store %arg11[%swap3A, %swap3A_127], %swap3A_130 {strides = array<i32>} : memref<64x128xf32, #tpu.memory_space<vmem>>, vector<1x16xf32>,
        %get3A_131 = arith.index_cast %scan3A_116 : i32 to index
        %get3A_132 = arith.constant 16 : index
        %get3A_133 = tpu.vector_load %arg10[%get3A_131, %get3A_132] {strides = array<i32>} : memref<64x128xf32, #tpu.memory_space<vmem>>, vector<1x16xf32>,
        %get3A_134 = vector.shape_cast %get3A_133 : vector<1x16xf32> to vector<16xf32>
        %get3A_135 = arith.index_cast %scan3A_116 : i32 to index
        %get3A_136 = arith.constant 16 : index
        %get3A_137 = tpu.vector_load %arg11[%get3A_135, %get3A_136] {strides = array<i32>} : memref<64x128xf32, #tpu.memory_space<vmem>>, vector<1x16xf32>,
        %get3A_138 = vector.shape_cast %get3A_137 : vector<1x16xf32> to vector<16xf32>
        %add3A_139 = arith.addf %get3A_134, %get3A_138 : vector<16xf32>
        %max3A_140 = arith.constant 0.000000e+00 : f32
        %max3A_141 = vector.broadcast %max3A_140 : f32 to vector<16xf32>
        %max3A_142 = arith.maximumf %add3A_139, %max3A_141 : vector<16xf32>
        %swap3A_143 = arith.index_cast %scan3A_116 : i32 to index
        %swap3A_144 = arith.constant 16 : index
        %swap3A_145 = tpu.vector_load %arg11[%swap3A_143, %swap3A_144] {strides = array<i32>} : memref<64x128xf32, #tpu.memory_space<vmem>>, vector<1x16xf32>,
        %swap3A_146 = vector.shape_cast %swap3A_145 : vector<1x16xf32> to vector<16xf32>
        %swap3A_147 = vector.shape_cast %max3A_142 : vector<16xf32> to vector<1x16xf32>
        tpu.vector_store %arg11[%swap3A_143, %swap3A_144], %swap3A_147 {strides = array<i32>} : memref<64x128xf32, #tpu.memory_space<vmem>>, vector<1x16xf32>,
        %get3A_148 = arith.index_cast %scan3A_116 : i32 to index
        %get3A_149 = arith.constant 32 : index
        %get3A_150 = tpu.vector_load %arg10[%get3A_148, %get3A_149] {strides = array<i32>} : memref<64x128xf32, #tpu.memory_space<vmem>>, vector<1x16xf32>,
        %get3A_151 = vector.shape_cast %get3A_150 : vector<1x16xf32> to vector<16xf32>
        %get3A_152 = arith.index_cast %scan3A_116 : i32 to index
        %get3A_153 = arith.constant 32 : index
        %get3A_154 = tpu.vector_load %arg11[%get3A_152, %get3A_153] {strides = array<i32>} : memref<64x128xf32, #tpu.memory_space<vmem>>, vector<1x16xf32>,
        %get3A_155 = vector.shape_cast %get3A_154 : vector<1x16xf32> to vector<16xf32>
        %add3A_156 = arith.addf %get3A_151, %get3A_155 : vector<16xf32>
        %max3A_157 = arith.constant 0.000000e+00 : f32
        %max3A_158 = vector.broadcast %max3A_157 : f32 to vector<16xf32>
        %max3A_159 = arith.maximumf %add3A_156, %max3A_158 : vector<16xf32>
        %swap3A_160 = arith.index_cast %scan3A_116 : i32 to index
        %swap3A_161 = arith.constant 32 : index
        %swap3A_162 = tpu.vector_load %arg11[%swap3A_160, %swap3A_161] {strides = array<i32>} : memref<64x128xf32, #tpu.memory_space<vmem>>, vector<1x16xf32>,
        %swap3A_163 = vector.shape_cast %swap3A_162 : vector<1x16xf32> to vector<16xf32>
        %swap3A_164 = vector.shape_cast %max3A_159 : vector<16xf32> to vector<1x16xf32>
        tpu.vector_store %arg11[%swap3A_160, %swap3A_161], %swap3A_164 {strides = array<i32>} : memref<64x128xf32, #tpu.memory_space<vmem>>, vector<1x16xf32>,
        %get3A_165 = arith.index_cast %scan3A_116 : i32 to index
        %get3A_166 = arith.constant 48 : index
        %get3A_167 = tpu.vector_load %arg10[%get3A_165, %get3A_166] {strides = array<i32>} : memref<64x128xf32, #tpu.memory_space<vmem>>, vector<1x16xf32>,
        %get3A_168 = vector.shape_cast %get3A_167 : vector<1x16xf32> to vector<16xf32>
        %get3A_169 = arith.index_cast %scan3A_116 : i32 to index
        %get3A_170 = arith.constant 48 : index
        %get3A_171 = tpu.vector_load %arg11[%get3A_169, %get3A_170] {strides = array<i32>} : memref<64x128xf32, #tpu.memory_space<vmem>>, vector<1x16xf32>,
        %get3A_172 = vector.shape_cast %get3A_171 : vector<1x16xf32> to vector<16xf32>
        %add3A_173 = arith.addf %get3A_168, %get3A_172 : vector<16xf32>
        %max3A_174 = arith.constant 0.000000e+00 : f32
        %max3A_175 = vector.broadcast %max3A_174 : f32 to vector<16xf32>
        %max3A_176 = arith.maximumf %add3A_173, %max3A_175 : vector<16xf32>
        %swap3A_177 = arith.index_cast %scan3A_116 : i32 to index
        %swap3A_178 = arith.constant 48 : index
        %swap3A_179 = tpu.vector_load %arg11[%swap3A_177, %swap3A_178] {strides = array<i32>} : memref<64x128xf32, #tpu.memory_space<vmem>>, vector<1x16xf32>,
        %swap3A_180 = vector.shape_cast %swap3A_179 : vector<1x16xf32> to vector<16xf32>
        %swap3A_181 = vector.shape_cast %max3A_176 : vector<16xf32> to vector<1x16xf32>
        tpu.vector_store %arg11[%swap3A_177, %swap3A_178], %swap3A_181 {strides = array<i32>} : memref<64x128xf32, #tpu.memory_space<vmem>>, vector<1x16xf32>,
        %get3A_182 = arith.index_cast %scan3A_116 : i32 to index
        %get3A_183 = arith.constant 64 : index
        %get3A_184 = tpu.vector_load %arg10[%get3A_182, %get3A_183] {strides = array<i32>} : memref<64x128xf32, #tpu.memory_space<vmem>>, vector<1x16xf32>,
        %get3A_185 = vector.shape_cast %get3A_184 : vector<1x16xf32> to vector<16xf32>
        %get3A_186 = arith.index_cast %scan3A_116 : i32 to index
        %get3A_187 = arith.constant 64 : index
        %get3A_188 = tpu.vector_load %arg11[%get3A_186, %get3A_187] {strides = array<i32>} : memref<64x128xf32, #tpu.memory_space<vmem>>, vector<1x16xf32>,
        %get3A_189 = vector.shape_cast %get3A_188 : vector<1x16xf32> to vector<16xf32>
        %add3A_190 = arith.addf %get3A_185, %get3A_189 : vector<16xf32>
        %max3A_191 = arith.constant 0.000000e+00 : f32
        %max3A_192 = vector.broadcast %max3A_191 : f32 to vector<16xf32>
        %max3A_193 = arith.maximumf %add3A_190, %max3A_192 : vector<16xf32>
        %swap3A_194 = arith.index_cast %scan3A_116 : i32 to index
        %swap3A_195 = arith.constant 64 : index
        %swap3A_196 = tpu.vector_load %arg11[%swap3A_194, %swap3A_195] {strides = array<i32>} : memref<64x128xf32, #tpu.memory_space<vmem>>, vector<1x16xf32>,
        %swap3A_197 = vector.shape_cast %swap3A_196 : vector<1x16xf32> to vector<16xf32>
        %swap3A_198 = vector.shape_cast %max3A_193 : vector<16xf32> to vector<1x16xf32>
        tpu.vector_store %arg11[%swap3A_194, %swap3A_195], %swap3A_198 {strides = array<i32>} : memref<64x128xf32, #tpu.memory_space<vmem>>, vector<1x16xf32>,
        %get3A_199 = arith.index_cast %scan3A_116 : i32 to index
        %get3A_200 = arith.constant 80 : index
        %get3A_201 = tpu.vector_load %arg10[%get3A_199, %get3A_200] {strides = array<i32>} : memref<64x128xf32, #tpu.memory_space<vmem>>, vector<1x16xf32>,
        %get3A_202 = vector.shape_cast %get3A_201 : vector<1x16xf32> to vector<16xf32>
        %get3A_203 = arith.index_cast %scan3A_116 : i32 to index
        %get3A_204 = arith.constant 80 : index
        %get3A_205 = tpu.vector_load %arg11[%get3A_203, %get3A_204] {strides = array<i32>} : memref<64x128xf32, #tpu.memory_space<vmem>>, vector<1x16xf32>,
        %get3A_206 = vector.shape_cast %get3A_205 : vector<1x16xf32> to vector<16xf32>
        %add3A_207 = arith.addf %get3A_202, %get3A_206 : vector<16xf32>
        %max3A_208 = arith.constant 0.000000e+00 : f32
        %max3A_209 = vector.broadcast %max3A_208 : f32 to vector<16xf32>
        %max3A_210 = arith.maximumf %add3A_207, %max3A_209 : vector<16xf32>
        %swap3A_211 = arith.index_cast %scan3A_116 : i32 to index
        %swap3A_212 = arith.constant 80 : index
        %swap3A_213 = tpu.vector_load %arg11[%swap3A_211, %swap3A_212] {strides = array<i32>} : memref<64x128xf32, #tpu.memory_space<vmem>>, vector<1x16xf32>,
        %swap3A_214 = vector.shape_cast %swap3A_213 : vector<1x16xf32> to vector<16xf32>
        %swap3A_215 = vector.shape_cast %max3A_210 : vector<16xf32> to vector<1x16xf32>
        tpu.vector_store %arg11[%swap3A_211, %swap3A_212], %swap3A_215 {strides = array<i32>} : memref<64x128xf32, #tpu.memory_space<vmem>>, vector<1x16xf32>,
        %get3A_216 = arith.index_cast %scan3A_116 : i32 to index
        %get3A_217 = arith.constant 96 : index
        %get3A_218 = tpu.vector_load %arg10[%get3A_216, %get3A_217] {strides = array<i32>} : memref<64x128xf32, #tpu.memory_space<vmem>>, vector<1x16xf32>,
        %get3A_219 = vector.shape_cast %get3A_218 : vector<1x16xf32> to vector<16xf32>
        %get3A_220 = arith.index_cast %scan3A_116 : i32 to index
        %get3A_221 = arith.constant 96 : index
        %get3A_222 = tpu.vector_load %arg11[%get3A_220, %get3A_221] {strides = array<i32>} : memref<64x128xf32, #tpu.memory_space<vmem>>, vector<1x16xf32>,
        %get3A_223 = vector.shape_cast %get3A_222 : vector<1x16xf32> to vector<16xf32>
        %add3A_224 = arith.addf %get3A_219, %get3A_223 : vector<16xf32>
        %max3A_225 = arith.constant 0.000000e+00 : f32
        %max3A_226 = vector.broadcast %max3A_225 : f32 to vector<16xf32>
        %max3A_227 = arith.maximumf %add3A_224, %max3A_226 : vector<16xf32>
        %swap3A_228 = arith.index_cast %scan3A_116 : i32 to index
        %swap3A_229 = arith.constant 96 : index
        %swap3A_230 = tpu.vector_load %arg11[%swap3A_228, %swap3A_229] {strides = array<i32>} : memref<64x128xf32, #tpu.memory_space<vmem>>, vector<1x16xf32>,
        %swap3A_231 = vector.shape_cast %swap3A_230 : vector<1x16xf32> to vector<16xf32>
        %swap3A_232 = vector.shape_cast %max3A_227 : vector<16xf32> to vector<1x16xf32>
        tpu.vector_store %arg11[%swap3A_228, %swap3A_229], %swap3A_232 {strides = array<i32>} : memref<64x128xf32, #tpu.memory_space<vmem>>, vector<1x16xf32>,
        %get3A_233 = arith.index_cast %scan3A_116 : i32 to index
        %get3A_234 = arith.constant 112 : index
        %get3A_235 = tpu.vector_load %arg10[%get3A_233, %get3A_234] {strides = array<i32>} : memref<64x128xf32, #tpu.memory_space<vmem>>, vector<1x16xf32>,
        %get3A_236 = vector.shape_cast %get3A_235 : vector<1x16xf32> to vector<16xf32>
        %get3A_237 = arith.index_cast %scan3A_116 : i32 to index
        %get3A_238 = arith.constant 112 : index
        %get3A_239 = tpu.vector_load %arg11[%get3A_237, %get3A_238] {strides = array<i32>} : memref<64x128xf32, #tpu.memory_space<vmem>>, vector<1x16xf32>,
        %get3A_240 = vector.shape_cast %get3A_239 : vector<1x16xf32> to vector<16xf32>
        %add3A_241 = arith.addf %get3A_236, %get3A_240 : vector<16xf32>
        %max3A_242 = arith.constant 0.000000e+00 : f32
        %max3A_243 = vector.broadcast %max3A_242 : f32 to vector<16xf32>
        %max3A_244 = arith.maximumf %add3A_241, %max3A_243 : vector<16xf32>
        %swap3A_245 = arith.index_cast %scan3A_116 : i32 to index
        %swap3A_246 = arith.constant 112 : index
        %swap3A_247 = tpu.vector_load %arg11[%swap3A_245, %swap3A_246] {strides = array<i32>} : memref<64x128xf32, #tpu.memory_space<vmem>>, vector<1x16xf32>,
        %swap3A_248 = vector.shape_cast %swap3A_247 : vector<1x16xf32> to vector<16xf32>
        %swap3A_249 = vector.shape_cast %max3A_244 : vector<16xf32> to vector<1x16xf32>
        tpu.vector_store %arg11[%swap3A_245, %swap3A_246], %swap3A_249 {strides = array<i32>} : memref<64x128xf32, #tpu.memory_space<vmem>>, vector<1x16xf32>,
      }
      %scan3A_95 = arith.constant 64 : i32
      %run_scoped3A = arith.constant 38 : i32
      "tpu.region"() ({
        %run_scoped3A_116 = tpu.sem_alloc : memref<!tpu.dma_semaphore, #tpu.memory_space<semaphore_mem>>
        %dma_start3A_117 = arith.constant 0 : i32
        %dma_start3A_118 = tpu.memref_slice %arg9[%run_scoped3A, %dma_start3A_117] : memref<40x64xi32, #tpu.memory_space<vmem>> -> memref<1x64xi32, #tpu.memory_space<vmem>>
        %dma_start3A_119 = tpu.memref_squeeze %dma_start3A_118 : memref<1x64xi32, #tpu.memory_space<vmem>> -> memref<64xi32, #tpu.memory_space<vmem>>
        %dma_start3A_120 = arith.constant 0 : i32
        %dma_start3A_121 = arith.constant 0 : i32
        %dma_start3A_122 = tpu.memref_slice %arg16[%dma_start3A_120, %dma_start3A_121] : memref<10240x128xf32, #tpu.memory_space<vmem_shared>> -> memref<10240x128xf32, #tpu.memory_space<vmem_shared>>
        tpu.enqueue_indirect_dma source(%arg11 : memref<64x128xf32, #tpu.memory_space<vmem>>) target(%dma_start3A_122 : memref<10240x128xf32, #tpu.memory_space<vmem_shared>>) offsets(%dma_start3A_119 : memref<64xi32, #tpu.memory_space<vmem>>) semaphore(%run_scoped3A_116 : memref<!tpu.dma_semaphore, #tpu.memory_space<semaphore_mem>>) {add = true}
        %dma_wait3A_123 = arith.constant 0 : i32
        %dma_wait3A_124 = tpu.memref_slice %arg9[%run_scoped3A, %dma_wait3A_123] : memref<40x64xi32, #tpu.memory_space<vmem>> -> memref<1x64xi32, #tpu.memory_space<vmem>>
        %dma_wait3A_125 = tpu.memref_squeeze %dma_wait3A_124 : memref<1x64xi32, #tpu.memory_space<vmem>> -> memref<64xi32, #tpu.memory_space<vmem>>
        %dma_wait3A_126 = arith.constant 0 : i32
        %dma_wait3A_127 = arith.constant 0 : i32
        %dma_wait3A_128 = tpu.memref_slice %arg16[%dma_wait3A_126, %dma_wait3A_127] : memref<10240x128xf32, #tpu.memory_space<vmem_shared>> -> memref<10240x128xf32, #tpu.memory_space<vmem_shared>>
        tpu.wait_indirect_dma semaphore(%run_scoped3A_116 : memref<!tpu.dma_semaphore, #tpu.memory_space<semaphore_mem>>) src(%arg11 : memref<64x128xf32, #tpu.memory_space<vmem>>) dst(%dma_wait3A_128 : memref<10240x128xf32, #tpu.memory_space<vmem_shared>>)
        tpu.yield
      }) : () -> ()
      %dma_wait3A_96 = arith.constant 39 : i32
      %dma_wait3A_97 = arith.constant 0 : i32
      %dma_wait3A_98 = tpu.memref_slice %arg8[%dma_wait3A_96, %dma_wait3A_97] : memref<40x64xi32, #tpu.memory_space<vmem>> -> memref<1x64xi32, #tpu.memory_space<vmem>>
      %dma_wait3A_99 = tpu.memref_squeeze %dma_wait3A_98 : memref<1x64xi32, #tpu.memory_space<vmem>> -> memref<64xi32, #tpu.memory_space<vmem>>
      %dma_wait3A_100 = arith.constant 0 : i32
      %dma_wait3A_101 = arith.constant 0 : i32
      %dma_wait3A_102 = tpu.memref_slice %arg2[%dma_wait3A_100, %dma_wait3A_101] : memref<10000x128xf32, #tpu.memory_space<hbm>> -> memref<10000x128xf32, #tpu.memory_space<hbm>>
      tpu.wait_indirect_dma semaphore(%arg15 : memref<!tpu.dma_semaphore, #tpu.memory_space<semaphore_mem>>) src(%dma_wait3A_102 : memref<10000x128xf32, #tpu.memory_space<hbm>>) dst(%arg12 : memref<64x128xf32, #tpu.memory_space<vmem>>)
      %add3A_103 = arith.constant 2496 : i32
      %add3A_104 = arith.addi %mul3A_47, %add3A_103 : i32
      %dma_wait3A_105 = arith.constant 0 : i32
      %dma_wait3A_106 = tpu.memref_slice %arg3[%add3A_104, %dma_wait3A_105] : memref<327680x128xf32, #tpu.memory_space<hbm>> -> memref<64x128xf32, #tpu.memory_space<hbm>>
      %dma_wait3A_107 = arith.constant 0 : i32
      %dma_wait3A_108 = tpu.memref_slice %arg3[%add3A_104, %dma_wait3A_107] : memref<327680x128xf32, #tpu.memory_space<hbm>> -> memref<64x128xf32, #tpu.memory_space<hbm>>
      tpu.wait_dma2 semaphore(%arg15 : memref<!tpu.dma_semaphore, #tpu.memory_space<semaphore_mem>>) src(%dma_wait3A_108 : memref<64x128xf32, #tpu.memory_space<hbm>>) dst(%arg13 : memref<64x128xf32, #tpu.memory_space<vmem>>)
      %scan3A_109 = arith.constant 0 : i32
      %scan3A_110 = arith.constant 0 : i32
      %scan3A_111 = arith.constant 64 : i32
      %scan3A_112 = arith.addi %scan3A_110, %scan3A_111 : i32
      %scan3A_113 = arith.constant 1 : i32
      scf.for %scan3A_116 = %scan3A_110 to %scan3A_112 step %scan3A_113  : i32 {
        %get3A = arith.index_cast %scan3A_116 : i32 to index
        %get3A_117 = arith.constant 0 : index
        %get3A_118 = tpu.vector_load %arg12[%get3A, %get3A_117] {strides = array<i32>} : memref<64x128xf32, #tpu.memory_space<vmem>>, vector<1x16xf32>,
        %get3A_119 = vector.shape_cast %get3A_118 : vector<1x16xf32> to vector<16xf32>
        %get3A_120 = arith.index_cast %scan3A_116 : i32 to index
        %get3A_121 = arith.constant 0 : index
        %get3A_122 = tpu.vector_load %arg13[%get3A_120, %get3A_121] {strides = array<i32>} : memref<64x128xf32, #tpu.memory_space<vmem>>, vector<1x16xf32>,
        %get3A_123 = vector.shape_cast %get3A_122 : vector<1x16xf32> to vector<16xf32>
        %add3A_124 = arith.addf %get3A_119, %get3A_123 : vector<16xf32>
        %max3A = arith.constant 0.000000e+00 : f32
        %max3A_125 = vector.broadcast %max3A : f32 to vector<16xf32>
        %max3A_126 = arith.maximumf %add3A_124, %max3A_125 : vector<16xf32>
        %swap3A = arith.index_cast %scan3A_116 : i32 to index
        %swap3A_127 = arith.constant 0 : index
        %swap3A_128 = tpu.vector_load %arg13[%swap3A, %swap3A_127] {strides = array<i32>} : memref<64x128xf32, #tpu.memory_space<vmem>>, vector<1x16xf32>,
        %swap3A_129 = vector.shape_cast %swap3A_128 : vector<1x16xf32> to vector<16xf32>
        %swap3A_130 = vector.shape_cast %max3A_126 : vector<16xf32> to vector<1x16xf32>
        tpu.vector_store %arg13[%swap3A, %swap3A_127], %swap3A_130 {strides = array<i32>} : memref<64x128xf32, #tpu.memory_space<vmem>>, vector<1x16xf32>,
        %get3A_131 = arith.index_cast %scan3A_116 : i32 to index
        %get3A_132 = arith.constant 16 : index
        %get3A_133 = tpu.vector_load %arg12[%get3A_131, %get3A_132] {strides = array<i32>} : memref<64x128xf32, #tpu.memory_space<vmem>>, vector<1x16xf32>,
        %get3A_134 = vector.shape_cast %get3A_133 : vector<1x16xf32> to vector<16xf32>
        %get3A_135 = arith.index_cast %scan3A_116 : i32 to index
        %get3A_136 = arith.constant 16 : index
        %get3A_137 = tpu.vector_load %arg13[%get3A_135, %get3A_136] {strides = array<i32>} : memref<64x128xf32, #tpu.memory_space<vmem>>, vector<1x16xf32>,
        %get3A_138 = vector.shape_cast %get3A_137 : vector<1x16xf32> to vector<16xf32>
        %add3A_139 = arith.addf %get3A_134, %get3A_138 : vector<16xf32>
        %max3A_140 = arith.constant 0.000000e+00 : f32
        %max3A_141 = vector.broadcast %max3A_140 : f32 to vector<16xf32>
        %max3A_142 = arith.maximumf %add3A_139, %max3A_141 : vector<16xf32>
        %swap3A_143 = arith.index_cast %scan3A_116 : i32 to index
        %swap3A_144 = arith.constant 16 : index
        %swap3A_145 = tpu.vector_load %arg13[%swap3A_143, %swap3A_144] {strides = array<i32>} : memref<64x128xf32, #tpu.memory_space<vmem>>, vector<1x16xf32>,
        %swap3A_146 = vector.shape_cast %swap3A_145 : vector<1x16xf32> to vector<16xf32>
        %swap3A_147 = vector.shape_cast %max3A_142 : vector<16xf32> to vector<1x16xf32>
        tpu.vector_store %arg13[%swap3A_143, %swap3A_144], %swap3A_147 {strides = array<i32>} : memref<64x128xf32, #tpu.memory_space<vmem>>, vector<1x16xf32>,
        %get3A_148 = arith.index_cast %scan3A_116 : i32 to index
        %get3A_149 = arith.constant 32 : index
        %get3A_150 = tpu.vector_load %arg12[%get3A_148, %get3A_149] {strides = array<i32>} : memref<64x128xf32, #tpu.memory_space<vmem>>, vector<1x16xf32>,
        %get3A_151 = vector.shape_cast %get3A_150 : vector<1x16xf32> to vector<16xf32>
        %get3A_152 = arith.index_cast %scan3A_116 : i32 to index
        %get3A_153 = arith.constant 32 : index
        %get3A_154 = tpu.vector_load %arg13[%get3A_152, %get3A_153] {strides = array<i32>} : memref<64x128xf32, #tpu.memory_space<vmem>>, vector<1x16xf32>,
        %get3A_155 = vector.shape_cast %get3A_154 : vector<1x16xf32> to vector<16xf32>
        %add3A_156 = arith.addf %get3A_151, %get3A_155 : vector<16xf32>
        %max3A_157 = arith.constant 0.000000e+00 : f32
        %max3A_158 = vector.broadcast %max3A_157 : f32 to vector<16xf32>
        %max3A_159 = arith.maximumf %add3A_156, %max3A_158 : vector<16xf32>
        %swap3A_160 = arith.index_cast %scan3A_116 : i32 to index
        %swap3A_161 = arith.constant 32 : index
        %swap3A_162 = tpu.vector_load %arg13[%swap3A_160, %swap3A_161] {strides = array<i32>} : memref<64x128xf32, #tpu.memory_space<vmem>>, vector<1x16xf32>,
        %swap3A_163 = vector.shape_cast %swap3A_162 : vector<1x16xf32> to vector<16xf32>
        %swap3A_164 = vector.shape_cast %max3A_159 : vector<16xf32> to vector<1x16xf32>
        tpu.vector_store %arg13[%swap3A_160, %swap3A_161], %swap3A_164 {strides = array<i32>} : memref<64x128xf32, #tpu.memory_space<vmem>>, vector<1x16xf32>,
        %get3A_165 = arith.index_cast %scan3A_116 : i32 to index
        %get3A_166 = arith.constant 48 : index
        %get3A_167 = tpu.vector_load %arg12[%get3A_165, %get3A_166] {strides = array<i32>} : memref<64x128xf32, #tpu.memory_space<vmem>>, vector<1x16xf32>,
        %get3A_168 = vector.shape_cast %get3A_167 : vector<1x16xf32> to vector<16xf32>
        %get3A_169 = arith.index_cast %scan3A_116 : i32 to index
        %get3A_170 = arith.constant 48 : index
        %get3A_171 = tpu.vector_load %arg13[%get3A_169, %get3A_170] {strides = array<i32>} : memref<64x128xf32, #tpu.memory_space<vmem>>, vector<1x16xf32>,
        %get3A_172 = vector.shape_cast %get3A_171 : vector<1x16xf32> to vector<16xf32>
        %add3A_173 = arith.addf %get3A_168, %get3A_172 : vector<16xf32>
        %max3A_174 = arith.constant 0.000000e+00 : f32
        %max3A_175 = vector.broadcast %max3A_174 : f32 to vector<16xf32>
        %max3A_176 = arith.maximumf %add3A_173, %max3A_175 : vector<16xf32>
        %swap3A_177 = arith.index_cast %scan3A_116 : i32 to index
        %swap3A_178 = arith.constant 48 : index
        %swap3A_179 = tpu.vector_load %arg13[%swap3A_177, %swap3A_178] {strides = array<i32>} : memref<64x128xf32, #tpu.memory_space<vmem>>, vector<1x16xf32>,
        %swap3A_180 = vector.shape_cast %swap3A_179 : vector<1x16xf32> to vector<16xf32>
        %swap3A_181 = vector.shape_cast %max3A_176 : vector<16xf32> to vector<1x16xf32>
        tpu.vector_store %arg13[%swap3A_177, %swap3A_178], %swap3A_181 {strides = array<i32>} : memref<64x128xf32, #tpu.memory_space<vmem>>, vector<1x16xf32>,
        %get3A_182 = arith.index_cast %scan3A_116 : i32 to index
        %get3A_183 = arith.constant 64 : index
        %get3A_184 = tpu.vector_load %arg12[%get3A_182, %get3A_183] {strides = array<i32>} : memref<64x128xf32, #tpu.memory_space<vmem>>, vector<1x16xf32>,
        %get3A_185 = vector.shape_cast %get3A_184 : vector<1x16xf32> to vector<16xf32>
        %get3A_186 = arith.index_cast %scan3A_116 : i32 to index
        %get3A_187 = arith.constant 64 : index
        %get3A_188 = tpu.vector_load %arg13[%get3A_186, %get3A_187] {strides = array<i32>} : memref<64x128xf32, #tpu.memory_space<vmem>>, vector<1x16xf32>,
        %get3A_189 = vector.shape_cast %get3A_188 : vector<1x16xf32> to vector<16xf32>
        %add3A_190 = arith.addf %get3A_185, %get3A_189 : vector<16xf32>
        %max3A_191 = arith.constant 0.000000e+00 : f32
        %max3A_192 = vector.broadcast %max3A_191 : f32 to vector<16xf32>
        %max3A_193 = arith.maximumf %add3A_190, %max3A_192 : vector<16xf32>
        %swap3A_194 = arith.index_cast %scan3A_116 : i32 to index
        %swap3A_195 = arith.constant 64 : index
        %swap3A_196 = tpu.vector_load %arg13[%swap3A_194, %swap3A_195] {strides = array<i32>} : memref<64x128xf32, #tpu.memory_space<vmem>>, vector<1x16xf32>,
        %swap3A_197 = vector.shape_cast %swap3A_196 : vector<1x16xf32> to vector<16xf32>
        %swap3A_198 = vector.shape_cast %max3A_193 : vector<16xf32> to vector<1x16xf32>
        tpu.vector_store %arg13[%swap3A_194, %swap3A_195], %swap3A_198 {strides = array<i32>} : memref<64x128xf32, #tpu.memory_space<vmem>>, vector<1x16xf32>,
        %get3A_199 = arith.index_cast %scan3A_116 : i32 to index
        %get3A_200 = arith.constant 80 : index
        %get3A_201 = tpu.vector_load %arg12[%get3A_199, %get3A_200] {strides = array<i32>} : memref<64x128xf32, #tpu.memory_space<vmem>>, vector<1x16xf32>,
        %get3A_202 = vector.shape_cast %get3A_201 : vector<1x16xf32> to vector<16xf32>
        %get3A_203 = arith.index_cast %scan3A_116 : i32 to index
        %get3A_204 = arith.constant 80 : index
        %get3A_205 = tpu.vector_load %arg13[%get3A_203, %get3A_204] {strides = array<i32>} : memref<64x128xf32, #tpu.memory_space<vmem>>, vector<1x16xf32>,
        %get3A_206 = vector.shape_cast %get3A_205 : vector<1x16xf32> to vector<16xf32>
        %add3A_207 = arith.addf %get3A_202, %get3A_206 : vector<16xf32>
        %max3A_208 = arith.constant 0.000000e+00 : f32
        %max3A_209 = vector.broadcast %max3A_208 : f32 to vector<16xf32>
        %max3A_210 = arith.maximumf %add3A_207, %max3A_209 : vector<16xf32>
        %swap3A_211 = arith.index_cast %scan3A_116 : i32 to index
        %swap3A_212 = arith.constant 80 : index
        %swap3A_213 = tpu.vector_load %arg13[%swap3A_211, %swap3A_212] {strides = array<i32>} : memref<64x128xf32, #tpu.memory_space<vmem>>, vector<1x16xf32>,
        %swap3A_214 = vector.shape_cast %swap3A_213 : vector<1x16xf32> to vector<16xf32>
        %swap3A_215 = vector.shape_cast %max3A_210 : vector<16xf32> to vector<1x16xf32>
        tpu.vector_store %arg13[%swap3A_211, %swap3A_212], %swap3A_215 {strides = array<i32>} : memref<64x128xf32, #tpu.memory_space<vmem>>, vector<1x16xf32>,
        %get3A_216 = arith.index_cast %scan3A_116 : i32 to index
        %get3A_217 = arith.constant 96 : index
        %get3A_218 = tpu.vector_load %arg12[%get3A_216, %get3A_217] {strides = array<i32>} : memref<64x128xf32, #tpu.memory_space<vmem>>, vector<1x16xf32>,
        %get3A_219 = vector.shape_cast %get3A_218 : vector<1x16xf32> to vector<16xf32>
        %get3A_220 = arith.index_cast %scan3A_116 : i32 to index
        %get3A_221 = arith.constant 96 : index
        %get3A_222 = tpu.vector_load %arg13[%get3A_220, %get3A_221] {strides = array<i32>} : memref<64x128xf32, #tpu.memory_space<vmem>>, vector<1x16xf32>,
        %get3A_223 = vector.shape_cast %get3A_222 : vector<1x16xf32> to vector<16xf32>
        %add3A_224 = arith.addf %get3A_219, %get3A_223 : vector<16xf32>
        %max3A_225 = arith.constant 0.000000e+00 : f32
        %max3A_226 = vector.broadcast %max3A_225 : f32 to vector<16xf32>
        %max3A_227 = arith.maximumf %add3A_224, %max3A_226 : vector<16xf32>
        %swap3A_228 = arith.index_cast %scan3A_116 : i32 to index
        %swap3A_229 = arith.constant 96 : index
        %swap3A_230 = tpu.vector_load %arg13[%swap3A_228, %swap3A_229] {strides = array<i32>} : memref<64x128xf32, #tpu.memory_space<vmem>>, vector<1x16xf32>,
        %swap3A_231 = vector.shape_cast %swap3A_230 : vector<1x16xf32> to vector<16xf32>
        %swap3A_232 = vector.shape_cast %max3A_227 : vector<16xf32> to vector<1x16xf32>
        tpu.vector_store %arg13[%swap3A_228, %swap3A_229], %swap3A_232 {strides = array<i32>} : memref<64x128xf32, #tpu.memory_space<vmem>>, vector<1x16xf32>,
        %get3A_233 = arith.index_cast %scan3A_116 : i32 to index
        %get3A_234 = arith.constant 112 : index
        %get3A_235 = tpu.vector_load %arg12[%get3A_233, %get3A_234] {strides = array<i32>} : memref<64x128xf32, #tpu.memory_space<vmem>>, vector<1x16xf32>,
        %get3A_236 = vector.shape_cast %get3A_235 : vector<1x16xf32> to vector<16xf32>
        %get3A_237 = arith.index_cast %scan3A_116 : i32 to index
        %get3A_238 = arith.constant 112 : index
        %get3A_239 = tpu.vector_load %arg13[%get3A_237, %get3A_238] {strides = array<i32>} : memref<64x128xf32, #tpu.memory_space<vmem>>, vector<1x16xf32>,
        %get3A_240 = vector.shape_cast %get3A_239 : vector<1x16xf32> to vector<16xf32>
        %add3A_241 = arith.addf %get3A_236, %get3A_240 : vector<16xf32>
        %max3A_242 = arith.constant 0.000000e+00 : f32
        %max3A_243 = vector.broadcast %max3A_242 : f32 to vector<16xf32>
        %max3A_244 = arith.maximumf %add3A_241, %max3A_243 : vector<16xf32>
        %swap3A_245 = arith.index_cast %scan3A_116 : i32 to index
        %swap3A_246 = arith.constant 112 : index
        %swap3A_247 = tpu.vector_load %arg13[%swap3A_245, %swap3A_246] {strides = array<i32>} : memref<64x128xf32, #tpu.memory_space<vmem>>, vector<1x16xf32>,
        %swap3A_248 = vector.shape_cast %swap3A_247 : vector<1x16xf32> to vector<16xf32>
        %swap3A_249 = vector.shape_cast %max3A_244 : vector<16xf32> to vector<1x16xf32>
        tpu.vector_store %arg13[%swap3A_245, %swap3A_246], %swap3A_249 {strides = array<i32>} : memref<64x128xf32, #tpu.memory_space<vmem>>, vector<1x16xf32>,
      }
      %scan3A_114 = arith.constant 64 : i32
      %run_scoped3A_115 = arith.constant 39 : i32
      "tpu.region"() ({
        %run_scoped3A_116 = tpu.sem_alloc : memref<!tpu.dma_semaphore, #tpu.memory_space<semaphore_mem>>
        %dma_start3A_117 = arith.constant 0 : i32
        %dma_start3A_118 = tpu.memref_slice %arg9[%run_scoped3A_115, %dma_start3A_117] : memref<40x64xi32, #tpu.memory_space<vmem>> -> memref<1x64xi32, #tpu.memory_space<vmem>>
        %dma_start3A_119 = tpu.memref_squeeze %dma_start3A_118 : memref<1x64xi32, #tpu.memory_space<vmem>> -> memref<64xi32, #tpu.memory_space<vmem>>
        %dma_start3A_120 = arith.constant 0 : i32
        %dma_start3A_121 = arith.constant 0 : i32
        %dma_start3A_122 = tpu.memref_slice %arg16[%dma_start3A_120, %dma_start3A_121] : memref<10240x128xf32, #tpu.memory_space<vmem_shared>> -> memref<10240x128xf32, #tpu.memory_space<vmem_shared>>
        tpu.enqueue_indirect_dma source(%arg13 : memref<64x128xf32, #tpu.memory_space<vmem>>) target(%dma_start3A_122 : memref<10240x128xf32, #tpu.memory_space<vmem_shared>>) offsets(%dma_start3A_119 : memref<64xi32, #tpu.memory_space<vmem>>) semaphore(%run_scoped3A_116 : memref<!tpu.dma_semaphore, #tpu.memory_space<semaphore_mem>>) {add = true}
        %dma_wait3A_123 = arith.constant 0 : i32
        %dma_wait3A_124 = tpu.memref_slice %arg9[%run_scoped3A_115, %dma_wait3A_123] : memref<40x64xi32, #tpu.memory_space<vmem>> -> memref<1x64xi32, #tpu.memory_space<vmem>>
        %dma_wait3A_125 = tpu.memref_squeeze %dma_wait3A_124 : memref<1x64xi32, #tpu.memory_space<vmem>> -> memref<64xi32, #tpu.memory_space<vmem>>
        %dma_wait3A_126 = arith.constant 0 : i32
        %dma_wait3A_127 = arith.constant 0 : i32
        %dma_wait3A_128 = tpu.memref_slice %arg16[%dma_wait3A_126, %dma_wait3A_127] : memref<10240x128xf32, #tpu.memory_space<vmem_shared>> -> memref<10240x128xf32, #tpu.memory_space<vmem_shared>>
        tpu.wait_indirect_dma semaphore(%run_scoped3A_116 : memref<!tpu.dma_semaphore, #tpu.memory_space<semaphore_mem>>) src(%arg13 : memref<64x128xf32, #tpu.memory_space<vmem>>) dst(%dma_wait3A_128 : memref<10240x128xf32, #tpu.memory_space<vmem_shared>>)
        tpu.yield
      }) : () -> ()
    }
    %barrier3A_37 = arith.constant 0 : index
    tpu.barrier barrier_id(%barrier3A_37)
    %mul3A_38 = arith.constant 640 : i32
    %mul3A_39 = arith.muli %arg1, %mul3A_38 : i32
    %mul3A_40 = arith.constant 640 : i32
    %mul3A_41 = arith.muli %arg1, %mul3A_40 : i32
    "tpu.region"() ({
      %run_scoped3A = tpu.sem_alloc : memref<!tpu.dma_semaphore, #tpu.memory_space<semaphore_mem>>
      %dma_start3A = arith.constant 0 : i32
      %dma_start3A_42 = tpu.memref_slice %arg7[%arg0, %mul3A_41, %dma_start3A] : memref<2x10240x128xf32, #tpu.memory_space<hbm>> -> memref<1x640x128xf32, #tpu.memory_space<hbm>>
      %dma_start3A_43 = tpu.memref_squeeze %dma_start3A_42 : memref<1x640x128xf32, #tpu.memory_space<hbm>> -> memref<640x128xf32, #tpu.memory_space<hbm>>
      %dma_start3A_44 = arith.constant 0 : i32
      %dma_start3A_45 = tpu.memref_slice %arg16[%mul3A_39, %dma_start3A_44] : memref<10240x128xf32, #tpu.memory_space<vmem_shared>> -> memref<640x128xf32, #tpu.memory_space<vmem_shared>>
      tpu.enqueue_dma source(%dma_start3A_45 : memref<640x128xf32, #tpu.memory_space<vmem_shared>>) target(%dma_start3A_43 : memref<640x128xf32, #tpu.memory_space<hbm>>) target_semaphore(%run_scoped3A : memref<!tpu.dma_semaphore, #tpu.memory_space<semaphore_mem>>)
      %dma_wait3A = arith.constant 0 : i32
      %dma_wait3A_46 = tpu.memref_slice %arg7[%arg0, %mul3A_41, %dma_wait3A] : memref<2x10240x128xf32, #tpu.memory_space<hbm>> -> memref<1x640x128xf32, #tpu.memory_space<hbm>>
      %dma_wait3A_47 = tpu.memref_squeeze %dma_wait3A_46 : memref<1x640x128xf32, #tpu.memory_space<hbm>> -> memref<640x128xf32, #tpu.memory_space<hbm>>
      %dma_wait3A_48 = arith.constant 0 : i32
      %dma_wait3A_49 = tpu.memref_slice %arg16[%mul3A_39, %dma_wait3A_48] : memref<10240x128xf32, #tpu.memory_space<vmem_shared>> -> memref<640x128xf32, #tpu.memory_space<vmem_shared>>
      tpu.wait_dma2 semaphore(%run_scoped3A : memref<!tpu.dma_semaphore, #tpu.memory_space<semaphore_mem>>) src(%dma_wait3A_49 : memref<640x128xf32, #tpu.memory_space<vmem_shared>>) dst(%dma_wait3A_47 : memref<640x128xf32, #tpu.memory_space<hbm>>)
      tpu.yield
    }) : () -> ()
    return
  }
}

#map = affine_map<(d0, d1) -> (0, 0)>
#map1 = affine_map<(d0, d1) -> (0, 0, 0)>
module attributes {stable_mosaic.version = 14 : i64} {
  func.func @k(%arg0: i32, %arg1: i32, %arg2: memref<10000x128xf32, #tpu.memory_space<hbm>>, %arg3: memref<327680x128xf32, #tpu.memory_space<hbm>>, %arg4: memref<5120x64xi32, #tpu.memory_space<hbm>>, %arg5: memref<5120x64xi32, #tpu.memory_space<hbm>>, %arg6: memref<10240x128xf32, #tpu.memory_space<hbm>>, %arg7: memref<2x10240x128xf32, #tpu.memory_space<hbm>>, %arg8: memref<40x64xi32, #tpu.memory_space<vmem>>, %arg9: memref<40x64xi32, #tpu.memory_space<vmem>>, %arg10: memref<64x128xf32, #tpu.memory_space<vmem>>, %arg11: memref<64x128xf32, #tpu.memory_space<vmem>>, %arg12: memref<64x128xf32, #tpu.memory_space<vmem>>, %arg13: memref<64x128xf32, #tpu.memory_space<vmem>>, %arg14: memref<!tpu.dma_semaphore, #tpu.memory_space<semaphore_mem>>, %arg15: memref<!tpu.dma_semaphore, #tpu.memory_space<semaphore_mem>>, %arg16: memref<10240x128xf32, #tpu.memory_space<vmem_shared>>) attributes {dimension_semantics = [#tpu.dimension_semantics<core_parallel>, #tpu.dimension_semantics<subcore_parallel>], iteration_bounds = array<i64: 2, 16>, scalar_prefetch = 0 : i64, scratch_operands = 9 : i64, tpu.core_type = #tpu.core_type<sc_vector_subcore>, window_params = [{transform_indices = #map}, {transform_indices = #map}, {transform_indices = #map}, {transform_indices = #map}, {transform_indices = #map}, {transform_indices = #map1}]} {
    %mul3A = arith.constant 640 : i32
    %mul3A_0 = arith.muli %arg1, %mul3A : i32
    %mul3A_1 = arith.constant 640 : i32
    %mul3A_2 = arith.muli %arg1, %mul3A_1 : i32
    "tpu.region"() ({
      %run_scoped3A = tpu.sem_alloc : memref<!tpu.dma_semaphore, #tpu.memory_space<semaphore_mem>>
      %dma_start3A = arith.constant 0 : i32
      %dma_start3A_42 = tpu.memref_slice %arg16[%mul3A_2, %dma_start3A] : memref<10240x128xf32, #tpu.memory_space<vmem_shared>> -> memref<640x128xf32, #tpu.memory_space<vmem_shared>>
      %dma_start3A_43 = arith.constant 0 : i32
      %dma_start3A_44 = tpu.memref_slice %arg6[%mul3A_0, %dma_start3A_43] : memref<10240x128xf32, #tpu.memory_space<hbm>> -> memref<640x128xf32, #tpu.memory_space<hbm>>
      tpu.enqueue_dma source(%dma_start3A_44 : memref<640x128xf32, #tpu.memory_space<hbm>>) target(%dma_start3A_42 : memref<640x128xf32, #tpu.memory_space<vmem_shared>>) target_semaphore(%run_scoped3A : memref<!tpu.dma_semaphore, #tpu.memory_space<semaphore_mem>>)
      %dma_wait3A = arith.constant 0 : i32
      %dma_wait3A_45 = tpu.memref_slice %arg16[%mul3A_2, %dma_wait3A] : memref<10240x128xf32, #tpu.memory_space<vmem_shared>> -> memref<640x128xf32, #tpu.memory_space<vmem_shared>>
      %dma_wait3A_46 = arith.constant 0 : i32
      %dma_wait3A_47 = tpu.memref_slice %arg6[%mul3A_0, %dma_wait3A_46] : memref<10240x128xf32, #tpu.memory_space<hbm>> -> memref<640x128xf32, #tpu.memory_space<hbm>>
      tpu.wait_dma2 semaphore(%run_scoped3A : memref<!tpu.dma_semaphore, #tpu.memory_space<semaphore_mem>>) src(%dma_wait3A_47 : memref<640x128xf32, #tpu.memory_space<hbm>>) dst(%dma_wait3A_45 : memref<640x128xf32, #tpu.memory_space<vmem_shared>>)
      tpu.yield
    }) : () -> ()
    %barrier3A = arith.constant 0 : index
    tpu.barrier barrier_id(%barrier3A)
    %eq3A = arith.constant 0 : i32
    %eq3A_3 = arith.cmpi eq, %arg0, %eq3A : i32
    %jit3A = arith.constant 240 : i32
    %jit3A_4 = arith.constant 80 : i32
    %select_n3A = arith.select %eq3A_3, %jit3A, %jit3A_4 : i32
    %mul3A_5 = arith.constant 16 : i32
    %mul3A_6 = arith.muli %arg0, %mul3A_5 : i32
    %mul3A_7 = arith.constant 240 : i32
    %mul3A_8 = arith.muli %mul3A_6, %mul3A_7 : i32
    %mul3A_9 = arith.muli %arg1, %select_n3A : i32
    %add3A = arith.addi %mul3A_8, %mul3A_9 : i32
    %jit3A_10 = arith.constant 40 : i32
    %div3A = arith.divsi %select_n3A, %jit3A_10 : i32
    %sign3A = arith.constant 0 : i32
    %sign3A_11 = arith.cmpi sgt, %select_n3A, %sign3A : i32
    %sign3A_12 = arith.extui %sign3A_11 : i1 to i32
    %sign3A_13 = arith.constant 0 : i32
    %sign3A_14 = arith.cmpi slt, %select_n3A, %sign3A_13 : i32
    %sign3A_15 = arith.extui %sign3A_14 : i1 to i32
    %sign3A_16 = arith.subi %sign3A_12, %sign3A_15 : i32
    %sign3A_17 = arith.constant 0 : i32
    %sign3A_18 = arith.cmpi sgt, %jit3A_10, %sign3A_17 : i32
    %sign3A_19 = arith.extui %sign3A_18 : i1 to i32
    %sign3A_20 = arith.constant 0 : i32
    %sign3A_21 = arith.cmpi slt, %jit3A_10, %sign3A_20 : i32
    %sign3A_22 = arith.extui %sign3A_21 : i1 to i32
    %sign3A_23 = arith.subi %sign3A_19, %sign3A_22 : i32
    %ne3A = arith.cmpi ne, %sign3A_16, %sign3A_23 : i32
    %rem3A = arith.remsi %select_n3A, %jit3A_10 : i32
    %ne3A_24 = arith.constant 0 : i32
    %ne3A_25 = arith.cmpi ne, %rem3A, %ne3A_24 : i32
    %and3A = arith.andi %ne3A, %ne3A_25 : i1
    %sub3A = arith.constant 1 : i32
    %sub3A_26 = arith.subi %div3A, %sub3A : i32
    %select_n3A_27 = arith.select %and3A, %sub3A_26, %div3A : i32
    %while3A = arith.constant 0 : i32
    %while3A_28 = arith.constant 0 : i32
    %while3A_29 = arith.subi %select_n3A_27, %while3A_28 : i32
    %while3A_30 = arith.addi %while3A_28, %while3A_29 : i32
    %while3A_31 = arith.constant 1 : i32
    %while3A_32 = arith.divsi %while3A_29, %while3A_31 : i32
    %while3A_33 = arith.muli %while3A_32, %while3A_31 : i32
    %while3A_34 = arith.addi %while3A_28, %while3A_33 : i32
    %while3A_35 = arith.constant 1 : i32
    scf.for %while3A_42 = %while3A_28 to %while3A_34 step %while3A_35  : i32 {
      %mul3A_43 = arith.constant 40 : i32
      %mul3A_44 = arith.muli %while3A_42, %mul3A_43 : i32
      %add3A_45 = arith.addi %add3A, %mul3A_44 : i32
      %mul3A_46 = arith.constant 64 : i32
      %mul3A_47 = arith.muli %add3A_45, %mul3A_46 : i32
      "tpu.region"() ({
        %run_scoped3A_116 = tpu.sem_alloc : memref<!tpu.dma_semaphore, #tpu.memory_space<semaphore_mem>>
        %dma_start3A_117 = arith.constant 0 : i32
        %dma_start3A_118 = tpu.memref_slice %arg4[%add3A_45, %dma_start3A_117] : memref<5120x64xi32, #tpu.memory_space<hbm>> -> memref<40x64xi32, #tpu.memory_space<hbm>>
        %dma_start3A_119 = arith.constant 0 : i32
        %dma_start3A_120 = tpu.memref_slice %arg4[%add3A_45, %dma_start3A_119] : memref<5120x64xi32, #tpu.memory_space<hbm>> -> memref<40x64xi32, #tpu.memory_space<hbm>>
        tpu.enqueue_dma source(%dma_start3A_120 : memref<40x64xi32, #tpu.memory_space<hbm>>) target(%arg8 : memref<40x64xi32, #tpu.memory_space<vmem>>) target_semaphore(%run_scoped3A_116 : memref<!tpu.dma_semaphore, #tpu.memory_space<semaphore_mem>>)
        %dma_wait3A_121 = arith.constant 0 : i32
        %dma_wait3A_122 = tpu.memref_slice %arg4[%add3A_45, %dma_wait3A_121] : memref<5120x64xi32, #tpu.memory_space<hbm>> -> memref<40x64xi32, #tpu.memory_space<hbm>>
        %dma_wait3A_123 = arith.constant 0 : i32
        %dma_wait3A_124 = tpu.memref_slice %arg4[%add3A_45, %dma_wait3A_123] : memref<5120x64xi32, #tpu.memory_space<hbm>> -> memref<40x64xi32, #tpu.memory_space<hbm>>
        tpu.wait_dma2 semaphore(%run_scoped3A_116 : memref<!tpu.dma_semaphore, #tpu.memory_space<semaphore_mem>>) src(%dma_wait3A_124 : memref<40x64xi32, #tpu.memory_space<hbm>>) dst(%arg8 : memref<40x64xi32, #tpu.memory_space<vmem>>)
        tpu.yield
      }) : () -> ()
      "tpu.region"() ({
        %run_scoped3A_116 = tpu.sem_alloc : memref<!tpu.dma_semaphore, #tpu.memory_space<semaphore_mem>>
        %dma_start3A_117 = arith.constant 0 : i32
        %dma_start3A_118 = tpu.memref_slice %arg5[%add3A_45, %dma_start3A_117] : memref<5120x64xi32, #tpu.memory_space<hbm>> -> memref<40x64xi32, #tpu.memory_space<hbm>>
        %dma_start3A_119 = arith.constant 0 : i32
        %dma_start3A_120 = tpu.memref_slice %arg5[%add3A_45, %dma_start3A_119] : memref<5120x64xi32, #tpu.memory_space<hbm>> -> memref<40x64xi32, #tpu.memory_space<hbm>>
        tpu.enqueue_dma source(%dma_start3A_120 : memref<40x64xi32, #tpu.memory_space<hbm>>) target(%arg9 : memref<40x64xi32, #tpu.memory_space<vmem>>) target_semaphore(%run_scoped3A_116 : memref<!tpu.dma_semaphore, #tpu.memory_space<semaphore_mem>>)
        %dma_wait3A_121 = arith.constant 0 : i32
        %dma_wait3A_122 = tpu.memref_slice %arg5[%add3A_45, %dma_wait3A_121] : memref<5120x64xi32, #tpu.memory_space<hbm>> -> memref<40x64xi32, #tpu.memory_space<hbm>>
        %dma_wait3A_123 = arith.constant 0 : i32
        %dma_wait3A_124 = tpu.memref_slice %arg5[%add3A_45, %dma_wait3A_123] : memref<5120x64xi32, #tpu.memory_space<hbm>> -> memref<40x64xi32, #tpu.memory_space<hbm>>
        tpu.wait_dma2 semaphore(%run_scoped3A_116 : memref<!tpu.dma_semaphore, #tpu.memory_space<semaphore_mem>>) src(%dma_wait3A_124 : memref<40x64xi32, #tpu.memory_space<hbm>>) dst(%arg9 : memref<40x64xi32, #tpu.memory_space<vmem>>)
        tpu.yield
      }) : () -> ()
      %dma_start3A = arith.constant 0 : i32
      %dma_start3A_48 = arith.constant 0 : i32
      %dma_start3A_49 = tpu.memref_slice %arg8[%dma_start3A, %dma_start3A_48] : memref<40x64xi32, #tpu.memory_space<vmem>> -> memref<1x64xi32, #tpu.memory_space<vmem>>
      %dma_start3A_50 = tpu.memref_squeeze %dma_start3A_49 : memref<1x64xi32, #tpu.memory_space<vmem>> -> memref<64xi32, #tpu.memory_space<vmem>>
      %dma_start3A_51 = arith.constant 0 : i32
      %dma_start3A_52 = arith.constant 0 : i32
      %dma_start3A_53 = tpu.memref_slice %arg2[%dma_start3A_51, %dma_start3A_52] : memref<10000x128xf32, #tpu.memory_space<hbm>> -> memref<10000x128xf32, #tpu.memory_space<hbm>>
      tpu.enqueue_indirect_dma source(%dma_start3A_53 : memref<10000x128xf32, #tpu.memory_space<hbm>>) target(%arg10 : memref<64x128xf32, #tpu.memory_space<vmem>>) offsets(%dma_start3A_50 : memref<64xi32, #tpu.memory_space<vmem>>) semaphore(%arg14 : memref<!tpu.dma_semaphore, #tpu.memory_space<semaphore_mem>>)
      %add3A_54 = arith.constant 0 : i32
      %add3A_55 = arith.addi %mul3A_47, %add3A_54 : i32
      %dma_start3A_56 = arith.constant 0 : i32
      %dma_start3A_57 = tpu.memref_slice %arg3[%add3A_55, %dma_start3A_56] : memref<327680x128xf32, #tpu.memory_space<hbm>> -> memref<64x128xf32, #tpu.memory_space<hbm>>
      %dma_start3A_58 = arith.constant 0 : i32
      %dma_start3A_59 = tpu.memref_slice %arg3[%add3A_55, %dma_start3A_58] : memref<327680x128xf32, #tpu.memory_space<hbm>> -> memref<64x128xf32, #tpu.memory_space<hbm>>
      tpu.enqueue_dma source(%dma_start3A_59 : memref<64x128xf32, #tpu.memory_space<hbm>>) target(%arg11 : memref<64x128xf32, #tpu.memory_space<vmem>>) target_semaphore(%arg14 : memref<!tpu.dma_semaphore, #tpu.memory_space<semaphore_mem>>)
      %scan3A = arith.constant 0 : i32
      %scan3A_60 = arith.constant 0 : i32
      %scan3A_61 = arith.constant 19 : i32
      %scan3A_62 = arith.addi %scan3A_60, %scan3A_61 : i32
      %scan3A_63 = arith.constant 1 : i32
      scf.for %scan3A_116 = %scan3A_60 to %scan3A_62 step %scan3A_63  : i32 {
        %mul3A_117 = arith.constant 2 : i32
        %mul3A_118 = arith.muli %mul3A_117, %scan3A_116 : i32
        %add3A_119 = arith.constant 1 : i32
        %add3A_120 = arith.addi %mul3A_118, %add3A_119 : i32
        %dma_start3A_121 = arith.constant 0 : i32
        %dma_start3A_122 = tpu.memref_slice %arg8[%add3A_120, %dma_start3A_121] : memref<40x64xi32, #tpu.memory_space<vmem>> -> memref<1x64xi32, #tpu.memory_space<vmem>>
        %dma_start3A_123 = tpu.memref_squeeze %dma_start3A_122 : memref<1x64xi32, #tpu.memory_space<vmem>> -> memref<64xi32, #tpu.memory_space<vmem>>
        %dma_start3A_124 = arith.constant 0 : i32
        %dma_start3A_125 = arith.constant 0 : i32
        %dma_start3A_126 = tpu.memref_slice %arg2[%dma_start3A_124, %dma_start3A_125] : memref<10000x128xf32, #tpu.memory_space<hbm>> -> memref<10000x128xf32, #tpu.memory_space<hbm>>
        tpu.enqueue_indirect_dma source(%dma_start3A_126 : memref<10000x128xf32, #tpu.memory_space<hbm>>) target(%arg12 : memref<64x128xf32, #tpu.memory_space<vmem>>) offsets(%dma_start3A_123 : memref<64xi32, #tpu.memory_space<vmem>>) semaphore(%arg15 : memref<!tpu.dma_semaphore, #tpu.memory_space<semaphore_mem>>)
        %mul3A_127 = arith.constant 64 : i32
        %mul3A_128 = arith.muli %add3A_120, %mul3A_127 : i32
        %add3A_129 = arith.addi %mul3A_47, %mul3A_128 : i32
        %dma_start3A_130 = arith.constant 0 : i32
        %dma_start3A_131 = tpu.memref_slice %arg3[%add3A_129, %dma_start3A_130] : memref<327680x128xf32, #tpu.memory_space<hbm>> -> memref<64x128xf32, #tpu.memory_space<hbm>>
        %dma_start3A_132 = arith.constant 0 : i32
        %dma_start3A_133 = tpu.memref_slice %arg3[%add3A_129, %dma_start3A_132] : memref<327680x128xf32, #tpu.memory_space<hbm>> -> memref<64x128xf32, #tpu.memory_space<hbm>>
        tpu.enqueue_dma source(%dma_start3A_133 : memref<64x128xf32, #tpu.memory_space<hbm>>) target(%arg13 : memref<64x128xf32, #tpu.memory_space<vmem>>) target_semaphore(%arg15 : memref<!tpu.dma_semaphore, #tpu.memory_space<semaphore_mem>>)
        %dma_wait3A_134 = arith.constant 0 : i32
        %dma_wait3A_135 = tpu.memref_slice %arg8[%mul3A_118, %dma_wait3A_134] : memref<40x64xi32, #tpu.memory_space<vmem>> -> memref<1x64xi32, #tpu.memory_space<vmem>>
        %dma_wait3A_136 = tpu.memref_squeeze %dma_wait3A_135 : memref<1x64xi32, #tpu.memory_space<vmem>> -> memref<64xi32, #tpu.memory_space<vmem>>
        %dma_wait3A_137 = arith.constant 0 : i32
        %dma_wait3A_138 = arith.constant 0 : i32
        %dma_wait3A_139 = tpu.memref_slice %arg2[%dma_wait3A_137, %dma_wait3A_138] : memref<10000x128xf32, #tpu.memory_space<hbm>> -> memref<10000x128xf32, #tpu.memory_space<hbm>>
        tpu.wait_indirect_dma semaphore(%arg14 : memref<!tpu.dma_semaphore, #tpu.memory_space<semaphore_mem>>) src(%dma_wait3A_139 : memref<10000x128xf32, #tpu.memory_space<hbm>>) dst(%arg10 : memref<64x128xf32, #tpu.memory_space<vmem>>)
        %mul3A_140 = arith.constant 64 : i32
        %mul3A_141 = arith.muli %mul3A_118, %mul3A_140 : i32
        %add3A_142 = arith.addi %mul3A_47, %mul3A_141 : i32
        %dma_wait3A_143 = arith.constant 0 : i32
        %dma_wait3A_144 = tpu.memref_slice %arg3[%add3A_142, %dma_wait3A_143] : memref<327680x128xf32, #tpu.memory_space<hbm>> -> memref<64x128xf32, #tpu.memory_space<hbm>>
        %dma_wait3A_145 = arith.constant 0 : i32
        %dma_wait3A_146 = tpu.memref_slice %arg3[%add3A_142, %dma_wait3A_145] : memref<327680x128xf32, #tpu.memory_space<hbm>> -> memref<64x128xf32, #tpu.memory_space<hbm>>
        tpu.wait_dma2 semaphore(%arg14 : memref<!tpu.dma_semaphore, #tpu.memory_space<semaphore_mem>>) src(%dma_wait3A_146 : memref<64x128xf32, #tpu.memory_space<hbm>>) dst(%arg11 : memref<64x128xf32, #tpu.memory_space<vmem>>)
        %scan3A_147 = arith.constant 0 : i32
        %scan3A_148 = arith.constant 0 : i32
        %scan3A_149 = arith.constant 64 : i32
        %scan3A_150 = arith.addi %scan3A_148, %scan3A_149 : i32
        %scan3A_151 = arith.constant 1 : i32
        scf.for %scan3A_191 = %scan3A_148 to %scan3A_150 step %scan3A_151  : i32 {
          %get3A = arith.index_cast %scan3A_191 : i32 to index
          %get3A_192 = arith.constant 0 : index
          %get3A_193 = tpu.vector_load %arg10[%get3A, %get3A_192] {strides = array<i32>} : memref<64x128xf32, #tpu.memory_space<vmem>>, vector<1x16xf32>,
          %get3A_194 = vector.shape_cast %get3A_193 : vector<1x16xf32> to vector<16xf32>
          %get3A_195 = arith.index_cast %scan3A_191 : i32 to index
          %get3A_196 = arith.constant 0 : index
          %get3A_197 = tpu.vector_load %arg11[%get3A_195, %get3A_196] {strides = array<i32>} : memref<64x128xf32, #tpu.memory_space<vmem>>, vector<1x16xf32>,
          %get3A_198 = vector.shape_cast %get3A_197 : vector<1x16xf32> to vector<16xf32>
          %add3A_199 = arith.addf %get3A_194, %get3A_198 : vector<16xf32>
          %max3A = arith.constant 0.000000e+00 : f32
          %max3A_200 = vector.broadcast %max3A : f32 to vector<16xf32>
          %max3A_201 = arith.maximumf %add3A_199, %max3A_200 : vector<16xf32>
          %swap3A = arith.index_cast %scan3A_191 : i32 to index
          %swap3A_202 = arith.constant 0 : index
          %swap3A_203 = tpu.vector_load %arg11[%swap3A, %swap3A_202] {strides = array<i32>} : memref<64x128xf32, #tpu.memory_space<vmem>>, vector<1x16xf32>,
          %swap3A_204 = vector.shape_cast %swap3A_203 : vector<1x16xf32> to vector<16xf32>
          %swap3A_205 = vector.shape_cast %max3A_201 : vector<16xf32> to vector<1x16xf32>
          tpu.vector_store %arg11[%swap3A, %swap3A_202], %swap3A_205 {strides = array<i32>} : memref<64x128xf32, #tpu.memory_space<vmem>>, vector<1x16xf32>,
          %get3A_206 = arith.index_cast %scan3A_191 : i32 to index
          %get3A_207 = arith.constant 16 : index
          %get3A_208 = tpu.vector_load %arg10[%get3A_206, %get3A_207] {strides = array<i32>} : memref<64x128xf32, #tpu.memory_space<vmem>>, vector<1x16xf32>,
          %get3A_209 = vector.shape_cast %get3A_208 : vector<1x16xf32> to vector<16xf32>
          %get3A_210 = arith.index_cast %scan3A_191 : i32 to index
          %get3A_211 = arith.constant 16 : index
          %get3A_212 = tpu.vector_load %arg11[%get3A_210, %get3A_211] {strides = array<i32>} : memref<64x128xf32, #tpu.memory_space<vmem>>, vector<1x16xf32>,
          %get3A_213 = vector.shape_cast %get3A_212 : vector<1x16xf32> to vector<16xf32>
          %add3A_214 = arith.addf %get3A_209, %get3A_213 : vector<16xf32>
          %max3A_215 = arith.constant 0.000000e+00 : f32
          %max3A_216 = vector.broadcast %max3A_215 : f32 to vector<16xf32>
          %max3A_217 = arith.maximumf %add3A_214, %max3A_216 : vector<16xf32>
          %swap3A_218 = arith.index_cast %scan3A_191 : i32 to index
          %swap3A_219 = arith.constant 16 : index
          %swap3A_220 = tpu.vector_load %arg11[%swap3A_218, %swap3A_219] {strides = array<i32>} : memref<64x128xf32, #tpu.memory_space<vmem>>, vector<1x16xf32>,
          %swap3A_221 = vector.shape_cast %swap3A_220 : vector<1x16xf32> to vector<16xf32>
          %swap3A_222 = vector.shape_cast %max3A_217 : vector<16xf32> to vector<1x16xf32>
          tpu.vector_store %arg11[%swap3A_218, %swap3A_219], %swap3A_222 {strides = array<i32>} : memref<64x128xf32, #tpu.memory_space<vmem>>, vector<1x16xf32>,
          %get3A_223 = arith.index_cast %scan3A_191 : i32 to index
          %get3A_224 = arith.constant 32 : index
          %get3A_225 = tpu.vector_load %arg10[%get3A_223, %get3A_224] {strides = array<i32>} : memref<64x128xf32, #tpu.memory_space<vmem>>, vector<1x16xf32>,
          %get3A_226 = vector.shape_cast %get3A_225 : vector<1x16xf32> to vector<16xf32>
          %get3A_227 = arith.index_cast %scan3A_191 : i32 to index
          %get3A_228 = arith.constant 32 : index
          %get3A_229 = tpu.vector_load %arg11[%get3A_227, %get3A_228] {strides = array<i32>} : memref<64x128xf32, #tpu.memory_space<vmem>>, vector<1x16xf32>,
          %get3A_230 = vector.shape_cast %get3A_229 : vector<1x16xf32> to vector<16xf32>
          %add3A_231 = arith.addf %get3A_226, %get3A_230 : vector<16xf32>
          %max3A_232 = arith.constant 0.000000e+00 : f32
          %max3A_233 = vector.broadcast %max3A_232 : f32 to vector<16xf32>
          %max3A_234 = arith.maximumf %add3A_231, %max3A_233 : vector<16xf32>
          %swap3A_235 = arith.index_cast %scan3A_191 : i32 to index
          %swap3A_236 = arith.constant 32 : index
          %swap3A_237 = tpu.vector_load %arg11[%swap3A_235, %swap3A_236] {strides = array<i32>} : memref<64x128xf32, #tpu.memory_space<vmem>>, vector<1x16xf32>,
          %swap3A_238 = vector.shape_cast %swap3A_237 : vector<1x16xf32> to vector<16xf32>
          %swap3A_239 = vector.shape_cast %max3A_234 : vector<16xf32> to vector<1x16xf32>
          tpu.vector_store %arg11[%swap3A_235, %swap3A_236], %swap3A_239 {strides = array<i32>} : memref<64x128xf32, #tpu.memory_space<vmem>>, vector<1x16xf32>,
          %get3A_240 = arith.index_cast %scan3A_191 : i32 to index
          %get3A_241 = arith.constant 48 : index
          %get3A_242 = tpu.vector_load %arg10[%get3A_240, %get3A_241] {strides = array<i32>} : memref<64x128xf32, #tpu.memory_space<vmem>>, vector<1x16xf32>,
          %get3A_243 = vector.shape_cast %get3A_242 : vector<1x16xf32> to vector<16xf32>
          %get3A_244 = arith.index_cast %scan3A_191 : i32 to index
          %get3A_245 = arith.constant 48 : index
          %get3A_246 = tpu.vector_load %arg11[%get3A_244, %get3A_245] {strides = array<i32>} : memref<64x128xf32, #tpu.memory_space<vmem>>, vector<1x16xf32>,
          %get3A_247 = vector.shape_cast %get3A_246 : vector<1x16xf32> to vector<16xf32>
          %add3A_248 = arith.addf %get3A_243, %get3A_247 : vector<16xf32>
          %max3A_249 = arith.constant 0.000000e+00 : f32
          %max3A_250 = vector.broadcast %max3A_249 : f32 to vector<16xf32>
          %max3A_251 = arith.maximumf %add3A_248, %max3A_250 : vector<16xf32>
          %swap3A_252 = arith.index_cast %scan3A_191 : i32 to index
          %swap3A_253 = arith.constant 48 : index
          %swap3A_254 = tpu.vector_load %arg11[%swap3A_252, %swap3A_253] {strides = array<i32>} : memref<64x128xf32, #tpu.memory_space<vmem>>, vector<1x16xf32>,
          %swap3A_255 = vector.shape_cast %swap3A_254 : vector<1x16xf32> to vector<16xf32>
          %swap3A_256 = vector.shape_cast %max3A_251 : vector<16xf32> to vector<1x16xf32>
          tpu.vector_store %arg11[%swap3A_252, %swap3A_253], %swap3A_256 {strides = array<i32>} : memref<64x128xf32, #tpu.memory_space<vmem>>, vector<1x16xf32>,
          %get3A_257 = arith.index_cast %scan3A_191 : i32 to index
          %get3A_258 = arith.constant 64 : index
          %get3A_259 = tpu.vector_load %arg10[%get3A_257, %get3A_258] {strides = array<i32>} : memref<64x128xf32, #tpu.memory_space<vmem>>, vector<1x16xf32>,
          %get3A_260 = vector.shape_cast %get3A_259 : vector<1x16xf32> to vector<16xf32>
          %get3A_261 = arith.index_cast %scan3A_191 : i32 to index
          %get3A_262 = arith.constant 64 : index
          %get3A_263 = tpu.vector_load %arg11[%get3A_261, %get3A_262] {strides = array<i32>} : memref<64x128xf32, #tpu.memory_space<vmem>>, vector<1x16xf32>,
          %get3A_264 = vector.shape_cast %get3A_263 : vector<1x16xf32> to vector<16xf32>
          %add3A_265 = arith.addf %get3A_260, %get3A_264 : vector<16xf32>
          %max3A_266 = arith.constant 0.000000e+00 : f32
          %max3A_267 = vector.broadcast %max3A_266 : f32 to vector<16xf32>
          %max3A_268 = arith.maximumf %add3A_265, %max3A_267 : vector<16xf32>
          %swap3A_269 = arith.index_cast %scan3A_191 : i32 to index
          %swap3A_270 = arith.constant 64 : index
          %swap3A_271 = tpu.vector_load %arg11[%swap3A_269, %swap3A_270] {strides = array<i32>} : memref<64x128xf32, #tpu.memory_space<vmem>>, vector<1x16xf32>,
          %swap3A_272 = vector.shape_cast %swap3A_271 : vector<1x16xf32> to vector<16xf32>
          %swap3A_273 = vector.shape_cast %max3A_268 : vector<16xf32> to vector<1x16xf32>
          tpu.vector_store %arg11[%swap3A_269, %swap3A_270], %swap3A_273 {strides = array<i32>} : memref<64x128xf32, #tpu.memory_space<vmem>>, vector<1x16xf32>,
          %get3A_274 = arith.index_cast %scan3A_191 : i32 to index
          %get3A_275 = arith.constant 80 : index
          %get3A_276 = tpu.vector_load %arg10[%get3A_274, %get3A_275] {strides = array<i32>} : memref<64x128xf32, #tpu.memory_space<vmem>>, vector<1x16xf32>,
          %get3A_277 = vector.shape_cast %get3A_276 : vector<1x16xf32> to vector<16xf32>
          %get3A_278 = arith.index_cast %scan3A_191 : i32 to index
          %get3A_279 = arith.constant 80 : index
          %get3A_280 = tpu.vector_load %arg11[%get3A_278, %get3A_279] {strides = array<i32>} : memref<64x128xf32, #tpu.memory_space<vmem>>, vector<1x16xf32>,
          %get3A_281 = vector.shape_cast %get3A_280 : vector<1x16xf32> to vector<16xf32>
          %add3A_282 = arith.addf %get3A_277, %get3A_281 : vector<16xf32>
          %max3A_283 = arith.constant 0.000000e+00 : f32
          %max3A_284 = vector.broadcast %max3A_283 : f32 to vector<16xf32>
          %max3A_285 = arith.maximumf %add3A_282, %max3A_284 : vector<16xf32>
          %swap3A_286 = arith.index_cast %scan3A_191 : i32 to index
          %swap3A_287 = arith.constant 80 : index
          %swap3A_288 = tpu.vector_load %arg11[%swap3A_286, %swap3A_287] {strides = array<i32>} : memref<64x128xf32, #tpu.memory_space<vmem>>, vector<1x16xf32>,
          %swap3A_289 = vector.shape_cast %swap3A_288 : vector<1x16xf32> to vector<16xf32>
          %swap3A_290 = vector.shape_cast %max3A_285 : vector<16xf32> to vector<1x16xf32>
          tpu.vector_store %arg11[%swap3A_286, %swap3A_287], %swap3A_290 {strides = array<i32>} : memref<64x128xf32, #tpu.memory_space<vmem>>, vector<1x16xf32>,
          %get3A_291 = arith.index_cast %scan3A_191 : i32 to index
          %get3A_292 = arith.constant 96 : index
          %get3A_293 = tpu.vector_load %arg10[%get3A_291, %get3A_292] {strides = array<i32>} : memref<64x128xf32, #tpu.memory_space<vmem>>, vector<1x16xf32>,
          %get3A_294 = vector.shape_cast %get3A_293 : vector<1x16xf32> to vector<16xf32>
          %get3A_295 = arith.index_cast %scan3A_191 : i32 to index
          %get3A_296 = arith.constant 96 : index
          %get3A_297 = tpu.vector_load %arg11[%get3A_295, %get3A_296] {strides = array<i32>} : memref<64x128xf32, #tpu.memory_space<vmem>>, vector<1x16xf32>,
          %get3A_298 = vector.shape_cast %get3A_297 : vector<1x16xf32> to vector<16xf32>
          %add3A_299 = arith.addf %get3A_294, %get3A_298 : vector<16xf32>
          %max3A_300 = arith.constant 0.000000e+00 : f32
          %max3A_301 = vector.broadcast %max3A_300 : f32 to vector<16xf32>
          %max3A_302 = arith.maximumf %add3A_299, %max3A_301 : vector<16xf32>
          %swap3A_303 = arith.index_cast %scan3A_191 : i32 to index
          %swap3A_304 = arith.constant 96 : index
          %swap3A_305 = tpu.vector_load %arg11[%swap3A_303, %swap3A_304] {strides = array<i32>} : memref<64x128xf32, #tpu.memory_space<vmem>>, vector<1x16xf32>,
          %swap3A_306 = vector.shape_cast %swap3A_305 : vector<1x16xf32> to vector<16xf32>
          %swap3A_307 = vector.shape_cast %max3A_302 : vector<16xf32> to vector<1x16xf32>
          tpu.vector_store %arg11[%swap3A_303, %swap3A_304], %swap3A_307 {strides = array<i32>} : memref<64x128xf32, #tpu.memory_space<vmem>>, vector<1x16xf32>,
          %get3A_308 = arith.index_cast %scan3A_191 : i32 to index
          %get3A_309 = arith.constant 112 : index
          %get3A_310 = tpu.vector_load %arg10[%get3A_308, %get3A_309] {strides = array<i32>} : memref<64x128xf32, #tpu.memory_space<vmem>>, vector<1x16xf32>,
          %get3A_311 = vector.shape_cast %get3A_310 : vector<1x16xf32> to vector<16xf32>
          %get3A_312 = arith.index_cast %scan3A_191 : i32 to index
          %get3A_313 = arith.constant 112 : index
          %get3A_314 = tpu.vector_load %arg11[%get3A_312, %get3A_313] {strides = array<i32>} : memref<64x128xf32, #tpu.memory_space<vmem>>, vector<1x16xf32>,
          %get3A_315 = vector.shape_cast %get3A_314 : vector<1x16xf32> to vector<16xf32>
          %add3A_316 = arith.addf %get3A_311, %get3A_315 : vector<16xf32>
          %max3A_317 = arith.constant 0.000000e+00 : f32
          %max3A_318 = vector.broadcast %max3A_317 : f32 to vector<16xf32>
          %max3A_319 = arith.maximumf %add3A_316, %max3A_318 : vector<16xf32>
          %swap3A_320 = arith.index_cast %scan3A_191 : i32 to index
          %swap3A_321 = arith.constant 112 : index
          %swap3A_322 = tpu.vector_load %arg11[%swap3A_320, %swap3A_321] {strides = array<i32>} : memref<64x128xf32, #tpu.memory_space<vmem>>, vector<1x16xf32>,
          %swap3A_323 = vector.shape_cast %swap3A_322 : vector<1x16xf32> to vector<16xf32>
          %swap3A_324 = vector.shape_cast %max3A_319 : vector<16xf32> to vector<1x16xf32>
          tpu.vector_store %arg11[%swap3A_320, %swap3A_321], %swap3A_324 {strides = array<i32>} : memref<64x128xf32, #tpu.memory_space<vmem>>, vector<1x16xf32>,
        }
        %scan3A_152 = arith.constant 64 : i32
        "tpu.region"() ({
          %run_scoped3A_191 = tpu.sem_alloc : memref<!tpu.dma_semaphore, #tpu.memory_space<semaphore_mem>>
          %dma_start3A_192 = arith.constant 0 : i32
          %dma_start3A_193 = tpu.memref_slice %arg9[%mul3A_118, %dma_start3A_192] : memref<40x64xi32, #tpu.memory_space<vmem>> -> memref<1x64xi32, #tpu.memory_space<vmem>>
          %dma_start3A_194 = tpu.memref_squeeze %dma_start3A_193 : memref<1x64xi32, #tpu.memory_space<vmem>> -> memref<64xi32, #tpu.memory_space<vmem>>
          %dma_start3A_195 = arith.constant 0 : i32
          %dma_start3A_196 = arith.constant 0 : i32
          %dma_start3A_197 = tpu.memref_slice %arg16[%dma_start3A_195, %dma_start3A_196] : memref<10240x128xf32, #tpu.memory_space<vmem_shared>> -> memref<10240x128xf32, #tpu.memory_space<vmem_shared>>
          tpu.enqueue_indirect_dma source(%arg11 : memref<64x128xf32, #tpu.memory_space<vmem>>) target(%dma_start3A_197 : memref<10240x128xf32, #tpu.memory_space<vmem_shared>>) offsets(%dma_start3A_194 : memref<64xi32, #tpu.memory_space<vmem>>) semaphore(%run_scoped3A_191 : memref<!tpu.dma_semaphore, #tpu.memory_space<semaphore_mem>>) {add = true}
          %dma_wait3A_198 = arith.constant 0 : i32
          %dma_wait3A_199 = tpu.memref_slice %arg9[%mul3A_118, %dma_wait3A_198] : memref<40x64xi32, #tpu.memory_space<vmem>> -> memref<1x64xi32, #tpu.memory_space<vmem>>
          %dma_wait3A_200 = tpu.memref_squeeze %dma_wait3A_199 : memref<1x64xi32, #tpu.memory_space<vmem>> -> memref<64xi32, #tpu.memory_space<vmem>>
          %dma_wait3A_201 = arith.constant 0 : i32
          %dma_wait3A_202 = arith.constant 0 : i32
          %dma_wait3A_203 = tpu.memref_slice %arg16[%dma_wait3A_201, %dma_wait3A_202] : memref<10240x128xf32, #tpu.memory_space<vmem_shared>> -> memref<10240x128xf32, #tpu.memory_space<vmem_shared>>
          tpu.wait_indirect_dma semaphore(%run_scoped3A_191 : memref<!tpu.dma_semaphore, #tpu.memory_space<semaphore_mem>>) src(%arg11 : memref<64x128xf32, #tpu.memory_space<vmem>>) dst(%dma_wait3A_203 : memref<10240x128xf32, #tpu.memory_space<vmem_shared>>)
          tpu.yield
        }) : () -> ()
        %add3A_153 = arith.constant 2 : i32
        %add3A_154 = arith.addi %mul3A_118, %add3A_153 : i32
        %dma_start3A_155 = arith.constant 0 : i32
        %dma_start3A_156 = tpu.memref_slice %arg8[%add3A_154, %dma_start3A_155] : memref<40x64xi32, #tpu.memory_space<vmem>> -> memref<1x64xi32, #tpu.memory_space<vmem>>
        %dma_start3A_157 = tpu.memref_squeeze %dma_start3A_156 : memref<1x64xi32, #tpu.memory_space<vmem>> -> memref<64xi32, #tpu.memory_space<vmem>>
        %dma_start3A_158 = arith.constant 0 : i32
        %dma_start3A_159 = arith.constant 0 : i32
        %dma_start3A_160 = tpu.memref_slice %arg2[%dma_start3A_158, %dma_start3A_159] : memref<10000x128xf32, #tpu.memory_space<hbm>> -> memref<10000x128xf32, #tpu.memory_space<hbm>>
        tpu.enqueue_indirect_dma source(%dma_start3A_160 : memref<10000x128xf32, #tpu.memory_space<hbm>>) target(%arg10 : memref<64x128xf32, #tpu.memory_space<vmem>>) offsets(%dma_start3A_157 : memref<64xi32, #tpu.memory_space<vmem>>) semaphore(%arg14 : memref<!tpu.dma_semaphore, #tpu.memory_space<semaphore_mem>>)
        %mul3A_161 = arith.constant 64 : i32
        %mul3A_162 = arith.muli %add3A_154, %mul3A_161 : i32
        %add3A_163 = arith.addi %mul3A_47, %mul3A_162 : i32
        %dma_start3A_164 = arith.constant 0 : i32
        %dma_start3A_165 = tpu.memref_slice %arg3[%add3A_163, %dma_start3A_164] : memref<327680x128xf32, #tpu.memory_space<hbm>> -> memref<64x128xf32, #tpu.memory_space<hbm>>
        %dma_start3A_166 = arith.constant 0 : i32
        %dma_start3A_167 = tpu.memref_slice %arg3[%add3A_163, %dma_start3A_166] : memref<327680x128xf32, #tpu.memory_space<hbm>> -> memref<64x128xf32, #tpu.memory_space<hbm>>
        tpu.enqueue_dma source(%dma_start3A_167 : memref<64x128xf32, #tpu.memory_space<hbm>>) target(%arg11 : memref<64x128xf32, #tpu.memory_space<vmem>>) target_semaphore(%arg14 : memref<!tpu.dma_semaphore, #tpu.memory_space<semaphore_mem>>)
        %add3A_168 = arith.constant 1 : i32
        %add3A_169 = arith.addi %mul3A_118, %add3A_168 : i32
        %dma_wait3A_170 = arith.constant 0 : i32
        %dma_wait3A_171 = tpu.memref_slice %arg8[%add3A_169, %dma_wait3A_170] : memref<40x64xi32, #tpu.memory_space<vmem>> -> memref<1x64xi32, #tpu.memory_space<vmem>>
        %dma_wait3A_172 = tpu.memref_squeeze %dma_wait3A_171 : memref<1x64xi32, #tpu.memory_space<vmem>> -> memref<64xi32, #tpu.memory_space<vmem>>
        %dma_wait3A_173 = arith.constant 0 : i32
        %dma_wait3A_174 = arith.constant 0 : i32
        %dma_wait3A_175 = tpu.memref_slice %arg2[%dma_wait3A_173, %dma_wait3A_174] : memref<10000x128xf32, #tpu.memory_space<hbm>> -> memref<10000x128xf32, #tpu.memory_space<hbm>>
        tpu.wait_indirect_dma semaphore(%arg15 : memref<!tpu.dma_semaphore, #tpu.memory_space<semaphore_mem>>) src(%dma_wait3A_175 : memref<10000x128xf32, #tpu.memory_space<hbm>>) dst(%arg12 : memref<64x128xf32, #tpu.memory_space<vmem>>)
        %mul3A_176 = arith.constant 64 : i32
        %mul3A_177 = arith.muli %add3A_169, %mul3A_176 : i32
        %add3A_178 = arith.addi %mul3A_47, %mul3A_177 : i32
        %dma_wait3A_179 = arith.constant 0 : i32
        %dma_wait3A_180 = tpu.memref_slice %arg3[%add3A_178, %dma_wait3A_179] : memref<327680x128xf32, #tpu.memory_space<hbm>> -> memref<64x128xf32, #tpu.memory_space<hbm>>
        %dma_wait3A_181 = arith.constant 0 : i32
        %dma_wait3A_182 = tpu.memref_slice %arg3[%add3A_178, %dma_wait3A_181] : memref<327680x128xf32, #tpu.memory_space<hbm>> -> memref<64x128xf32, #tpu.memory_space<hbm>>
        tpu.wait_dma2 semaphore(%arg15 : memref<!tpu.dma_semaphore, #tpu.memory_space<semaphore_mem>>) src(%dma_wait3A_182 : memref<64x128xf32, #tpu.memory_space<hbm>>) dst(%arg13 : memref<64x128xf32, #tpu.memory_space<vmem>>)
        %add3A_183 = arith.constant 1 : i32
        %add3A_184 = arith.addi %mul3A_118, %add3A_183 : i32
        %scan3A_185 = arith.constant 0 : i32
        %scan3A_186 = arith.constant 0 : i32
        %scan3A_187 = arith.constant 64 : i32
        %scan3A_188 = arith.addi %scan3A_186, %scan3A_187 : i32
        %scan3A_189 = arith.constant 1 : i32
        scf.for %scan3A_191 = %scan3A_186 to %scan3A_188 step %scan3A_189  : i32 {
          %get3A = arith.index_cast %scan3A_191 : i32 to index
          %get3A_192 = arith.constant 0 : index
          %get3A_193 = tpu.vector_load %arg12[%get3A, %get3A_192] {strides = array<i32>} : memref<64x128xf32, #tpu.memory_space<vmem>>, vector<1x16xf32>,
          %get3A_194 = vector.shape_cast %get3A_193 : vector<1x16xf32> to vector<16xf32>
          %get3A_195 = arith.index_cast %scan3A_191 : i32 to index
          %get3A_196 = arith.constant 0 : index
          %get3A_197 = tpu.vector_load %arg13[%get3A_195, %get3A_196] {strides = array<i32>} : memref<64x128xf32, #tpu.memory_space<vmem>>, vector<1x16xf32>,
          %get3A_198 = vector.shape_cast %get3A_197 : vector<1x16xf32> to vector<16xf32>
          %add3A_199 = arith.addf %get3A_194, %get3A_198 : vector<16xf32>
          %max3A = arith.constant 0.000000e+00 : f32
          %max3A_200 = vector.broadcast %max3A : f32 to vector<16xf32>
          %max3A_201 = arith.maximumf %add3A_199, %max3A_200 : vector<16xf32>
          %swap3A = arith.index_cast %scan3A_191 : i32 to index
          %swap3A_202 = arith.constant 0 : index
          %swap3A_203 = tpu.vector_load %arg13[%swap3A, %swap3A_202] {strides = array<i32>} : memref<64x128xf32, #tpu.memory_space<vmem>>, vector<1x16xf32>,
          %swap3A_204 = vector.shape_cast %swap3A_203 : vector<1x16xf32> to vector<16xf32>
          %swap3A_205 = vector.shape_cast %max3A_201 : vector<16xf32> to vector<1x16xf32>
          tpu.vector_store %arg13[%swap3A, %swap3A_202], %swap3A_205 {strides = array<i32>} : memref<64x128xf32, #tpu.memory_space<vmem>>, vector<1x16xf32>,
          %get3A_206 = arith.index_cast %scan3A_191 : i32 to index
          %get3A_207 = arith.constant 16 : index
          %get3A_208 = tpu.vector_load %arg12[%get3A_206, %get3A_207] {strides = array<i32>} : memref<64x128xf32, #tpu.memory_space<vmem>>, vector<1x16xf32>,
          %get3A_209 = vector.shape_cast %get3A_208 : vector<1x16xf32> to vector<16xf32>
          %get3A_210 = arith.index_cast %scan3A_191 : i32 to index
          %get3A_211 = arith.constant 16 : index
          %get3A_212 = tpu.vector_load %arg13[%get3A_210, %get3A_211] {strides = array<i32>} : memref<64x128xf32, #tpu.memory_space<vmem>>, vector<1x16xf32>,
          %get3A_213 = vector.shape_cast %get3A_212 : vector<1x16xf32> to vector<16xf32>
          %add3A_214 = arith.addf %get3A_209, %get3A_213 : vector<16xf32>
          %max3A_215 = arith.constant 0.000000e+00 : f32
          %max3A_216 = vector.broadcast %max3A_215 : f32 to vector<16xf32>
          %max3A_217 = arith.maximumf %add3A_214, %max3A_216 : vector<16xf32>
          %swap3A_218 = arith.index_cast %scan3A_191 : i32 to index
          %swap3A_219 = arith.constant 16 : index
          %swap3A_220 = tpu.vector_load %arg13[%swap3A_218, %swap3A_219] {strides = array<i32>} : memref<64x128xf32, #tpu.memory_space<vmem>>, vector<1x16xf32>,
          %swap3A_221 = vector.shape_cast %swap3A_220 : vector<1x16xf32> to vector<16xf32>
          %swap3A_222 = vector.shape_cast %max3A_217 : vector<16xf32> to vector<1x16xf32>
          tpu.vector_store %arg13[%swap3A_218, %swap3A_219], %swap3A_222 {strides = array<i32>} : memref<64x128xf32, #tpu.memory_space<vmem>>, vector<1x16xf32>,
          %get3A_223 = arith.index_cast %scan3A_191 : i32 to index
          %get3A_224 = arith.constant 32 : index
          %get3A_225 = tpu.vector_load %arg12[%get3A_223, %get3A_224] {strides = array<i32>} : memref<64x128xf32, #tpu.memory_space<vmem>>, vector<1x16xf32>,
          %get3A_226 = vector.shape_cast %get3A_225 : vector<1x16xf32> to vector<16xf32>
          %get3A_227 = arith.index_cast %scan3A_191 : i32 to index
          %get3A_228 = arith.constant 32 : index
          %get3A_229 = tpu.vector_load %arg13[%get3A_227, %get3A_228] {strides = array<i32>} : memref<64x128xf32, #tpu.memory_space<vmem>>, vector<1x16xf32>,
          %get3A_230 = vector.shape_cast %get3A_229 : vector<1x16xf32> to vector<16xf32>
          %add3A_231 = arith.addf %get3A_226, %get3A_230 : vector<16xf32>
          %max3A_232 = arith.constant 0.000000e+00 : f32
          %max3A_233 = vector.broadcast %max3A_232 : f32 to vector<16xf32>
          %max3A_234 = arith.maximumf %add3A_231, %max3A_233 : vector<16xf32>
          %swap3A_235 = arith.index_cast %scan3A_191 : i32 to index
          %swap3A_236 = arith.constant 32 : index
          %swap3A_237 = tpu.vector_load %arg13[%swap3A_235, %swap3A_236] {strides = array<i32>} : memref<64x128xf32, #tpu.memory_space<vmem>>, vector<1x16xf32>,
          %swap3A_238 = vector.shape_cast %swap3A_237 : vector<1x16xf32> to vector<16xf32>
          %swap3A_239 = vector.shape_cast %max3A_234 : vector<16xf32> to vector<1x16xf32>
          tpu.vector_store %arg13[%swap3A_235, %swap3A_236], %swap3A_239 {strides = array<i32>} : memref<64x128xf32, #tpu.memory_space<vmem>>, vector<1x16xf32>,
          %get3A_240 = arith.index_cast %scan3A_191 : i32 to index
          %get3A_241 = arith.constant 48 : index
          %get3A_242 = tpu.vector_load %arg12[%get3A_240, %get3A_241] {strides = array<i32>} : memref<64x128xf32, #tpu.memory_space<vmem>>, vector<1x16xf32>,
          %get3A_243 = vector.shape_cast %get3A_242 : vector<1x16xf32> to vector<16xf32>
          %get3A_244 = arith.index_cast %scan3A_191 : i32 to index
          %get3A_245 = arith.constant 48 : index
          %get3A_246 = tpu.vector_load %arg13[%get3A_244, %get3A_245] {strides = array<i32>} : memref<64x128xf32, #tpu.memory_space<vmem>>, vector<1x16xf32>,
          %get3A_247 = vector.shape_cast %get3A_246 : vector<1x16xf32> to vector<16xf32>
          %add3A_248 = arith.addf %get3A_243, %get3A_247 : vector<16xf32>
          %max3A_249 = arith.constant 0.000000e+00 : f32
          %max3A_250 = vector.broadcast %max3A_249 : f32 to vector<16xf32>
          %max3A_251 = arith.maximumf %add3A_248, %max3A_250 : vector<16xf32>
          %swap3A_252 = arith.index_cast %scan3A_191 : i32 to index
          %swap3A_253 = arith.constant 48 : index
          %swap3A_254 = tpu.vector_load %arg13[%swap3A_252, %swap3A_253] {strides = array<i32>} : memref<64x128xf32, #tpu.memory_space<vmem>>, vector<1x16xf32>,
          %swap3A_255 = vector.shape_cast %swap3A_254 : vector<1x16xf32> to vector<16xf32>
          %swap3A_256 = vector.shape_cast %max3A_251 : vector<16xf32> to vector<1x16xf32>
          tpu.vector_store %arg13[%swap3A_252, %swap3A_253], %swap3A_256 {strides = array<i32>} : memref<64x128xf32, #tpu.memory_space<vmem>>, vector<1x16xf32>,
          %get3A_257 = arith.index_cast %scan3A_191 : i32 to index
          %get3A_258 = arith.constant 64 : index
          %get3A_259 = tpu.vector_load %arg12[%get3A_257, %get3A_258] {strides = array<i32>} : memref<64x128xf32, #tpu.memory_space<vmem>>, vector<1x16xf32>,
          %get3A_260 = vector.shape_cast %get3A_259 : vector<1x16xf32> to vector<16xf32>
          %get3A_261 = arith.index_cast %scan3A_191 : i32 to index
          %get3A_262 = arith.constant 64 : index
          %get3A_263 = tpu.vector_load %arg13[%get3A_261, %get3A_262] {strides = array<i32>} : memref<64x128xf32, #tpu.memory_space<vmem>>, vector<1x16xf32>,
          %get3A_264 = vector.shape_cast %get3A_263 : vector<1x16xf32> to vector<16xf32>
          %add3A_265 = arith.addf %get3A_260, %get3A_264 : vector<16xf32>
          %max3A_266 = arith.constant 0.000000e+00 : f32
          %max3A_267 = vector.broadcast %max3A_266 : f32 to vector<16xf32>
          %max3A_268 = arith.maximumf %add3A_265, %max3A_267 : vector<16xf32>
          %swap3A_269 = arith.index_cast %scan3A_191 : i32 to index
          %swap3A_270 = arith.constant 64 : index
          %swap3A_271 = tpu.vector_load %arg13[%swap3A_269, %swap3A_270] {strides = array<i32>} : memref<64x128xf32, #tpu.memory_space<vmem>>, vector<1x16xf32>,
          %swap3A_272 = vector.shape_cast %swap3A_271 : vector<1x16xf32> to vector<16xf32>
          %swap3A_273 = vector.shape_cast %max3A_268 : vector<16xf32> to vector<1x16xf32>
          tpu.vector_store %arg13[%swap3A_269, %swap3A_270], %swap3A_273 {strides = array<i32>} : memref<64x128xf32, #tpu.memory_space<vmem>>, vector<1x16xf32>,
          %get3A_274 = arith.index_cast %scan3A_191 : i32 to index
          %get3A_275 = arith.constant 80 : index
          %get3A_276 = tpu.vector_load %arg12[%get3A_274, %get3A_275] {strides = array<i32>} : memref<64x128xf32, #tpu.memory_space<vmem>>, vector<1x16xf32>,
          %get3A_277 = vector.shape_cast %get3A_276 : vector<1x16xf32> to vector<16xf32>
          %get3A_278 = arith.index_cast %scan3A_191 : i32 to index
          %get3A_279 = arith.constant 80 : index
          %get3A_280 = tpu.vector_load %arg13[%get3A_278, %get3A_279] {strides = array<i32>} : memref<64x128xf32, #tpu.memory_space<vmem>>, vector<1x16xf32>,
          %get3A_281 = vector.shape_cast %get3A_280 : vector<1x16xf32> to vector<16xf32>
          %add3A_282 = arith.addf %get3A_277, %get3A_281 : vector<16xf32>
          %max3A_283 = arith.constant 0.000000e+00 : f32
          %max3A_284 = vector.broadcast %max3A_283 : f32 to vector<16xf32>
          %max3A_285 = arith.maximumf %add3A_282, %max3A_284 : vector<16xf32>
          %swap3A_286 = arith.index_cast %scan3A_191 : i32 to index
          %swap3A_287 = arith.constant 80 : index
          %swap3A_288 = tpu.vector_load %arg13[%swap3A_286, %swap3A_287] {strides = array<i32>} : memref<64x128xf32, #tpu.memory_space<vmem>>, vector<1x16xf32>,
          %swap3A_289 = vector.shape_cast %swap3A_288 : vector<1x16xf32> to vector<16xf32>
          %swap3A_290 = vector.shape_cast %max3A_285 : vector<16xf32> to vector<1x16xf32>
          tpu.vector_store %arg13[%swap3A_286, %swap3A_287], %swap3A_290 {strides = array<i32>} : memref<64x128xf32, #tpu.memory_space<vmem>>, vector<1x16xf32>,
          %get3A_291 = arith.index_cast %scan3A_191 : i32 to index
          %get3A_292 = arith.constant 96 : index
          %get3A_293 = tpu.vector_load %arg12[%get3A_291, %get3A_292] {strides = array<i32>} : memref<64x128xf32, #tpu.memory_space<vmem>>, vector<1x16xf32>,
          %get3A_294 = vector.shape_cast %get3A_293 : vector<1x16xf32> to vector<16xf32>
          %get3A_295 = arith.index_cast %scan3A_191 : i32 to index
          %get3A_296 = arith.constant 96 : index
          %get3A_297 = tpu.vector_load %arg13[%get3A_295, %get3A_296] {strides = array<i32>} : memref<64x128xf32, #tpu.memory_space<vmem>>, vector<1x16xf32>,
          %get3A_298 = vector.shape_cast %get3A_297 : vector<1x16xf32> to vector<16xf32>
          %add3A_299 = arith.addf %get3A_294, %get3A_298 : vector<16xf32>
          %max3A_300 = arith.constant 0.000000e+00 : f32
          %max3A_301 = vector.broadcast %max3A_300 : f32 to vector<16xf32>
          %max3A_302 = arith.maximumf %add3A_299, %max3A_301 : vector<16xf32>
          %swap3A_303 = arith.index_cast %scan3A_191 : i32 to index
          %swap3A_304 = arith.constant 96 : index
          %swap3A_305 = tpu.vector_load %arg13[%swap3A_303, %swap3A_304] {strides = array<i32>} : memref<64x128xf32, #tpu.memory_space<vmem>>, vector<1x16xf32>,
          %swap3A_306 = vector.shape_cast %swap3A_305 : vector<1x16xf32> to vector<16xf32>
          %swap3A_307 = vector.shape_cast %max3A_302 : vector<16xf32> to vector<1x16xf32>
          tpu.vector_store %arg13[%swap3A_303, %swap3A_304], %swap3A_307 {strides = array<i32>} : memref<64x128xf32, #tpu.memory_space<vmem>>, vector<1x16xf32>,
          %get3A_308 = arith.index_cast %scan3A_191 : i32 to index
          %get3A_309 = arith.constant 112 : index
          %get3A_310 = tpu.vector_load %arg12[%get3A_308, %get3A_309] {strides = array<i32>} : memref<64x128xf32, #tpu.memory_space<vmem>>, vector<1x16xf32>,
          %get3A_311 = vector.shape_cast %get3A_310 : vector<1x16xf32> to vector<16xf32>
          %get3A_312 = arith.index_cast %scan3A_191 : i32 to index
          %get3A_313 = arith.constant 112 : index
          %get3A_314 = tpu.vector_load %arg13[%get3A_312, %get3A_313] {strides = array<i32>} : memref<64x128xf32, #tpu.memory_space<vmem>>, vector<1x16xf32>,
          %get3A_315 = vector.shape_cast %get3A_314 : vector<1x16xf32> to vector<16xf32>
          %add3A_316 = arith.addf %get3A_311, %get3A_315 : vector<16xf32>
          %max3A_317 = arith.constant 0.000000e+00 : f32
          %max3A_318 = vector.broadcast %max3A_317 : f32 to vector<16xf32>
          %max3A_319 = arith.maximumf %add3A_316, %max3A_318 : vector<16xf32>
          %swap3A_320 = arith.index_cast %scan3A_191 : i32 to index
          %swap3A_321 = arith.constant 112 : index
          %swap3A_322 = tpu.vector_load %arg13[%swap3A_320, %swap3A_321] {strides = array<i32>} : memref<64x128xf32, #tpu.memory_space<vmem>>, vector<1x16xf32>,
          %swap3A_323 = vector.shape_cast %swap3A_322 : vector<1x16xf32> to vector<16xf32>
          %swap3A_324 = vector.shape_cast %max3A_319 : vector<16xf32> to vector<1x16xf32>
          tpu.vector_store %arg13[%swap3A_320, %swap3A_321], %swap3A_324 {strides = array<i32>} : memref<64x128xf32, #tpu.memory_space<vmem>>, vector<1x16xf32>,
        }
        %scan3A_190 = arith.constant 64 : i32
        "tpu.region"() ({
          %run_scoped3A_191 = tpu.sem_alloc : memref<!tpu.dma_semaphore, #tpu.memory_space<semaphore_mem>>
          %dma_start3A_192 = arith.constant 0 : i32
          %dma_start3A_193 = tpu.memref_slice %arg9[%add3A_184, %dma_start3A_192] : memref<40x64xi32, #tpu.memory_space<vmem>> -> memref<1x64xi32, #tpu.memory_space<vmem>>
          %dma_start3A_194 = tpu.memref_squeeze %dma_start3A_193 : memref<1x64xi32, #tpu.memory_space<vmem>> -> memref<64xi32, #tpu.memory_space<vmem>>
          %dma_start3A_195 = arith.constant 0 : i32
          %dma_start3A_196 = arith.constant 0 : i32
          %dma_start3A_197 = tpu.memref_slice %arg16[%dma_start3A_195, %dma_start3A_196] : memref<10240x128xf32, #tpu.memory_space<vmem_shared>> -> memref<10240x128xf32, #tpu.memory_space<vmem_shared>>
          tpu.enqueue_indirect_dma source(%arg13 : memref<64x128xf32, #tpu.memory_space<vmem>>) target(%dma_start3A_197 : memref<10240x128xf32, #tpu.memory_space<vmem_shared>>) offsets(%dma_start3A_194 : memref<64xi32, #tpu.memory_space<vmem>>) semaphore(%run_scoped3A_191 : memref<!tpu.dma_semaphore, #tpu.memory_space<semaphore_mem>>) {add = true}
          %dma_wait3A_198 = arith.constant 0 : i32
          %dma_wait3A_199 = tpu.memref_slice %arg9[%add3A_184, %dma_wait3A_198] : memref<40x64xi32, #tpu.memory_space<vmem>> -> memref<1x64xi32, #tpu.memory_space<vmem>>
          %dma_wait3A_200 = tpu.memref_squeeze %dma_wait3A_199 : memref<1x64xi32, #tpu.memory_space<vmem>> -> memref<64xi32, #tpu.memory_space<vmem>>
          %dma_wait3A_201 = arith.constant 0 : i32
          %dma_wait3A_202 = arith.constant 0 : i32
          %dma_wait3A_203 = tpu.memref_slice %arg16[%dma_wait3A_201, %dma_wait3A_202] : memref<10240x128xf32, #tpu.memory_space<vmem_shared>> -> memref<10240x128xf32, #tpu.memory_space<vmem_shared>>
          tpu.wait_indirect_dma semaphore(%run_scoped3A_191 : memref<!tpu.dma_semaphore, #tpu.memory_space<semaphore_mem>>) src(%arg13 : memref<64x128xf32, #tpu.memory_space<vmem>>) dst(%dma_wait3A_203 : memref<10240x128xf32, #tpu.memory_space<vmem_shared>>)
          tpu.yield
        }) : () -> ()
      }
      %scan3A_64 = arith.constant 19 : i32
      %dma_start3A_65 = arith.constant 39 : i32
      %dma_start3A_66 = arith.constant 0 : i32
      %dma_start3A_67 = tpu.memref_slice %arg8[%dma_start3A_65, %dma_start3A_66] : memref<40x64xi32, #tpu.memory_space<vmem>> -> memref<1x64xi32, #tpu.memory_space<vmem>>
      %dma_start3A_68 = tpu.memref_squeeze %dma_start3A_67 : memref<1x64xi32, #tpu.memory_space<vmem>> -> memref<64xi32, #tpu.memory_space<vmem>>
      %dma_start3A_69 = arith.constant 0 : i32
      %dma_start3A_70 = arith.constant 0 : i32
      %dma_start3A_71 = tpu.memref_slice %arg2[%dma_start3A_69, %dma_start3A_70] : memref<10000x128xf32, #tpu.memory_space<hbm>> -> memref<10000x128xf32, #tpu.memory_space<hbm>>
      tpu.enqueue_indirect_dma source(%dma_start3A_71 : memref<10000x128xf32, #tpu.memory_space<hbm>>) target(%arg12 : memref<64x128xf32, #tpu.memory_space<vmem>>) offsets(%dma_start3A_68 : memref<64xi32, #tpu.memory_space<vmem>>) semaphore(%arg15 : memref<!tpu.dma_semaphore, #tpu.memory_space<semaphore_mem>>)
      %add3A_72 = arith.constant 2496 : i32
      %add3A_73 = arith.addi %mul3A_47, %add3A_72 : i32
      %dma_start3A_74 = arith.constant 0 : i32
      %dma_start3A_75 = tpu.memref_slice %arg3[%add3A_73, %dma_start3A_74] : memref<327680x128xf32, #tpu.memory_space<hbm>> -> memref<64x128xf32, #tpu.memory_space<hbm>>
      %dma_start3A_76 = arith.constant 0 : i32
      %dma_start3A_77 = tpu.memref_slice %arg3[%add3A_73, %dma_start3A_76] : memref<327680x128xf32, #tpu.memory_space<hbm>> -> memref<64x128xf32, #tpu.memory_space<hbm>>
      tpu.enqueue_dma source(%dma_start3A_77 : memref<64x128xf32, #tpu.memory_space<hbm>>) target(%arg13 : memref<64x128xf32, #tpu.memory_space<vmem>>) target_semaphore(%arg15 : memref<!tpu.dma_semaphore, #tpu.memory_space<semaphore_mem>>)
      %dma_wait3A = arith.constant 38 : i32
      %dma_wait3A_78 = arith.constant 0 : i32
      %dma_wait3A_79 = tpu.memref_slice %arg8[%dma_wait3A, %dma_wait3A_78] : memref<40x64xi32, #tpu.memory_space<vmem>> -> memref<1x64xi32, #tpu.memory_space<vmem>>
      %dma_wait3A_80 = tpu.memref_squeeze %dma_wait3A_79 : memref<1x64xi32, #tpu.memory_space<vmem>> -> memref<64xi32, #tpu.memory_space<vmem>>
      %dma_wait3A_81 = arith.constant 0 : i32
      %dma_wait3A_82 = arith.constant 0 : i32
      %dma_wait3A_83 = tpu.memref_slice %arg2[%dma_wait3A_81, %dma_wait3A_82] : memref<10000x128xf32, #tpu.memory_space<hbm>> -> memref<10000x128xf32, #tpu.memory_space<hbm>>
      tpu.wait_indirect_dma semaphore(%arg14 : memref<!tpu.dma_semaphore, #tpu.memory_space<semaphore_mem>>) src(%dma_wait3A_83 : memref<10000x128xf32, #tpu.memory_space<hbm>>) dst(%arg10 : memref<64x128xf32, #tpu.memory_space<vmem>>)
      %add3A_84 = arith.constant 2432 : i32
      %add3A_85 = arith.addi %mul3A_47, %add3A_84 : i32
      %dma_wait3A_86 = arith.constant 0 : i32
      %dma_wait3A_87 = tpu.memref_slice %arg3[%add3A_85, %dma_wait3A_86] : memref<327680x128xf32, #tpu.memory_space<hbm>> -> memref<64x128xf32, #tpu.memory_space<hbm>>
      %dma_wait3A_88 = arith.constant 0 : i32
      %dma_wait3A_89 = tpu.memref_slice %arg3[%add3A_85, %dma_wait3A_88] : memref<327680x128xf32, #tpu.memory_space<hbm>> -> memref<64x128xf32, #tpu.memory_space<hbm>>
      tpu.wait_dma2 semaphore(%arg14 : memref<!tpu.dma_semaphore, #tpu.memory_space<semaphore_mem>>) src(%dma_wait3A_89 : memref<64x128xf32, #tpu.memory_space<hbm>>) dst(%arg11 : memref<64x128xf32, #tpu.memory_space<vmem>>)
      %scan3A_90 = arith.constant 0 : i32
      %scan3A_91 = arith.constant 0 : i32
      %scan3A_92 = arith.constant 64 : i32
      %scan3A_93 = arith.addi %scan3A_91, %scan3A_92 : i32
      %scan3A_94 = arith.constant 1 : i32
      scf.for %scan3A_116 = %scan3A_91 to %scan3A_93 step %scan3A_94  : i32 {
        %get3A = arith.index_cast %scan3A_116 : i32 to index
        %get3A_117 = arith.constant 0 : index
        %get3A_118 = tpu.vector_load %arg10[%get3A, %get3A_117] {strides = array<i32>} : memref<64x128xf32, #tpu.memory_space<vmem>>, vector<1x16xf32>,
        %get3A_119 = vector.shape_cast %get3A_118 : vector<1x16xf32> to vector<16xf32>
        %get3A_120 = arith.index_cast %scan3A_116 : i32 to index
        %get3A_121 = arith.constant 0 : index
        %get3A_122 = tpu.vector_load %arg11[%get3A_120, %get3A_121] {strides = array<i32>} : memref<64x128xf32, #tpu.memory_space<vmem>>, vector<1x16xf32>,
        %get3A_123 = vector.shape_cast %get3A_122 : vector<1x16xf32> to vector<16xf32>
        %add3A_124 = arith.addf %get3A_119, %get3A_123 : vector<16xf32>
        %max3A = arith.constant 0.000000e+00 : f32
        %max3A_125 = vector.broadcast %max3A : f32 to vector<16xf32>
        %max3A_126 = arith.maximumf %add3A_124, %max3A_125 : vector<16xf32>
        %swap3A = arith.index_cast %scan3A_116 : i32 to index
        %swap3A_127 = arith.constant 0 : index
        %swap3A_128 = tpu.vector_load %arg11[%swap3A, %swap3A_127] {strides = array<i32>} : memref<64x128xf32, #tpu.memory_space<vmem>>, vector<1x16xf32>,
        %swap3A_129 = vector.shape_cast %swap3A_128 : vector<1x16xf32> to vector<16xf32>
        %swap3A_130 = vector.shape_cast %max3A_126 : vector<16xf32> to vector<1x16xf32>
        tpu.vector_store %arg11[%swap3A, %swap3A_127], %swap3A_130 {strides = array<i32>} : memref<64x128xf32, #tpu.memory_space<vmem>>, vector<1x16xf32>,
        %get3A_131 = arith.index_cast %scan3A_116 : i32 to index
        %get3A_132 = arith.constant 16 : index
        %get3A_133 = tpu.vector_load %arg10[%get3A_131, %get3A_132] {strides = array<i32>} : memref<64x128xf32, #tpu.memory_space<vmem>>, vector<1x16xf32>,
        %get3A_134 = vector.shape_cast %get3A_133 : vector<1x16xf32> to vector<16xf32>
        %get3A_135 = arith.index_cast %scan3A_116 : i32 to index
        %get3A_136 = arith.constant 16 : index
        %get3A_137 = tpu.vector_load %arg11[%get3A_135, %get3A_136] {strides = array<i32>} : memref<64x128xf32, #tpu.memory_space<vmem>>, vector<1x16xf32>,
        %get3A_138 = vector.shape_cast %get3A_137 : vector<1x16xf32> to vector<16xf32>
        %add3A_139 = arith.addf %get3A_134, %get3A_138 : vector<16xf32>
        %max3A_140 = arith.constant 0.000000e+00 : f32
        %max3A_141 = vector.broadcast %max3A_140 : f32 to vector<16xf32>
        %max3A_142 = arith.maximumf %add3A_139, %max3A_141 : vector<16xf32>
        %swap3A_143 = arith.index_cast %scan3A_116 : i32 to index
        %swap3A_144 = arith.constant 16 : index
        %swap3A_145 = tpu.vector_load %arg11[%swap3A_143, %swap3A_144] {strides = array<i32>} : memref<64x128xf32, #tpu.memory_space<vmem>>, vector<1x16xf32>,
        %swap3A_146 = vector.shape_cast %swap3A_145 : vector<1x16xf32> to vector<16xf32>
        %swap3A_147 = vector.shape_cast %max3A_142 : vector<16xf32> to vector<1x16xf32>
        tpu.vector_store %arg11[%swap3A_143, %swap3A_144], %swap3A_147 {strides = array<i32>} : memref<64x128xf32, #tpu.memory_space<vmem>>, vector<1x16xf32>,
        %get3A_148 = arith.index_cast %scan3A_116 : i32 to index
        %get3A_149 = arith.constant 32 : index
        %get3A_150 = tpu.vector_load %arg10[%get3A_148, %get3A_149] {strides = array<i32>} : memref<64x128xf32, #tpu.memory_space<vmem>>, vector<1x16xf32>,
        %get3A_151 = vector.shape_cast %get3A_150 : vector<1x16xf32> to vector<16xf32>
        %get3A_152 = arith.index_cast %scan3A_116 : i32 to index
        %get3A_153 = arith.constant 32 : index
        %get3A_154 = tpu.vector_load %arg11[%get3A_152, %get3A_153] {strides = array<i32>} : memref<64x128xf32, #tpu.memory_space<vmem>>, vector<1x16xf32>,
        %get3A_155 = vector.shape_cast %get3A_154 : vector<1x16xf32> to vector<16xf32>
        %add3A_156 = arith.addf %get3A_151, %get3A_155 : vector<16xf32>
        %max3A_157 = arith.constant 0.000000e+00 : f32
        %max3A_158 = vector.broadcast %max3A_157 : f32 to vector<16xf32>
        %max3A_159 = arith.maximumf %add3A_156, %max3A_158 : vector<16xf32>
        %swap3A_160 = arith.index_cast %scan3A_116 : i32 to index
        %swap3A_161 = arith.constant 32 : index
        %swap3A_162 = tpu.vector_load %arg11[%swap3A_160, %swap3A_161] {strides = array<i32>} : memref<64x128xf32, #tpu.memory_space<vmem>>, vector<1x16xf32>,
        %swap3A_163 = vector.shape_cast %swap3A_162 : vector<1x16xf32> to vector<16xf32>
        %swap3A_164 = vector.shape_cast %max3A_159 : vector<16xf32> to vector<1x16xf32>
        tpu.vector_store %arg11[%swap3A_160, %swap3A_161], %swap3A_164 {strides = array<i32>} : memref<64x128xf32, #tpu.memory_space<vmem>>, vector<1x16xf32>,
        %get3A_165 = arith.index_cast %scan3A_116 : i32 to index
        %get3A_166 = arith.constant 48 : index
        %get3A_167 = tpu.vector_load %arg10[%get3A_165, %get3A_166] {strides = array<i32>} : memref<64x128xf32, #tpu.memory_space<vmem>>, vector<1x16xf32>,
        %get3A_168 = vector.shape_cast %get3A_167 : vector<1x16xf32> to vector<16xf32>
        %get3A_169 = arith.index_cast %scan3A_116 : i32 to index
        %get3A_170 = arith.constant 48 : index
        %get3A_171 = tpu.vector_load %arg11[%get3A_169, %get3A_170] {strides = array<i32>} : memref<64x128xf32, #tpu.memory_space<vmem>>, vector<1x16xf32>,
        %get3A_172 = vector.shape_cast %get3A_171 : vector<1x16xf32> to vector<16xf32>
        %add3A_173 = arith.addf %get3A_168, %get3A_172 : vector<16xf32>
        %max3A_174 = arith.constant 0.000000e+00 : f32
        %max3A_175 = vector.broadcast %max3A_174 : f32 to vector<16xf32>
        %max3A_176 = arith.maximumf %add3A_173, %max3A_175 : vector<16xf32>
        %swap3A_177 = arith.index_cast %scan3A_116 : i32 to index
        %swap3A_178 = arith.constant 48 : index
        %swap3A_179 = tpu.vector_load %arg11[%swap3A_177, %swap3A_178] {strides = array<i32>} : memref<64x128xf32, #tpu.memory_space<vmem>>, vector<1x16xf32>,
        %swap3A_180 = vector.shape_cast %swap3A_179 : vector<1x16xf32> to vector<16xf32>
        %swap3A_181 = vector.shape_cast %max3A_176 : vector<16xf32> to vector<1x16xf32>
        tpu.vector_store %arg11[%swap3A_177, %swap3A_178], %swap3A_181 {strides = array<i32>} : memref<64x128xf32, #tpu.memory_space<vmem>>, vector<1x16xf32>,
        %get3A_182 = arith.index_cast %scan3A_116 : i32 to index
        %get3A_183 = arith.constant 64 : index
        %get3A_184 = tpu.vector_load %arg10[%get3A_182, %get3A_183] {strides = array<i32>} : memref<64x128xf32, #tpu.memory_space<vmem>>, vector<1x16xf32>,
        %get3A_185 = vector.shape_cast %get3A_184 : vector<1x16xf32> to vector<16xf32>
        %get3A_186 = arith.index_cast %scan3A_116 : i32 to index
        %get3A_187 = arith.constant 64 : index
        %get3A_188 = tpu.vector_load %arg11[%get3A_186, %get3A_187] {strides = array<i32>} : memref<64x128xf32, #tpu.memory_space<vmem>>, vector<1x16xf32>,
        %get3A_189 = vector.shape_cast %get3A_188 : vector<1x16xf32> to vector<16xf32>
        %add3A_190 = arith.addf %get3A_185, %get3A_189 : vector<16xf32>
        %max3A_191 = arith.constant 0.000000e+00 : f32
        %max3A_192 = vector.broadcast %max3A_191 : f32 to vector<16xf32>
        %max3A_193 = arith.maximumf %add3A_190, %max3A_192 : vector<16xf32>
        %swap3A_194 = arith.index_cast %scan3A_116 : i32 to index
        %swap3A_195 = arith.constant 64 : index
        %swap3A_196 = tpu.vector_load %arg11[%swap3A_194, %swap3A_195] {strides = array<i32>} : memref<64x128xf32, #tpu.memory_space<vmem>>, vector<1x16xf32>,
        %swap3A_197 = vector.shape_cast %swap3A_196 : vector<1x16xf32> to vector<16xf32>
        %swap3A_198 = vector.shape_cast %max3A_193 : vector<16xf32> to vector<1x16xf32>
        tpu.vector_store %arg11[%swap3A_194, %swap3A_195], %swap3A_198 {strides = array<i32>} : memref<64x128xf32, #tpu.memory_space<vmem>>, vector<1x16xf32>,
        %get3A_199 = arith.index_cast %scan3A_116 : i32 to index
        %get3A_200 = arith.constant 80 : index
        %get3A_201 = tpu.vector_load %arg10[%get3A_199, %get3A_200] {strides = array<i32>} : memref<64x128xf32, #tpu.memory_space<vmem>>, vector<1x16xf32>,
        %get3A_202 = vector.shape_cast %get3A_201 : vector<1x16xf32> to vector<16xf32>
        %get3A_203 = arith.index_cast %scan3A_116 : i32 to index
        %get3A_204 = arith.constant 80 : index
        %get3A_205 = tpu.vector_load %arg11[%get3A_203, %get3A_204] {strides = array<i32>} : memref<64x128xf32, #tpu.memory_space<vmem>>, vector<1x16xf32>,
        %get3A_206 = vector.shape_cast %get3A_205 : vector<1x16xf32> to vector<16xf32>
        %add3A_207 = arith.addf %get3A_202, %get3A_206 : vector<16xf32>
        %max3A_208 = arith.constant 0.000000e+00 : f32
        %max3A_209 = vector.broadcast %max3A_208 : f32 to vector<16xf32>
        %max3A_210 = arith.maximumf %add3A_207, %max3A_209 : vector<16xf32>
        %swap3A_211 = arith.index_cast %scan3A_116 : i32 to index
        %swap3A_212 = arith.constant 80 : index
        %swap3A_213 = tpu.vector_load %arg11[%swap3A_211, %swap3A_212] {strides = array<i32>} : memref<64x128xf32, #tpu.memory_space<vmem>>, vector<1x16xf32>,
        %swap3A_214 = vector.shape_cast %swap3A_213 : vector<1x16xf32> to vector<16xf32>
        %swap3A_215 = vector.shape_cast %max3A_210 : vector<16xf32> to vector<1x16xf32>
        tpu.vector_store %arg11[%swap3A_211, %swap3A_212], %swap3A_215 {strides = array<i32>} : memref<64x128xf32, #tpu.memory_space<vmem>>, vector<1x16xf32>,
        %get3A_216 = arith.index_cast %scan3A_116 : i32 to index
        %get3A_217 = arith.constant 96 : index
        %get3A_218 = tpu.vector_load %arg10[%get3A_216, %get3A_217] {strides = array<i32>} : memref<64x128xf32, #tpu.memory_space<vmem>>, vector<1x16xf32>,
        %get3A_219 = vector.shape_cast %get3A_218 : vector<1x16xf32> to vector<16xf32>
        %get3A_220 = arith.index_cast %scan3A_116 : i32 to index
        %get3A_221 = arith.constant 96 : index
        %get3A_222 = tpu.vector_load %arg11[%get3A_220, %get3A_221] {strides = array<i32>} : memref<64x128xf32, #tpu.memory_space<vmem>>, vector<1x16xf32>,
        %get3A_223 = vector.shape_cast %get3A_222 : vector<1x16xf32> to vector<16xf32>
        %add3A_224 = arith.addf %get3A_219, %get3A_223 : vector<16xf32>
        %max3A_225 = arith.constant 0.000000e+00 : f32
        %max3A_226 = vector.broadcast %max3A_225 : f32 to vector<16xf32>
        %max3A_227 = arith.maximumf %add3A_224, %max3A_226 : vector<16xf32>
        %swap3A_228 = arith.index_cast %scan3A_116 : i32 to index
        %swap3A_229 = arith.constant 96 : index
        %swap3A_230 = tpu.vector_load %arg11[%swap3A_228, %swap3A_229] {strides = array<i32>} : memref<64x128xf32, #tpu.memory_space<vmem>>, vector<1x16xf32>,
        %swap3A_231 = vector.shape_cast %swap3A_230 : vector<1x16xf32> to vector<16xf32>
        %swap3A_232 = vector.shape_cast %max3A_227 : vector<16xf32> to vector<1x16xf32>
        tpu.vector_store %arg11[%swap3A_228, %swap3A_229], %swap3A_232 {strides = array<i32>} : memref<64x128xf32, #tpu.memory_space<vmem>>, vector<1x16xf32>,
        %get3A_233 = arith.index_cast %scan3A_116 : i32 to index
        %get3A_234 = arith.constant 112 : index
        %get3A_235 = tpu.vector_load %arg10[%get3A_233, %get3A_234] {strides = array<i32>} : memref<64x128xf32, #tpu.memory_space<vmem>>, vector<1x16xf32>,
        %get3A_236 = vector.shape_cast %get3A_235 : vector<1x16xf32> to vector<16xf32>
        %get3A_237 = arith.index_cast %scan3A_116 : i32 to index
        %get3A_238 = arith.constant 112 : index
        %get3A_239 = tpu.vector_load %arg11[%get3A_237, %get3A_238] {strides = array<i32>} : memref<64x128xf32, #tpu.memory_space<vmem>>, vector<1x16xf32>,
        %get3A_240 = vector.shape_cast %get3A_239 : vector<1x16xf32> to vector<16xf32>
        %add3A_241 = arith.addf %get3A_236, %get3A_240 : vector<16xf32>
        %max3A_242 = arith.constant 0.000000e+00 : f32
        %max3A_243 = vector.broadcast %max3A_242 : f32 to vector<16xf32>
        %max3A_244 = arith.maximumf %add3A_241, %max3A_243 : vector<16xf32>
        %swap3A_245 = arith.index_cast %scan3A_116 : i32 to index
        %swap3A_246 = arith.constant 112 : index
        %swap3A_247 = tpu.vector_load %arg11[%swap3A_245, %swap3A_246] {strides = array<i32>} : memref<64x128xf32, #tpu.memory_space<vmem>>, vector<1x16xf32>,
        %swap3A_248 = vector.shape_cast %swap3A_247 : vector<1x16xf32> to vector<16xf32>
        %swap3A_249 = vector.shape_cast %max3A_244 : vector<16xf32> to vector<1x16xf32>
        tpu.vector_store %arg11[%swap3A_245, %swap3A_246], %swap3A_249 {strides = array<i32>} : memref<64x128xf32, #tpu.memory_space<vmem>>, vector<1x16xf32>,
      }
      %scan3A_95 = arith.constant 64 : i32
      %run_scoped3A = arith.constant 38 : i32
      "tpu.region"() ({
        %run_scoped3A_116 = tpu.sem_alloc : memref<!tpu.dma_semaphore, #tpu.memory_space<semaphore_mem>>
        %dma_start3A_117 = arith.constant 0 : i32
        %dma_start3A_118 = tpu.memref_slice %arg9[%run_scoped3A, %dma_start3A_117] : memref<40x64xi32, #tpu.memory_space<vmem>> -> memref<1x64xi32, #tpu.memory_space<vmem>>
        %dma_start3A_119 = tpu.memref_squeeze %dma_start3A_118 : memref<1x64xi32, #tpu.memory_space<vmem>> -> memref<64xi32, #tpu.memory_space<vmem>>
        %dma_start3A_120 = arith.constant 0 : i32
        %dma_start3A_121 = arith.constant 0 : i32
        %dma_start3A_122 = tpu.memref_slice %arg16[%dma_start3A_120, %dma_start3A_121] : memref<10240x128xf32, #tpu.memory_space<vmem_shared>> -> memref<10240x128xf32, #tpu.memory_space<vmem_shared>>
        tpu.enqueue_indirect_dma source(%arg11 : memref<64x128xf32, #tpu.memory_space<vmem>>) target(%dma_start3A_122 : memref<10240x128xf32, #tpu.memory_space<vmem_shared>>) offsets(%dma_start3A_119 : memref<64xi32, #tpu.memory_space<vmem>>) semaphore(%run_scoped3A_116 : memref<!tpu.dma_semaphore, #tpu.memory_space<semaphore_mem>>) {add = true}
        %dma_wait3A_123 = arith.constant 0 : i32
        %dma_wait3A_124 = tpu.memref_slice %arg9[%run_scoped3A, %dma_wait3A_123] : memref<40x64xi32, #tpu.memory_space<vmem>> -> memref<1x64xi32, #tpu.memory_space<vmem>>
        %dma_wait3A_125 = tpu.memref_squeeze %dma_wait3A_124 : memref<1x64xi32, #tpu.memory_space<vmem>> -> memref<64xi32, #tpu.memory_space<vmem>>
        %dma_wait3A_126 = arith.constant 0 : i32
        %dma_wait3A_127 = arith.constant 0 : i32
        %dma_wait3A_128 = tpu.memref_slice %arg16[%dma_wait3A_126, %dma_wait3A_127] : memref<10240x128xf32, #tpu.memory_space<vmem_shared>> -> memref<10240x128xf32, #tpu.memory_space<vmem_shared>>
        tpu.wait_indirect_dma semaphore(%run_scoped3A_116 : memref<!tpu.dma_semaphore, #tpu.memory_space<semaphore_mem>>) src(%arg11 : memref<64x128xf32, #tpu.memory_space<vmem>>) dst(%dma_wait3A_128 : memref<10240x128xf32, #tpu.memory_space<vmem_shared>>)
        tpu.yield
      }) : () -> ()
      %dma_wait3A_96 = arith.constant 39 : i32
      %dma_wait3A_97 = arith.constant 0 : i32
      %dma_wait3A_98 = tpu.memref_slice %arg8[%dma_wait3A_96, %dma_wait3A_97] : memref<40x64xi32, #tpu.memory_space<vmem>> -> memref<1x64xi32, #tpu.memory_space<vmem>>
      %dma_wait3A_99 = tpu.memref_squeeze %dma_wait3A_98 : memref<1x64xi32, #tpu.memory_space<vmem>> -> memref<64xi32, #tpu.memory_space<vmem>>
      %dma_wait3A_100 = arith.constant 0 : i32
      %dma_wait3A_101 = arith.constant 0 : i32
      %dma_wait3A_102 = tpu.memref_slice %arg2[%dma_wait3A_100, %dma_wait3A_101] : memref<10000x128xf32, #tpu.memory_space<hbm>> -> memref<10000x128xf32, #tpu.memory_space<hbm>>
      tpu.wait_indirect_dma semaphore(%arg15 : memref<!tpu.dma_semaphore, #tpu.memory_space<semaphore_mem>>) src(%dma_wait3A_102 : memref<10000x128xf32, #tpu.memory_space<hbm>>) dst(%arg12 : memref<64x128xf32, #tpu.memory_space<vmem>>)
      %add3A_103 = arith.constant 2496 : i32
      %add3A_104 = arith.addi %mul3A_47, %add3A_103 : i32
      %dma_wait3A_105 = arith.constant 0 : i32
      %dma_wait3A_106 = tpu.memref_slice %arg3[%add3A_104, %dma_wait3A_105] : memref<327680x128xf32, #tpu.memory_space<hbm>> -> memref<64x128xf32, #tpu.memory_space<hbm>>
      %dma_wait3A_107 = arith.constant 0 : i32
      %dma_wait3A_108 = tpu.memref_slice %arg3[%add3A_104, %dma_wait3A_107] : memref<327680x128xf32, #tpu.memory_space<hbm>> -> memref<64x128xf32, #tpu.memory_space<hbm>>
      tpu.wait_dma2 semaphore(%arg15 : memref<!tpu.dma_semaphore, #tpu.memory_space<semaphore_mem>>) src(%dma_wait3A_108 : memref<64x128xf32, #tpu.memory_space<hbm>>) dst(%arg13 : memref<64x128xf32, #tpu.memory_space<vmem>>)
      %scan3A_109 = arith.constant 0 : i32
      %scan3A_110 = arith.constant 0 : i32
      %scan3A_111 = arith.constant 64 : i32
      %scan3A_112 = arith.addi %scan3A_110, %scan3A_111 : i32
      %scan3A_113 = arith.constant 1 : i32
      scf.for %scan3A_116 = %scan3A_110 to %scan3A_112 step %scan3A_113  : i32 {
        %get3A = arith.index_cast %scan3A_116 : i32 to index
        %get3A_117 = arith.constant 0 : index
        %get3A_118 = tpu.vector_load %arg12[%get3A, %get3A_117] {strides = array<i32>} : memref<64x128xf32, #tpu.memory_space<vmem>>, vector<1x16xf32>,
        %get3A_119 = vector.shape_cast %get3A_118 : vector<1x16xf32> to vector<16xf32>
        %get3A_120 = arith.index_cast %scan3A_116 : i32 to index
        %get3A_121 = arith.constant 0 : index
        %get3A_122 = tpu.vector_load %arg13[%get3A_120, %get3A_121] {strides = array<i32>} : memref<64x128xf32, #tpu.memory_space<vmem>>, vector<1x16xf32>,
        %get3A_123 = vector.shape_cast %get3A_122 : vector<1x16xf32> to vector<16xf32>
        %add3A_124 = arith.addf %get3A_119, %get3A_123 : vector<16xf32>
        %max3A = arith.constant 0.000000e+00 : f32
        %max3A_125 = vector.broadcast %max3A : f32 to vector<16xf32>
        %max3A_126 = arith.maximumf %add3A_124, %max3A_125 : vector<16xf32>
        %swap3A = arith.index_cast %scan3A_116 : i32 to index
        %swap3A_127 = arith.constant 0 : index
        %swap3A_128 = tpu.vector_load %arg13[%swap3A, %swap3A_127] {strides = array<i32>} : memref<64x128xf32, #tpu.memory_space<vmem>>, vector<1x16xf32>,
        %swap3A_129 = vector.shape_cast %swap3A_128 : vector<1x16xf32> to vector<16xf32>
        %swap3A_130 = vector.shape_cast %max3A_126 : vector<16xf32> to vector<1x16xf32>
        tpu.vector_store %arg13[%swap3A, %swap3A_127], %swap3A_130 {strides = array<i32>} : memref<64x128xf32, #tpu.memory_space<vmem>>, vector<1x16xf32>,
        %get3A_131 = arith.index_cast %scan3A_116 : i32 to index
        %get3A_132 = arith.constant 16 : index
        %get3A_133 = tpu.vector_load %arg12[%get3A_131, %get3A_132] {strides = array<i32>} : memref<64x128xf32, #tpu.memory_space<vmem>>, vector<1x16xf32>,
        %get3A_134 = vector.shape_cast %get3A_133 : vector<1x16xf32> to vector<16xf32>
        %get3A_135 = arith.index_cast %scan3A_116 : i32 to index
        %get3A_136 = arith.constant 16 : index
        %get3A_137 = tpu.vector_load %arg13[%get3A_135, %get3A_136] {strides = array<i32>} : memref<64x128xf32, #tpu.memory_space<vmem>>, vector<1x16xf32>,
        %get3A_138 = vector.shape_cast %get3A_137 : vector<1x16xf32> to vector<16xf32>
        %add3A_139 = arith.addf %get3A_134, %get3A_138 : vector<16xf32>
        %max3A_140 = arith.constant 0.000000e+00 : f32
        %max3A_141 = vector.broadcast %max3A_140 : f32 to vector<16xf32>
        %max3A_142 = arith.maximumf %add3A_139, %max3A_141 : vector<16xf32>
        %swap3A_143 = arith.index_cast %scan3A_116 : i32 to index
        %swap3A_144 = arith.constant 16 : index
        %swap3A_145 = tpu.vector_load %arg13[%swap3A_143, %swap3A_144] {strides = array<i32>} : memref<64x128xf32, #tpu.memory_space<vmem>>, vector<1x16xf32>,
        %swap3A_146 = vector.shape_cast %swap3A_145 : vector<1x16xf32> to vector<16xf32>
        %swap3A_147 = vector.shape_cast %max3A_142 : vector<16xf32> to vector<1x16xf32>
        tpu.vector_store %arg13[%swap3A_143, %swap3A_144], %swap3A_147 {strides = array<i32>} : memref<64x128xf32, #tpu.memory_space<vmem>>, vector<1x16xf32>,
        %get3A_148 = arith.index_cast %scan3A_116 : i32 to index
        %get3A_149 = arith.constant 32 : index
        %get3A_150 = tpu.vector_load %arg12[%get3A_148, %get3A_149] {strides = array<i32>} : memref<64x128xf32, #tpu.memory_space<vmem>>, vector<1x16xf32>,
        %get3A_151 = vector.shape_cast %get3A_150 : vector<1x16xf32> to vector<16xf32>
        %get3A_152 = arith.index_cast %scan3A_116 : i32 to index
        %get3A_153 = arith.constant 32 : index
        %get3A_154 = tpu.vector_load %arg13[%get3A_152, %get3A_153] {strides = array<i32>} : memref<64x128xf32, #tpu.memory_space<vmem>>, vector<1x16xf32>,
        %get3A_155 = vector.shape_cast %get3A_154 : vector<1x16xf32> to vector<16xf32>
        %add3A_156 = arith.addf %get3A_151, %get3A_155 : vector<16xf32>
        %max3A_157 = arith.constant 0.000000e+00 : f32
        %max3A_158 = vector.broadcast %max3A_157 : f32 to vector<16xf32>
        %max3A_159 = arith.maximumf %add3A_156, %max3A_158 : vector<16xf32>
        %swap3A_160 = arith.index_cast %scan3A_116 : i32 to index
        %swap3A_161 = arith.constant 32 : index
        %swap3A_162 = tpu.vector_load %arg13[%swap3A_160, %swap3A_161] {strides = array<i32>} : memref<64x128xf32, #tpu.memory_space<vmem>>, vector<1x16xf32>,
        %swap3A_163 = vector.shape_cast %swap3A_162 : vector<1x16xf32> to vector<16xf32>
        %swap3A_164 = vector.shape_cast %max3A_159 : vector<16xf32> to vector<1x16xf32>
        tpu.vector_store %arg13[%swap3A_160, %swap3A_161], %swap3A_164 {strides = array<i32>} : memref<64x128xf32, #tpu.memory_space<vmem>>, vector<1x16xf32>,
        %get3A_165 = arith.index_cast %scan3A_116 : i32 to index
        %get3A_166 = arith.constant 48 : index
        %get3A_167 = tpu.vector_load %arg12[%get3A_165, %get3A_166] {strides = array<i32>} : memref<64x128xf32, #tpu.memory_space<vmem>>, vector<1x16xf32>,
        %get3A_168 = vector.shape_cast %get3A_167 : vector<1x16xf32> to vector<16xf32>
        %get3A_169 = arith.index_cast %scan3A_116 : i32 to index
        %get3A_170 = arith.constant 48 : index
        %get3A_171 = tpu.vector_load %arg13[%get3A_169, %get3A_170] {strides = array<i32>} : memref<64x128xf32, #tpu.memory_space<vmem>>, vector<1x16xf32>,
        %get3A_172 = vector.shape_cast %get3A_171 : vector<1x16xf32> to vector<16xf32>
        %add3A_173 = arith.addf %get3A_168, %get3A_172 : vector<16xf32>
        %max3A_174 = arith.constant 0.000000e+00 : f32
        %max3A_175 = vector.broadcast %max3A_174 : f32 to vector<16xf32>
        %max3A_176 = arith.maximumf %add3A_173, %max3A_175 : vector<16xf32>
        %swap3A_177 = arith.index_cast %scan3A_116 : i32 to index
        %swap3A_178 = arith.constant 48 : index
        %swap3A_179 = tpu.vector_load %arg13[%swap3A_177, %swap3A_178] {strides = array<i32>} : memref<64x128xf32, #tpu.memory_space<vmem>>, vector<1x16xf32>,
        %swap3A_180 = vector.shape_cast %swap3A_179 : vector<1x16xf32> to vector<16xf32>
        %swap3A_181 = vector.shape_cast %max3A_176 : vector<16xf32> to vector<1x16xf32>
        tpu.vector_store %arg13[%swap3A_177, %swap3A_178], %swap3A_181 {strides = array<i32>} : memref<64x128xf32, #tpu.memory_space<vmem>>, vector<1x16xf32>,
        %get3A_182 = arith.index_cast %scan3A_116 : i32 to index
        %get3A_183 = arith.constant 64 : index
        %get3A_184 = tpu.vector_load %arg12[%get3A_182, %get3A_183] {strides = array<i32>} : memref<64x128xf32, #tpu.memory_space<vmem>>, vector<1x16xf32>,
        %get3A_185 = vector.shape_cast %get3A_184 : vector<1x16xf32> to vector<16xf32>
        %get3A_186 = arith.index_cast %scan3A_116 : i32 to index
        %get3A_187 = arith.constant 64 : index
        %get3A_188 = tpu.vector_load %arg13[%get3A_186, %get3A_187] {strides = array<i32>} : memref<64x128xf32, #tpu.memory_space<vmem>>, vector<1x16xf32>,
        %get3A_189 = vector.shape_cast %get3A_188 : vector<1x16xf32> to vector<16xf32>
        %add3A_190 = arith.addf %get3A_185, %get3A_189 : vector<16xf32>
        %max3A_191 = arith.constant 0.000000e+00 : f32
        %max3A_192 = vector.broadcast %max3A_191 : f32 to vector<16xf32>
        %max3A_193 = arith.maximumf %add3A_190, %max3A_192 : vector<16xf32>
        %swap3A_194 = arith.index_cast %scan3A_116 : i32 to index
        %swap3A_195 = arith.constant 64 : index
        %swap3A_196 = tpu.vector_load %arg13[%swap3A_194, %swap3A_195] {strides = array<i32>} : memref<64x128xf32, #tpu.memory_space<vmem>>, vector<1x16xf32>,
        %swap3A_197 = vector.shape_cast %swap3A_196 : vector<1x16xf32> to vector<16xf32>
        %swap3A_198 = vector.shape_cast %max3A_193 : vector<16xf32> to vector<1x16xf32>
        tpu.vector_store %arg13[%swap3A_194, %swap3A_195], %swap3A_198 {strides = array<i32>} : memref<64x128xf32, #tpu.memory_space<vmem>>, vector<1x16xf32>,
        %get3A_199 = arith.index_cast %scan3A_116 : i32 to index
        %get3A_200 = arith.constant 80 : index
        %get3A_201 = tpu.vector_load %arg12[%get3A_199, %get3A_200] {strides = array<i32>} : memref<64x128xf32, #tpu.memory_space<vmem>>, vector<1x16xf32>,
        %get3A_202 = vector.shape_cast %get3A_201 : vector<1x16xf32> to vector<16xf32>
        %get3A_203 = arith.index_cast %scan3A_116 : i32 to index
        %get3A_204 = arith.constant 80 : index
        %get3A_205 = tpu.vector_load %arg13[%get3A_203, %get3A_204] {strides = array<i32>} : memref<64x128xf32, #tpu.memory_space<vmem>>, vector<1x16xf32>,
        %get3A_206 = vector.shape_cast %get3A_205 : vector<1x16xf32> to vector<16xf32>
        %add3A_207 = arith.addf %get3A_202, %get3A_206 : vector<16xf32>
        %max3A_208 = arith.constant 0.000000e+00 : f32
        %max3A_209 = vector.broadcast %max3A_208 : f32 to vector<16xf32>
        %max3A_210 = arith.maximumf %add3A_207, %max3A_209 : vector<16xf32>
        %swap3A_211 = arith.index_cast %scan3A_116 : i32 to index
        %swap3A_212 = arith.constant 80 : index
        %swap3A_213 = tpu.vector_load %arg13[%swap3A_211, %swap3A_212] {strides = array<i32>} : memref<64x128xf32, #tpu.memory_space<vmem>>, vector<1x16xf32>,
        %swap3A_214 = vector.shape_cast %swap3A_213 : vector<1x16xf32> to vector<16xf32>
        %swap3A_215 = vector.shape_cast %max3A_210 : vector<16xf32> to vector<1x16xf32>
        tpu.vector_store %arg13[%swap3A_211, %swap3A_212], %swap3A_215 {strides = array<i32>} : memref<64x128xf32, #tpu.memory_space<vmem>>, vector<1x16xf32>,
        %get3A_216 = arith.index_cast %scan3A_116 : i32 to index
        %get3A_217 = arith.constant 96 : index
        %get3A_218 = tpu.vector_load %arg12[%get3A_216, %get3A_217] {strides = array<i32>} : memref<64x128xf32, #tpu.memory_space<vmem>>, vector<1x16xf32>,
        %get3A_219 = vector.shape_cast %get3A_218 : vector<1x16xf32> to vector<16xf32>
        %get3A_220 = arith.index_cast %scan3A_116 : i32 to index
        %get3A_221 = arith.constant 96 : index
        %get3A_222 = tpu.vector_load %arg13[%get3A_220, %get3A_221] {strides = array<i32>} : memref<64x128xf32, #tpu.memory_space<vmem>>, vector<1x16xf32>,
        %get3A_223 = vector.shape_cast %get3A_222 : vector<1x16xf32> to vector<16xf32>
        %add3A_224 = arith.addf %get3A_219, %get3A_223 : vector<16xf32>
        %max3A_225 = arith.constant 0.000000e+00 : f32
        %max3A_226 = vector.broadcast %max3A_225 : f32 to vector<16xf32>
        %max3A_227 = arith.maximumf %add3A_224, %max3A_226 : vector<16xf32>
        %swap3A_228 = arith.index_cast %scan3A_116 : i32 to index
        %swap3A_229 = arith.constant 96 : index
        %swap3A_230 = tpu.vector_load %arg13[%swap3A_228, %swap3A_229] {strides = array<i32>} : memref<64x128xf32, #tpu.memory_space<vmem>>, vector<1x16xf32>,
        %swap3A_231 = vector.shape_cast %swap3A_230 : vector<1x16xf32> to vector<16xf32>
        %swap3A_232 = vector.shape_cast %max3A_227 : vector<16xf32> to vector<1x16xf32>
        tpu.vector_store %arg13[%swap3A_228, %swap3A_229], %swap3A_232 {strides = array<i32>} : memref<64x128xf32, #tpu.memory_space<vmem>>, vector<1x16xf32>,
        %get3A_233 = arith.index_cast %scan3A_116 : i32 to index
        %get3A_234 = arith.constant 112 : index
        %get3A_235 = tpu.vector_load %arg12[%get3A_233, %get3A_234] {strides = array<i32>} : memref<64x128xf32, #tpu.memory_space<vmem>>, vector<1x16xf32>,
        %get3A_236 = vector.shape_cast %get3A_235 : vector<1x16xf32> to vector<16xf32>
        %get3A_237 = arith.index_cast %scan3A_116 : i32 to index
        %get3A_238 = arith.constant 112 : index
        %get3A_239 = tpu.vector_load %arg13[%get3A_237, %get3A_238] {strides = array<i32>} : memref<64x128xf32, #tpu.memory_space<vmem>>, vector<1x16xf32>,
        %get3A_240 = vector.shape_cast %get3A_239 : vector<1x16xf32> to vector<16xf32>
        %add3A_241 = arith.addf %get3A_236, %get3A_240 : vector<16xf32>
        %max3A_242 = arith.constant 0.000000e+00 : f32
        %max3A_243 = vector.broadcast %max3A_242 : f32 to vector<16xf32>
        %max3A_244 = arith.maximumf %add3A_241, %max3A_243 : vector<16xf32>
        %swap3A_245 = arith.index_cast %scan3A_116 : i32 to index
        %swap3A_246 = arith.constant 112 : index
        %swap3A_247 = tpu.vector_load %arg13[%swap3A_245, %swap3A_246] {strides = array<i32>} : memref<64x128xf32, #tpu.memory_space<vmem>>, vector<1x16xf32>,
        %swap3A_248 = vector.shape_cast %swap3A_247 : vector<1x16xf32> to vector<16xf32>
        %swap3A_249 = vector.shape_cast %max3A_244 : vector<16xf32> to vector<1x16xf32>
        tpu.vector_store %arg13[%swap3A_245, %swap3A_246], %swap3A_249 {strides = array<i32>} : memref<64x128xf32, #tpu.memory_space<vmem>>, vector<1x16xf32>,
      }
      %scan3A_114 = arith.constant 64 : i32
      %run_scoped3A_115 = arith.constant 39 : i32
      "tpu.region"() ({
        %run_scoped3A_116 = tpu.sem_alloc : memref<!tpu.dma_semaphore, #tpu.memory_space<semaphore_mem>>
        %dma_start3A_117 = arith.constant 0 : i32
        %dma_start3A_118 = tpu.memref_slice %arg9[%run_scoped3A_115, %dma_start3A_117] : memref<40x64xi32, #tpu.memory_space<vmem>> -> memref<1x64xi32, #tpu.memory_space<vmem>>
        %dma_start3A_119 = tpu.memref_squeeze %dma_start3A_118 : memref<1x64xi32, #tpu.memory_space<vmem>> -> memref<64xi32, #tpu.memory_space<vmem>>
        %dma_start3A_120 = arith.constant 0 : i32
        %dma_start3A_121 = arith.constant 0 : i32
        %dma_start3A_122 = tpu.memref_slice %arg16[%dma_start3A_120, %dma_start3A_121] : memref<10240x128xf32, #tpu.memory_space<vmem_shared>> -> memref<10240x128xf32, #tpu.memory_space<vmem_shared>>
        tpu.enqueue_indirect_dma source(%arg13 : memref<64x128xf32, #tpu.memory_space<vmem>>) target(%dma_start3A_122 : memref<10240x128xf32, #tpu.memory_space<vmem_shared>>) offsets(%dma_start3A_119 : memref<64xi32, #tpu.memory_space<vmem>>) semaphore(%run_scoped3A_116 : memref<!tpu.dma_semaphore, #tpu.memory_space<semaphore_mem>>) {add = true}
        %dma_wait3A_123 = arith.constant 0 : i32
        %dma_wait3A_124 = tpu.memref_slice %arg9[%run_scoped3A_115, %dma_wait3A_123] : memref<40x64xi32, #tpu.memory_space<vmem>> -> memref<1x64xi32, #tpu.memory_space<vmem>>
        %dma_wait3A_125 = tpu.memref_squeeze %dma_wait3A_124 : memref<1x64xi32, #tpu.memory_space<vmem>> -> memref<64xi32, #tpu.memory_space<vmem>>
        %dma_wait3A_126 = arith.constant 0 : i32
        %dma_wait3A_127 = arith.constant 0 : i32
        %dma_wait3A_128 = tpu.memref_slice %arg16[%dma_wait3A_126, %dma_wait3A_127] : memref<10240x128xf32, #tpu.memory_space<vmem_shared>> -> memref<10240x128xf32, #tpu.memory_space<vmem_shared>>
        tpu.wait_indirect_dma semaphore(%run_scoped3A_116 : memref<!tpu.dma_semaphore, #tpu.memory_space<semaphore_mem>>) src(%arg13 : memref<64x128xf32, #tpu.memory_space<vmem>>) dst(%dma_wait3A_128 : memref<10240x128xf32, #tpu.memory_space<vmem_shared>>)
        tpu.yield
      }) : () -> ()
    }
    %while3A_36 = arith.constant 1 : i32
    scf.for %while3A_42 = %while3A_34 to %while3A_30 step %while3A_36  : i32 {
      %mul3A_43 = arith.constant 40 : i32
      %mul3A_44 = arith.muli %while3A_42, %mul3A_43 : i32
      %add3A_45 = arith.addi %add3A, %mul3A_44 : i32
      %mul3A_46 = arith.constant 64 : i32
      %mul3A_47 = arith.muli %add3A_45, %mul3A_46 : i32
      "tpu.region"() ({
        %run_scoped3A_116 = tpu.sem_alloc : memref<!tpu.dma_semaphore, #tpu.memory_space<semaphore_mem>>
        %dma_start3A_117 = arith.constant 0 : i32
        %dma_start3A_118 = tpu.memref_slice %arg4[%add3A_45, %dma_start3A_117] : memref<5120x64xi32, #tpu.memory_space<hbm>> -> memref<40x64xi32, #tpu.memory_space<hbm>>
        %dma_start3A_119 = arith.constant 0 : i32
        %dma_start3A_120 = tpu.memref_slice %arg4[%add3A_45, %dma_start3A_119] : memref<5120x64xi32, #tpu.memory_space<hbm>> -> memref<40x64xi32, #tpu.memory_space<hbm>>
        tpu.enqueue_dma source(%dma_start3A_120 : memref<40x64xi32, #tpu.memory_space<hbm>>) target(%arg8 : memref<40x64xi32, #tpu.memory_space<vmem>>) target_semaphore(%run_scoped3A_116 : memref<!tpu.dma_semaphore, #tpu.memory_space<semaphore_mem>>)
        %dma_wait3A_121 = arith.constant 0 : i32
        %dma_wait3A_122 = tpu.memref_slice %arg4[%add3A_45, %dma_wait3A_121] : memref<5120x64xi32, #tpu.memory_space<hbm>> -> memref<40x64xi32, #tpu.memory_space<hbm>>
        %dma_wait3A_123 = arith.constant 0 : i32
        %dma_wait3A_124 = tpu.memref_slice %arg4[%add3A_45, %dma_wait3A_123] : memref<5120x64xi32, #tpu.memory_space<hbm>> -> memref<40x64xi32, #tpu.memory_space<hbm>>
        tpu.wait_dma2 semaphore(%run_scoped3A_116 : memref<!tpu.dma_semaphore, #tpu.memory_space<semaphore_mem>>) src(%dma_wait3A_124 : memref<40x64xi32, #tpu.memory_space<hbm>>) dst(%arg8 : memref<40x64xi32, #tpu.memory_space<vmem>>)
        tpu.yield
      }) : () -> ()
      "tpu.region"() ({
        %run_scoped3A_116 = tpu.sem_alloc : memref<!tpu.dma_semaphore, #tpu.memory_space<semaphore_mem>>
        %dma_start3A_117 = arith.constant 0 : i32
        %dma_start3A_118 = tpu.memref_slice %arg5[%add3A_45, %dma_start3A_117] : memref<5120x64xi32, #tpu.memory_space<hbm>> -> memref<40x64xi32, #tpu.memory_space<hbm>>
        %dma_start3A_119 = arith.constant 0 : i32
        %dma_start3A_120 = tpu.memref_slice %arg5[%add3A_45, %dma_start3A_119] : memref<5120x64xi32, #tpu.memory_space<hbm>> -> memref<40x64xi32, #tpu.memory_space<hbm>>
        tpu.enqueue_dma source(%dma_start3A_120 : memref<40x64xi32, #tpu.memory_space<hbm>>) target(%arg9 : memref<40x64xi32, #tpu.memory_space<vmem>>) target_semaphore(%run_scoped3A_116 : memref<!tpu.dma_semaphore, #tpu.memory_space<semaphore_mem>>)
        %dma_wait3A_121 = arith.constant 0 : i32
        %dma_wait3A_122 = tpu.memref_slice %arg5[%add3A_45, %dma_wait3A_121] : memref<5120x64xi32, #tpu.memory_space<hbm>> -> memref<40x64xi32, #tpu.memory_space<hbm>>
        %dma_wait3A_123 = arith.constant 0 : i32
        %dma_wait3A_124 = tpu.memref_slice %arg5[%add3A_45, %dma_wait3A_123] : memref<5120x64xi32, #tpu.memory_space<hbm>> -> memref<40x64xi32, #tpu.memory_space<hbm>>
        tpu.wait_dma2 semaphore(%run_scoped3A_116 : memref<!tpu.dma_semaphore, #tpu.memory_space<semaphore_mem>>) src(%dma_wait3A_124 : memref<40x64xi32, #tpu.memory_space<hbm>>) dst(%arg9 : memref<40x64xi32, #tpu.memory_space<vmem>>)
        tpu.yield
      }) : () -> ()
      %dma_start3A = arith.constant 0 : i32
      %dma_start3A_48 = arith.constant 0 : i32
      %dma_start3A_49 = tpu.memref_slice %arg8[%dma_start3A, %dma_start3A_48] : memref<40x64xi32, #tpu.memory_space<vmem>> -> memref<1x64xi32, #tpu.memory_space<vmem>>
      %dma_start3A_50 = tpu.memref_squeeze %dma_start3A_49 : memref<1x64xi32, #tpu.memory_space<vmem>> -> memref<64xi32, #tpu.memory_space<vmem>>
      %dma_start3A_51 = arith.constant 0 : i32
      %dma_start3A_52 = arith.constant 0 : i32
      %dma_start3A_53 = tpu.memref_slice %arg2[%dma_start3A_51, %dma_start3A_52] : memref<10000x128xf32, #tpu.memory_space<hbm>> -> memref<10000x128xf32, #tpu.memory_space<hbm>>
      tpu.enqueue_indirect_dma source(%dma_start3A_53 : memref<10000x128xf32, #tpu.memory_space<hbm>>) target(%arg10 : memref<64x128xf32, #tpu.memory_space<vmem>>) offsets(%dma_start3A_50 : memref<64xi32, #tpu.memory_space<vmem>>) semaphore(%arg14 : memref<!tpu.dma_semaphore, #tpu.memory_space<semaphore_mem>>)
      %add3A_54 = arith.constant 0 : i32
      %add3A_55 = arith.addi %mul3A_47, %add3A_54 : i32
      %dma_start3A_56 = arith.constant 0 : i32
      %dma_start3A_57 = tpu.memref_slice %arg3[%add3A_55, %dma_start3A_56] : memref<327680x128xf32, #tpu.memory_space<hbm>> -> memref<64x128xf32, #tpu.memory_space<hbm>>
      %dma_start3A_58 = arith.constant 0 : i32
      %dma_start3A_59 = tpu.memref_slice %arg3[%add3A_55, %dma_start3A_58] : memref<327680x128xf32, #tpu.memory_space<hbm>> -> memref<64x128xf32, #tpu.memory_space<hbm>>
      tpu.enqueue_dma source(%dma_start3A_59 : memref<64x128xf32, #tpu.memory_space<hbm>>) target(%arg11 : memref<64x128xf32, #tpu.memory_space<vmem>>) target_semaphore(%arg14 : memref<!tpu.dma_semaphore, #tpu.memory_space<semaphore_mem>>)
      %scan3A = arith.constant 0 : i32
      %scan3A_60 = arith.constant 0 : i32
      %scan3A_61 = arith.constant 19 : i32
      %scan3A_62 = arith.addi %scan3A_60, %scan3A_61 : i32
      %scan3A_63 = arith.constant 1 : i32
      scf.for %scan3A_116 = %scan3A_60 to %scan3A_62 step %scan3A_63  : i32 {
        %mul3A_117 = arith.constant 2 : i32
        %mul3A_118 = arith.muli %mul3A_117, %scan3A_116 : i32
        %add3A_119 = arith.constant 1 : i32
        %add3A_120 = arith.addi %mul3A_118, %add3A_119 : i32
        %dma_start3A_121 = arith.constant 0 : i32
        %dma_start3A_122 = tpu.memref_slice %arg8[%add3A_120, %dma_start3A_121] : memref<40x64xi32, #tpu.memory_space<vmem>> -> memref<1x64xi32, #tpu.memory_space<vmem>>
        %dma_start3A_123 = tpu.memref_squeeze %dma_start3A_122 : memref<1x64xi32, #tpu.memory_space<vmem>> -> memref<64xi32, #tpu.memory_space<vmem>>
        %dma_start3A_124 = arith.constant 0 : i32
        %dma_start3A_125 = arith.constant 0 : i32
        %dma_start3A_126 = tpu.memref_slice %arg2[%dma_start3A_124, %dma_start3A_125] : memref<10000x128xf32, #tpu.memory_space<hbm>> -> memref<10000x128xf32, #tpu.memory_space<hbm>>
        tpu.enqueue_indirect_dma source(%dma_start3A_126 : memref<10000x128xf32, #tpu.memory_space<hbm>>) target(%arg12 : memref<64x128xf32, #tpu.memory_space<vmem>>) offsets(%dma_start3A_123 : memref<64xi32, #tpu.memory_space<vmem>>) semaphore(%arg15 : memref<!tpu.dma_semaphore, #tpu.memory_space<semaphore_mem>>)
        %mul3A_127 = arith.constant 64 : i32
        %mul3A_128 = arith.muli %add3A_120, %mul3A_127 : i32
        %add3A_129 = arith.addi %mul3A_47, %mul3A_128 : i32
        %dma_start3A_130 = arith.constant 0 : i32
        %dma_start3A_131 = tpu.memref_slice %arg3[%add3A_129, %dma_start3A_130] : memref<327680x128xf32, #tpu.memory_space<hbm>> -> memref<64x128xf32, #tpu.memory_space<hbm>>
        %dma_start3A_132 = arith.constant 0 : i32
        %dma_start3A_133 = tpu.memref_slice %arg3[%add3A_129, %dma_start3A_132] : memref<327680x128xf32, #tpu.memory_space<hbm>> -> memref<64x128xf32, #tpu.memory_space<hbm>>
        tpu.enqueue_dma source(%dma_start3A_133 : memref<64x128xf32, #tpu.memory_space<hbm>>) target(%arg13 : memref<64x128xf32, #tpu.memory_space<vmem>>) target_semaphore(%arg15 : memref<!tpu.dma_semaphore, #tpu.memory_space<semaphore_mem>>)
        %dma_wait3A_134 = arith.constant 0 : i32
        %dma_wait3A_135 = tpu.memref_slice %arg8[%mul3A_118, %dma_wait3A_134] : memref<40x64xi32, #tpu.memory_space<vmem>> -> memref<1x64xi32, #tpu.memory_space<vmem>>
        %dma_wait3A_136 = tpu.memref_squeeze %dma_wait3A_135 : memref<1x64xi32, #tpu.memory_space<vmem>> -> memref<64xi32, #tpu.memory_space<vmem>>
        %dma_wait3A_137 = arith.constant 0 : i32
        %dma_wait3A_138 = arith.constant 0 : i32
        %dma_wait3A_139 = tpu.memref_slice %arg2[%dma_wait3A_137, %dma_wait3A_138] : memref<10000x128xf32, #tpu.memory_space<hbm>> -> memref<10000x128xf32, #tpu.memory_space<hbm>>
        tpu.wait_indirect_dma semaphore(%arg14 : memref<!tpu.dma_semaphore, #tpu.memory_space<semaphore_mem>>) src(%dma_wait3A_139 : memref<10000x128xf32, #tpu.memory_space<hbm>>) dst(%arg10 : memref<64x128xf32, #tpu.memory_space<vmem>>)
        %mul3A_140 = arith.constant 64 : i32
        %mul3A_141 = arith.muli %mul3A_118, %mul3A_140 : i32
        %add3A_142 = arith.addi %mul3A_47, %mul3A_141 : i32
        %dma_wait3A_143 = arith.constant 0 : i32
        %dma_wait3A_144 = tpu.memref_slice %arg3[%add3A_142, %dma_wait3A_143] : memref<327680x128xf32, #tpu.memory_space<hbm>> -> memref<64x128xf32, #tpu.memory_space<hbm>>
        %dma_wait3A_145 = arith.constant 0 : i32
        %dma_wait3A_146 = tpu.memref_slice %arg3[%add3A_142, %dma_wait3A_145] : memref<327680x128xf32, #tpu.memory_space<hbm>> -> memref<64x128xf32, #tpu.memory_space<hbm>>
        tpu.wait_dma2 semaphore(%arg14 : memref<!tpu.dma_semaphore, #tpu.memory_space<semaphore_mem>>) src(%dma_wait3A_146 : memref<64x128xf32, #tpu.memory_space<hbm>>) dst(%arg11 : memref<64x128xf32, #tpu.memory_space<vmem>>)
        %scan3A_147 = arith.constant 0 : i32
        %scan3A_148 = arith.constant 0 : i32
        %scan3A_149 = arith.constant 64 : i32
        %scan3A_150 = arith.addi %scan3A_148, %scan3A_149 : i32
        %scan3A_151 = arith.constant 1 : i32
        scf.for %scan3A_191 = %scan3A_148 to %scan3A_150 step %scan3A_151  : i32 {
          %get3A = arith.index_cast %scan3A_191 : i32 to index
          %get3A_192 = arith.constant 0 : index
          %get3A_193 = tpu.vector_load %arg10[%get3A, %get3A_192] {strides = array<i32>} : memref<64x128xf32, #tpu.memory_space<vmem>>, vector<1x16xf32>,
          %get3A_194 = vector.shape_cast %get3A_193 : vector<1x16xf32> to vector<16xf32>
          %get3A_195 = arith.index_cast %scan3A_191 : i32 to index
          %get3A_196 = arith.constant 0 : index
          %get3A_197 = tpu.vector_load %arg11[%get3A_195, %get3A_196] {strides = array<i32>} : memref<64x128xf32, #tpu.memory_space<vmem>>, vector<1x16xf32>,
          %get3A_198 = vector.shape_cast %get3A_197 : vector<1x16xf32> to vector<16xf32>
          %add3A_199 = arith.addf %get3A_194, %get3A_198 : vector<16xf32>
          %max3A = arith.constant 0.000000e+00 : f32
          %max3A_200 = vector.broadcast %max3A : f32 to vector<16xf32>
          %max3A_201 = arith.maximumf %add3A_199, %max3A_200 : vector<16xf32>
          %swap3A = arith.index_cast %scan3A_191 : i32 to index
          %swap3A_202 = arith.constant 0 : index
          %swap3A_203 = tpu.vector_load %arg11[%swap3A, %swap3A_202] {strides = array<i32>} : memref<64x128xf32, #tpu.memory_space<vmem>>, vector<1x16xf32>,
          %swap3A_204 = vector.shape_cast %swap3A_203 : vector<1x16xf32> to vector<16xf32>
          %swap3A_205 = vector.shape_cast %max3A_201 : vector<16xf32> to vector<1x16xf32>
          tpu.vector_store %arg11[%swap3A, %swap3A_202], %swap3A_205 {strides = array<i32>} : memref<64x128xf32, #tpu.memory_space<vmem>>, vector<1x16xf32>,
          %get3A_206 = arith.index_cast %scan3A_191 : i32 to index
          %get3A_207 = arith.constant 16 : index
          %get3A_208 = tpu.vector_load %arg10[%get3A_206, %get3A_207] {strides = array<i32>} : memref<64x128xf32, #tpu.memory_space<vmem>>, vector<1x16xf32>,
          %get3A_209 = vector.shape_cast %get3A_208 : vector<1x16xf32> to vector<16xf32>
          %get3A_210 = arith.index_cast %scan3A_191 : i32 to index
          %get3A_211 = arith.constant 16 : index
          %get3A_212 = tpu.vector_load %arg11[%get3A_210, %get3A_211] {strides = array<i32>} : memref<64x128xf32, #tpu.memory_space<vmem>>, vector<1x16xf32>,
          %get3A_213 = vector.shape_cast %get3A_212 : vector<1x16xf32> to vector<16xf32>
          %add3A_214 = arith.addf %get3A_209, %get3A_213 : vector<16xf32>
          %max3A_215 = arith.constant 0.000000e+00 : f32
          %max3A_216 = vector.broadcast %max3A_215 : f32 to vector<16xf32>
          %max3A_217 = arith.maximumf %add3A_214, %max3A_216 : vector<16xf32>
          %swap3A_218 = arith.index_cast %scan3A_191 : i32 to index
          %swap3A_219 = arith.constant 16 : index
          %swap3A_220 = tpu.vector_load %arg11[%swap3A_218, %swap3A_219] {strides = array<i32>} : memref<64x128xf32, #tpu.memory_space<vmem>>, vector<1x16xf32>,
          %swap3A_221 = vector.shape_cast %swap3A_220 : vector<1x16xf32> to vector<16xf32>
          %swap3A_222 = vector.shape_cast %max3A_217 : vector<16xf32> to vector<1x16xf32>
          tpu.vector_store %arg11[%swap3A_218, %swap3A_219], %swap3A_222 {strides = array<i32>} : memref<64x128xf32, #tpu.memory_space<vmem>>, vector<1x16xf32>,
          %get3A_223 = arith.index_cast %scan3A_191 : i32 to index
          %get3A_224 = arith.constant 32 : index
          %get3A_225 = tpu.vector_load %arg10[%get3A_223, %get3A_224] {strides = array<i32>} : memref<64x128xf32, #tpu.memory_space<vmem>>, vector<1x16xf32>,
          %get3A_226 = vector.shape_cast %get3A_225 : vector<1x16xf32> to vector<16xf32>
          %get3A_227 = arith.index_cast %scan3A_191 : i32 to index
          %get3A_228 = arith.constant 32 : index
          %get3A_229 = tpu.vector_load %arg11[%get3A_227, %get3A_228] {strides = array<i32>} : memref<64x128xf32, #tpu.memory_space<vmem>>, vector<1x16xf32>,
          %get3A_230 = vector.shape_cast %get3A_229 : vector<1x16xf32> to vector<16xf32>
          %add3A_231 = arith.addf %get3A_226, %get3A_230 : vector<16xf32>
          %max3A_232 = arith.constant 0.000000e+00 : f32
          %max3A_233 = vector.broadcast %max3A_232 : f32 to vector<16xf32>
          %max3A_234 = arith.maximumf %add3A_231, %max3A_233 : vector<16xf32>
          %swap3A_235 = arith.index_cast %scan3A_191 : i32 to index
          %swap3A_236 = arith.constant 32 : index
          %swap3A_237 = tpu.vector_load %arg11[%swap3A_235, %swap3A_236] {strides = array<i32>} : memref<64x128xf32, #tpu.memory_space<vmem>>, vector<1x16xf32>,
          %swap3A_238 = vector.shape_cast %swap3A_237 : vector<1x16xf32> to vector<16xf32>
          %swap3A_239 = vector.shape_cast %max3A_234 : vector<16xf32> to vector<1x16xf32>
          tpu.vector_store %arg11[%swap3A_235, %swap3A_236], %swap3A_239 {strides = array<i32>} : memref<64x128xf32, #tpu.memory_space<vmem>>, vector<1x16xf32>,
          %get3A_240 = arith.index_cast %scan3A_191 : i32 to index
          %get3A_241 = arith.constant 48 : index
          %get3A_242 = tpu.vector_load %arg10[%get3A_240, %get3A_241] {strides = array<i32>} : memref<64x128xf32, #tpu.memory_space<vmem>>, vector<1x16xf32>,
          %get3A_243 = vector.shape_cast %get3A_242 : vector<1x16xf32> to vector<16xf32>
          %get3A_244 = arith.index_cast %scan3A_191 : i32 to index
          %get3A_245 = arith.constant 48 : index
          %get3A_246 = tpu.vector_load %arg11[%get3A_244, %get3A_245] {strides = array<i32>} : memref<64x128xf32, #tpu.memory_space<vmem>>, vector<1x16xf32>,
          %get3A_247 = vector.shape_cast %get3A_246 : vector<1x16xf32> to vector<16xf32>
          %add3A_248 = arith.addf %get3A_243, %get3A_247 : vector<16xf32>
          %max3A_249 = arith.constant 0.000000e+00 : f32
          %max3A_250 = vector.broadcast %max3A_249 : f32 to vector<16xf32>
          %max3A_251 = arith.maximumf %add3A_248, %max3A_250 : vector<16xf32>
          %swap3A_252 = arith.index_cast %scan3A_191 : i32 to index
          %swap3A_253 = arith.constant 48 : index
          %swap3A_254 = tpu.vector_load %arg11[%swap3A_252, %swap3A_253] {strides = array<i32>} : memref<64x128xf32, #tpu.memory_space<vmem>>, vector<1x16xf32>,
          %swap3A_255 = vector.shape_cast %swap3A_254 : vector<1x16xf32> to vector<16xf32>
          %swap3A_256 = vector.shape_cast %max3A_251 : vector<16xf32> to vector<1x16xf32>
          tpu.vector_store %arg11[%swap3A_252, %swap3A_253], %swap3A_256 {strides = array<i32>} : memref<64x128xf32, #tpu.memory_space<vmem>>, vector<1x16xf32>,
          %get3A_257 = arith.index_cast %scan3A_191 : i32 to index
          %get3A_258 = arith.constant 64 : index
          %get3A_259 = tpu.vector_load %arg10[%get3A_257, %get3A_258] {strides = array<i32>} : memref<64x128xf32, #tpu.memory_space<vmem>>, vector<1x16xf32>,
          %get3A_260 = vector.shape_cast %get3A_259 : vector<1x16xf32> to vector<16xf32>
          %get3A_261 = arith.index_cast %scan3A_191 : i32 to index
          %get3A_262 = arith.constant 64 : index
          %get3A_263 = tpu.vector_load %arg11[%get3A_261, %get3A_262] {strides = array<i32>} : memref<64x128xf32, #tpu.memory_space<vmem>>, vector<1x16xf32>,
          %get3A_264 = vector.shape_cast %get3A_263 : vector<1x16xf32> to vector<16xf32>
          %add3A_265 = arith.addf %get3A_260, %get3A_264 : vector<16xf32>
          %max3A_266 = arith.constant 0.000000e+00 : f32
          %max3A_267 = vector.broadcast %max3A_266 : f32 to vector<16xf32>
          %max3A_268 = arith.maximumf %add3A_265, %max3A_267 : vector<16xf32>
          %swap3A_269 = arith.index_cast %scan3A_191 : i32 to index
          %swap3A_270 = arith.constant 64 : index
          %swap3A_271 = tpu.vector_load %arg11[%swap3A_269, %swap3A_270] {strides = array<i32>} : memref<64x128xf32, #tpu.memory_space<vmem>>, vector<1x16xf32>,
          %swap3A_272 = vector.shape_cast %swap3A_271 : vector<1x16xf32> to vector<16xf32>
          %swap3A_273 = vector.shape_cast %max3A_268 : vector<16xf32> to vector<1x16xf32>
          tpu.vector_store %arg11[%swap3A_269, %swap3A_270], %swap3A_273 {strides = array<i32>} : memref<64x128xf32, #tpu.memory_space<vmem>>, vector<1x16xf32>,
          %get3A_274 = arith.index_cast %scan3A_191 : i32 to index
          %get3A_275 = arith.constant 80 : index
          %get3A_276 = tpu.vector_load %arg10[%get3A_274, %get3A_275] {strides = array<i32>} : memref<64x128xf32, #tpu.memory_space<vmem>>, vector<1x16xf32>,
          %get3A_277 = vector.shape_cast %get3A_276 : vector<1x16xf32> to vector<16xf32>
          %get3A_278 = arith.index_cast %scan3A_191 : i32 to index
          %get3A_279 = arith.constant 80 : index
          %get3A_280 = tpu.vector_load %arg11[%get3A_278, %get3A_279] {strides = array<i32>} : memref<64x128xf32, #tpu.memory_space<vmem>>, vector<1x16xf32>,
          %get3A_281 = vector.shape_cast %get3A_280 : vector<1x16xf32> to vector<16xf32>
          %add3A_282 = arith.addf %get3A_277, %get3A_281 : vector<16xf32>
          %max3A_283 = arith.constant 0.000000e+00 : f32
          %max3A_284 = vector.broadcast %max3A_283 : f32 to vector<16xf32>
          %max3A_285 = arith.maximumf %add3A_282, %max3A_284 : vector<16xf32>
          %swap3A_286 = arith.index_cast %scan3A_191 : i32 to index
          %swap3A_287 = arith.constant 80 : index
          %swap3A_288 = tpu.vector_load %arg11[%swap3A_286, %swap3A_287] {strides = array<i32>} : memref<64x128xf32, #tpu.memory_space<vmem>>, vector<1x16xf32>,
          %swap3A_289 = vector.shape_cast %swap3A_288 : vector<1x16xf32> to vector<16xf32>
          %swap3A_290 = vector.shape_cast %max3A_285 : vector<16xf32> to vector<1x16xf32>
          tpu.vector_store %arg11[%swap3A_286, %swap3A_287], %swap3A_290 {strides = array<i32>} : memref<64x128xf32, #tpu.memory_space<vmem>>, vector<1x16xf32>,
          %get3A_291 = arith.index_cast %scan3A_191 : i32 to index
          %get3A_292 = arith.constant 96 : index
          %get3A_293 = tpu.vector_load %arg10[%get3A_291, %get3A_292] {strides = array<i32>} : memref<64x128xf32, #tpu.memory_space<vmem>>, vector<1x16xf32>,
          %get3A_294 = vector.shape_cast %get3A_293 : vector<1x16xf32> to vector<16xf32>
          %get3A_295 = arith.index_cast %scan3A_191 : i32 to index
          %get3A_296 = arith.constant 96 : index
          %get3A_297 = tpu.vector_load %arg11[%get3A_295, %get3A_296] {strides = array<i32>} : memref<64x128xf32, #tpu.memory_space<vmem>>, vector<1x16xf32>,
          %get3A_298 = vector.shape_cast %get3A_297 : vector<1x16xf32> to vector<16xf32>
          %add3A_299 = arith.addf %get3A_294, %get3A_298 : vector<16xf32>
          %max3A_300 = arith.constant 0.000000e+00 : f32
          %max3A_301 = vector.broadcast %max3A_300 : f32 to vector<16xf32>
          %max3A_302 = arith.maximumf %add3A_299, %max3A_301 : vector<16xf32>
          %swap3A_303 = arith.index_cast %scan3A_191 : i32 to index
          %swap3A_304 = arith.constant 96 : index
          %swap3A_305 = tpu.vector_load %arg11[%swap3A_303, %swap3A_304] {strides = array<i32>} : memref<64x128xf32, #tpu.memory_space<vmem>>, vector<1x16xf32>,
          %swap3A_306 = vector.shape_cast %swap3A_305 : vector<1x16xf32> to vector<16xf32>
          %swap3A_307 = vector.shape_cast %max3A_302 : vector<16xf32> to vector<1x16xf32>
          tpu.vector_store %arg11[%swap3A_303, %swap3A_304], %swap3A_307 {strides = array<i32>} : memref<64x128xf32, #tpu.memory_space<vmem>>, vector<1x16xf32>,
          %get3A_308 = arith.index_cast %scan3A_191 : i32 to index
          %get3A_309 = arith.constant 112 : index
          %get3A_310 = tpu.vector_load %arg10[%get3A_308, %get3A_309] {strides = array<i32>} : memref<64x128xf32, #tpu.memory_space<vmem>>, vector<1x16xf32>,
          %get3A_311 = vector.shape_cast %get3A_310 : vector<1x16xf32> to vector<16xf32>
          %get3A_312 = arith.index_cast %scan3A_191 : i32 to index
          %get3A_313 = arith.constant 112 : index
          %get3A_314 = tpu.vector_load %arg11[%get3A_312, %get3A_313] {strides = array<i32>} : memref<64x128xf32, #tpu.memory_space<vmem>>, vector<1x16xf32>,
          %get3A_315 = vector.shape_cast %get3A_314 : vector<1x16xf32> to vector<16xf32>
          %add3A_316 = arith.addf %get3A_311, %get3A_315 : vector<16xf32>
          %max3A_317 = arith.constant 0.000000e+00 : f32
          %max3A_318 = vector.broadcast %max3A_317 : f32 to vector<16xf32>
          %max3A_319 = arith.maximumf %add3A_316, %max3A_318 : vector<16xf32>
          %swap3A_320 = arith.index_cast %scan3A_191 : i32 to index
          %swap3A_321 = arith.constant 112 : index
          %swap3A_322 = tpu.vector_load %arg11[%swap3A_320, %swap3A_321] {strides = array<i32>} : memref<64x128xf32, #tpu.memory_space<vmem>>, vector<1x16xf32>,
          %swap3A_323 = vector.shape_cast %swap3A_322 : vector<1x16xf32> to vector<16xf32>
          %swap3A_324 = vector.shape_cast %max3A_319 : vector<16xf32> to vector<1x16xf32>
          tpu.vector_store %arg11[%swap3A_320, %swap3A_321], %swap3A_324 {strides = array<i32>} : memref<64x128xf32, #tpu.memory_space<vmem>>, vector<1x16xf32>,
        }
        %scan3A_152 = arith.constant 64 : i32
        "tpu.region"() ({
          %run_scoped3A_191 = tpu.sem_alloc : memref<!tpu.dma_semaphore, #tpu.memory_space<semaphore_mem>>
          %dma_start3A_192 = arith.constant 0 : i32
          %dma_start3A_193 = tpu.memref_slice %arg9[%mul3A_118, %dma_start3A_192] : memref<40x64xi32, #tpu.memory_space<vmem>> -> memref<1x64xi32, #tpu.memory_space<vmem>>
          %dma_start3A_194 = tpu.memref_squeeze %dma_start3A_193 : memref<1x64xi32, #tpu.memory_space<vmem>> -> memref<64xi32, #tpu.memory_space<vmem>>
          %dma_start3A_195 = arith.constant 0 : i32
          %dma_start3A_196 = arith.constant 0 : i32
          %dma_start3A_197 = tpu.memref_slice %arg16[%dma_start3A_195, %dma_start3A_196] : memref<10240x128xf32, #tpu.memory_space<vmem_shared>> -> memref<10240x128xf32, #tpu.memory_space<vmem_shared>>
          tpu.enqueue_indirect_dma source(%arg11 : memref<64x128xf32, #tpu.memory_space<vmem>>) target(%dma_start3A_197 : memref<10240x128xf32, #tpu.memory_space<vmem_shared>>) offsets(%dma_start3A_194 : memref<64xi32, #tpu.memory_space<vmem>>) semaphore(%run_scoped3A_191 : memref<!tpu.dma_semaphore, #tpu.memory_space<semaphore_mem>>) {add = true}
          %dma_wait3A_198 = arith.constant 0 : i32
          %dma_wait3A_199 = tpu.memref_slice %arg9[%mul3A_118, %dma_wait3A_198] : memref<40x64xi32, #tpu.memory_space<vmem>> -> memref<1x64xi32, #tpu.memory_space<vmem>>
          %dma_wait3A_200 = tpu.memref_squeeze %dma_wait3A_199 : memref<1x64xi32, #tpu.memory_space<vmem>> -> memref<64xi32, #tpu.memory_space<vmem>>
          %dma_wait3A_201 = arith.constant 0 : i32
          %dma_wait3A_202 = arith.constant 0 : i32
          %dma_wait3A_203 = tpu.memref_slice %arg16[%dma_wait3A_201, %dma_wait3A_202] : memref<10240x128xf32, #tpu.memory_space<vmem_shared>> -> memref<10240x128xf32, #tpu.memory_space<vmem_shared>>
          tpu.wait_indirect_dma semaphore(%run_scoped3A_191 : memref<!tpu.dma_semaphore, #tpu.memory_space<semaphore_mem>>) src(%arg11 : memref<64x128xf32, #tpu.memory_space<vmem>>) dst(%dma_wait3A_203 : memref<10240x128xf32, #tpu.memory_space<vmem_shared>>)
          tpu.yield
        }) : () -> ()
        %add3A_153 = arith.constant 2 : i32
        %add3A_154 = arith.addi %mul3A_118, %add3A_153 : i32
        %dma_start3A_155 = arith.constant 0 : i32
        %dma_start3A_156 = tpu.memref_slice %arg8[%add3A_154, %dma_start3A_155] : memref<40x64xi32, #tpu.memory_space<vmem>> -> memref<1x64xi32, #tpu.memory_space<vmem>>
        %dma_start3A_157 = tpu.memref_squeeze %dma_start3A_156 : memref<1x64xi32, #tpu.memory_space<vmem>> -> memref<64xi32, #tpu.memory_space<vmem>>
        %dma_start3A_158 = arith.constant 0 : i32
        %dma_start3A_159 = arith.constant 0 : i32
        %dma_start3A_160 = tpu.memref_slice %arg2[%dma_start3A_158, %dma_start3A_159] : memref<10000x128xf32, #tpu.memory_space<hbm>> -> memref<10000x128xf32, #tpu.memory_space<hbm>>
        tpu.enqueue_indirect_dma source(%dma_start3A_160 : memref<10000x128xf32, #tpu.memory_space<hbm>>) target(%arg10 : memref<64x128xf32, #tpu.memory_space<vmem>>) offsets(%dma_start3A_157 : memref<64xi32, #tpu.memory_space<vmem>>) semaphore(%arg14 : memref<!tpu.dma_semaphore, #tpu.memory_space<semaphore_mem>>)
        %mul3A_161 = arith.constant 64 : i32
        %mul3A_162 = arith.muli %add3A_154, %mul3A_161 : i32
        %add3A_163 = arith.addi %mul3A_47, %mul3A_162 : i32
        %dma_start3A_164 = arith.constant 0 : i32
        %dma_start3A_165 = tpu.memref_slice %arg3[%add3A_163, %dma_start3A_164] : memref<327680x128xf32, #tpu.memory_space<hbm>> -> memref<64x128xf32, #tpu.memory_space<hbm>>
        %dma_start3A_166 = arith.constant 0 : i32
        %dma_start3A_167 = tpu.memref_slice %arg3[%add3A_163, %dma_start3A_166] : memref<327680x128xf32, #tpu.memory_space<hbm>> -> memref<64x128xf32, #tpu.memory_space<hbm>>
        tpu.enqueue_dma source(%dma_start3A_167 : memref<64x128xf32, #tpu.memory_space<hbm>>) target(%arg11 : memref<64x128xf32, #tpu.memory_space<vmem>>) target_semaphore(%arg14 : memref<!tpu.dma_semaphore, #tpu.memory_space<semaphore_mem>>)
        %add3A_168 = arith.constant 1 : i32
        %add3A_169 = arith.addi %mul3A_118, %add3A_168 : i32
        %dma_wait3A_170 = arith.constant 0 : i32
        %dma_wait3A_171 = tpu.memref_slice %arg8[%add3A_169, %dma_wait3A_170] : memref<40x64xi32, #tpu.memory_space<vmem>> -> memref<1x64xi32, #tpu.memory_space<vmem>>
        %dma_wait3A_172 = tpu.memref_squeeze %dma_wait3A_171 : memref<1x64xi32, #tpu.memory_space<vmem>> -> memref<64xi32, #tpu.memory_space<vmem>>
        %dma_wait3A_173 = arith.constant 0 : i32
        %dma_wait3A_174 = arith.constant 0 : i32
        %dma_wait3A_175 = tpu.memref_slice %arg2[%dma_wait3A_173, %dma_wait3A_174] : memref<10000x128xf32, #tpu.memory_space<hbm>> -> memref<10000x128xf32, #tpu.memory_space<hbm>>
        tpu.wait_indirect_dma semaphore(%arg15 : memref<!tpu.dma_semaphore, #tpu.memory_space<semaphore_mem>>) src(%dma_wait3A_175 : memref<10000x128xf32, #tpu.memory_space<hbm>>) dst(%arg12 : memref<64x128xf32, #tpu.memory_space<vmem>>)
        %mul3A_176 = arith.constant 64 : i32
        %mul3A_177 = arith.muli %add3A_169, %mul3A_176 : i32
        %add3A_178 = arith.addi %mul3A_47, %mul3A_177 : i32
        %dma_wait3A_179 = arith.constant 0 : i32
        %dma_wait3A_180 = tpu.memref_slice %arg3[%add3A_178, %dma_wait3A_179] : memref<327680x128xf32, #tpu.memory_space<hbm>> -> memref<64x128xf32, #tpu.memory_space<hbm>>
        %dma_wait3A_181 = arith.constant 0 : i32
        %dma_wait3A_182 = tpu.memref_slice %arg3[%add3A_178, %dma_wait3A_181] : memref<327680x128xf32, #tpu.memory_space<hbm>> -> memref<64x128xf32, #tpu.memory_space<hbm>>
        tpu.wait_dma2 semaphore(%arg15 : memref<!tpu.dma_semaphore, #tpu.memory_space<semaphore_mem>>) src(%dma_wait3A_182 : memref<64x128xf32, #tpu.memory_space<hbm>>) dst(%arg13 : memref<64x128xf32, #tpu.memory_space<vmem>>)
        %add3A_183 = arith.constant 1 : i32
        %add3A_184 = arith.addi %mul3A_118, %add3A_183 : i32
        %scan3A_185 = arith.constant 0 : i32
        %scan3A_186 = arith.constant 0 : i32
        %scan3A_187 = arith.constant 64 : i32
        %scan3A_188 = arith.addi %scan3A_186, %scan3A_187 : i32
        %scan3A_189 = arith.constant 1 : i32
        scf.for %scan3A_191 = %scan3A_186 to %scan3A_188 step %scan3A_189  : i32 {
          %get3A = arith.index_cast %scan3A_191 : i32 to index
          %get3A_192 = arith.constant 0 : index
          %get3A_193 = tpu.vector_load %arg12[%get3A, %get3A_192] {strides = array<i32>} : memref<64x128xf32, #tpu.memory_space<vmem>>, vector<1x16xf32>,
          %get3A_194 = vector.shape_cast %get3A_193 : vector<1x16xf32> to vector<16xf32>
          %get3A_195 = arith.index_cast %scan3A_191 : i32 to index
          %get3A_196 = arith.constant 0 : index
          %get3A_197 = tpu.vector_load %arg13[%get3A_195, %get3A_196] {strides = array<i32>} : memref<64x128xf32, #tpu.memory_space<vmem>>, vector<1x16xf32>,
          %get3A_198 = vector.shape_cast %get3A_197 : vector<1x16xf32> to vector<16xf32>
          %add3A_199 = arith.addf %get3A_194, %get3A_198 : vector<16xf32>
          %max3A = arith.constant 0.000000e+00 : f32
          %max3A_200 = vector.broadcast %max3A : f32 to vector<16xf32>
          %max3A_201 = arith.maximumf %add3A_199, %max3A_200 : vector<16xf32>
          %swap3A = arith.index_cast %scan3A_191 : i32 to index
          %swap3A_202 = arith.constant 0 : index
          %swap3A_203 = tpu.vector_load %arg13[%swap3A, %swap3A_202] {strides = array<i32>} : memref<64x128xf32, #tpu.memory_space<vmem>>, vector<1x16xf32>,
          %swap3A_204 = vector.shape_cast %swap3A_203 : vector<1x16xf32> to vector<16xf32>
          %swap3A_205 = vector.shape_cast %max3A_201 : vector<16xf32> to vector<1x16xf32>
          tpu.vector_store %arg13[%swap3A, %swap3A_202], %swap3A_205 {strides = array<i32>} : memref<64x128xf32, #tpu.memory_space<vmem>>, vector<1x16xf32>,
          %get3A_206 = arith.index_cast %scan3A_191 : i32 to index
          %get3A_207 = arith.constant 16 : index
          %get3A_208 = tpu.vector_load %arg12[%get3A_206, %get3A_207] {strides = array<i32>} : memref<64x128xf32, #tpu.memory_space<vmem>>, vector<1x16xf32>,
          %get3A_209 = vector.shape_cast %get3A_208 : vector<1x16xf32> to vector<16xf32>
          %get3A_210 = arith.index_cast %scan3A_191 : i32 to index
          %get3A_211 = arith.constant 16 : index
          %get3A_212 = tpu.vector_load %arg13[%get3A_210, %get3A_211] {strides = array<i32>} : memref<64x128xf32, #tpu.memory_space<vmem>>, vector<1x16xf32>,
          %get3A_213 = vector.shape_cast %get3A_212 : vector<1x16xf32> to vector<16xf32>
          %add3A_214 = arith.addf %get3A_209, %get3A_213 : vector<16xf32>
          %max3A_215 = arith.constant 0.000000e+00 : f32
          %max3A_216 = vector.broadcast %max3A_215 : f32 to vector<16xf32>
          %max3A_217 = arith.maximumf %add3A_214, %max3A_216 : vector<16xf32>
          %swap3A_218 = arith.index_cast %scan3A_191 : i32 to index
          %swap3A_219 = arith.constant 16 : index
          %swap3A_220 = tpu.vector_load %arg13[%swap3A_218, %swap3A_219] {strides = array<i32>} : memref<64x128xf32, #tpu.memory_space<vmem>>, vector<1x16xf32>,
          %swap3A_221 = vector.shape_cast %swap3A_220 : vector<1x16xf32> to vector<16xf32>
          %swap3A_222 = vector.shape_cast %max3A_217 : vector<16xf32> to vector<1x16xf32>
          tpu.vector_store %arg13[%swap3A_218, %swap3A_219], %swap3A_222 {strides = array<i32>} : memref<64x128xf32, #tpu.memory_space<vmem>>, vector<1x16xf32>,
          %get3A_223 = arith.index_cast %scan3A_191 : i32 to index
          %get3A_224 = arith.constant 32 : index
          %get3A_225 = tpu.vector_load %arg12[%get3A_223, %get3A_224] {strides = array<i32>} : memref<64x128xf32, #tpu.memory_space<vmem>>, vector<1x16xf32>,
          %get3A_226 = vector.shape_cast %get3A_225 : vector<1x16xf32> to vector<16xf32>
          %get3A_227 = arith.index_cast %scan3A_191 : i32 to index
          %get3A_228 = arith.constant 32 : index
          %get3A_229 = tpu.vector_load %arg13[%get3A_227, %get3A_228] {strides = array<i32>} : memref<64x128xf32, #tpu.memory_space<vmem>>, vector<1x16xf32>,
          %get3A_230 = vector.shape_cast %get3A_229 : vector<1x16xf32> to vector<16xf32>
          %add3A_231 = arith.addf %get3A_226, %get3A_230 : vector<16xf32>
          %max3A_232 = arith.constant 0.000000e+00 : f32
          %max3A_233 = vector.broadcast %max3A_232 : f32 to vector<16xf32>
          %max3A_234 = arith.maximumf %add3A_231, %max3A_233 : vector<16xf32>
          %swap3A_235 = arith.index_cast %scan3A_191 : i32 to index
          %swap3A_236 = arith.constant 32 : index
          %swap3A_237 = tpu.vector_load %arg13[%swap3A_235, %swap3A_236] {strides = array<i32>} : memref<64x128xf32, #tpu.memory_space<vmem>>, vector<1x16xf32>,
          %swap3A_238 = vector.shape_cast %swap3A_237 : vector<1x16xf32> to vector<16xf32>
          %swap3A_239 = vector.shape_cast %max3A_234 : vector<16xf32> to vector<1x16xf32>
          tpu.vector_store %arg13[%swap3A_235, %swap3A_236], %swap3A_239 {strides = array<i32>} : memref<64x128xf32, #tpu.memory_space<vmem>>, vector<1x16xf32>,
          %get3A_240 = arith.index_cast %scan3A_191 : i32 to index
          %get3A_241 = arith.constant 48 : index
          %get3A_242 = tpu.vector_load %arg12[%get3A_240, %get3A_241] {strides = array<i32>} : memref<64x128xf32, #tpu.memory_space<vmem>>, vector<1x16xf32>,
          %get3A_243 = vector.shape_cast %get3A_242 : vector<1x16xf32> to vector<16xf32>
          %get3A_244 = arith.index_cast %scan3A_191 : i32 to index
          %get3A_245 = arith.constant 48 : index
          %get3A_246 = tpu.vector_load %arg13[%get3A_244, %get3A_245] {strides = array<i32>} : memref<64x128xf32, #tpu.memory_space<vmem>>, vector<1x16xf32>,
          %get3A_247 = vector.shape_cast %get3A_246 : vector<1x16xf32> to vector<16xf32>
          %add3A_248 = arith.addf %get3A_243, %get3A_247 : vector<16xf32>
          %max3A_249 = arith.constant 0.000000e+00 : f32
          %max3A_250 = vector.broadcast %max3A_249 : f32 to vector<16xf32>
          %max3A_251 = arith.maximumf %add3A_248, %max3A_250 : vector<16xf32>
          %swap3A_252 = arith.index_cast %scan3A_191 : i32 to index
          %swap3A_253 = arith.constant 48 : index
          %swap3A_254 = tpu.vector_load %arg13[%swap3A_252, %swap3A_253] {strides = array<i32>} : memref<64x128xf32, #tpu.memory_space<vmem>>, vector<1x16xf32>,
          %swap3A_255 = vector.shape_cast %swap3A_254 : vector<1x16xf32> to vector<16xf32>
          %swap3A_256 = vector.shape_cast %max3A_251 : vector<16xf32> to vector<1x16xf32>
          tpu.vector_store %arg13[%swap3A_252, %swap3A_253], %swap3A_256 {strides = array<i32>} : memref<64x128xf32, #tpu.memory_space<vmem>>, vector<1x16xf32>,
          %get3A_257 = arith.index_cast %scan3A_191 : i32 to index
          %get3A_258 = arith.constant 64 : index
          %get3A_259 = tpu.vector_load %arg12[%get3A_257, %get3A_258] {strides = array<i32>} : memref<64x128xf32, #tpu.memory_space<vmem>>, vector<1x16xf32>,
          %get3A_260 = vector.shape_cast %get3A_259 : vector<1x16xf32> to vector<16xf32>
          %get3A_261 = arith.index_cast %scan3A_191 : i32 to index
          %get3A_262 = arith.constant 64 : index
          %get3A_263 = tpu.vector_load %arg13[%get3A_261, %get3A_262] {strides = array<i32>} : memref<64x128xf32, #tpu.memory_space<vmem>>, vector<1x16xf32>,
          %get3A_264 = vector.shape_cast %get3A_263 : vector<1x16xf32> to vector<16xf32>
          %add3A_265 = arith.addf %get3A_260, %get3A_264 : vector<16xf32>
          %max3A_266 = arith.constant 0.000000e+00 : f32
          %max3A_267 = vector.broadcast %max3A_266 : f32 to vector<16xf32>
          %max3A_268 = arith.maximumf %add3A_265, %max3A_267 : vector<16xf32>
          %swap3A_269 = arith.index_cast %scan3A_191 : i32 to index
          %swap3A_270 = arith.constant 64 : index
          %swap3A_271 = tpu.vector_load %arg13[%swap3A_269, %swap3A_270] {strides = array<i32>} : memref<64x128xf32, #tpu.memory_space<vmem>>, vector<1x16xf32>,
          %swap3A_272 = vector.shape_cast %swap3A_271 : vector<1x16xf32> to vector<16xf32>
          %swap3A_273 = vector.shape_cast %max3A_268 : vector<16xf32> to vector<1x16xf32>
          tpu.vector_store %arg13[%swap3A_269, %swap3A_270], %swap3A_273 {strides = array<i32>} : memref<64x128xf32, #tpu.memory_space<vmem>>, vector<1x16xf32>,
          %get3A_274 = arith.index_cast %scan3A_191 : i32 to index
          %get3A_275 = arith.constant 80 : index
          %get3A_276 = tpu.vector_load %arg12[%get3A_274, %get3A_275] {strides = array<i32>} : memref<64x128xf32, #tpu.memory_space<vmem>>, vector<1x16xf32>,
          %get3A_277 = vector.shape_cast %get3A_276 : vector<1x16xf32> to vector<16xf32>
          %get3A_278 = arith.index_cast %scan3A_191 : i32 to index
          %get3A_279 = arith.constant 80 : index
          %get3A_280 = tpu.vector_load %arg13[%get3A_278, %get3A_279] {strides = array<i32>} : memref<64x128xf32, #tpu.memory_space<vmem>>, vector<1x16xf32>,
          %get3A_281 = vector.shape_cast %get3A_280 : vector<1x16xf32> to vector<16xf32>
          %add3A_282 = arith.addf %get3A_277, %get3A_281 : vector<16xf32>
          %max3A_283 = arith.constant 0.000000e+00 : f32
          %max3A_284 = vector.broadcast %max3A_283 : f32 to vector<16xf32>
          %max3A_285 = arith.maximumf %add3A_282, %max3A_284 : vector<16xf32>
          %swap3A_286 = arith.index_cast %scan3A_191 : i32 to index
          %swap3A_287 = arith.constant 80 : index
          %swap3A_288 = tpu.vector_load %arg13[%swap3A_286, %swap3A_287] {strides = array<i32>} : memref<64x128xf32, #tpu.memory_space<vmem>>, vector<1x16xf32>,
          %swap3A_289 = vector.shape_cast %swap3A_288 : vector<1x16xf32> to vector<16xf32>
          %swap3A_290 = vector.shape_cast %max3A_285 : vector<16xf32> to vector<1x16xf32>
          tpu.vector_store %arg13[%swap3A_286, %swap3A_287], %swap3A_290 {strides = array<i32>} : memref<64x128xf32, #tpu.memory_space<vmem>>, vector<1x16xf32>,
          %get3A_291 = arith.index_cast %scan3A_191 : i32 to index
          %get3A_292 = arith.constant 96 : index
          %get3A_293 = tpu.vector_load %arg12[%get3A_291, %get3A_292] {strides = array<i32>} : memref<64x128xf32, #tpu.memory_space<vmem>>, vector<1x16xf32>,
          %get3A_294 = vector.shape_cast %get3A_293 : vector<1x16xf32> to vector<16xf32>
          %get3A_295 = arith.index_cast %scan3A_191 : i32 to index
          %get3A_296 = arith.constant 96 : index
          %get3A_297 = tpu.vector_load %arg13[%get3A_295, %get3A_296] {strides = array<i32>} : memref<64x128xf32, #tpu.memory_space<vmem>>, vector<1x16xf32>,
          %get3A_298 = vector.shape_cast %get3A_297 : vector<1x16xf32> to vector<16xf32>
          %add3A_299 = arith.addf %get3A_294, %get3A_298 : vector<16xf32>
          %max3A_300 = arith.constant 0.000000e+00 : f32
          %max3A_301 = vector.broadcast %max3A_300 : f32 to vector<16xf32>
          %max3A_302 = arith.maximumf %add3A_299, %max3A_301 : vector<16xf32>
          %swap3A_303 = arith.index_cast %scan3A_191 : i32 to index
          %swap3A_304 = arith.constant 96 : index
          %swap3A_305 = tpu.vector_load %arg13[%swap3A_303, %swap3A_304] {strides = array<i32>} : memref<64x128xf32, #tpu.memory_space<vmem>>, vector<1x16xf32>,
          %swap3A_306 = vector.shape_cast %swap3A_305 : vector<1x16xf32> to vector<16xf32>
          %swap3A_307 = vector.shape_cast %max3A_302 : vector<16xf32> to vector<1x16xf32>
          tpu.vector_store %arg13[%swap3A_303, %swap3A_304], %swap3A_307 {strides = array<i32>} : memref<64x128xf32, #tpu.memory_space<vmem>>, vector<1x16xf32>,
          %get3A_308 = arith.index_cast %scan3A_191 : i32 to index
          %get3A_309 = arith.constant 112 : index
          %get3A_310 = tpu.vector_load %arg12[%get3A_308, %get3A_309] {strides = array<i32>} : memref<64x128xf32, #tpu.memory_space<vmem>>, vector<1x16xf32>,
          %get3A_311 = vector.shape_cast %get3A_310 : vector<1x16xf32> to vector<16xf32>
          %get3A_312 = arith.index_cast %scan3A_191 : i32 to index
          %get3A_313 = arith.constant 112 : index
          %get3A_314 = tpu.vector_load %arg13[%get3A_312, %get3A_313] {strides = array<i32>} : memref<64x128xf32, #tpu.memory_space<vmem>>, vector<1x16xf32>,
          %get3A_315 = vector.shape_cast %get3A_314 : vector<1x16xf32> to vector<16xf32>
          %add3A_316 = arith.addf %get3A_311, %get3A_315 : vector<16xf32>
          %max3A_317 = arith.constant 0.000000e+00 : f32
          %max3A_318 = vector.broadcast %max3A_317 : f32 to vector<16xf32>
          %max3A_319 = arith.maximumf %add3A_316, %max3A_318 : vector<16xf32>
          %swap3A_320 = arith.index_cast %scan3A_191 : i32 to index
          %swap3A_321 = arith.constant 112 : index
          %swap3A_322 = tpu.vector_load %arg13[%swap3A_320, %swap3A_321] {strides = array<i32>} : memref<64x128xf32, #tpu.memory_space<vmem>>, vector<1x16xf32>,
          %swap3A_323 = vector.shape_cast %swap3A_322 : vector<1x16xf32> to vector<16xf32>
          %swap3A_324 = vector.shape_cast %max3A_319 : vector<16xf32> to vector<1x16xf32>
          tpu.vector_store %arg13[%swap3A_320, %swap3A_321], %swap3A_324 {strides = array<i32>} : memref<64x128xf32, #tpu.memory_space<vmem>>, vector<1x16xf32>,
        }
        %scan3A_190 = arith.constant 64 : i32
        "tpu.region"() ({
          %run_scoped3A_191 = tpu.sem_alloc : memref<!tpu.dma_semaphore, #tpu.memory_space<semaphore_mem>>
          %dma_start3A_192 = arith.constant 0 : i32
          %dma_start3A_193 = tpu.memref_slice %arg9[%add3A_184, %dma_start3A_192] : memref<40x64xi32, #tpu.memory_space<vmem>> -> memref<1x64xi32, #tpu.memory_space<vmem>>
          %dma_start3A_194 = tpu.memref_squeeze %dma_start3A_193 : memref<1x64xi32, #tpu.memory_space<vmem>> -> memref<64xi32, #tpu.memory_space<vmem>>
          %dma_start3A_195 = arith.constant 0 : i32
          %dma_start3A_196 = arith.constant 0 : i32
          %dma_start3A_197 = tpu.memref_slice %arg16[%dma_start3A_195, %dma_start3A_196] : memref<10240x128xf32, #tpu.memory_space<vmem_shared>> -> memref<10240x128xf32, #tpu.memory_space<vmem_shared>>
          tpu.enqueue_indirect_dma source(%arg13 : memref<64x128xf32, #tpu.memory_space<vmem>>) target(%dma_start3A_197 : memref<10240x128xf32, #tpu.memory_space<vmem_shared>>) offsets(%dma_start3A_194 : memref<64xi32, #tpu.memory_space<vmem>>) semaphore(%run_scoped3A_191 : memref<!tpu.dma_semaphore, #tpu.memory_space<semaphore_mem>>) {add = true}
          %dma_wait3A_198 = arith.constant 0 : i32
          %dma_wait3A_199 = tpu.memref_slice %arg9[%add3A_184, %dma_wait3A_198] : memref<40x64xi32, #tpu.memory_space<vmem>> -> memref<1x64xi32, #tpu.memory_space<vmem>>
          %dma_wait3A_200 = tpu.memref_squeeze %dma_wait3A_199 : memref<1x64xi32, #tpu.memory_space<vmem>> -> memref<64xi32, #tpu.memory_space<vmem>>
          %dma_wait3A_201 = arith.constant 0 : i32
          %dma_wait3A_202 = arith.constant 0 : i32
          %dma_wait3A_203 = tpu.memref_slice %arg16[%dma_wait3A_201, %dma_wait3A_202] : memref<10240x128xf32, #tpu.memory_space<vmem_shared>> -> memref<10240x128xf32, #tpu.memory_space<vmem_shared>>
          tpu.wait_indirect_dma semaphore(%run_scoped3A_191 : memref<!tpu.dma_semaphore, #tpu.memory_space<semaphore_mem>>) src(%arg13 : memref<64x128xf32, #tpu.memory_space<vmem>>) dst(%dma_wait3A_203 : memref<10240x128xf32, #tpu.memory_space<vmem_shared>>)
          tpu.yield
        }) : () -> ()
      }
      %scan3A_64 = arith.constant 19 : i32
      %dma_start3A_65 = arith.constant 39 : i32
      %dma_start3A_66 = arith.constant 0 : i32
      %dma_start3A_67 = tpu.memref_slice %arg8[%dma_start3A_65, %dma_start3A_66] : memref<40x64xi32, #tpu.memory_space<vmem>> -> memref<1x64xi32, #tpu.memory_space<vmem>>
      %dma_start3A_68 = tpu.memref_squeeze %dma_start3A_67 : memref<1x64xi32, #tpu.memory_space<vmem>> -> memref<64xi32, #tpu.memory_space<vmem>>
      %dma_start3A_69 = arith.constant 0 : i32
      %dma_start3A_70 = arith.constant 0 : i32
      %dma_start3A_71 = tpu.memref_slice %arg2[%dma_start3A_69, %dma_start3A_70] : memref<10000x128xf32, #tpu.memory_space<hbm>> -> memref<10000x128xf32, #tpu.memory_space<hbm>>
      tpu.enqueue_indirect_dma source(%dma_start3A_71 : memref<10000x128xf32, #tpu.memory_space<hbm>>) target(%arg12 : memref<64x128xf32, #tpu.memory_space<vmem>>) offsets(%dma_start3A_68 : memref<64xi32, #tpu.memory_space<vmem>>) semaphore(%arg15 : memref<!tpu.dma_semaphore, #tpu.memory_space<semaphore_mem>>)
      %add3A_72 = arith.constant 2496 : i32
      %add3A_73 = arith.addi %mul3A_47, %add3A_72 : i32
      %dma_start3A_74 = arith.constant 0 : i32
      %dma_start3A_75 = tpu.memref_slice %arg3[%add3A_73, %dma_start3A_74] : memref<327680x128xf32, #tpu.memory_space<hbm>> -> memref<64x128xf32, #tpu.memory_space<hbm>>
      %dma_start3A_76 = arith.constant 0 : i32
      %dma_start3A_77 = tpu.memref_slice %arg3[%add3A_73, %dma_start3A_76] : memref<327680x128xf32, #tpu.memory_space<hbm>> -> memref<64x128xf32, #tpu.memory_space<hbm>>
      tpu.enqueue_dma source(%dma_start3A_77 : memref<64x128xf32, #tpu.memory_space<hbm>>) target(%arg13 : memref<64x128xf32, #tpu.memory_space<vmem>>) target_semaphore(%arg15 : memref<!tpu.dma_semaphore, #tpu.memory_space<semaphore_mem>>)
      %dma_wait3A = arith.constant 38 : i32
      %dma_wait3A_78 = arith.constant 0 : i32
      %dma_wait3A_79 = tpu.memref_slice %arg8[%dma_wait3A, %dma_wait3A_78] : memref<40x64xi32, #tpu.memory_space<vmem>> -> memref<1x64xi32, #tpu.memory_space<vmem>>
      %dma_wait3A_80 = tpu.memref_squeeze %dma_wait3A_79 : memref<1x64xi32, #tpu.memory_space<vmem>> -> memref<64xi32, #tpu.memory_space<vmem>>
      %dma_wait3A_81 = arith.constant 0 : i32
      %dma_wait3A_82 = arith.constant 0 : i32
      %dma_wait3A_83 = tpu.memref_slice %arg2[%dma_wait3A_81, %dma_wait3A_82] : memref<10000x128xf32, #tpu.memory_space<hbm>> -> memref<10000x128xf32, #tpu.memory_space<hbm>>
      tpu.wait_indirect_dma semaphore(%arg14 : memref<!tpu.dma_semaphore, #tpu.memory_space<semaphore_mem>>) src(%dma_wait3A_83 : memref<10000x128xf32, #tpu.memory_space<hbm>>) dst(%arg10 : memref<64x128xf32, #tpu.memory_space<vmem>>)
      %add3A_84 = arith.constant 2432 : i32
      %add3A_85 = arith.addi %mul3A_47, %add3A_84 : i32
      %dma_wait3A_86 = arith.constant 0 : i32
      %dma_wait3A_87 = tpu.memref_slice %arg3[%add3A_85, %dma_wait3A_86] : memref<327680x128xf32, #tpu.memory_space<hbm>> -> memref<64x128xf32, #tpu.memory_space<hbm>>
      %dma_wait3A_88 = arith.constant 0 : i32
      %dma_wait3A_89 = tpu.memref_slice %arg3[%add3A_85, %dma_wait3A_88] : memref<327680x128xf32, #tpu.memory_space<hbm>> -> memref<64x128xf32, #tpu.memory_space<hbm>>
      tpu.wait_dma2 semaphore(%arg14 : memref<!tpu.dma_semaphore, #tpu.memory_space<semaphore_mem>>) src(%dma_wait3A_89 : memref<64x128xf32, #tpu.memory_space<hbm>>) dst(%arg11 : memref<64x128xf32, #tpu.memory_space<vmem>>)
      %scan3A_90 = arith.constant 0 : i32
      %scan3A_91 = arith.constant 0 : i32
      %scan3A_92 = arith.constant 64 : i32
      %scan3A_93 = arith.addi %scan3A_91, %scan3A_92 : i32
      %scan3A_94 = arith.constant 1 : i32
      scf.for %scan3A_116 = %scan3A_91 to %scan3A_93 step %scan3A_94  : i32 {
        %get3A = arith.index_cast %scan3A_116 : i32 to index
        %get3A_117 = arith.constant 0 : index
        %get3A_118 = tpu.vector_load %arg10[%get3A, %get3A_117] {strides = array<i32>} : memref<64x128xf32, #tpu.memory_space<vmem>>, vector<1x16xf32>,
        %get3A_119 = vector.shape_cast %get3A_118 : vector<1x16xf32> to vector<16xf32>
        %get3A_120 = arith.index_cast %scan3A_116 : i32 to index
        %get3A_121 = arith.constant 0 : index
        %get3A_122 = tpu.vector_load %arg11[%get3A_120, %get3A_121] {strides = array<i32>} : memref<64x128xf32, #tpu.memory_space<vmem>>, vector<1x16xf32>,
        %get3A_123 = vector.shape_cast %get3A_122 : vector<1x16xf32> to vector<16xf32>
        %add3A_124 = arith.addf %get3A_119, %get3A_123 : vector<16xf32>
        %max3A = arith.constant 0.000000e+00 : f32
        %max3A_125 = vector.broadcast %max3A : f32 to vector<16xf32>
        %max3A_126 = arith.maximumf %add3A_124, %max3A_125 : vector<16xf32>
        %swap3A = arith.index_cast %scan3A_116 : i32 to index
        %swap3A_127 = arith.constant 0 : index
        %swap3A_128 = tpu.vector_load %arg11[%swap3A, %swap3A_127] {strides = array<i32>} : memref<64x128xf32, #tpu.memory_space<vmem>>, vector<1x16xf32>,
        %swap3A_129 = vector.shape_cast %swap3A_128 : vector<1x16xf32> to vector<16xf32>
        %swap3A_130 = vector.shape_cast %max3A_126 : vector<16xf32> to vector<1x16xf32>
        tpu.vector_store %arg11[%swap3A, %swap3A_127], %swap3A_130 {strides = array<i32>} : memref<64x128xf32, #tpu.memory_space<vmem>>, vector<1x16xf32>,
        %get3A_131 = arith.index_cast %scan3A_116 : i32 to index
        %get3A_132 = arith.constant 16 : index
        %get3A_133 = tpu.vector_load %arg10[%get3A_131, %get3A_132] {strides = array<i32>} : memref<64x128xf32, #tpu.memory_space<vmem>>, vector<1x16xf32>,
        %get3A_134 = vector.shape_cast %get3A_133 : vector<1x16xf32> to vector<16xf32>
        %get3A_135 = arith.index_cast %scan3A_116 : i32 to index
        %get3A_136 = arith.constant 16 : index
        %get3A_137 = tpu.vector_load %arg11[%get3A_135, %get3A_136] {strides = array<i32>} : memref<64x128xf32, #tpu.memory_space<vmem>>, vector<1x16xf32>,
        %get3A_138 = vector.shape_cast %get3A_137 : vector<1x16xf32> to vector<16xf32>
        %add3A_139 = arith.addf %get3A_134, %get3A_138 : vector<16xf32>
        %max3A_140 = arith.constant 0.000000e+00 : f32
        %max3A_141 = vector.broadcast %max3A_140 : f32 to vector<16xf32>
        %max3A_142 = arith.maximumf %add3A_139, %max3A_141 : vector<16xf32>
        %swap3A_143 = arith.index_cast %scan3A_116 : i32 to index
        %swap3A_144 = arith.constant 16 : index
        %swap3A_145 = tpu.vector_load %arg11[%swap3A_143, %swap3A_144] {strides = array<i32>} : memref<64x128xf32, #tpu.memory_space<vmem>>, vector<1x16xf32>,
        %swap3A_146 = vector.shape_cast %swap3A_145 : vector<1x16xf32> to vector<16xf32>
        %swap3A_147 = vector.shape_cast %max3A_142 : vector<16xf32> to vector<1x16xf32>
        tpu.vector_store %arg11[%swap3A_143, %swap3A_144], %swap3A_147 {strides = array<i32>} : memref<64x128xf32, #tpu.memory_space<vmem>>, vector<1x16xf32>,
        %get3A_148 = arith.index_cast %scan3A_116 : i32 to index
        %get3A_149 = arith.constant 32 : index
        %get3A_150 = tpu.vector_load %arg10[%get3A_148, %get3A_149] {strides = array<i32>} : memref<64x128xf32, #tpu.memory_space<vmem>>, vector<1x16xf32>,
        %get3A_151 = vector.shape_cast %get3A_150 : vector<1x16xf32> to vector<16xf32>
        %get3A_152 = arith.index_cast %scan3A_116 : i32 to index
        %get3A_153 = arith.constant 32 : index
        %get3A_154 = tpu.vector_load %arg11[%get3A_152, %get3A_153] {strides = array<i32>} : memref<64x128xf32, #tpu.memory_space<vmem>>, vector<1x16xf32>,
        %get3A_155 = vector.shape_cast %get3A_154 : vector<1x16xf32> to vector<16xf32>
        %add3A_156 = arith.addf %get3A_151, %get3A_155 : vector<16xf32>
        %max3A_157 = arith.constant 0.000000e+00 : f32
        %max3A_158 = vector.broadcast %max3A_157 : f32 to vector<16xf32>
        %max3A_159 = arith.maximumf %add3A_156, %max3A_158 : vector<16xf32>
        %swap3A_160 = arith.index_cast %scan3A_116 : i32 to index
        %swap3A_161 = arith.constant 32 : index
        %swap3A_162 = tpu.vector_load %arg11[%swap3A_160, %swap3A_161] {strides = array<i32>} : memref<64x128xf32, #tpu.memory_space<vmem>>, vector<1x16xf32>,
        %swap3A_163 = vector.shape_cast %swap3A_162 : vector<1x16xf32> to vector<16xf32>
        %swap3A_164 = vector.shape_cast %max3A_159 : vector<16xf32> to vector<1x16xf32>
        tpu.vector_store %arg11[%swap3A_160, %swap3A_161], %swap3A_164 {strides = array<i32>} : memref<64x128xf32, #tpu.memory_space<vmem>>, vector<1x16xf32>,
        %get3A_165 = arith.index_cast %scan3A_116 : i32 to index
        %get3A_166 = arith.constant 48 : index
        %get3A_167 = tpu.vector_load %arg10[%get3A_165, %get3A_166] {strides = array<i32>} : memref<64x128xf32, #tpu.memory_space<vmem>>, vector<1x16xf32>,
        %get3A_168 = vector.shape_cast %get3A_167 : vector<1x16xf32> to vector<16xf32>
        %get3A_169 = arith.index_cast %scan3A_116 : i32 to index
        %get3A_170 = arith.constant 48 : index
        %get3A_171 = tpu.vector_load %arg11[%get3A_169, %get3A_170] {strides = array<i32>} : memref<64x128xf32, #tpu.memory_space<vmem>>, vector<1x16xf32>,
        %get3A_172 = vector.shape_cast %get3A_171 : vector<1x16xf32> to vector<16xf32>
        %add3A_173 = arith.addf %get3A_168, %get3A_172 : vector<16xf32>
        %max3A_174 = arith.constant 0.000000e+00 : f32
        %max3A_175 = vector.broadcast %max3A_174 : f32 to vector<16xf32>
        %max3A_176 = arith.maximumf %add3A_173, %max3A_175 : vector<16xf32>
        %swap3A_177 = arith.index_cast %scan3A_116 : i32 to index
        %swap3A_178 = arith.constant 48 : index
        %swap3A_179 = tpu.vector_load %arg11[%swap3A_177, %swap3A_178] {strides = array<i32>} : memref<64x128xf32, #tpu.memory_space<vmem>>, vector<1x16xf32>,
        %swap3A_180 = vector.shape_cast %swap3A_179 : vector<1x16xf32> to vector<16xf32>
        %swap3A_181 = vector.shape_cast %max3A_176 : vector<16xf32> to vector<1x16xf32>
        tpu.vector_store %arg11[%swap3A_177, %swap3A_178], %swap3A_181 {strides = array<i32>} : memref<64x128xf32, #tpu.memory_space<vmem>>, vector<1x16xf32>,
        %get3A_182 = arith.index_cast %scan3A_116 : i32 to index
        %get3A_183 = arith.constant 64 : index
        %get3A_184 = tpu.vector_load %arg10[%get3A_182, %get3A_183] {strides = array<i32>} : memref<64x128xf32, #tpu.memory_space<vmem>>, vector<1x16xf32>,
        %get3A_185 = vector.shape_cast %get3A_184 : vector<1x16xf32> to vector<16xf32>
        %get3A_186 = arith.index_cast %scan3A_116 : i32 to index
        %get3A_187 = arith.constant 64 : index
        %get3A_188 = tpu.vector_load %arg11[%get3A_186, %get3A_187] {strides = array<i32>} : memref<64x128xf32, #tpu.memory_space<vmem>>, vector<1x16xf32>,
        %get3A_189 = vector.shape_cast %get3A_188 : vector<1x16xf32> to vector<16xf32>
        %add3A_190 = arith.addf %get3A_185, %get3A_189 : vector<16xf32>
        %max3A_191 = arith.constant 0.000000e+00 : f32
        %max3A_192 = vector.broadcast %max3A_191 : f32 to vector<16xf32>
        %max3A_193 = arith.maximumf %add3A_190, %max3A_192 : vector<16xf32>
        %swap3A_194 = arith.index_cast %scan3A_116 : i32 to index
        %swap3A_195 = arith.constant 64 : index
        %swap3A_196 = tpu.vector_load %arg11[%swap3A_194, %swap3A_195] {strides = array<i32>} : memref<64x128xf32, #tpu.memory_space<vmem>>, vector<1x16xf32>,
        %swap3A_197 = vector.shape_cast %swap3A_196 : vector<1x16xf32> to vector<16xf32>
        %swap3A_198 = vector.shape_cast %max3A_193 : vector<16xf32> to vector<1x16xf32>
        tpu.vector_store %arg11[%swap3A_194, %swap3A_195], %swap3A_198 {strides = array<i32>} : memref<64x128xf32, #tpu.memory_space<vmem>>, vector<1x16xf32>,
        %get3A_199 = arith.index_cast %scan3A_116 : i32 to index
        %get3A_200 = arith.constant 80 : index
        %get3A_201 = tpu.vector_load %arg10[%get3A_199, %get3A_200] {strides = array<i32>} : memref<64x128xf32, #tpu.memory_space<vmem>>, vector<1x16xf32>,
        %get3A_202 = vector.shape_cast %get3A_201 : vector<1x16xf32> to vector<16xf32>
        %get3A_203 = arith.index_cast %scan3A_116 : i32 to index
        %get3A_204 = arith.constant 80 : index
        %get3A_205 = tpu.vector_load %arg11[%get3A_203, %get3A_204] {strides = array<i32>} : memref<64x128xf32, #tpu.memory_space<vmem>>, vector<1x16xf32>,
        %get3A_206 = vector.shape_cast %get3A_205 : vector<1x16xf32> to vector<16xf32>
        %add3A_207 = arith.addf %get3A_202, %get3A_206 : vector<16xf32>
        %max3A_208 = arith.constant 0.000000e+00 : f32
        %max3A_209 = vector.broadcast %max3A_208 : f32 to vector<16xf32>
        %max3A_210 = arith.maximumf %add3A_207, %max3A_209 : vector<16xf32>
        %swap3A_211 = arith.index_cast %scan3A_116 : i32 to index
        %swap3A_212 = arith.constant 80 : index
        %swap3A_213 = tpu.vector_load %arg11[%swap3A_211, %swap3A_212] {strides = array<i32>} : memref<64x128xf32, #tpu.memory_space<vmem>>, vector<1x16xf32>,
        %swap3A_214 = vector.shape_cast %swap3A_213 : vector<1x16xf32> to vector<16xf32>
        %swap3A_215 = vector.shape_cast %max3A_210 : vector<16xf32> to vector<1x16xf32>
        tpu.vector_store %arg11[%swap3A_211, %swap3A_212], %swap3A_215 {strides = array<i32>} : memref<64x128xf32, #tpu.memory_space<vmem>>, vector<1x16xf32>,
        %get3A_216 = arith.index_cast %scan3A_116 : i32 to index
        %get3A_217 = arith.constant 96 : index
        %get3A_218 = tpu.vector_load %arg10[%get3A_216, %get3A_217] {strides = array<i32>} : memref<64x128xf32, #tpu.memory_space<vmem>>, vector<1x16xf32>,
        %get3A_219 = vector.shape_cast %get3A_218 : vector<1x16xf32> to vector<16xf32>
        %get3A_220 = arith.index_cast %scan3A_116 : i32 to index
        %get3A_221 = arith.constant 96 : index
        %get3A_222 = tpu.vector_load %arg11[%get3A_220, %get3A_221] {strides = array<i32>} : memref<64x128xf32, #tpu.memory_space<vmem>>, vector<1x16xf32>,
        %get3A_223 = vector.shape_cast %get3A_222 : vector<1x16xf32> to vector<16xf32>
        %add3A_224 = arith.addf %get3A_219, %get3A_223 : vector<16xf32>
        %max3A_225 = arith.constant 0.000000e+00 : f32
        %max3A_226 = vector.broadcast %max3A_225 : f32 to vector<16xf32>
        %max3A_227 = arith.maximumf %add3A_224, %max3A_226 : vector<16xf32>
        %swap3A_228 = arith.index_cast %scan3A_116 : i32 to index
        %swap3A_229 = arith.constant 96 : index
        %swap3A_230 = tpu.vector_load %arg11[%swap3A_228, %swap3A_229] {strides = array<i32>} : memref<64x128xf32, #tpu.memory_space<vmem>>, vector<1x16xf32>,
        %swap3A_231 = vector.shape_cast %swap3A_230 : vector<1x16xf32> to vector<16xf32>
        %swap3A_232 = vector.shape_cast %max3A_227 : vector<16xf32> to vector<1x16xf32>
        tpu.vector_store %arg11[%swap3A_228, %swap3A_229], %swap3A_232 {strides = array<i32>} : memref<64x128xf32, #tpu.memory_space<vmem>>, vector<1x16xf32>,
        %get3A_233 = arith.index_cast %scan3A_116 : i32 to index
        %get3A_234 = arith.constant 112 : index
        %get3A_235 = tpu.vector_load %arg10[%get3A_233, %get3A_234] {strides = array<i32>} : memref<64x128xf32, #tpu.memory_space<vmem>>, vector<1x16xf32>,
        %get3A_236 = vector.shape_cast %get3A_235 : vector<1x16xf32> to vector<16xf32>
        %get3A_237 = arith.index_cast %scan3A_116 : i32 to index
        %get3A_238 = arith.constant 112 : index
        %get3A_239 = tpu.vector_load %arg11[%get3A_237, %get3A_238] {strides = array<i32>} : memref<64x128xf32, #tpu.memory_space<vmem>>, vector<1x16xf32>,
        %get3A_240 = vector.shape_cast %get3A_239 : vector<1x16xf32> to vector<16xf32>
        %add3A_241 = arith.addf %get3A_236, %get3A_240 : vector<16xf32>
        %max3A_242 = arith.constant 0.000000e+00 : f32
        %max3A_243 = vector.broadcast %max3A_242 : f32 to vector<16xf32>
        %max3A_244 = arith.maximumf %add3A_241, %max3A_243 : vector<16xf32>
        %swap3A_245 = arith.index_cast %scan3A_116 : i32 to index
        %swap3A_246 = arith.constant 112 : index
        %swap3A_247 = tpu.vector_load %arg11[%swap3A_245, %swap3A_246] {strides = array<i32>} : memref<64x128xf32, #tpu.memory_space<vmem>>, vector<1x16xf32>,
        %swap3A_248 = vector.shape_cast %swap3A_247 : vector<1x16xf32> to vector<16xf32>
        %swap3A_249 = vector.shape_cast %max3A_244 : vector<16xf32> to vector<1x16xf32>
        tpu.vector_store %arg11[%swap3A_245, %swap3A_246], %swap3A_249 {strides = array<i32>} : memref<64x128xf32, #tpu.memory_space<vmem>>, vector<1x16xf32>,
      }
      %scan3A_95 = arith.constant 64 : i32
      %run_scoped3A = arith.constant 38 : i32
      "tpu.region"() ({
        %run_scoped3A_116 = tpu.sem_alloc : memref<!tpu.dma_semaphore, #tpu.memory_space<semaphore_mem>>
        %dma_start3A_117 = arith.constant 0 : i32
        %dma_start3A_118 = tpu.memref_slice %arg9[%run_scoped3A, %dma_start3A_117] : memref<40x64xi32, #tpu.memory_space<vmem>> -> memref<1x64xi32, #tpu.memory_space<vmem>>
        %dma_start3A_119 = tpu.memref_squeeze %dma_start3A_118 : memref<1x64xi32, #tpu.memory_space<vmem>> -> memref<64xi32, #tpu.memory_space<vmem>>
        %dma_start3A_120 = arith.constant 0 : i32
        %dma_start3A_121 = arith.constant 0 : i32
        %dma_start3A_122 = tpu.memref_slice %arg16[%dma_start3A_120, %dma_start3A_121] : memref<10240x128xf32, #tpu.memory_space<vmem_shared>> -> memref<10240x128xf32, #tpu.memory_space<vmem_shared>>
        tpu.enqueue_indirect_dma source(%arg11 : memref<64x128xf32, #tpu.memory_space<vmem>>) target(%dma_start3A_122 : memref<10240x128xf32, #tpu.memory_space<vmem_shared>>) offsets(%dma_start3A_119 : memref<64xi32, #tpu.memory_space<vmem>>) semaphore(%run_scoped3A_116 : memref<!tpu.dma_semaphore, #tpu.memory_space<semaphore_mem>>) {add = true}
        %dma_wait3A_123 = arith.constant 0 : i32
        %dma_wait3A_124 = tpu.memref_slice %arg9[%run_scoped3A, %dma_wait3A_123] : memref<40x64xi32, #tpu.memory_space<vmem>> -> memref<1x64xi32, #tpu.memory_space<vmem>>
        %dma_wait3A_125 = tpu.memref_squeeze %dma_wait3A_124 : memref<1x64xi32, #tpu.memory_space<vmem>> -> memref<64xi32, #tpu.memory_space<vmem>>
        %dma_wait3A_126 = arith.constant 0 : i32
        %dma_wait3A_127 = arith.constant 0 : i32
        %dma_wait3A_128 = tpu.memref_slice %arg16[%dma_wait3A_126, %dma_wait3A_127] : memref<10240x128xf32, #tpu.memory_space<vmem_shared>> -> memref<10240x128xf32, #tpu.memory_space<vmem_shared>>
        tpu.wait_indirect_dma semaphore(%run_scoped3A_116 : memref<!tpu.dma_semaphore, #tpu.memory_space<semaphore_mem>>) src(%arg11 : memref<64x128xf32, #tpu.memory_space<vmem>>) dst(%dma_wait3A_128 : memref<10240x128xf32, #tpu.memory_space<vmem_shared>>)
        tpu.yield
      }) : () -> ()
      %dma_wait3A_96 = arith.constant 39 : i32
      %dma_wait3A_97 = arith.constant 0 : i32
      %dma_wait3A_98 = tpu.memref_slice %arg8[%dma_wait3A_96, %dma_wait3A_97] : memref<40x64xi32, #tpu.memory_space<vmem>> -> memref<1x64xi32, #tpu.memory_space<vmem>>
      %dma_wait3A_99 = tpu.memref_squeeze %dma_wait3A_98 : memref<1x64xi32, #tpu.memory_space<vmem>> -> memref<64xi32, #tpu.memory_space<vmem>>
      %dma_wait3A_100 = arith.constant 0 : i32
      %dma_wait3A_101 = arith.constant 0 : i32
      %dma_wait3A_102 = tpu.memref_slice %arg2[%dma_wait3A_100, %dma_wait3A_101] : memref<10000x128xf32, #tpu.memory_space<hbm>> -> memref<10000x128xf32, #tpu.memory_space<hbm>>
      tpu.wait_indirect_dma semaphore(%arg15 : memref<!tpu.dma_semaphore, #tpu.memory_space<semaphore_mem>>) src(%dma_wait3A_102 : memref<10000x128xf32, #tpu.memory_space<hbm>>) dst(%arg12 : memref<64x128xf32, #tpu.memory_space<vmem>>)
      %add3A_103 = arith.constant 2496 : i32
      %add3A_104 = arith.addi %mul3A_47, %add3A_103 : i32
      %dma_wait3A_105 = arith.constant 0 : i32
      %dma_wait3A_106 = tpu.memref_slice %arg3[%add3A_104, %dma_wait3A_105] : memref<327680x128xf32, #tpu.memory_space<hbm>> -> memref<64x128xf32, #tpu.memory_space<hbm>>
      %dma_wait3A_107 = arith.constant 0 : i32
      %dma_wait3A_108 = tpu.memref_slice %arg3[%add3A_104, %dma_wait3A_107] : memref<327680x128xf32, #tpu.memory_space<hbm>> -> memref<64x128xf32, #tpu.memory_space<hbm>>
      tpu.wait_dma2 semaphore(%arg15 : memref<!tpu.dma_semaphore, #tpu.memory_space<semaphore_mem>>) src(%dma_wait3A_108 : memref<64x128xf32, #tpu.memory_space<hbm>>) dst(%arg13 : memref<64x128xf32, #tpu.memory_space<vmem>>)
      %scan3A_109 = arith.constant 0 : i32
      %scan3A_110 = arith.constant 0 : i32
      %scan3A_111 = arith.constant 64 : i32
      %scan3A_112 = arith.addi %scan3A_110, %scan3A_111 : i32
      %scan3A_113 = arith.constant 1 : i32
      scf.for %scan3A_116 = %scan3A_110 to %scan3A_112 step %scan3A_113  : i32 {
        %get3A = arith.index_cast %scan3A_116 : i32 to index
        %get3A_117 = arith.constant 0 : index
        %get3A_118 = tpu.vector_load %arg12[%get3A, %get3A_117] {strides = array<i32>} : memref<64x128xf32, #tpu.memory_space<vmem>>, vector<1x16xf32>,
        %get3A_119 = vector.shape_cast %get3A_118 : vector<1x16xf32> to vector<16xf32>
        %get3A_120 = arith.index_cast %scan3A_116 : i32 to index
        %get3A_121 = arith.constant 0 : index
        %get3A_122 = tpu.vector_load %arg13[%get3A_120, %get3A_121] {strides = array<i32>} : memref<64x128xf32, #tpu.memory_space<vmem>>, vector<1x16xf32>,
        %get3A_123 = vector.shape_cast %get3A_122 : vector<1x16xf32> to vector<16xf32>
        %add3A_124 = arith.addf %get3A_119, %get3A_123 : vector<16xf32>
        %max3A = arith.constant 0.000000e+00 : f32
        %max3A_125 = vector.broadcast %max3A : f32 to vector<16xf32>
        %max3A_126 = arith.maximumf %add3A_124, %max3A_125 : vector<16xf32>
        %swap3A = arith.index_cast %scan3A_116 : i32 to index
        %swap3A_127 = arith.constant 0 : index
        %swap3A_128 = tpu.vector_load %arg13[%swap3A, %swap3A_127] {strides = array<i32>} : memref<64x128xf32, #tpu.memory_space<vmem>>, vector<1x16xf32>,
        %swap3A_129 = vector.shape_cast %swap3A_128 : vector<1x16xf32> to vector<16xf32>
        %swap3A_130 = vector.shape_cast %max3A_126 : vector<16xf32> to vector<1x16xf32>
        tpu.vector_store %arg13[%swap3A, %swap3A_127], %swap3A_130 {strides = array<i32>} : memref<64x128xf32, #tpu.memory_space<vmem>>, vector<1x16xf32>,
        %get3A_131 = arith.index_cast %scan3A_116 : i32 to index
        %get3A_132 = arith.constant 16 : index
        %get3A_133 = tpu.vector_load %arg12[%get3A_131, %get3A_132] {strides = array<i32>} : memref<64x128xf32, #tpu.memory_space<vmem>>, vector<1x16xf32>,
        %get3A_134 = vector.shape_cast %get3A_133 : vector<1x16xf32> to vector<16xf32>
        %get3A_135 = arith.index_cast %scan3A_116 : i32 to index
        %get3A_136 = arith.constant 16 : index
        %get3A_137 = tpu.vector_load %arg13[%get3A_135, %get3A_136] {strides = array<i32>} : memref<64x128xf32, #tpu.memory_space<vmem>>, vector<1x16xf32>,
        %get3A_138 = vector.shape_cast %get3A_137 : vector<1x16xf32> to vector<16xf32>
        %add3A_139 = arith.addf %get3A_134, %get3A_138 : vector<16xf32>
        %max3A_140 = arith.constant 0.000000e+00 : f32
        %max3A_141 = vector.broadcast %max3A_140 : f32 to vector<16xf32>
        %max3A_142 = arith.maximumf %add3A_139, %max3A_141 : vector<16xf32>
        %swap3A_143 = arith.index_cast %scan3A_116 : i32 to index
        %swap3A_144 = arith.constant 16 : index
        %swap3A_145 = tpu.vector_load %arg13[%swap3A_143, %swap3A_144] {strides = array<i32>} : memref<64x128xf32, #tpu.memory_space<vmem>>, vector<1x16xf32>,
        %swap3A_146 = vector.shape_cast %swap3A_145 : vector<1x16xf32> to vector<16xf32>
        %swap3A_147 = vector.shape_cast %max3A_142 : vector<16xf32> to vector<1x16xf32>
        tpu.vector_store %arg13[%swap3A_143, %swap3A_144], %swap3A_147 {strides = array<i32>} : memref<64x128xf32, #tpu.memory_space<vmem>>, vector<1x16xf32>,
        %get3A_148 = arith.index_cast %scan3A_116 : i32 to index
        %get3A_149 = arith.constant 32 : index
        %get3A_150 = tpu.vector_load %arg12[%get3A_148, %get3A_149] {strides = array<i32>} : memref<64x128xf32, #tpu.memory_space<vmem>>, vector<1x16xf32>,
        %get3A_151 = vector.shape_cast %get3A_150 : vector<1x16xf32> to vector<16xf32>
        %get3A_152 = arith.index_cast %scan3A_116 : i32 to index
        %get3A_153 = arith.constant 32 : index
        %get3A_154 = tpu.vector_load %arg13[%get3A_152, %get3A_153] {strides = array<i32>} : memref<64x128xf32, #tpu.memory_space<vmem>>, vector<1x16xf32>,
        %get3A_155 = vector.shape_cast %get3A_154 : vector<1x16xf32> to vector<16xf32>
        %add3A_156 = arith.addf %get3A_151, %get3A_155 : vector<16xf32>
        %max3A_157 = arith.constant 0.000000e+00 : f32
        %max3A_158 = vector.broadcast %max3A_157 : f32 to vector<16xf32>
        %max3A_159 = arith.maximumf %add3A_156, %max3A_158 : vector<16xf32>
        %swap3A_160 = arith.index_cast %scan3A_116 : i32 to index
        %swap3A_161 = arith.constant 32 : index
        %swap3A_162 = tpu.vector_load %arg13[%swap3A_160, %swap3A_161] {strides = array<i32>} : memref<64x128xf32, #tpu.memory_space<vmem>>, vector<1x16xf32>,
        %swap3A_163 = vector.shape_cast %swap3A_162 : vector<1x16xf32> to vector<16xf32>
        %swap3A_164 = vector.shape_cast %max3A_159 : vector<16xf32> to vector<1x16xf32>
        tpu.vector_store %arg13[%swap3A_160, %swap3A_161], %swap3A_164 {strides = array<i32>} : memref<64x128xf32, #tpu.memory_space<vmem>>, vector<1x16xf32>,
        %get3A_165 = arith.index_cast %scan3A_116 : i32 to index
        %get3A_166 = arith.constant 48 : index
        %get3A_167 = tpu.vector_load %arg12[%get3A_165, %get3A_166] {strides = array<i32>} : memref<64x128xf32, #tpu.memory_space<vmem>>, vector<1x16xf32>,
        %get3A_168 = vector.shape_cast %get3A_167 : vector<1x16xf32> to vector<16xf32>
        %get3A_169 = arith.index_cast %scan3A_116 : i32 to index
        %get3A_170 = arith.constant 48 : index
        %get3A_171 = tpu.vector_load %arg13[%get3A_169, %get3A_170] {strides = array<i32>} : memref<64x128xf32, #tpu.memory_space<vmem>>, vector<1x16xf32>,
        %get3A_172 = vector.shape_cast %get3A_171 : vector<1x16xf32> to vector<16xf32>
        %add3A_173 = arith.addf %get3A_168, %get3A_172 : vector<16xf32>
        %max3A_174 = arith.constant 0.000000e+00 : f32
        %max3A_175 = vector.broadcast %max3A_174 : f32 to vector<16xf32>
        %max3A_176 = arith.maximumf %add3A_173, %max3A_175 : vector<16xf32>
        %swap3A_177 = arith.index_cast %scan3A_116 : i32 to index
        %swap3A_178 = arith.constant 48 : index
        %swap3A_179 = tpu.vector_load %arg13[%swap3A_177, %swap3A_178] {strides = array<i32>} : memref<64x128xf32, #tpu.memory_space<vmem>>, vector<1x16xf32>,
        %swap3A_180 = vector.shape_cast %swap3A_179 : vector<1x16xf32> to vector<16xf32>
        %swap3A_181 = vector.shape_cast %max3A_176 : vector<16xf32> to vector<1x16xf32>
        tpu.vector_store %arg13[%swap3A_177, %swap3A_178], %swap3A_181 {strides = array<i32>} : memref<64x128xf32, #tpu.memory_space<vmem>>, vector<1x16xf32>,
        %get3A_182 = arith.index_cast %scan3A_116 : i32 to index
        %get3A_183 = arith.constant 64 : index
        %get3A_184 = tpu.vector_load %arg12[%get3A_182, %get3A_183] {strides = array<i32>} : memref<64x128xf32, #tpu.memory_space<vmem>>, vector<1x16xf32>,
        %get3A_185 = vector.shape_cast %get3A_184 : vector<1x16xf32> to vector<16xf32>
        %get3A_186 = arith.index_cast %scan3A_116 : i32 to index
        %get3A_187 = arith.constant 64 : index
        %get3A_188 = tpu.vector_load %arg13[%get3A_186, %get3A_187] {strides = array<i32>} : memref<64x128xf32, #tpu.memory_space<vmem>>, vector<1x16xf32>,
        %get3A_189 = vector.shape_cast %get3A_188 : vector<1x16xf32> to vector<16xf32>
        %add3A_190 = arith.addf %get3A_185, %get3A_189 : vector<16xf32>
        %max3A_191 = arith.constant 0.000000e+00 : f32
        %max3A_192 = vector.broadcast %max3A_191 : f32 to vector<16xf32>
        %max3A_193 = arith.maximumf %add3A_190, %max3A_192 : vector<16xf32>
        %swap3A_194 = arith.index_cast %scan3A_116 : i32 to index
        %swap3A_195 = arith.constant 64 : index
        %swap3A_196 = tpu.vector_load %arg13[%swap3A_194, %swap3A_195] {strides = array<i32>} : memref<64x128xf32, #tpu.memory_space<vmem>>, vector<1x16xf32>,
        %swap3A_197 = vector.shape_cast %swap3A_196 : vector<1x16xf32> to vector<16xf32>
        %swap3A_198 = vector.shape_cast %max3A_193 : vector<16xf32> to vector<1x16xf32>
        tpu.vector_store %arg13[%swap3A_194, %swap3A_195], %swap3A_198 {strides = array<i32>} : memref<64x128xf32, #tpu.memory_space<vmem>>, vector<1x16xf32>,
        %get3A_199 = arith.index_cast %scan3A_116 : i32 to index
        %get3A_200 = arith.constant 80 : index
        %get3A_201 = tpu.vector_load %arg12[%get3A_199, %get3A_200] {strides = array<i32>} : memref<64x128xf32, #tpu.memory_space<vmem>>, vector<1x16xf32>,
        %get3A_202 = vector.shape_cast %get3A_201 : vector<1x16xf32> to vector<16xf32>
        %get3A_203 = arith.index_cast %scan3A_116 : i32 to index
        %get3A_204 = arith.constant 80 : index
        %get3A_205 = tpu.vector_load %arg13[%get3A_203, %get3A_204] {strides = array<i32>} : memref<64x128xf32, #tpu.memory_space<vmem>>, vector<1x16xf32>,
        %get3A_206 = vector.shape_cast %get3A_205 : vector<1x16xf32> to vector<16xf32>
        %add3A_207 = arith.addf %get3A_202, %get3A_206 : vector<16xf32>
        %max3A_208 = arith.constant 0.000000e+00 : f32
        %max3A_209 = vector.broadcast %max3A_208 : f32 to vector<16xf32>
        %max3A_210 = arith.maximumf %add3A_207, %max3A_209 : vector<16xf32>
        %swap3A_211 = arith.index_cast %scan3A_116 : i32 to index
        %swap3A_212 = arith.constant 80 : index
        %swap3A_213 = tpu.vector_load %arg13[%swap3A_211, %swap3A_212] {strides = array<i32>} : memref<64x128xf32, #tpu.memory_space<vmem>>, vector<1x16xf32>,
        %swap3A_214 = vector.shape_cast %swap3A_213 : vector<1x16xf32> to vector<16xf32>
        %swap3A_215 = vector.shape_cast %max3A_210 : vector<16xf32> to vector<1x16xf32>
        tpu.vector_store %arg13[%swap3A_211, %swap3A_212], %swap3A_215 {strides = array<i32>} : memref<64x128xf32, #tpu.memory_space<vmem>>, vector<1x16xf32>,
        %get3A_216 = arith.index_cast %scan3A_116 : i32 to index
        %get3A_217 = arith.constant 96 : index
        %get3A_218 = tpu.vector_load %arg12[%get3A_216, %get3A_217] {strides = array<i32>} : memref<64x128xf32, #tpu.memory_space<vmem>>, vector<1x16xf32>,
        %get3A_219 = vector.shape_cast %get3A_218 : vector<1x16xf32> to vector<16xf32>
        %get3A_220 = arith.index_cast %scan3A_116 : i32 to index
        %get3A_221 = arith.constant 96 : index
        %get3A_222 = tpu.vector_load %arg13[%get3A_220, %get3A_221] {strides = array<i32>} : memref<64x128xf32, #tpu.memory_space<vmem>>, vector<1x16xf32>,
        %get3A_223 = vector.shape_cast %get3A_222 : vector<1x16xf32> to vector<16xf32>
        %add3A_224 = arith.addf %get3A_219, %get3A_223 : vector<16xf32>
        %max3A_225 = arith.constant 0.000000e+00 : f32
        %max3A_226 = vector.broadcast %max3A_225 : f32 to vector<16xf32>
        %max3A_227 = arith.maximumf %add3A_224, %max3A_226 : vector<16xf32>
        %swap3A_228 = arith.index_cast %scan3A_116 : i32 to index
        %swap3A_229 = arith.constant 96 : index
        %swap3A_230 = tpu.vector_load %arg13[%swap3A_228, %swap3A_229] {strides = array<i32>} : memref<64x128xf32, #tpu.memory_space<vmem>>, vector<1x16xf32>,
        %swap3A_231 = vector.shape_cast %swap3A_230 : vector<1x16xf32> to vector<16xf32>
        %swap3A_232 = vector.shape_cast %max3A_227 : vector<16xf32> to vector<1x16xf32>
        tpu.vector_store %arg13[%swap3A_228, %swap3A_229], %swap3A_232 {strides = array<i32>} : memref<64x128xf32, #tpu.memory_space<vmem>>, vector<1x16xf32>,
        %get3A_233 = arith.index_cast %scan3A_116 : i32 to index
        %get3A_234 = arith.constant 112 : index
        %get3A_235 = tpu.vector_load %arg12[%get3A_233, %get3A_234] {strides = array<i32>} : memref<64x128xf32, #tpu.memory_space<vmem>>, vector<1x16xf32>,
        %get3A_236 = vector.shape_cast %get3A_235 : vector<1x16xf32> to vector<16xf32>
        %get3A_237 = arith.index_cast %scan3A_116 : i32 to index
        %get3A_238 = arith.constant 112 : index
        %get3A_239 = tpu.vector_load %arg13[%get3A_237, %get3A_238] {strides = array<i32>} : memref<64x128xf32, #tpu.memory_space<vmem>>, vector<1x16xf32>,
        %get3A_240 = vector.shape_cast %get3A_239 : vector<1x16xf32> to vector<16xf32>
        %add3A_241 = arith.addf %get3A_236, %get3A_240 : vector<16xf32>
        %max3A_242 = arith.constant 0.000000e+00 : f32
        %max3A_243 = vector.broadcast %max3A_242 : f32 to vector<16xf32>
        %max3A_244 = arith.maximumf %add3A_241, %max3A_243 : vector<16xf32>
        %swap3A_245 = arith.index_cast %scan3A_116 : i32 to index
        %swap3A_246 = arith.constant 112 : index
        %swap3A_247 = tpu.vector_load %arg13[%swap3A_245, %swap3A_246] {strides = array<i32>} : memref<64x128xf32, #tpu.memory_space<vmem>>, vector<1x16xf32>,
        %swap3A_248 = vector.shape_cast %swap3A_247 : vector<1x16xf32> to vector<16xf32>
        %swap3A_249 = vector.shape_cast %max3A_244 : vector<16xf32> to vector<1x16xf32>
        tpu.vector_store %arg13[%swap3A_245, %swap3A_246], %swap3A_249 {strides = array<i32>} : memref<64x128xf32, #tpu.memory_space<vmem>>, vector<1x16xf32>,
      }
      %scan3A_114 = arith.constant 64 : i32
      %run_scoped3A_115 = arith.constant 39 : i32
      "tpu.region"() ({
        %run_scoped3A_116 = tpu.sem_alloc : memref<!tpu.dma_semaphore, #tpu.memory_space<semaphore_mem>>
        %dma_start3A_117 = arith.constant 0 : i32
        %dma_start3A_118 = tpu.memref_slice %arg9[%run_scoped3A_115, %dma_start3A_117] : memref<40x64xi32, #tpu.memory_space<vmem>> -> memref<1x64xi32, #tpu.memory_space<vmem>>
        %dma_start3A_119 = tpu.memref_squeeze %dma_start3A_118 : memref<1x64xi32, #tpu.memory_space<vmem>> -> memref<64xi32, #tpu.memory_space<vmem>>
        %dma_start3A_120 = arith.constant 0 : i32
        %dma_start3A_121 = arith.constant 0 : i32
        %dma_start3A_122 = tpu.memref_slice %arg16[%dma_start3A_120, %dma_start3A_121] : memref<10240x128xf32, #tpu.memory_space<vmem_shared>> -> memref<10240x128xf32, #tpu.memory_space<vmem_shared>>
        tpu.enqueue_indirect_dma source(%arg13 : memref<64x128xf32, #tpu.memory_space<vmem>>) target(%dma_start3A_122 : memref<10240x128xf32, #tpu.memory_space<vmem_shared>>) offsets(%dma_start3A_119 : memref<64xi32, #tpu.memory_space<vmem>>) semaphore(%run_scoped3A_116 : memref<!tpu.dma_semaphore, #tpu.memory_space<semaphore_mem>>) {add = true}
        %dma_wait3A_123 = arith.constant 0 : i32
        %dma_wait3A_124 = tpu.memref_slice %arg9[%run_scoped3A_115, %dma_wait3A_123] : memref<40x64xi32, #tpu.memory_space<vmem>> -> memref<1x64xi32, #tpu.memory_space<vmem>>
        %dma_wait3A_125 = tpu.memref_squeeze %dma_wait3A_124 : memref<1x64xi32, #tpu.memory_space<vmem>> -> memref<64xi32, #tpu.memory_space<vmem>>
        %dma_wait3A_126 = arith.constant 0 : i32
        %dma_wait3A_127 = arith.constant 0 : i32
        %dma_wait3A_128 = tpu.memref_slice %arg16[%dma_wait3A_126, %dma_wait3A_127] : memref<10240x128xf32, #tpu.memory_space<vmem_shared>> -> memref<10240x128xf32, #tpu.memory_space<vmem_shared>>
        tpu.wait_indirect_dma semaphore(%run_scoped3A_116 : memref<!tpu.dma_semaphore, #tpu.memory_space<semaphore_mem>>) src(%arg13 : memref<64x128xf32, #tpu.memory_space<vmem>>) dst(%dma_wait3A_128 : memref<10240x128xf32, #tpu.memory_space<vmem_shared>>)
        tpu.yield
      }) : () -> ()
    }
    %barrier3A_37 = arith.constant 0 : index
    tpu.barrier barrier_id(%barrier3A_37)
    %mul3A_38 = arith.constant 640 : i32
    %mul3A_39 = arith.muli %arg1, %mul3A_38 : i32
    %mul3A_40 = arith.constant 640 : i32
    %mul3A_41 = arith.muli %arg1, %mul3A_40 : i32
    "tpu.region"() ({
      %run_scoped3A = tpu.sem_alloc : memref<!tpu.dma_semaphore, #tpu.memory_space<semaphore_mem>>
      %dma_start3A = arith.constant 0 : i32
      %dma_start3A_42 = tpu.memref_slice %arg7[%arg0, %mul3A_41, %dma_start3A] : memref<2x10240x128xf32, #tpu.memory_space<hbm>> -> memref<1x640x128xf32, #tpu.memory_space<hbm>>
      %dma_start3A_43 = tpu.memref_squeeze %dma_start3A_42 : memref<1x640x128xf32, #tpu.memory_space<hbm>> -> memref<640x128xf32, #tpu.memory_space<hbm>>
      %dma_start3A_44 = arith.constant 0 : i32
      %dma_start3A_45 = tpu.memref_slice %arg16[%mul3A_39, %dma_start3A_44] : memref<10240x128xf32, #tpu.memory_space<vmem_shared>> -> memref<640x128xf32, #tpu.memory_space<vmem_shared>>
      tpu.enqueue_dma source(%dma_start3A_45 : memref<640x128xf32, #tpu.memory_space<vmem_shared>>) target(%dma_start3A_43 : memref<640x128xf32, #tpu.memory_space<hbm>>) target_semaphore(%run_scoped3A : memref<!tpu.dma_semaphore, #tpu.memory_space<semaphore_mem>>)
      %dma_wait3A = arith.constant 0 : i32
      %dma_wait3A_46 = tpu.memref_slice %arg7[%arg0, %mul3A_41, %dma_wait3A] : memref<2x10240x128xf32, #tpu.memory_space<hbm>> -> memref<1x640x128xf32, #tpu.memory_space<hbm>>
      %dma_wait3A_47 = tpu.memref_squeeze %dma_wait3A_46 : memref<1x640x128xf32, #tpu.memory_space<hbm>> -> memref<640x128xf32, #tpu.memory_space<hbm>>
      %dma_wait3A_48 = arith.constant 0 : i32
      %dma_wait3A_49 = tpu.memref_slice %arg16[%mul3A_39, %dma_wait3A_48] : memref<10240x128xf32, #tpu.memory_space<vmem_shared>> -> memref<640x128xf32, #tpu.memory_space<vmem_shared>>
      tpu.wait_dma2 semaphore(%run_scoped3A : memref<!tpu.dma_semaphore, #tpu.memory_space<semaphore_mem>>) src(%dma_wait3A_49 : memref<640x128xf32, #tpu.memory_space<vmem_shared>>) dst(%dma_wait3A_47 : memref<640x128xf32, #tpu.memory_space<hbm>>)
      tpu.yield
    }) : () -> ()
    return
  }
}

module attributes {stable_mosaic.version = 14 : i64} {
  func.func @_edge_lin_body(%arg0: i32, %arg1: memref<8192x16xf32, #tpu.memory_space<vmem>>, %arg2: memref<16x128xf32, #tpu.memory_space<vmem>>, %arg3: memref<1x128xf32, #tpu.memory_space<vmem>>, %arg4: memref<16x128xf32, #tpu.memory_space<vmem>>, %arg5: memref<1x128xf32, #tpu.memory_space<vmem>>, %arg6: memref<8192x128xf32, #tpu.memory_space<vmem>>, %arg7: memref<8192x128xf32, #tpu.memory_space<vmem>>) attributes {dimension_semantics = [#tpu.dimension_semantics<arbitrary>], iteration_bounds = array<i64: 40>, scalar_prefetch = 0 : i64, scratch_operands = 0 : i64, tpu.core_type = #tpu.core_type<tc>, window_params = [{transform_indices = @transform_0, window_bounds = array<i64: 8192, 16>}, {pipeline_mode = #tpu.pipeline_mode<synchronous>, transform_indices = @transform_1, window_bounds = array<i64: 16, 128>}, {pipeline_mode = #tpu.pipeline_mode<synchronous>, transform_indices = @transform_2, window_bounds = array<i64: 1, 128>}, {pipeline_mode = #tpu.pipeline_mode<synchronous>, transform_indices = @transform_3, window_bounds = array<i64: 16, 128>}, {pipeline_mode = #tpu.pipeline_mode<synchronous>, transform_indices = @transform_4, window_bounds = array<i64: 1, 128>}, {transform_indices = @transform_5, window_bounds = array<i64: 8192, 128>}, {transform_indices = @transform_6, window_bounds = array<i64: 8192, 128>}]} {
    %get3A = arith.constant 0 : index
    %get3A_0 = arith.constant 0 : index
    %get3A_1 = vector.load %arg1[%get3A, %get3A_0] : memref<8192x16xf32, #tpu.memory_space<vmem>>, vector<8192x16xf32>
    %get3A_2 = arith.constant 0 : index
    %get3A_3 = arith.constant 0 : index
    %get3A_4 = vector.load %arg2[%get3A_2, %get3A_3] : memref<16x128xf32, #tpu.memory_space<vmem>>, vector<16x128xf32>
    %dot_general3A = arith.constant dense<0.000000e+00> : vector<8192x128xf32>
    %dot_general3A_5 = tpu.matmul %get3A_1, %get3A_4, %dot_general3A {dimension_numbers = #tpu.dot_dimension_numbers<[1], [0], [0], [1], [0, 0, 1, 1], [], []>, transpose_lhs_hint = false} : vector<8192x16xf32>, vector<16x128xf32>, vector<8192x128xf32> -> vector<8192x128xf32>
    %get3A_6 = arith.constant 0 : index
    %get3A_7 = arith.constant 0 : index
    %get3A_8 = vector.load %arg3[%get3A_6, %get3A_7] : memref<1x128xf32, #tpu.memory_space<vmem>>, vector<1x128xf32>
    %add3A = vector.broadcast %get3A_8 : vector<1x128xf32> to vector<8192x128xf32>
    %add3A_9 = arith.addf %dot_general3A_5, %add3A : vector<8192x128xf32>
    %swap3A = arith.constant 0 : index
    %swap3A_10 = arith.constant 0 : index
    %swap3A_11 = vector.load %arg6[%swap3A, %swap3A_10] : memref<8192x128xf32, #tpu.memory_space<vmem>>, vector<8192x128xf32>
    tpu.vector_store %arg6[%swap3A, %swap3A_10], %add3A_9 {strides = array<i32>} : memref<8192x128xf32, #tpu.memory_space<vmem>>, vector<8192x128xf32>,
    %get3A_12 = arith.constant 0 : index
    %get3A_13 = arith.constant 0 : index
    %get3A_14 = vector.load %arg4[%get3A_12, %get3A_13] : memref<16x128xf32, #tpu.memory_space<vmem>>, vector<16x128xf32>
    %dot_general3A_15 = arith.constant dense<0.000000e+00> : vector<8192x128xf32>
    %dot_general3A_16 = tpu.matmul %get3A_1, %get3A_14, %dot_general3A_15 {dimension_numbers = #tpu.dot_dimension_numbers<[1], [0], [0], [1], [0, 0, 1, 1], [], []>, transpose_lhs_hint = false} : vector<8192x16xf32>, vector<16x128xf32>, vector<8192x128xf32> -> vector<8192x128xf32>
    %get3A_17 = arith.constant 0 : index
    %get3A_18 = arith.constant 0 : index
    %get3A_19 = vector.load %arg5[%get3A_17, %get3A_18] : memref<1x128xf32, #tpu.memory_space<vmem>>, vector<1x128xf32>
    %add3A_20 = vector.broadcast %get3A_19 : vector<1x128xf32> to vector<8192x128xf32>
    %add3A_21 = arith.addf %dot_general3A_16, %add3A_20 : vector<8192x128xf32>
    %swap3A_22 = arith.constant 0 : index
    %swap3A_23 = arith.constant 0 : index
    %swap3A_24 = vector.load %arg7[%swap3A_22, %swap3A_23] : memref<8192x128xf32, #tpu.memory_space<vmem>>, vector<8192x128xf32>
    tpu.vector_store %arg7[%swap3A_22, %swap3A_23], %add3A_21 {strides = array<i32>} : memref<8192x128xf32, #tpu.memory_space<vmem>>, vector<8192x128xf32>,
    return
  }
  func.func @transform_0(%arg0: i32) -> (i32, i32) {
    %c0_i32 = arith.constant 0 : i32
    %c0_i32_0 = arith.constant 0 : i32
    return %arg0, %c0_i32 : i32, i32
  }
  func.func @transform_1(%arg0: i32) -> (i32, i32) {
    %c0_i32 = arith.constant 0 : i32
    %c0_i32_0 = arith.constant 0 : i32
    %c0_i32_1 = arith.constant 0 : i32
    return %c0_i32, %c0_i32_0 : i32, i32
  }
  func.func @transform_2(%arg0: i32) -> (i32, i32) {
    %c0_i32 = arith.constant 0 : i32
    %c0_i32_0 = arith.constant 0 : i32
    %c0_i32_1 = arith.constant 0 : i32
    return %c0_i32, %c0_i32_0 : i32, i32
  }
  func.func @transform_3(%arg0: i32) -> (i32, i32) {
    %c0_i32 = arith.constant 0 : i32
    %c0_i32_0 = arith.constant 0 : i32
    %c0_i32_1 = arith.constant 0 : i32
    return %c0_i32, %c0_i32_0 : i32, i32
  }
  func.func @transform_4(%arg0: i32) -> (i32, i32) {
    %c0_i32 = arith.constant 0 : i32
    %c0_i32_0 = arith.constant 0 : i32
    %c0_i32_1 = arith.constant 0 : i32
    return %c0_i32, %c0_i32_0 : i32, i32
  }
  func.func @transform_5(%arg0: i32) -> (i32, i32) {
    %c0_i32 = arith.constant 0 : i32
    %c0_i32_0 = arith.constant 0 : i32
    return %arg0, %c0_i32 : i32, i32
  }
  func.func @transform_6(%arg0: i32) -> (i32, i32) {
    %c0_i32 = arith.constant 0 : i32
    %c0_i32_0 = arith.constant 0 : i32
    return %arg0, %c0_i32 : i32, i32
  }
}

module attributes {stable_mosaic.version = 14 : i64} {
  func.func @_mlp_body(%arg0: i32, %arg1: memref<2000x128xf32, #tpu.memory_space<vmem>>, %arg2: memref<1x2000x128xf32, #tpu.memory_space<vmem>>, %arg3: memref<1x2000x128xf32, #tpu.memory_space<vmem>>, %arg4: memref<128x128xf32, #tpu.memory_space<vmem>>, %arg5: memref<1x128xf32, #tpu.memory_space<vmem>>, %arg6: memref<128x128xf32, #tpu.memory_space<vmem>>, %arg7: memref<1x128xf32, #tpu.memory_space<vmem>>, %arg8: memref<2000x128xf32, #tpu.memory_space<vmem>>) attributes {dimension_semantics = [#tpu.dimension_semantics<arbitrary>], iteration_bounds = array<i64: 5>, scalar_prefetch = 0 : i64, scratch_operands = 0 : i64, tpu.core_type = #tpu.core_type<tc>, window_params = [{transform_indices = @transform_0, window_bounds = array<i64: 2000, 128>}, {transform_indices = @transform_1, window_bounds = array<i64: 1, 2000, 128>}, {transform_indices = @transform_2, window_bounds = array<i64: 1, 2000, 128>}, {pipeline_mode = #tpu.pipeline_mode<synchronous>, transform_indices = @transform_3, window_bounds = array<i64: 128, 128>}, {pipeline_mode = #tpu.pipeline_mode<synchronous>, transform_indices = @transform_4, window_bounds = array<i64: 1, 128>}, {pipeline_mode = #tpu.pipeline_mode<synchronous>, transform_indices = @transform_5, window_bounds = array<i64: 128, 128>}, {pipeline_mode = #tpu.pipeline_mode<synchronous>, transform_indices = @transform_6, window_bounds = array<i64: 1, 128>}, {transform_indices = @transform_7, window_bounds = array<i64: 2000, 128>}]} {
    %get3A = arith.constant 0 : index
    %get3A_0 = arith.constant 0 : index
    %get3A_1 = vector.load %arg1[%get3A, %get3A_0] : memref<2000x128xf32, #tpu.memory_space<vmem>>, vector<2000x128xf32>
    %get3A_2 = arith.constant 0 : index
    %get3A_3 = arith.constant 0 : index
    %get3A_4 = arith.constant 0 : index
    %get3A_5 = vector.load %arg2[%get3A_2, %get3A_3, %get3A_4] : memref<1x2000x128xf32, #tpu.memory_space<vmem>>, vector<1x2000x128xf32>
    %get3A_6 = vector.shape_cast %get3A_5 : vector<1x2000x128xf32> to vector<2000x128xf32>
    %add3A = arith.addf %get3A_1, %get3A_6 : vector<2000x128xf32>
    %get3A_7 = arith.constant 0 : index
    %get3A_8 = arith.constant 0 : index
    %get3A_9 = arith.constant 0 : index
    %get3A_10 = vector.load %arg3[%get3A_7, %get3A_8, %get3A_9] : memref<1x2000x128xf32, #tpu.memory_space<vmem>>, vector<1x2000x128xf32>
    %get3A_11 = vector.shape_cast %get3A_10 : vector<1x2000x128xf32> to vector<2000x128xf32>
    %add3A_12 = arith.addf %add3A, %get3A_11 : vector<2000x128xf32>
    %get3A_13 = arith.constant 0 : index
    %get3A_14 = arith.constant 0 : index
    %get3A_15 = vector.load %arg4[%get3A_13, %get3A_14] : memref<128x128xf32, #tpu.memory_space<vmem>>, vector<128x128xf32>
    %dot_general3A = arith.constant dense<0.000000e+00> : vector<2000x128xf32>
    %dot_general3A_16 = tpu.matmul %add3A_12, %get3A_15, %dot_general3A {dimension_numbers = #tpu.dot_dimension_numbers<[1], [0], [0], [1], [0, 0, 1, 1], [], []>, transpose_lhs_hint = false} : vector<2000x128xf32>, vector<128x128xf32>, vector<2000x128xf32> -> vector<2000x128xf32>
    %get3A_17 = arith.constant 0 : index
    %get3A_18 = arith.constant 0 : index
    %get3A_19 = vector.load %arg5[%get3A_17, %get3A_18] : memref<1x128xf32, #tpu.memory_space<vmem>>, vector<1x128xf32>
    %add3A_20 = vector.broadcast %get3A_19 : vector<1x128xf32> to vector<2000x128xf32>
    %add3A_21 = arith.addf %dot_general3A_16, %add3A_20 : vector<2000x128xf32>
    %max3A = arith.constant 0.000000e+00 : f32
    %max3A_22 = vector.broadcast %max3A : f32 to vector<2000x128xf32>
    %max3A_23 = arith.maximumf %add3A_21, %max3A_22 : vector<2000x128xf32>
    %get3A_24 = arith.constant 0 : index
    %get3A_25 = arith.constant 0 : index
    %get3A_26 = vector.load %arg6[%get3A_24, %get3A_25] : memref<128x128xf32, #tpu.memory_space<vmem>>, vector<128x128xf32>
    %dot_general3A_27 = arith.constant dense<0.000000e+00> : vector<2000x128xf32>
    %dot_general3A_28 = tpu.matmul %max3A_23, %get3A_26, %dot_general3A_27 {dimension_numbers = #tpu.dot_dimension_numbers<[1], [0], [0], [1], [0, 0, 1, 1], [], []>, transpose_lhs_hint = false} : vector<2000x128xf32>, vector<128x128xf32>, vector<2000x128xf32> -> vector<2000x128xf32>
    %get3A_29 = arith.constant 0 : index
    %get3A_30 = arith.constant 0 : index
    %get3A_31 = vector.load %arg7[%get3A_29, %get3A_30] : memref<1x128xf32, #tpu.memory_space<vmem>>, vector<1x128xf32>
    %add3A_32 = vector.broadcast %get3A_31 : vector<1x128xf32> to vector<2000x128xf32>
    %add3A_33 = arith.addf %dot_general3A_28, %add3A_32 : vector<2000x128xf32>
    %max3A_34 = arith.constant 0.000000e+00 : f32
    %max3A_35 = vector.broadcast %max3A_34 : f32 to vector<2000x128xf32>
    %max3A_36 = arith.maximumf %add3A_33, %max3A_35 : vector<2000x128xf32>
    %swap3A = arith.constant 0 : index
    %swap3A_37 = arith.constant 0 : index
    %swap3A_38 = vector.load %arg8[%swap3A, %swap3A_37] : memref<2000x128xf32, #tpu.memory_space<vmem>>, vector<2000x128xf32>
    tpu.vector_store %arg8[%swap3A, %swap3A_37], %max3A_36 {strides = array<i32>} : memref<2000x128xf32, #tpu.memory_space<vmem>>, vector<2000x128xf32>,
    return
  }
  func.func @transform_0(%arg0: i32) -> (i32, i32) {
    %c0_i32 = arith.constant 0 : i32
    %c0_i32_0 = arith.constant 0 : i32
    return %arg0, %c0_i32 : i32, i32
  }
  func.func @transform_1(%arg0: i32) -> (i32, i32, i32) {
    %c0_i32 = arith.constant 0 : i32
    %c0_i32_0 = arith.constant 0 : i32
    %c0_i32_1 = arith.constant 0 : i32
    return %c0_i32, %arg0, %c0_i32_0 : i32, i32, i32
  }
  func.func @transform_2(%arg0: i32) -> (i32, i32, i32) {
    %c1_i32 = arith.constant 1 : i32
    %c0_i32 = arith.constant 0 : i32
    %c0_i32_0 = arith.constant 0 : i32
    return %c1_i32, %arg0, %c0_i32 : i32, i32, i32
  }
  func.func @transform_3(%arg0: i32) -> (i32, i32) {
    %c0_i32 = arith.constant 0 : i32
    %c0_i32_0 = arith.constant 0 : i32
    %c0_i32_1 = arith.constant 0 : i32
    return %c0_i32, %c0_i32_0 : i32, i32
  }
  func.func @transform_4(%arg0: i32) -> (i32, i32) {
    %c0_i32 = arith.constant 0 : i32
    %c0_i32_0 = arith.constant 0 : i32
    %c0_i32_1 = arith.constant 0 : i32
    return %c0_i32, %c0_i32_0 : i32, i32
  }
  func.func @transform_5(%arg0: i32) -> (i32, i32) {
    %c0_i32 = arith.constant 0 : i32
    %c0_i32_0 = arith.constant 0 : i32
    %c0_i32_1 = arith.constant 0 : i32
    return %c0_i32, %c0_i32_0 : i32, i32
  }
  func.func @transform_6(%arg0: i32) -> (i32, i32) {
    %c0_i32 = arith.constant 0 : i32
    %c0_i32_0 = arith.constant 0 : i32
    %c0_i32_1 = arith.constant 0 : i32
    return %c0_i32, %c0_i32_0 : i32, i32
  }
  func.func @transform_7(%arg0: i32) -> (i32, i32) {
    %c0_i32 = arith.constant 0 : i32
    %c0_i32_0 = arith.constant 0 : i32
    return %arg0, %c0_i32 : i32, i32
  }
}

module attributes {stable_mosaic.version = 14 : i64} {
  func.func @_mlp_bn_body(%arg0: i32, %arg1: memref<10000x128xf32, #tpu.memory_space<vmem>>, %arg2: memref<1x10000x128xf32, #tpu.memory_space<vmem>>, %arg3: memref<1x10000x128xf32, #tpu.memory_space<vmem>>, %arg4: memref<128x128xf32, #tpu.memory_space<vmem>>, %arg5: memref<1x128xf32, #tpu.memory_space<vmem>>, %arg6: memref<128x128xf32, #tpu.memory_space<vmem>>, %arg7: memref<1x128xf32, #tpu.memory_space<vmem>>, %arg8: memref<1x128xf32, #tpu.memory_space<vmem>>, %arg9: memref<1x128xf32, #tpu.memory_space<vmem>>, %arg10: memref<10000x128xf32, #tpu.memory_space<vmem>>) attributes {dimension_semantics = [#tpu.dimension_semantics<arbitrary>], iteration_bounds = array<i64: 1>, scalar_prefetch = 0 : i64, scratch_operands = 0 : i64, tpu.core_type = #tpu.core_type<tc>, window_params = [{pipeline_mode = #tpu.pipeline_mode<synchronous>, transform_indices = @transform_0, window_bounds = array<i64: 10000, 128>}, {transform_indices = @transform_1, window_bounds = array<i64: 1, 10000, 128>}, {transform_indices = @transform_2, window_bounds = array<i64: 1, 10000, 128>}, {pipeline_mode = #tpu.pipeline_mode<synchronous>, transform_indices = @transform_3, window_bounds = array<i64: 128, 128>}, {pipeline_mode = #tpu.pipeline_mode<synchronous>, transform_indices = @transform_4, window_bounds = array<i64: 1, 128>}, {pipeline_mode = #tpu.pipeline_mode<synchronous>, transform_indices = @transform_5, window_bounds = array<i64: 128, 128>}, {pipeline_mode = #tpu.pipeline_mode<synchronous>, transform_indices = @transform_6, window_bounds = array<i64: 1, 128>}, {pipeline_mode = #tpu.pipeline_mode<synchronous>, transform_indices = @transform_7, window_bounds = array<i64: 1, 128>}, {pipeline_mode = #tpu.pipeline_mode<synchronous>, transform_indices = @transform_8, window_bounds = array<i64: 1, 128>}, {pipeline_mode = #tpu.pipeline_mode<synchronous>, transform_indices = @transform_9, window_bounds = array<i64: 10000, 128>}]} {
    %get3A = arith.constant 0 : index
    %get3A_0 = arith.constant 0 : index
    %get3A_1 = vector.load %arg1[%get3A, %get3A_0] : memref<10000x128xf32, #tpu.memory_space<vmem>>, vector<10000x128xf32>
    %get3A_2 = arith.constant 0 : index
    %get3A_3 = arith.constant 0 : index
    %get3A_4 = arith.constant 0 : index
    %get3A_5 = vector.load %arg2[%get3A_2, %get3A_3, %get3A_4] : memref<1x10000x128xf32, #tpu.memory_space<vmem>>, vector<1x10000x128xf32>
    %get3A_6 = vector.shape_cast %get3A_5 : vector<1x10000x128xf32> to vector<10000x128xf32>
    %add3A = arith.addf %get3A_1, %get3A_6 : vector<10000x128xf32>
    %get3A_7 = arith.constant 0 : index
    %get3A_8 = arith.constant 0 : index
    %get3A_9 = arith.constant 0 : index
    %get3A_10 = vector.load %arg3[%get3A_7, %get3A_8, %get3A_9] : memref<1x10000x128xf32, #tpu.memory_space<vmem>>, vector<1x10000x128xf32>
    %get3A_11 = vector.shape_cast %get3A_10 : vector<1x10000x128xf32> to vector<10000x128xf32>
    %add3A_12 = arith.addf %add3A, %get3A_11 : vector<10000x128xf32>
    %get3A_13 = arith.constant 0 : index
    %get3A_14 = arith.constant 0 : index
    %get3A_15 = vector.load %arg4[%get3A_13, %get3A_14] : memref<128x128xf32, #tpu.memory_space<vmem>>, vector<128x128xf32>
    %dot_general3A = arith.constant dense<0.000000e+00> : vector<10000x128xf32>
    %dot_general3A_16 = tpu.matmul %add3A_12, %get3A_15, %dot_general3A {dimension_numbers = #tpu.dot_dimension_numbers<[1], [0], [0], [1], [0, 0, 1, 1], [], []>, transpose_lhs_hint = false} : vector<10000x128xf32>, vector<128x128xf32>, vector<10000x128xf32> -> vector<10000x128xf32>
    %get3A_17 = arith.constant 0 : index
    %get3A_18 = arith.constant 0 : index
    %get3A_19 = vector.load %arg5[%get3A_17, %get3A_18] : memref<1x128xf32, #tpu.memory_space<vmem>>, vector<1x128xf32>
    %add3A_20 = vector.broadcast %get3A_19 : vector<1x128xf32> to vector<10000x128xf32>
    %add3A_21 = arith.addf %dot_general3A_16, %add3A_20 : vector<10000x128xf32>
    %max3A = arith.constant 0.000000e+00 : f32
    %max3A_22 = vector.broadcast %max3A : f32 to vector<10000x128xf32>
    %max3A_23 = arith.maximumf %add3A_21, %max3A_22 : vector<10000x128xf32>
    %get3A_24 = arith.constant 0 : index
    %get3A_25 = arith.constant 0 : index
    %get3A_26 = vector.load %arg6[%get3A_24, %get3A_25] : memref<128x128xf32, #tpu.memory_space<vmem>>, vector<128x128xf32>
    %dot_general3A_27 = arith.constant dense<0.000000e+00> : vector<10000x128xf32>
    %dot_general3A_28 = tpu.matmul %max3A_23, %get3A_26, %dot_general3A_27 {dimension_numbers = #tpu.dot_dimension_numbers<[1], [0], [0], [1], [0, 0, 1, 1], [], []>, transpose_lhs_hint = false} : vector<10000x128xf32>, vector<128x128xf32>, vector<10000x128xf32> -> vector<10000x128xf32>
    %get3A_29 = arith.constant 0 : index
    %get3A_30 = arith.constant 0 : index
    %get3A_31 = vector.load %arg7[%get3A_29, %get3A_30] : memref<1x128xf32, #tpu.memory_space<vmem>>, vector<1x128xf32>
    %add3A_32 = vector.broadcast %get3A_31 : vector<1x128xf32> to vector<10000x128xf32>
    %add3A_33 = arith.addf %dot_general3A_28, %add3A_32 : vector<10000x128xf32>
    %reduce_sum3A = arith.constant dense<0.000000e+00> : vector<128xf32>
    %reduce_sum3A_34 = vector.multi_reduction <add>, %add3A_33, %reduce_sum3A [0] : vector<10000x128xf32> to vector<128xf32>
    %broadcast_in_dim3A = vector.shape_cast %reduce_sum3A_34 : vector<128xf32> to vector<1x128xf32>
    %div3A = arith.constant 1.000000e+04 : f32
    %div3A_35 = vector.broadcast %div3A : f32 to vector<1x128xf32>
    %div3A_36 = arith.divf %broadcast_in_dim3A, %div3A_35 : vector<1x128xf32>
    %sub3A = vector.broadcast %div3A_36 : vector<1x128xf32> to vector<10000x128xf32>
    %sub3A_37 = arith.subf %add3A_33, %sub3A : vector<10000x128xf32>
    %integer_pow3A = arith.mulf %sub3A_37, %sub3A_37 : vector<10000x128xf32>
    %reduce_sum3A_38 = arith.constant dense<0.000000e+00> : vector<128xf32>
    %reduce_sum3A_39 = vector.multi_reduction <add>, %integer_pow3A, %reduce_sum3A_38 [0] : vector<10000x128xf32> to vector<128xf32>
    %broadcast_in_dim3A_40 = vector.shape_cast %reduce_sum3A_39 : vector<128xf32> to vector<1x128xf32>
    %div3A_41 = arith.constant 1.000000e+04 : f32
    %div3A_42 = vector.broadcast %div3A_41 : f32 to vector<1x128xf32>
    %div3A_43 = arith.divf %broadcast_in_dim3A_40, %div3A_42 : vector<1x128xf32>
    %get3A_44 = arith.constant 0 : index
    %get3A_45 = arith.constant 0 : index
    %get3A_46 = vector.load %arg8[%get3A_44, %get3A_45] : memref<1x128xf32, #tpu.memory_space<vmem>>, vector<1x128xf32>
    %sub3A_47 = vector.broadcast %div3A_36 : vector<1x128xf32> to vector<10000x128xf32>
    %sub3A_48 = arith.subf %add3A_33, %sub3A_47 : vector<10000x128xf32>
    %mul3A = vector.broadcast %get3A_46 : vector<1x128xf32> to vector<10000x128xf32>
    %mul3A_49 = arith.mulf %mul3A, %sub3A_48 : vector<10000x128xf32>
    %add3A_50 = arith.constant 9.99999974E-6 : f32
    %add3A_51 = vector.broadcast %add3A_50 : f32 to vector<1x128xf32>
    %add3A_52 = arith.addf %div3A_43, %add3A_51 : vector<1x128xf32>
    %rsqrt3A = math.rsqrt %add3A_52 : vector<1x128xf32>
    %mul3A_53 = vector.broadcast %rsqrt3A : vector<1x128xf32> to vector<10000x128xf32>
    %mul3A_54 = arith.mulf %mul3A_49, %mul3A_53 : vector<10000x128xf32>
    %get3A_55 = arith.constant 0 : index
    %get3A_56 = arith.constant 0 : index
    %get3A_57 = vector.load %arg9[%get3A_55, %get3A_56] : memref<1x128xf32, #tpu.memory_space<vmem>>, vector<1x128xf32>
    %add3A_58 = vector.broadcast %get3A_57 : vector<1x128xf32> to vector<10000x128xf32>
    %add3A_59 = arith.addf %mul3A_54, %add3A_58 : vector<10000x128xf32>
    %swap3A = arith.constant 0 : index
    %swap3A_60 = arith.constant 0 : index
    %swap3A_61 = vector.load %arg10[%swap3A, %swap3A_60] : memref<10000x128xf32, #tpu.memory_space<vmem>>, vector<10000x128xf32>
    tpu.vector_store %arg10[%swap3A, %swap3A_60], %add3A_59 {strides = array<i32>} : memref<10000x128xf32, #tpu.memory_space<vmem>>, vector<10000x128xf32>,
    return
  }
  func.func @transform_0(%arg0: i32) -> (i32, i32) {
    %c0_i32 = arith.constant 0 : i32
    %c0_i32_0 = arith.constant 0 : i32
    %c0_i32_1 = arith.constant 0 : i32
    return %c0_i32, %c0_i32_0 : i32, i32
  }
  func.func @transform_1(%arg0: i32) -> (i32, i32, i32) {
    %c0_i32 = arith.constant 0 : i32
    %c0_i32_0 = arith.constant 0 : i32
    %c0_i32_1 = arith.constant 0 : i32
    %c0_i32_2 = arith.constant 0 : i32
    return %c0_i32, %c0_i32_0, %c0_i32_1 : i32, i32, i32
  }
  func.func @transform_2(%arg0: i32) -> (i32, i32, i32) {
    %c1_i32 = arith.constant 1 : i32
    %c0_i32 = arith.constant 0 : i32
    %c0_i32_0 = arith.constant 0 : i32
    %c0_i32_1 = arith.constant 0 : i32
    return %c1_i32, %c0_i32, %c0_i32_0 : i32, i32, i32
  }
  func.func @transform_3(%arg0: i32) -> (i32, i32) {
    %c0_i32 = arith.constant 0 : i32
    %c0_i32_0 = arith.constant 0 : i32
    %c0_i32_1 = arith.constant 0 : i32
    return %c0_i32, %c0_i32_0 : i32, i32
  }
  func.func @transform_4(%arg0: i32) -> (i32, i32) {
    %c0_i32 = arith.constant 0 : i32
    %c0_i32_0 = arith.constant 0 : i32
    %c0_i32_1 = arith.constant 0 : i32
    return %c0_i32, %c0_i32_0 : i32, i32
  }
  func.func @transform_5(%arg0: i32) -> (i32, i32) {
    %c0_i32 = arith.constant 0 : i32
    %c0_i32_0 = arith.constant 0 : i32
    %c0_i32_1 = arith.constant 0 : i32
    return %c0_i32, %c0_i32_0 : i32, i32
  }
  func.func @transform_6(%arg0: i32) -> (i32, i32) {
    %c0_i32 = arith.constant 0 : i32
    %c0_i32_0 = arith.constant 0 : i32
    %c0_i32_1 = arith.constant 0 : i32
    return %c0_i32, %c0_i32_0 : i32, i32
  }
  func.func @transform_7(%arg0: i32) -> (i32, i32) {
    %c0_i32 = arith.constant 0 : i32
    %c0_i32_0 = arith.constant 0 : i32
    %c0_i32_1 = arith.constant 0 : i32
    return %c0_i32, %c0_i32_0 : i32, i32
  }
  func.func @transform_8(%arg0: i32) -> (i32, i32) {
    %c0_i32 = arith.constant 0 : i32
    %c0_i32_0 = arith.constant 0 : i32
    %c0_i32_1 = arith.constant 0 : i32
    return %c0_i32, %c0_i32_0 : i32, i32
  }
  func.func @transform_9(%arg0: i32) -> (i32, i32) {
    %c0_i32 = arith.constant 0 : i32
    %c0_i32_0 = arith.constant 0 : i32
    %c0_i32_1 = arith.constant 0 : i32
    return %c0_i32, %c0_i32_0 : i32, i32
  }
}

</mosaic_0001>

<sc_bundles>
// kernel: kernel.10.cloned.1.call-start
scs
__scs_entry_jumppad:
0x0: {  	(pc) =	sbr.rel $0x88, $3  }
0x1: {  	(tag) =	ssettag $0x0;
	lr =	simm.s32 $0x1  }
0x2: {  	[smem:$0x3F90] =	sst lr;
	_ =	strace $0xD0000000  }
0x3: {  	_ = 	snop  }
0x4: {  	_ = 	snop  }
0x5: {  	_ = 	snop  }
0x6: {  	_ = 	snop  }
0x7: {  	_ = 	snop  }
__scs_overlays_trampoline_lowered:
0x8: {  	[smem:$0x3F9F] =	sst s0  }
0x9: {  	[smem:$0x3FA0] =	sst s1  }
0xa: {  	[smem:$0x3FA1] =	sst s2  }
0xb: {  	[smem:$0x3FA2] =	sst s3  }
0xc: {  	[smem:$0x3FA3] =	sst s4  }
0xd: {  	[smem:$0x3FA4] =	sst s5  }
0xe: {  	[smem:$0x3FA5] =	sst s6  }
0xf: {  	[smem:$0x3FA6] =	sst s7  }
0x10: {  	[smem:$0x3FA7] =	sst s8  }
0x11: {  	[smem:$0x3FA8] =	sst s9;
	s0 =	simm.s32 @!p0 $0x0  }
0x12: {  	s1 =	sld [smem:$0x3F8E];
	s0 =	simm.s32 @p0 $0x1  }
0x13: {  	[smem:$0x3FA9] =	sst s0;
	s0 =	simm.s32 @!p1 $0x0  }
0x14: {  	s2 =	sld [smem:$0x3F8D];
	s0 =	simm.s32 @p1 $0x1  }
0x15: {  	[smem:$0x3FAA] =	sst s0;
	s0 =	simm.s32 @!p2 $0x0  }
0x16: {  	s3 =	sld [smem:$0x3FDB];
	s0 =	simm.s32 @p2 $0x1  }
0x17: {  	s4 =	simm.s32 $0x1BF5;
	[smem:$0x3FAC] =	sst s0  }
0x18: {  	s0 =	sld [smem:$0x3F8F];
	_ =	swait.ge [sflag:s4], $0x0  }
0x19: {  	s7 =	sld [smem:$0x3F90]  }
0x1a: {  	s8 =	sadd.s32 $0xFFFFE003, lr  }
0x1b: {  	s9 =	sadd.s32 $0xFFFFFEF7, lr;
	s5 =	simm.s32 $0xFFFFFFFF;
	p2 =	slt.u32 s8, $0xFFFFF086  }
0x1c: {  	p1 =	slt.u32 s9, $0xF7A;
	s5 =	simm.s32 @!p2 $0x0  }
0x1d: {  	s5 =	simm.s32 @p1 $0x1;
	p0 =	seq.s32 s7, s2  }
0x1e: {  	s7 =	smul.u32 @!p0 $0xF7A, s2;
	p2 =	seq.s32 @!p0 s5, $0x0  }
0x1f: {  	s9 =	smul.u32 $0xF7A, s1;
	s8 =	simm.s32 @!p0 $0x1BF5;
	p2 =	por !p2, p0  }
0x20: {  	[sflag:s8] =	ssyncset.s32 @!p0 $0xFFFFF086;
	s6 =	sadd.s32 @!p0 s3, s7;
	s7 =	simm.s32 @!p0 $0x108  }
0x21: {  	s3 =	sadd.s32 s3, s9;
	s6 =	sadd.s32 @!p0 $0x88, s6;
	s7 =	simm.s32 @p2 $0x1082  }
0x22: {  	[simem:s7], [sflag:s8] =	dma.local @!p0 [hbm:s6], $0xF7A  }
0x23: {  	s9 =	sor.u32 $0xD0000000, s2;
	s6 =	simm.s32 $0x108;
	_ =	swait.ge @!p0 [sflag:s8], $0x0  }
0x24: {  	s3 =	sadd.s32 $0x88, s3;
	s6 =	simm.s32 @!p1 $0x1082;
	[sflag:s4] =	ssyncset.s32 $0xFFFFF086  }
0x25: {  	[simem:s6], [sflag:s4] =	dma.local [hbm:s3], $0xF7A  }
0x26: {  	[smem:$0x3F90] =	sst s1;
	(tag) =	ssettag s2;
	_ =	strace s9  }
0x27: {  	s1 =	sld [smem:$0x3FA0]  }
0x28: {  	s2 =	sld [smem:$0x3FA1]  }
0x29: {  	s4 =	sld [smem:$0x3FA3]  }
0x2a: {  	p0 =	seq.s32 s5, $0x0;
	s5 =	sld [smem:$0x3FA4]  }
0x2b: {  	s6 =	sld [smem:$0x3FA5]  }
0x2c: {  	s7 =	sld [smem:$0x3FA6]  }
0x2d: {  	s3 =	simm.s32 $0x108;
	s8 =	sld [smem:$0x3FA7]  }
0x2e: {  	s3 =	simm.s32 @!p0 $0x1082;
	s9 =	sld [smem:$0x3FA8]  }
0x2f: {  	lr =	sadd.s32 s0, s3;
	s0 =	sld [smem:$0x3F9F]  }
0x30: {  	s3 =	sld [smem:$0x3FA2]  }
0x31: {  	[smem:$0x3FAB] =	sst s10  }
0x32: {  	s10 =	sld [smem:$0x3FA9];
	_ =	sdelay $0x3  }
0x33: {  	p0 =	seq.s32 s10, $0x1;
	s10 =	sld [smem:$0x3FAB];
	_ =	sdelay $0x3  }
0x34: {  	[smem:$0x3FAB] =	sst s10  }
0x35: {  	s10 =	sld [smem:$0x3FAA];
	_ =	sdelay $0x3  }
0x36: {  	p1 =	seq.s32 s10, $0x1;
	s10 =	sld [smem:$0x3FAB];
	_ =	sdelay $0x3  }
0x37: {  	[smem:$0x3FAB] =	sst s10  }
0x38: {  	s10 =	sld [smem:$0x3FAC]  }
0x39: {  	_ = 	snop;
	(pc) =	sbr.ind lr, $3  }
0x3a: {  	_ = 	snop  }
0x3b: {  	_ = 	snop  }
0x3c: {  	p2 =	seq.s32 s10, $0x1;
	s10 =	sld [smem:$0x3FAB]  }
0x3d: {  	_ =	shalt  }
0x3e: {  	_ =	shalt  }
0x3f: {  	_ =	shalt  }
0x40: {  	_ =	shalt  }
0x41: {  	_ =	shalt  }
0x42: {  	_ =	shalt  }
0x43: {  	_ =	shalt  }
0x44: {  	_ =	shalt  }
0x45: {  	_ =	shalt  }
0x46: {  	_ =	shalt  }
0x47: {  	_ =	shalt  }
0x48: {  	_ =	shalt  }
0x49: {  	_ =	shalt  }
0x4a: {  	_ =	shalt  }
0x4b: {  	_ =	shalt  }
0x4c: {  	_ =	shalt  }
0x4d: {  	_ =	shalt  }
0x4e: {  	_ =	shalt  }
0x4f: {  	_ =	shalt  }
0x50: {  	_ =	shalt  }
0x51: {  	_ =	shalt  }
0x52: {  	_ =	shalt  }
0x53: {  	_ =	shalt  }
0x54: {  	_ =	shalt  }
0x55: {  	_ =	shalt  }
0x56: {  	_ =	shalt  }
0x57: {  	_ =	shalt  }
0x58: {  	_ =	shalt  }
0x59: {  	_ =	shalt  }
0x5a: {  	_ =	shalt  }
0x5b: {  	_ =	shalt  }
0x5c: {  	_ =	shalt  }
0x5d: {  	_ =	shalt  }
0x5e: {  	_ =	shalt  }
0x5f: {  	_ =	shalt  }
0x60: {  	_ =	shalt  }
0x61: {  	_ =	shalt  }
0x62: {  	_ =	shalt  }
0x63: {  	_ =	shalt  }
0x64: {  	_ =	shalt  }
0x65: {  	_ =	shalt  }
0x66: {  	_ =	shalt  }
0x67: {  	_ =	shalt  }
0x68: {  	_ =	shalt  }
0x69: {  	_ =	shalt  }
0x6a: {  	_ =	shalt  }
0x6b: {  	_ =	shalt  }
0x6c: {  	_ =	shalt  }
0x6d: {  	_ =	shalt  }
0x6e: {  	_ =	shalt  }
0x6f: {  	_ =	shalt  }
0x70: {  	_ =	shalt  }
0x71: {  	_ =	shalt  }
0x72: {  	_ =	shalt  }
0x73: {  	_ =	shalt  }
0x74: {  	_ =	shalt  }
0x75: {  	_ =	shalt  }
0x76: {  	_ =	shalt  }
0x77: {  	_ =	shalt  }
0x78: {  	_ =	shalt  }
0x79: {  	_ =	shalt  }
0x7a: {  	_ =	shalt  }
0x7b: {  	_ =	shalt  }
0x7c: {  	_ =	shalt  }
0x7d: {  	_ =	shalt  }
0x7e: {  	_ =	shalt  }
0x7f: {  	_ =	shalt  }
0x80: {  	_ =	shalt  }
0x81: {  	_ =	shalt  }
0x82: {  	_ =	shalt  }
0x83: {  	_ =	shalt  }
0x84: {  	_ =	shalt  }
0x85: {  	_ =	shalt  }
0x86: {  	_ =	shalt  }
0x87: {  	_ =	shalt  }
.Lfunc_end0:
.L_simem_size_0:
called_computation.1_lowered:
.L_overlay_start_0:
0x88: {  	s2 =	sld [smem:$0x3FD9]  }
0x89: {  	s3 =	sld [smem:$0x3FFE];
	_ =	sdelay $0x1  }
0x8a: {  	s1 =	srdreg.scid  }
0x8b: {  	s0 =	sand.u32 $0x1, s1  }
0x8c: {  	s17 =	sshll.u32 s0, $0xA;
	s2 =	sadd.s32 s3, s2  }
0x8d: {  	s2 =	sadd.s32 s2, s17  }
0x8e: {  	[smem:$0x3FB7] =	sst s2  }
0x8f: {  	_ = 	snop  }
0x90: {  	s2 =	sld [smem:$0x3FD0];
	(tm) =	ssettm $0x1  }
0x91: {  	s18 =	sld [smem:$0x3FFB];
	_ =	sdelay $0x3  }
0x92: {  	_ =	strace s18  }
0x93: {  	s3 =	sld [smem:$0x3FFC];
	_ =	sdelay $0x3  }
0x94: {  	_ =	strace s3  }
0x95: {  	s3 =	sld [smem:$0x3FFD];
	_ =	sdelay $0x3  }
0x96: {  	_ =	strace s3  }
0x97: {  	_ =	strace $0x8FFFFFFF  }
0x98: {  	s19 =	sld [smem:$0x3FDB];
	_ =	sdelay $0x1  }
0x99: {  	s4 =	simm.s32 $_scs_section_size  }
0x9a: {  	s5 =	simm.s32 $_size__tile_overlayer_lowered;
	s6 =	simm.s32 $_tile_overlayer_lowered  }
0x9b: {  	s22 =	simm.s32 $0x1BFF;
	s21 =	sshll.u32 s6, $0x1;
	s3 =	sadd.s32 s4, s19  }
0x9c: {  	s7 =	simm.s32 $0x0;
	s20 =	sshll.u32 s5, $0x1;
	s5 =	sadd.s32 s21, s3  }
0x9d: {  	[timem:s7], [sflag:s22] =	dma.local [hbm:s5], s20  }
0x9e: {  	_ =	swait.ge [sflag:s22], s20  }
0x9f: {  	s4 =	ssub.s32 $0x0, s20;
	[sflag:s22] =	ssyncset.done $0x0  }
0xa0: {  	[sflag:s22] =	ssyncadd.s32 s4;
	_ =	sdelay $0x1  }
0xa1: {  	s23 =	simm.s32 $0x1B8B  }
0xa2: {  	_ =	swait.ge [sflag:s23], $0x1  }
0xa3: {  	[sflag:s23] =	ssyncset.done $0x0  }
0xa4: {  	s25 =	simm.s32 $0x1B8E;
	s24 =	sld [smem:$0x3FFE];
	[sflag:s23] =	ssyncadd.s32 $0xFFFFFFFF  }
0xa5: {  	s26 =	simm.s32 $execute0_lowered;
	[smem:$0x3FD2] =	sst s25  }
0xa6: {  	s5 =	sshll.u32 s26, $0x1;
	_ =	strace $0x80000049;
	[dreg:$0x1] =	wrdreg $0xFFFFFFFF  }
0xa7: {  	s28 =	simm.s32 $_size_execute0_lowered;
	s3 =	sadd.s32 s3, s5;
	[dreg:$0x0] =	wrdreg $0x0  }
0xa8: {  	s5 =	sshll.u32 s28, $0x1;
	[dreg:$0x2] =	wrdreg s3  }
0xa9: {  	[dreg:$0x3] =	wrdreg s5  }
0xaa: {  	[dreg:$0x4] =	wrdreg $0xC0  }
0xab: {  	_ =	task [dreg:s7], $0x5FFFF  }
0xac: {  	[dreg:$0x1] =	wrdreg $0xFFFFFFFF  }
0xad: {  	[dreg:$0x0] =	wrdreg $0x60  }
0xae: {  	[dreg:$0x2] =	wrdreg s2  }
0xaf: {  	[dreg:$0x3] =	wrdreg s24  }
0xb0: {  	[dreg:$0x4] =	wrdreg $0xA8000  }
0xb1: {  	[dreg:$0x5] =	wrdreg $0x9  }
0xb2: {  	_ =	task.clear_ibuf [dreg:s7], $0x6FFFF;
	_ =	strace $0x90000049  }
0xb3: {  	s29 =	simm.s32 $0x9;
	_ =	strace $0x8000004B  }
0xb4: {  	_ =	swait.ge [sflag:s29], $0x1  }
0xb5: {  	[sflag:s29] =	ssyncadd.s32 $0xFFFFFFFF  }
0xb6: {  	_ =	strace $0x9000004B  }
0xb7: {  	_ =	sfence  }
0xb8: {  	s30 =	sld [smem:$0x0];
	_ =	sdelay $0x2  }
0xb9: {  	s31 =	sshll.u32 s1, $0xD;
	s1 =	sshrl.u32 s1, $0x2  }
0xba: {  	s3 =	sand.u32 $0x4000, s31;
	s1 =	sadd.s32 s1, s30  }
0xbb: {  	s0 =	sor.u32 s3, s0;
	s1 =	sshll.u32 s1, $0x11  }
0xbc: {  	s0 =	sor.u32 s1, s0  }
0xbd: {  	s0 =	sadd.s32 $0x8F2B, s0  }
0xbe: {  	[sflag:s0] =	ssyncadd.remote.s32 $0x1  }
0xbf: {  	_ =	sfence.sel $0xFFFF  }
0xc0: {  	[dreg:$0x0] =	wrdreg $0xFFFFFFFF;
	(pc) =	sbr.abs _section_cstart, $3  }
0xc1: {  	[dreg:$0x1] =	wrdreg $0xFFFFFFFF  }
0xc2: {  	_ =	task.clear_ibuf [dreg:s7], $0x2FFFF;
	_ =	strace $0x9FFFFFFF  }
0xc3: {  	(tm) =	ssettm $0x7FFFFFFF  }
tec
execute0_lowered:
.L_overlay_start_1:
0x0: {  	(tag) =	ssettag $0x1  }
0x1: {  	s2 =	rddreg [dreg:$0x0]  }
0x2: {  	s0 =	rddreg [dreg:$0x1]  }
0x3: {  	s3 =	rddreg [dreg:$0x2]  }
0x4: {  	s14 =	stileid.u32;
	s1 =	srdreg.scid  }
0x5: {  	s4 =	simm.s32 $0x0;
	s11 =	simm.s32 $0xF0;
	s15 =	simm.s32 $0x3  }
0x6: {  	s16 =	simm.s32 $0x1400;
	s17 =	simm.s32 $0x40;
	s18 =	simm.s32 $0x2800  }
0x7: {  	s19 =	simm.s32 $0x4800;
	s20 =	simm.s32 $0x6800;
	s21 =	simm.s32 $0x8800  }
0x8: {  	s22 =	simm.s32 $0x1;
	s23 =	simm.s32 $0x2;
	s24 =	simm.s32 $0x1380  }
0x9: {  	s25 =	simm.s32 $0x2700;
	s30 =	simm.s32 $0x0;
	s7 =	smul.u32 $0x14000, s14  }
0xa: {  	s1 =	sand.u32 $0x1, s1;
	[smem:$0x7FF] =	sst s4;
	s5 =	sadd.s32 $0xF0CA00, s0  }
0xb: {  	s6 =	sadd.s32 $0x4E4A00, s0;
	s10 =	smul.u32 $0x50000, s14;
	s29 =	sshll.u32 s14, $0x6  }
0xc: {  	s8 =	smul.u32 $0x140000, s1;
	_ =	strace $0x8000004A;
	p0 =	seq.s32 s1, $0x0  }
0xd: {  	s12 =	ssub.s32 $0x2, s1;
	s1 =	smul.u32 $0xF00, s1;
	s9 =	sshrl.u32 s7, $0x3  }
0xe: {  	s11 =	simm.s32 @!p0 $0x50;
	s26 =	sshrl.u32 s12, $0x1;
	s10 =	sshrl.u32 s10, $0x2  }
0xf: {  	s8 =	sadd.s32 s7, s8;
	s7 =	sadd.s32 $0x4F8A00, s0;
	s13 =	smul.u32 s14, s11  }
0x10: {  	s9 =	sadd.s32 s9, s0;
	s11 =	smul.u32 $0xCD, s11;
	s8 =	sshrl.u32 s8, $0x3  }
0x11: {  	s28 =	sadd.s32 s10, s3;
	s9 =	sadd.s32 $0x2A00, s9;
	s0 =	sadd.s32 s8, s0  }
0x12: {  	[dreg:$0x4] =	wrdreg s9;
	s10 =	sadd.s32 s1, s13;
	s1 =	sshrl.u32 s28, $0x3  }
0x13: {  	s8 =	ssub.s32 s12, s26;
	s0 =	sadd.s32 $0x2AA00, s0;
	[dreg:$0x7] =	wrdreg s1  }
0x14: {  	s9 =	sor.u32 $0x1C03, s29;
	s31 =	smax.u32 s8, $0x1;
	[dreg:$0x5] =	wrdreg s0  }
0x15: {  	s11 =	sshrl.u32 s11, $0xD;
	s26 =	simm.s32 $0x2780;
	[dreg:$0x6] =	wrdreg s31  }
.LBB2_1:
0x16: {  	s0 =	rddreg [dreg:$0x4]  }
0x17: {  	[spmem:s1], [sflag:s9] =	dma.local [hbm:s0], $0x2800  }
0x18: {  	_ =	swait.ge [sflag:s15], $0x2800  }
0x19: {  	[sflag:s15] =	ssyncset.done $0x0  }
0x1a: {  	[sflag:s15] =	ssyncadd.s32 $0xFFFFD800  }
0x1b: {  	s14 =	smov.u32 s9;
	s28 =	simm.s32 $0x0;
	[bflag:$0x0] =	sbarrier.arrive $0xFFFF  }
.LBB2_2:
0x1c: {  	s0 =	smul.u32 $0x28, s28;
	_ =	sdelay $0x1  }
0x1d: {  	s29 =	sadd.s32 s0, s10  }
0x1e: {  	s0 =	sshll.u32 s29, $0x4  }
0x1f: {  	s1 =	sadd.s32 s6, s0  }
0x20: {  	[tilespmem:s30], [sflag:$0x3] =	stream.linear.gather [hbm4b:s1+s30], $0x1400, $0x38;
	[tilespmem:$0x1E800] =	vst v63  }
0x21: {  	_ =	swait.ge [sflag:s15], $0x1400  }
0x22: {  	[sflag:s15] =	ssyncset.done $0x0  }
0x23: {  	s0 =	sadd.s32 s7, s0;
	[sflag:s15] =	ssyncadd.s32 $0xFFFFEC00  }
0x24: {  	[tilespmem:s16], [sflag:$0x3] =	stream.linear.gather [hbm4b:s0+s30], $0x1400, $0x38;
	[tilespmem:$0x1E800] =	vst v63  }
0x25: {  	_ =	swait.ge [sflag:s15], $0x1400  }
0x26: {  	[sflag:s15] =	ssyncset.done $0x0  }
0x27: {  	s31 =	sshll.u32 s29, $0xA;
	[sflag:s15] =	ssyncadd.s32 $0xFFFFEC00  }
0x28: {  	[tilespmem:s18], [sflag:$0x1] =	stream.indirect.gather [hbm4b:s2+s17], $0x80, s30, s17, $0xb8;
	[tilespmem:$0x1E800] =	vst v63  }
0x29: {  	s13 =	sadd.s32 s5, s31;
	s0 =	simm.s32 $0x0  }
0x2a: {  	[tilespmem:s19], [sflag:$0x1] =	stream.linear.gather [hbm4b:s13+s30], $0x2000, $0x38;
	[tilespmem:$0x1E800] =	vst v63  }
.LBB2_3:
0x2b: {  	s8 =	sshllo.u32 s0, $0x1  }
0x2c: {  	s1 =	sshll.u32 s8, $0x7;
	s8 =	sadd.s32 s29, s8  }
0x2d: {  	[tilespmem:s20], [sflag:$0x2] =	stream.indirect.gather [hbm4b:s2+s17], $0x80, s1, s17, $0xb8;
	[tilespmem:$0x1E800] =	vst v63  }
0x2e: {  	s8 =	sshll.u32 s8, $0xA  }
0x2f: {  	s8 =	sand.u32 $0x1FFFFC00, s8  }
0x30: {  	s8 =	sadd.s32 s5, s8  }
0x31: {  	[tilespmem:s21], [sflag:$0x2] =	stream.linear.gather [hbm4b:s8+s30], $0x2000, $0x38;
	[tilespmem:$0x1E800] =	vst v63  }
0x32: {  	_ =	swait.ge [sflag:s22], $0x2000  }
0x33: {  	[sflag:s22] =	ssyncset.done $0x0  }
0x34: {  	[sflag:s22] =	ssyncadd.s32 $0xFFFFE000  }
0x35: {  	_ =	swait.ge [sflag:s22], $0x2000  }
0x36: {  	[sflag:s22] =	ssyncset.done $0x0  }
0x37: {  	s8 =	simm.s32 $0x0;
	[sflag:s22] =	ssyncadd.s32 $0xFFFFE000  }
0x38: {  	v6 =	vld [tilespmem:s8+$0x2800]  }
0x39: {  	v11 =	vld [tilespmem:s8+$0x2810]  }
0x3a: {  	v5 =	vld [tilespmem:s8+$0x2820]  }
0x3b: {  	v4 =	vld [tilespmem:s8+$0x2830]  }
0x3c: {  	v3 =	vld [tilespmem:s8+$0x2840]  }
0x3d: {  	v2 =	vld [tilespmem:s8+$0x2850]  }
0x3e: {  	v1 =	vld [tilespmem:s8+$0x2860]  }
0x3f: {  	v0 =	vld [tilespmem:s8+$0x2870]  }
0x40: {  	v12 =	vld [tilespmem:s8+$0x4800]  }
0x41: {  	v13 =	vld [tilespmem:s8+$0x4810]  }
0x42: {  	v10 =	vld [tilespmem:s8+$0x4820]  }
0x43: {  	v9 =	vld [tilespmem:s8+$0x4830]  }
0x44: {  	v8 =	vld [tilespmem:s8+$0x4840]  }
0x45: {  	v7 =	vld [tilespmem:s8+$0x4850];
	v12 =	vadd.f32 v12, v6  }
0x46: {  	s12 =	sshll.u32 s0, $0x1;
	s13 =	simm.s32 $0x200;
	v11 =	vadd.f32 v13, v11;
	v6 =	vld [tilespmem:s8+$0x4860]  }
.LBB2_4:
0x47: {  	s9 =	sshra.s32 s13, $0x2;
	p0 =	sne.s32 s13, $0x7E00;
	v12 =	vmax.f32 v12, $0.0e+00;
	v5 =	vadd.f32 v10, v5;
	v10 =	vld [tilespmem:s8+$0x4870]  }
0x48: {  	v13 =	vld [tilespmem:s9+$0x2800];
	[tilespmem:s8+$0x4800] =	vst v12;
	v11 =	vmax.f32 v11, $0.0e+00;
	v4 =	vadd.f32 v9, v4  }
0x49: {  	v14 =	vld [tilespmem:s9+$0x2810];
	[tilespmem:s8+$0x4810] =	vst v11;
	v9 =	vmax.f32 v5, $0.0e+00;
	v3 =	vadd.f32 v8, v3  }
0x4a: {  	v5 =	vld [tilespmem:s9+$0x2820];
	[tilespmem:s8+$0x4820] =	vst v9;
	v8 =	vmax.f32 v4, $0.0e+00;
	v2 =	vadd.f32 v7, v2  }
0x4b: {  	v4 =	vld [tilespmem:s9+$0x2830];
	[tilespmem:s8+$0x4830] =	vst v8;
	v7 =	vmax.f32 v3, $0.0e+00;
	v1 =	vadd.f32 v6, v1  }
0x4c: {  	v3 =	vld [tilespmem:s9+$0x2840];
	[tilespmem:s8+$0x4840] =	vst v7;
	v6 =	vmax.f32 v2, $0.0e+00;
	v0 =	vadd.f32 v10, v0  }
0x4d: {  	v2 =	vld [tilespmem:s9+$0x2850];
	[tilespmem:s8+$0x4850] =	vst v6;
	v6 =	vmax.f32 v1, $0.0e+00  }
0x4e: {  	v1 =	vld [tilespmem:s9+$0x2860];
	[tilespmem:s8+$0x4860] =	vst v6;
	v6 =	vmax.f32 v0, $0.0e+00  }
0x4f: {  	v0 =	vld [tilespmem:s9+$0x2870];
	[tilespmem:s8+$0x4870] =	vst v6;
	s8 =	smov.u32 s9  }
0x50: {  	v6 =	vld [tilespmem:s8+$0x4800]  }
0x51: {  	v11 =	vld [tilespmem:s8+$0x4810]  }
.Ltmp0:
0x52: {  	v10 =	vld [tilespmem:s8+$0x4820];
	(pc) =	sbr.rel @p0 .LBB2_4-.Ltmp0, $4  }
0x53: {  	v9 =	vld [tilespmem:s8+$0x4830]  }
0x54: {  	v8 =	vld [tilespmem:s8+$0x4840]  }
0x55: {  	v12 =	vadd.f32 v6, v13;
	v7 =	vld [tilespmem:s8+$0x4850]  }
0x56: {  	s13 =	sadd.s32 $0x200, s13;
	v11 =	vadd.f32 v11, v14;
	v6 =	vld [tilespmem:s8+$0x4860]  }
0x57: {  	v12 =	vmax.f32 v12, $0.0e+00;
	v5 =	vadd.f32 v10, v5;
	v10 =	vld [tilespmem:s8+$0x4870]  }
0x58: {  	[tilespmem:s8+$0x4800] =	vst v12;
	v11 =	vmax.f32 v11, $0.0e+00;
	v4 =	vadd.f32 v9, v4  }
0x59: {  	[tilespmem:s8+$0x4810] =	vst v11;
	v5 =	vmax.f32 v5, $0.0e+00;
	v3 =	vadd.f32 v8, v3  }
0x5a: {  	[tilespmem:s8+$0x4820] =	vst v5;
	v4 =	vmax.f32 v4, $0.0e+00;
	v2 =	vadd.f32 v7, v2  }
0x5b: {  	[tilespmem:s8+$0x4830] =	vst v4;
	v3 =	vmax.f32 v3, $0.0e+00;
	v1 =	vadd.f32 v6, v1  }
0x5c: {  	[tilespmem:s8+$0x4840] =	vst v3;
	v2 =	vmax.f32 v2, $0.0e+00;
	v0 =	vadd.f32 v10, v0  }
0x5d: {  	s9 =	sshll.u32 s0, $0x8;
	[tilespmem:s8+$0x4850] =	vst v2;
	v1 =	vmax.f32 v1, $0.0e+00  }
0x5e: {  	s9 =	sand.u32 $0x3FFFFF00, s9;
	[tilespmem:s8+$0x4860] =	vst v1;
	v0 =	vmax.f32 v0, $0.0e+00  }
0x5f: {  	s13 =	sadd.s32 $0x2, s12;
	s9 =	sadd.s32 $0x1400, s9;
	[tilespmem:s8+$0x4870] =	vst v0  }
0x60: {  	[spmem:s3] =	stream.indirect.scatter.add.f32 [tilespmem:s19], [sflag:$0x3], $0x80, s9, s17, $0xb8;
	[tilespmem:$0x1E800] =	vst v63  }
0x61: {  	s12 =	sshll.u32 s13, $0x7;
	s8 =	sadd.s32 s29, s13;
	_ =	swait.ge [sflag:s15], $0x2000  }
0x62: {  	s9 =	sand.u32 $0x3FFFFF80, s12;
	s8 =	sshll.u32 s8, $0xA;
	[sflag:s15] =	ssyncset.done $0x0  }
0x63: {  	s8 =	sand.u32 $0x1FFFFC00, s8;
	[sflag:s15] =	ssyncadd.s32 $0xFFFFE000  }
0x64: {  	[tilespmem:s18], [sflag:$0x1] =	stream.indirect.gather [hbm4b:s2+s17], $0x80, s9, s17, $0xb8;
	[tilespmem:$0x1E800] =	vst v63  }
0x65: {  	s13 =	simm.s32 $0x0;
	s8 =	sadd.s32 s5, s8  }
0x66: {  	[tilespmem:s19], [sflag:$0x1] =	stream.linear.gather [hbm4b:s8+s13], $0x2000, $0x38;
	[tilespmem:$0x1E800] =	vst v63  }
0x67: {  	_ =	swait.ge [sflag:s23], $0x2000  }
0x68: {  	[sflag:s23] =	ssyncset.done $0x0  }
0x69: {  	[sflag:s23] =	ssyncadd.s32 $0xFFFFE000  }
0x6a: {  	_ =	swait.ge [sflag:s23], $0x2000  }
0x6b: {  	[sflag:s23] =	ssyncset.done $0x0  }
0x6c: {  	s8 =	simm.s32 $0x0;
	[sflag:s23] =	ssyncadd.s32 $0xFFFFE000  }
0x6d: {  	v6 =	vld [tilespmem:s8+$0x6800]  }
0x6e: {  	v11 =	vld [tilespmem:s8+$0x6810]  }
0x6f: {  	v5 =	vld [tilespmem:s8+$0x6820]  }
0x70: {  	v4 =	vld [tilespmem:s8+$0x6830]  }
0x71: {  	v3 =	vld [tilespmem:s8+$0x6840]  }
0x72: {  	v2 =	vld [tilespmem:s8+$0x6850]  }
0x73: {  	v1 =	vld [tilespmem:s8+$0x6860]  }
0x74: {  	v0 =	vld [tilespmem:s8+$0x6870]  }
0x75: {  	v12 =	vld [tilespmem:s8+$0x8800]  }
0x76: {  	v13 =	vld [tilespmem:s8+$0x8810]  }
0x77: {  	v10 =	vld [tilespmem:s8+$0x8820]  }
0x78: {  	v9 =	vld [tilespmem:s8+$0x8830]  }
0x79: {  	v8 =	vld [tilespmem:s8+$0x8840]  }
0x7a: {  	v7 =	vld [tilespmem:s8+$0x8850];
	v12 =	vadd.f32 v12, v6  }
0x7b: {  	s12 =	simm.s32 $0x200;
	v11 =	vadd.f32 v13, v11;
	v6 =	vld [tilespmem:s8+$0x8860]  }
.LBB2_6:
0x7c: {  	s9 =	sshra.s32 s12, $0x2;
	p0 =	sne.s32 s12, $0x7E00;
	v12 =	vmax.f32 v12, $0.0e+00;
	v5 =	vadd.f32 v10, v5;
	v10 =	vld [tilespmem:s8+$0x8870]  }
0x7d: {  	v13 =	vld [tilespmem:s9+$0x6800];
	[tilespmem:s8+$0x8800] =	vst v12;
	v11 =	vmax.f32 v11, $0.0e+00;
	v4 =	vadd.f32 v9, v4  }
0x7e: {  	v14 =	vld [tilespmem:s9+$0x6810];
	[tilespmem:s8+$0x8810] =	vst v11;
	v9 =	vmax.f32 v5, $0.0e+00;
	v3 =	vadd.f32 v8, v3  }
0x7f: {  	v5 =	vld [tilespmem:s9+$0x6820];
	[tilespmem:s8+$0x8820] =	vst v9;
	v8 =	vmax.f32 v4, $0.0e+00;
	v2 =	vadd.f32 v7, v2  }
0x80: {  	v4 =	vld [tilespmem:s9+$0x6830];
	[tilespmem:s8+$0x8830] =	vst v8;
	v7 =	vmax.f32 v3, $0.0e+00;
	v1 =	vadd.f32 v6, v1  }
0x81: {  	v3 =	vld [tilespmem:s9+$0x6840];
	[tilespmem:s8+$0x8840] =	vst v7;
	v6 =	vmax.f32 v2, $0.0e+00;
	v0 =	vadd.f32 v10, v0  }
0x82: {  	v2 =	vld [tilespmem:s9+$0x6850];
	[tilespmem:s8+$0x8850] =	vst v6;
	v6 =	vmax.f32 v1, $0.0e+00  }
0x83: {  	v1 =	vld [tilespmem:s9+$0x6860];
	[tilespmem:s8+$0x8860] =	vst v6;
	v6 =	vmax.f32 v0, $0.0e+00  }
0x84: {  	v0 =	vld [tilespmem:s9+$0x6870];
	[tilespmem:s8+$0x8870] =	vst v6;
	s8 =	smov.u32 s9  }
0x85: {  	v6 =	vld [tilespmem:s8+$0x8800]  }
0x86: {  	v11 =	vld [tilespmem:s8+$0x8810]  }
.Ltmp1:
0x87: {  	v10 =	vld [tilespmem:s8+$0x8820];
	(pc) =	sbr.rel @p0 .LBB2_6-.Ltmp1, $4  }
0x88: {  	v9 =	vld [tilespmem:s8+$0x8830]  }
0x89: {  	v8 =	vld [tilespmem:s8+$0x8840]  }
0x8a: {  	v12 =	vadd.f32 v6, v13;
	v7 =	vld [tilespmem:s8+$0x8850]  }
0x8b: {  	s12 =	sadd.s32 $0x200, s12;
	v11 =	vadd.f32 v11, v14;
	v6 =	vld [tilespmem:s8+$0x8860]  }
0x8c: {  	v12 =	vmax.f32 v12, $0.0e+00;
	v5 =	vadd.f32 v10, v5;
	v63 =	vld [tilespmem:s8+$0x8870]  }
0x8d: {  	[tilespmem:s8+$0x8800] =	vst v12;
	v11 =	vmax.f32 v11, $0.0e+00;
	v4 =	vadd.f32 v9, v4  }
0x8e: {  	[tilespmem:s8+$0x8810] =	vst v11;
	v5 =	vmax.f32 v5, $0.0e+00;
	v3 =	vadd.f32 v8, v3  }
0x8f: {  	[tilespmem:s8+$0x8820] =	vst v5;
	v4 =	vmax.f32 v4, $0.0e+00;
	v2 =	vadd.f32 v7, v2  }
0x90: {  	[tilespmem:s8+$0x8830] =	vst v4;
	v3 =	vmax.f32 v3, $0.0e+00;
	v1 =	vadd.f32 v6, v1  }
0x91: {  	[tilespmem:s8+$0x8840] =	vst v3;
	v2 =	vmax.f32 v2, $0.0e+00;
	v0 =	vadd.f32 v63, v0  }
0x92: {  	s0 =	sadd.s32 $0x1, s0;
	[tilespmem:s8+$0x8850] =	vst v2;
	v1 =	vmax.f32 v1, $0.0e+00  }
0x93: {  	p0 =	sne.s32 s0, $0x13;
	[tilespmem:s8+$0x8860] =	vst v1;
	v0 =	vmax.f32 v0, $0.0e+00  }
.Ltmp2:
0x94: {  	s1 =	sadd.s32 $0x1400, s1;
	[tilespmem:s8+$0x8870] =	vst v0;
	(pc) =	sbr.rel @p0 .LBB2_3-.Ltmp2, $4  }
0x95: {  	[spmem:s3] =	stream.indirect.scatter.add.f32 [tilespmem:s21], [sflag:$0x3], $0x80, s1, s17, $0xb8;
	[tilespmem:$0x1E800] =	vst v63  }
0x96: {  	_ =	swait.ge [sflag:s15], $0x2000  }
0x97: {  	[sflag:s15] =	ssyncset.done $0x0  }
0x98: {  	[sflag:s15] =	ssyncadd.s32 $0xFFFFE000  }
0x99: {  	[tilespmem:s20], [sflag:$0x2] =	stream.indirect.gather [hbm4b:s2+s17], $0x80, s24, s17, $0xb8;
	[tilespmem:$0x1E800] =	vst v63  }
0x9a: {  	s0 =	sand.u32 $0x1FFFFC00, s31  }
0x9b: {  	s0 =	sadd.s32 s5, s0  }
0x9c: {  	s1 =	simm.s32 $0x0;
	s0 =	sadd.s32 $0x9C00, s0  }
0x9d: {  	[tilespmem:s21], [sflag:$0x2] =	stream.linear.gather [hbm4b:s0+s1], $0x2000, $0x38;
	[tilespmem:$0x1E800] =	vst v63  }
0x9e: {  	_ =	swait.ge [sflag:s22], $0x2000  }
0x9f: {  	[sflag:s22] =	ssyncset.done $0x0  }
0xa0: {  	[sflag:s22] =	ssyncadd.s32 $0xFFFFE000  }
0xa1: {  	_ =	swait.ge [sflag:s22], $0x2000  }
0xa2: {  	[sflag:s22] =	ssyncset.done $0x0  }
0xa3: {  	s0 =	simm.s32 $0x0;
	[sflag:s22] =	ssyncadd.s32 $0xFFFFE000  }
0xa4: {  	v6 =	vld [tilespmem:s0+$0x2800]  }
0xa5: {  	v11 =	vld [tilespmem:s0+$0x2810]  }
0xa6: {  	v5 =	vld [tilespmem:s0+$0x2820]  }
0xa7: {  	v4 =	vld [tilespmem:s0+$0x2830]  }
0xa8: {  	v3 =	vld [tilespmem:s0+$0x2840]  }
0xa9: {  	v2 =	vld [tilespmem:s0+$0x2850]  }
0xaa: {  	v1 =	vld [tilespmem:s0+$0x2860]  }
0xab: {  	v0 =	vld [tilespmem:s0+$0x2870]  }
0xac: {  	v12 =	vld [tilespmem:s0+$0x4800]  }
0xad: {  	v13 =	vld [tilespmem:s0+$0x4810]  }
0xae: {  	v10 =	vld [tilespmem:s0+$0x4820]  }
0xaf: {  	v9 =	vld [tilespmem:s0+$0x4830]  }
0xb0: {  	v8 =	vld [tilespmem:s0+$0x4840]  }
0xb1: {  	v7 =	vld [tilespmem:s0+$0x4850];
	v12 =	vadd.f32 v12, v6  }
0xb2: {  	s1 =	simm.s32 $0x200;
	v11 =	vadd.f32 v13, v11;
	v6 =	vld [tilespmem:s0+$0x4860]  }
.LBB2_9:
0xb3: {  	s8 =	sshra.s32 s1, $0x2;
	p0 =	sne.s32 s1, $0x7E00;
	v12 =	vmax.f32 v12, $0.0e+00;
	v5 =	vadd.f32 v10, v5;
	v10 =	vld [tilespmem:s0+$0x4870]  }
0xb4: {  	v13 =	vld [tilespmem:s8+$0x2800];
	[tilespmem:s0+$0x4800] =	vst v12;
	v11 =	vmax.f32 v11, $0.0e+00;
	v4 =	vadd.f32 v9, v4  }
0xb5: {  	v14 =	vld [tilespmem:s8+$0x2810];
	[tilespmem:s0+$0x4810] =	vst v11;
	v9 =	vmax.f32 v5, $0.0e+00;
	v3 =	vadd.f32 v8, v3  }
0xb6: {  	v5 =	vld [tilespmem:s8+$0x2820];
	[tilespmem:s0+$0x4820] =	vst v9;
	v8 =	vmax.f32 v4, $0.0e+00;
	v2 =	vadd.f32 v7, v2  }
0xb7: {  	v4 =	vld [tilespmem:s8+$0x2830];
	[tilespmem:s0+$0x4830] =	vst v8;
	v7 =	vmax.f32 v3, $0.0e+00;
	v1 =	vadd.f32 v6, v1  }
0xb8: {  	v3 =	vld [tilespmem:s8+$0x2840];
	[tilespmem:s0+$0x4840] =	vst v7;
	v6 =	vmax.f32 v2, $0.0e+00;
	v0 =	vadd.f32 v10, v0  }
0xb9: {  	v2 =	vld [tilespmem:s8+$0x2850];
	[tilespmem:s0+$0x4850] =	vst v6;
	v6 =	vmax.f32 v1, $0.0e+00  }
0xba: {  	v1 =	vld [tilespmem:s8+$0x2860];
	[tilespmem:s0+$0x4860] =	vst v6;
	v6 =	vmax.f32 v0, $0.0e+00  }
0xbb: {  	v0 =	vld [tilespmem:s8+$0x2870];
	[tilespmem:s0+$0x4870] =	vst v6;
	s0 =	smov.u32 s8  }
0xbc: {  	v6 =	vld [tilespmem:s0+$0x4800]  }
0xbd: {  	v11 =	vld [tilespmem:s0+$0x4810]  }
.Ltmp3:
0xbe: {  	v10 =	vld [tilespmem:s0+$0x4820];
	(pc) =	sbr.rel @p0 .LBB2_9-.Ltmp3, $4  }
0xbf: {  	v9 =	vld [tilespmem:s0+$0x4830]  }
0xc0: {  	v8 =	vld [tilespmem:s0+$0x4840]  }
0xc1: {  	v12 =	vadd.f32 v6, v13;
	v7 =	vld [tilespmem:s0+$0x4850]  }
0xc2: {  	s1 =	sadd.s32 $0x200, s1;
	v11 =	vadd.f32 v11, v14;
	v6 =	vld [tilespmem:s0+$0x4860]  }
0xc3: {  	v12 =	vmax.f32 v12, $0.0e+00;
	v5 =	vadd.f32 v10, v5;
	v10 =	vld [tilespmem:s0+$0x4870]  }
0xc4: {  	[tilespmem:s0+$0x4800] =	vst v12;
	v11 =	vmax.f32 v11, $0.0e+00;
	v4 =	vadd.f32 v9, v4  }
0xc5: {  	[tilespmem:s0+$0x4810] =	vst v11;
	v5 =	vmax.f32 v5, $0.0e+00;
	v3 =	vadd.f32 v8, v3  }
0xc6: {  	[tilespmem:s0+$0x4820] =	vst v5;
	v4 =	vmax.f32 v4, $0.0e+00;
	v2 =	vadd.f32 v7, v2  }
0xc7: {  	[tilespmem:s0+$0x4830] =	vst v4;
	v3 =	vmax.f32 v3, $0.0e+00;
	v1 =	vadd.f32 v6, v1  }
0xc8: {  	[tilespmem:s0+$0x4840] =	vst v3;
	v2 =	vmax.f32 v2, $0.0e+00;
	v0 =	vadd.f32 v10, v0  }
0xc9: {  	[tilespmem:s0+$0x4850] =	vst v2;
	v1 =	vmax.f32 v1, $0.0e+00  }
0xca: {  	[tilespmem:s0+$0x4860] =	vst v1;
	v0 =	vmax.f32 v0, $0.0e+00  }
0xcb: {  	[tilespmem:s0+$0x4870] =	vst v0  }
0xcc: {  	[spmem:s3] =	stream.indirect.scatter.add.f32 [tilespmem:s19], [sflag:$0x3], $0x80, s25, s17, $0xb8;
	[tilespmem:$0x1E800] =	vst v63  }
0xcd: {  	_ =	swait.ge [sflag:s15], $0x2000  }
0xce: {  	[sflag:s15] =	ssyncset.done $0x0  }
0xcf: {  	[sflag:s15] =	ssyncadd.s32 $0xFFFFE000  }
0xd0: {  	_ =	swait.ge [sflag:s23], $0x2000  }
0xd1: {  	[sflag:s23] =	ssyncset.done $0x0  }
0xd2: {  	[sflag:s23] =	ssyncadd.s32 $0xFFFFE000  }
0xd3: {  	_ =	swait.ge [sflag:s23], $0x2000  }
0xd4: {  	[sflag:s23] =	ssyncset.done $0x0  }
0xd5: {  	s0 =	simm.s32 $0x0;
	[sflag:s23] =	ssyncadd.s32 $0xFFFFE000  }
0xd6: {  	v6 =	vld [tilespmem:s0+$0x6800]  }
0xd7: {  	v11 =	vld [tilespmem:s0+$0x6810]  }
0xd8: {  	v5 =	vld [tilespmem:s0+$0x6820]  }
0xd9: {  	v4 =	vld [tilespmem:s0+$0x6830]  }
0xda: {  	v3 =	vld [tilespmem:s0+$0x6840]  }
0xdb: {  	v2 =	vld [tilespmem:s0+$0x6850]  }
0xdc: {  	v1 =	vld [tilespmem:s0+$0x6860]  }
0xdd: {  	v0 =	vld [tilespmem:s0+$0x6870]  }
0xde: {  	v12 =	vld [tilespmem:s0+$0x8800]  }
0xdf: {  	v13 =	vld [tilespmem:s0+$0x8810]  }
0xe0: {  	v10 =	vld [tilespmem:s0+$0x8820]  }
0xe1: {  	v9 =	vld [tilespmem:s0+$0x8830]  }
0xe2: {  	v8 =	vld [tilespmem:s0+$0x8840]  }
0xe3: {  	v7 =	vld [tilespmem:s0+$0x8850];
	v12 =	vadd.f32 v12, v6  }
0xe4: {  	s1 =	simm.s32 $0x200;
	v11 =	vadd.f32 v13, v11;
	v6 =	vld [tilespmem:s0+$0x8860]  }
.LBB2_11:
0xe5: {  	s8 =	sshra.s32 s1, $0x2;
	p0 =	sne.s32 s1, $0x7E00;
	v12 =	vmax.f32 v12, $0.0e+00;
	v5 =	vadd.f32 v10, v5;
	v10 =	vld [tilespmem:s0+$0x8870]  }
0xe6: {  	v13 =	vld [tilespmem:s8+$0x6800];
	[tilespmem:s0+$0x8800] =	vst v12;
	v11 =	vmax.f32 v11, $0.0e+00;
	v4 =	vadd.f32 v9, v4  }
0xe7: {  	v14 =	vld [tilespmem:s8+$0x6810];
	[tilespmem:s0+$0x8810] =	vst v11;
	v9 =	vmax.f32 v5, $0.0e+00;
	v3 =	vadd.f32 v8, v3  }
0xe8: {  	v5 =	vld [tilespmem:s8+$0x6820];
	[tilespmem:s0+$0x8820] =	vst v9;
	v8 =	vmax.f32 v4, $0.0e+00;
	v2 =	vadd.f32 v7, v2  }
0xe9: {  	v4 =	vld [tilespmem:s8+$0x6830];
	[tilespmem:s0+$0x8830] =	vst v8;
	v7 =	vmax.f32 v3, $0.0e+00;
	v1 =	vadd.f32 v6, v1  }
0xea: {  	v3 =	vld [tilespmem:s8+$0x6840];
	[tilespmem:s0+$0x8840] =	vst v7;
	v6 =	vmax.f32 v2, $0.0e+00;
	v0 =	vadd.f32 v10, v0  }
0xeb: {  	v2 =	vld [tilespmem:s8+$0x6850];
	[tilespmem:s0+$0x8850] =	vst v6;
	v6 =	vmax.f32 v1, $0.0e+00  }
0xec: {  	v1 =	vld [tilespmem:s8+$0x6860];
	[tilespmem:s0+$0x8860] =	vst v6;
	v6 =	vmax.f32 v0, $0.0e+00  }
0xed: {  	v0 =	vld [tilespmem:s8+$0x6870];
	[tilespmem:s0+$0x8870] =	vst v6;
	s0 =	smov.u32 s8  }
0xee: {  	v6 =	vld [tilespmem:s0+$0x8800]  }
0xef: {  	v11 =	vld [tilespmem:s0+$0x8810]  }
.Ltmp4:
0xf0: {  	v10 =	vld [tilespmem:s0+$0x8820];
	(pc) =	sbr.rel @p0 .LBB2_11-.Ltmp4, $4  }
0xf1: {  	v9 =	vld [tilespmem:s0+$0x8830]  }
0xf2: {  	v8 =	vld [tilespmem:s0+$0x8840]  }
0xf3: {  	v12 =	vadd.f32 v6, v13;
	v7 =	vld [tilespmem:s0+$0x8850]  }
0xf4: {  	s1 =	sadd.s32 $0x200, s1;
	v11 =	vadd.f32 v11, v14;
	v6 =	vld [tilespmem:s0+$0x8860]  }
0xf5: {  	v12 =	vmax.f32 v12, $0.0e+00;
	v5 =	vadd.f32 v10, v5;
	v63 =	vld [tilespmem:s0+$0x8870]  }
0xf6: {  	[tilespmem:s0+$0x8800] =	vst v12;
	v11 =	vmax.f32 v11, $0.0e+00;
	v4 =	vadd.f32 v9, v4  }
0xf7: {  	[tilespmem:s0+$0x8810] =	vst v11;
	v5 =	vmax.f32 v5, $0.0e+00;
	v3 =	vadd.f32 v8, v3  }
0xf8: {  	[tilespmem:s0+$0x8820] =	vst v5;
	v4 =	vmax.f32 v4, $0.0e+00;
	v2 =	vadd.f32 v7, v2  }
0xf9: {  	[tilespmem:s0+$0x8830] =	vst v4;
	v3 =	vmax.f32 v3, $0.0e+00;
	v1 =	vadd.f32 v6, v1  }
0xfa: {  	[tilespmem:s0+$0x8840] =	vst v3;
	v2 =	vmax.f32 v2, $0.0e+00;
	v0 =	vadd.f32 v63, v0  }
0xfb: {  	s28 =	sadd.s32 $0x1, s28;
	[tilespmem:s0+$0x8850] =	vst v2;
	v1 =	vmax.f32 v1, $0.0e+00  }
0xfc: {  	p0 =	sne.s32 s28, s11;
	[tilespmem:s0+$0x8860] =	vst v1;
	v0 =	vmax.f32 v0, $0.0e+00  }
.Ltmp5:
0xfd: {  	[tilespmem:s0+$0x8870] =	vst v0;
	(pc) =	sbr.rel @p0 .LBB2_2-.Ltmp5, $4  }
0xfe: {  	[spmem:s3] =	stream.indirect.scatter.add.f32 [tilespmem:s21], [sflag:$0x3], $0x80, s26, s17, $0xb8;
	[tilespmem:$0x1E800] =	vst v63  }
0xff: {  	_ =	swait.ge [sflag:s15], $0x2000  }
0x100: {  	[sflag:s15] =	ssyncset.done $0x0  }
0x101: {  	[sflag:s15] =	ssyncadd.s32 $0xFFFFE000  }
0x102: {  	[bflag:$0x0] =	sbarrier.arrive $0xFFFF  }
0x103: {  	s0 =	rddreg [dreg:$0x5]  }
0x104: {  	s1 =	rddreg [dreg:$0x7]  }
0x105: {  	[hbm:s0], [sflag:s14] =	dma.local [spmem:s1], $0x2800  }
0x106: {  	_ =	swait.ge [sflag:s15], $0x2800  }
0x107: {  	s4 =	sadd.s32 $0x1, s4;
	s31 =	rddreg [dreg:$0x6]  }
0x108: {  	p0 =	sne.s32 s4, s31  }
.Ltmp6:
0x109: {  	_ = 	snop;
	(pc) =	sbr.rel @p0 .LBB2_1-.Ltmp6, $3  }
0x10a: {  	_ =	sdelay $0x1  }
0x10b: {  	[sflag:s15] =	ssyncset.done $0x0  }
0x10c: {  	s9 =	smov.u32 s14;
	[sflag:s15] =	ssyncadd.s32 $0xFFFFD800  }
0x10d: {  	_ =	sfence.sel $0x180000  }
0x10e: {  	[bflag:$0x0] =	sbarrier.arrive $0xFFFF  }
0x10f: {  	_ =	strace $0x9000004A  }
0x110: {  	s0 =	stileid.u32;
	[bflag:$0x2] =	sbarrier.arrive $0xFFFF  }
0x111: {  	p0 =	sne.s32 s0, $0x0;
	s0 =	rddreg [dreg:$0x3]  }
0x112: {  	s0 =	sadd.s32 @!p0 $0x100000, s0  }
0x113: {  	[sflag:s0] =	ssyncadd.tile.s32 @!p0 $0x1;
	_ =	shalt  }
.Lfunc_end2:
_tile_overlayer_lowered:
.L_overlay_start_2:
0x114: {  	(tag) =	ssettag $0x2  }
0x115: {  	s0 =	rddreg [dreg:$0x0];
	s2 =	stileid.u32  }
0x116: {  	s1 =	rddreg [dreg:$0x1];
	p0 =	sne.s32 s2, $0x0  }
0x117: {  	s3 =	rddreg [dreg:$0x2];
	[bflag:$0x3] =	sbarrier.arrive $0xFFFF;
	s2 =	simm.s32 @!p0 $0x1C03  }
0x118: {  	[timem:s3], [sflag:s2] =	dma.local @!p0 [hbm:s0], s1  }
0x119: {  	s0 =	simm.s32 @!p0 $0x3  }
0x11a: {  	_ =	swait.ge @!p0 [sflag:s0], s1  }
0x11b: {  	s1 =	ssub.s32 @!p0 $0x0, s1;
	[sflag:s0] =	ssyncset.done @!p0 $0x0  }
0x11c: {  	[sflag:s0] =	ssyncadd.s32 @!p0 s1  }
0x11d: {  	[bflag:$0x3] =	sbarrier.arrive $0xFFFF  }
0x11e: {  	_ =	shalt  }

// kernel: kernel.7.cloned.1.call-start
scs
__scs_entry_jumppad:
0x0: {  	(pc) =	sbr.rel $0x88, $3  }
0x1: {  	(tag) =	ssettag $0x0;
	lr =	simm.s32 $0x1  }
0x2: {  	[smem:$0x3F90] =	sst lr;
	_ =	strace $0xD0000000  }
0x3: {  	_ = 	snop  }
0x4: {  	_ = 	snop  }
0x5: {  	_ = 	snop  }
0x6: {  	_ = 	snop  }
0x7: {  	_ = 	snop  }
__scs_overlays_trampoline_lowered:
0x8: {  	[smem:$0x3F9F] =	sst s0  }
0x9: {  	[smem:$0x3FA0] =	sst s1  }
0xa: {  	[smem:$0x3FA1] =	sst s2  }
0xb: {  	[smem:$0x3FA2] =	sst s3  }
0xc: {  	[smem:$0x3FA3] =	sst s4  }
0xd: {  	[smem:$0x3FA4] =	sst s5  }
0xe: {  	[smem:$0x3FA5] =	sst s6  }
0xf: {  	[smem:$0x3FA6] =	sst s7  }
0x10: {  	[smem:$0x3FA7] =	sst s8  }
0x11: {  	[smem:$0x3FA8] =	sst s9;
	s0 =	simm.s32 @!p0 $0x0  }
0x12: {  	s1 =	sld [smem:$0x3F8E];
	s0 =	simm.s32 @p0 $0x1  }
0x13: {  	[smem:$0x3FA9] =	sst s0;
	s0 =	simm.s32 @!p1 $0x0  }
0x14: {  	s2 =	sld [smem:$0x3F8D];
	s0 =	simm.s32 @p1 $0x1  }
0x15: {  	[smem:$0x3FAA] =	sst s0;
	s0 =	simm.s32 @!p2 $0x0  }
0x16: {  	s3 =	sld [smem:$0x3FDB];
	s0 =	simm.s32 @p2 $0x1  }
0x17: {  	s4 =	simm.s32 $0x1BF5;
	[smem:$0x3FAC] =	sst s0  }
0x18: {  	s0 =	sld [smem:$0x3F8F];
	_ =	swait.ge [sflag:s4], $0x0  }
0x19: {  	s7 =	sld [smem:$0x3F90]  }
0x1a: {  	s8 =	sadd.s32 $0xFFFFE003, lr  }
0x1b: {  	s9 =	sadd.s32 $0xFFFFFEF7, lr;
	s5 =	simm.s32 $0xFFFFFFFF;
	p2 =	slt.u32 s8, $0xFFFFF086  }
0x1c: {  	p1 =	slt.u32 s9, $0xF7A;
	s5 =	simm.s32 @!p2 $0x0  }
0x1d: {  	s5 =	simm.s32 @p1 $0x1;
	p0 =	seq.s32 s7, s2  }
0x1e: {  	s7 =	smul.u32 @!p0 $0xF7A, s2;
	p2 =	seq.s32 @!p0 s5, $0x0  }
0x1f: {  	s9 =	smul.u32 $0xF7A, s1;
	s8 =	simm.s32 @!p0 $0x1BF5;
	p2 =	por !p2, p0  }
0x20: {  	[sflag:s8] =	ssyncset.s32 @!p0 $0xFFFFF086;
	s6 =	sadd.s32 @!p0 s3, s7;
	s7 =	simm.s32 @!p0 $0x108  }
0x21: {  	s3 =	sadd.s32 s3, s9;
	s6 =	sadd.s32 @!p0 $0x88, s6;
	s7 =	simm.s32 @p2 $0x1082  }
0x22: {  	[simem:s7], [sflag:s8] =	dma.local @!p0 [hbm:s6], $0xF7A  }
0x23: {  	s9 =	sor.u32 $0xD0000000, s2;
	s6 =	simm.s32 $0x108;
	_ =	swait.ge @!p0 [sflag:s8], $0x0  }
0x24: {  	s3 =	sadd.s32 $0x88, s3;
	s6 =	simm.s32 @!p1 $0x1082;
	[sflag:s4] =	ssyncset.s32 $0xFFFFF086  }
0x25: {  	[simem:s6], [sflag:s4] =	dma.local [hbm:s3], $0xF7A  }
0x26: {  	[smem:$0x3F90] =	sst s1;
	(tag) =	ssettag s2;
	_ =	strace s9  }
0x27: {  	s1 =	sld [smem:$0x3FA0]  }
0x28: {  	s2 =	sld [smem:$0x3FA1]  }
0x29: {  	s4 =	sld [smem:$0x3FA3]  }
0x2a: {  	p0 =	seq.s32 s5, $0x0;
	s5 =	sld [smem:$0x3FA4]  }
0x2b: {  	s6 =	sld [smem:$0x3FA5]  }
0x2c: {  	s7 =	sld [smem:$0x3FA6]  }
0x2d: {  	s3 =	simm.s32 $0x108;
	s8 =	sld [smem:$0x3FA7]  }
0x2e: {  	s3 =	simm.s32 @!p0 $0x1082;
	s9 =	sld [smem:$0x3FA8]  }
0x2f: {  	lr =	sadd.s32 s0, s3;
	s0 =	sld [smem:$0x3F9F]  }
0x30: {  	s3 =	sld [smem:$0x3FA2]  }
0x31: {  	[smem:$0x3FAB] =	sst s10  }
0x32: {  	s10 =	sld [smem:$0x3FA9];
	_ =	sdelay $0x3  }
0x33: {  	p0 =	seq.s32 s10, $0x1;
	s10 =	sld [smem:$0x3FAB];
	_ =	sdelay $0x3  }
0x34: {  	[smem:$0x3FAB] =	sst s10  }
0x35: {  	s10 =	sld [smem:$0x3FAA];
	_ =	sdelay $0x3  }
0x36: {  	p1 =	seq.s32 s10, $0x1;
	s10 =	sld [smem:$0x3FAB];
	_ =	sdelay $0x3  }
0x37: {  	[smem:$0x3FAB] =	sst s10  }
0x38: {  	s10 =	sld [smem:$0x3FAC]  }
0x39: {  	_ = 	snop;
	(pc) =	sbr.ind lr, $3  }
0x3a: {  	_ = 	snop  }
0x3b: {  	_ = 	snop  }
0x3c: {  	p2 =	seq.s32 s10, $0x1;
	s10 =	sld [smem:$0x3FAB]  }
0x3d: {  	_ =	shalt  }
0x3e: {  	_ =	shalt  }
0x3f: {  	_ =	shalt  }
0x40: {  	_ =	shalt  }
0x41: {  	_ =	shalt  }
0x42: {  	_ =	shalt  }
0x43: {  	_ =	shalt  }
0x44: {  	_ =	shalt  }
0x45: {  	_ =	shalt  }
0x46: {  	_ =	shalt  }
0x47: {  	_ =	shalt  }
0x48: {  	_ =	shalt  }
0x49: {  	_ =	shalt  }
0x4a: {  	_ =	shalt  }
0x4b: {  	_ =	shalt  }
0x4c: {  	_ =	shalt  }
0x4d: {  	_ =	shalt  }
0x4e: {  	_ =	shalt  }
0x4f: {  	_ =	shalt  }
0x50: {  	_ =	shalt  }
0x51: {  	_ =	shalt  }
0x52: {  	_ =	shalt  }
0x53: {  	_ =	shalt  }
0x54: {  	_ =	shalt  }
0x55: {  	_ =	shalt  }
0x56: {  	_ =	shalt  }
0x57: {  	_ =	shalt  }
0x58: {  	_ =	shalt  }
0x59: {  	_ =	shalt  }
0x5a: {  	_ =	shalt  }
0x5b: {  	_ =	shalt  }
0x5c: {  	_ =	shalt  }
0x5d: {  	_ =	shalt  }
0x5e: {  	_ =	shalt  }
0x5f: {  	_ =	shalt  }
0x60: {  	_ =	shalt  }
0x61: {  	_ =	shalt  }
0x62: {  	_ =	shalt  }
0x63: {  	_ =	shalt  }
0x64: {  	_ =	shalt  }
0x65: {  	_ =	shalt  }
0x66: {  	_ =	shalt  }
0x67: {  	_ =	shalt  }
0x68: {  	_ =	shalt  }
0x69: {  	_ =	shalt  }
0x6a: {  	_ =	shalt  }
0x6b: {  	_ =	shalt  }
0x6c: {  	_ =	shalt  }
0x6d: {  	_ =	shalt  }
0x6e: {  	_ =	shalt  }
0x6f: {  	_ =	shalt  }
0x70: {  	_ =	shalt  }
0x71: {  	_ =	shalt  }
0x72: {  	_ =	shalt  }
0x73: {  	_ =	shalt  }
0x74: {  	_ =	shalt  }
0x75: {  	_ =	shalt  }
0x76: {  	_ =	shalt  }
0x77: {  	_ =	shalt  }
0x78: {  	_ =	shalt  }
0x79: {  	_ =	shalt  }
0x7a: {  	_ =	shalt  }
0x7b: {  	_ =	shalt  }
0x7c: {  	_ =	shalt  }
0x7d: {  	_ =	shalt  }
0x7e: {  	_ =	shalt  }
0x7f: {  	_ =	shalt  }
0x80: {  	_ =	shalt  }
0x81: {  	_ =	shalt  }
0x82: {  	_ =	shalt  }
0x83: {  	_ =	shalt  }
0x84: {  	_ =	shalt  }
0x85: {  	_ =	shalt  }
0x86: {  	_ =	shalt  }
0x87: {  	_ =	shalt  }
.Lfunc_end0:
.L_simem_size_0:
called_computation_lowered:
.L_overlay_start_0:
0x88: {  	s2 =	sld [smem:$0x3FD9]  }
0x89: {  	s3 =	sld [smem:$0x3FFE];
	_ =	sdelay $0x1  }
0x8a: {  	s1 =	srdreg.scid  }
0x8b: {  	s0 =	sand.u32 $0x1, s1  }
0x8c: {  	s17 =	sshll.u32 s0, $0xA;
	s2 =	sadd.s32 s3, s2  }
0x8d: {  	s2 =	sadd.s32 s2, s17  }
0x8e: {  	[smem:$0x3FB7] =	sst s2  }
0x8f: {  	_ = 	snop  }
0x90: {  	s2 =	sld [smem:$0x3FC9];
	(tm) =	ssettm $0x1  }
0x91: {  	s18 =	sld [smem:$0x3FFB];
	_ =	sdelay $0x3  }
0x92: {  	_ =	strace s18  }
0x93: {  	s3 =	sld [smem:$0x3FFC];
	_ =	sdelay $0x3  }
0x94: {  	_ =	strace s3  }
0x95: {  	s3 =	sld [smem:$0x3FFD];
	_ =	sdelay $0x3  }
0x96: {  	_ =	strace s3  }
0x97: {  	_ =	strace $0x8FFFFFFF  }
0x98: {  	s19 =	sld [smem:$0x3FDB];
	_ =	sdelay $0x1  }
0x99: {  	s4 =	simm.s32 $_scs_section_size  }
0x9a: {  	s5 =	simm.s32 $_size__tile_overlayer_lowered;
	s6 =	simm.s32 $_tile_overlayer_lowered  }
0x9b: {  	s22 =	simm.s32 $0x1BFF;
	s21 =	sshll.u32 s6, $0x1;
	s3 =	sadd.s32 s4, s19  }
0x9c: {  	s7 =	simm.s32 $0x0;
	s20 =	sshll.u32 s5, $0x1;
	s5 =	sadd.s32 s21, s3  }
0x9d: {  	[timem:s7], [sflag:s22] =	dma.local [hbm:s5], s20  }
0x9e: {  	_ =	swait.ge [sflag:s22], s20  }
0x9f: {  	s4 =	ssub.s32 $0x0, s20;
	[sflag:s22] =	ssyncset.done $0x0  }
0xa0: {  	[sflag:s22] =	ssyncadd.s32 s4;
	_ =	sdelay $0x1  }
0xa1: {  	s23 =	simm.s32 $0x1B8B  }
0xa2: {  	_ =	swait.ge [sflag:s23], $0x1  }
0xa3: {  	[sflag:s23] =	ssyncset.done $0x0  }
0xa4: {  	s25 =	simm.s32 $0x1B8E;
	s24 =	sld [smem:$0x3FFE];
	[sflag:s23] =	ssyncadd.s32 $0xFFFFFFFF  }
0xa5: {  	s26 =	simm.s32 $execute0_lowered;
	[smem:$0x3FD2] =	sst s25  }
0xa6: {  	s5 =	sshll.u32 s26, $0x1;
	_ =	strace $0x80000046;
	[dreg:$0x1] =	wrdreg $0xFFFFFFFF  }
0xa7: {  	s28 =	simm.s32 $_size_execute0_lowered;
	s3 =	sadd.s32 s3, s5;
	[dreg:$0x0] =	wrdreg $0x0  }
0xa8: {  	s5 =	sshll.u32 s28, $0x1;
	[dreg:$0x2] =	wrdreg s3  }
0xa9: {  	[dreg:$0x3] =	wrdreg s5  }
0xaa: {  	[dreg:$0x4] =	wrdreg $0xC0  }
0xab: {  	_ =	task [dreg:s7], $0x5FFFF  }
0xac: {  	[dreg:$0x1] =	wrdreg $0xFFFFFFFF  }
0xad: {  	[dreg:$0x0] =	wrdreg $0x60  }
0xae: {  	[dreg:$0x2] =	wrdreg s2  }
0xaf: {  	[dreg:$0x3] =	wrdreg s24  }
0xb0: {  	[dreg:$0x4] =	wrdreg $0xA8000  }
0xb1: {  	[dreg:$0x5] =	wrdreg $0x9  }
0xb2: {  	_ =	task.clear_ibuf [dreg:s7], $0x6FFFF;
	_ =	strace $0x90000046  }
0xb3: {  	s29 =	simm.s32 $0x9;
	_ =	strace $0x80000048  }
0xb4: {  	_ =	swait.ge [sflag:s29], $0x1  }
0xb5: {  	[sflag:s29] =	ssyncadd.s32 $0xFFFFFFFF  }
0xb6: {  	_ =	strace $0x90000048  }
0xb7: {  	_ =	sfence  }
0xb8: {  	s30 =	sld [smem:$0x0];
	_ =	sdelay $0x2  }
0xb9: {  	s31 =	sshll.u32 s1, $0xD;
	s1 =	sshrl.u32 s1, $0x2  }
0xba: {  	s3 =	sand.u32 $0x4000, s31;
	s1 =	sadd.s32 s1, s30  }
0xbb: {  	s0 =	sor.u32 s3, s0;
	s1 =	sshll.u32 s1, $0x11  }
0xbc: {  	s0 =	sor.u32 s1, s0  }
0xbd: {  	s0 =	sadd.s32 $0x8F2B, s0  }
0xbe: {  	[sflag:s0] =	ssyncadd.remote.s32 $0x1  }
0xbf: {  	_ =	sfence.sel $0xFFFF  }
0xc0: {  	[dreg:$0x0] =	wrdreg $0xFFFFFFFF;
	(pc) =	sbr.abs _section_cstart, $3  }
0xc1: {  	[dreg:$0x1] =	wrdreg $0xFFFFFFFF  }
0xc2: {  	_ =	task.clear_ibuf [dreg:s7], $0x2FFFF;
	_ =	strace $0x9FFFFFFF  }
0xc3: {  	(tm) =	ssettm $0x7FFFFFFF  }
tec
execute0_lowered:
.L_overlay_start_1:
0x0: {  	(tag) =	ssettag $0x1  }
0x1: {  	s2 =	rddreg [dreg:$0x0]  }
0x2: {  	s0 =	rddreg [dreg:$0x1]  }
0x3: {  	s3 =	rddreg [dreg:$0x2]  }
0x4: {  	s14 =	stileid.u32;
	s1 =	srdreg.scid  }
0x5: {  	s4 =	simm.s32 $0x0;
	s11 =	simm.s32 $0xF0;
	s15 =	simm.s32 $0x3  }
0x6: {  	s16 =	simm.s32 $0x1400;
	s17 =	simm.s32 $0x40;
	s18 =	simm.s32 $0x2800  }
0x7: {  	s19 =	simm.s32 $0x4800;
	s20 =	simm.s32 $0x6800;
	s21 =	simm.s32 $0x8800  }
0x8: {  	s22 =	simm.s32 $0x1;
	s23 =	simm.s32 $0x2;
	s24 =	simm.s32 $0x1380  }
0x9: {  	s25 =	simm.s32 $0x2700;
	s30 =	simm.s32 $0x0;
	s7 =	smul.u32 $0x14000, s14  }
0xa: {  	s1 =	sand.u32 $0x1, s1;
	[smem:$0x7FF] =	sst s4;
	s5 =	sadd.s32 $0xA0CA00, s0  }
0xb: {  	s6 =	sadd.s32 $0x4E4A00, s0;
	s10 =	smul.u32 $0x50000, s14;
	s29 =	sshll.u32 s14, $0x6  }
0xc: {  	s8 =	smul.u32 $0x140000, s1;
	_ =	strace $0x80000047;
	p0 =	seq.s32 s1, $0x0  }
0xd: {  	s12 =	ssub.s32 $0x2, s1;
	s1 =	smul.u32 $0xF00, s1;
	s9 =	sshrl.u32 s7, $0x3  }
0xe: {  	s11 =	simm.s32 @!p0 $0x50;
	s26 =	sshrl.u32 s12, $0x1;
	s10 =	sshrl.u32 s10, $0x2  }
0xf: {  	s8 =	sadd.s32 s7, s8;
	s7 =	sadd.s32 $0x4F8A00, s0;
	s13 =	smul.u32 s14, s11  }
0x10: {  	s9 =	sadd.s32 s9, s0;
	s11 =	smul.u32 $0xCD, s11;
	s8 =	sshrl.u32 s8, $0x3  }
0x11: {  	s28 =	sadd.s32 s10, s3;
	s9 =	sadd.s32 $0x2A00, s9;
	s0 =	sadd.s32 s8, s0  }
0x12: {  	[dreg:$0x4] =	wrdreg s9;
	s10 =	sadd.s32 s1, s13;
	s1 =	sshrl.u32 s28, $0x3  }
0x13: {  	s8 =	ssub.s32 s12, s26;
	s0 =	sadd.s32 $0x2AA00, s0;
	[dreg:$0x7] =	wrdreg s1  }
0x14: {  	s9 =	sor.u32 $0x1C03, s29;
	s31 =	smax.u32 s8, $0x1;
	[dreg:$0x5] =	wrdreg s0  }
0x15: {  	s11 =	sshrl.u32 s11, $0xD;
	s26 =	simm.s32 $0x2780;
	[dreg:$0x6] =	wrdreg s31  }
.LBB2_1:
0x16: {  	s0 =	rddreg [dreg:$0x4]  }
0x17: {  	[spmem:s1], [sflag:s9] =	dma.local [hbm:s0], $0x2800  }
0x18: {  	_ =	swait.ge [sflag:s15], $0x2800  }
0x19: {  	[sflag:s15] =	ssyncset.done $0x0  }
0x1a: {  	[sflag:s15] =	ssyncadd.s32 $0xFFFFD800  }
0x1b: {  	s14 =	smov.u32 s9;
	s28 =	simm.s32 $0x0;
	[bflag:$0x0] =	sbarrier.arrive $0xFFFF  }
.LBB2_2:
0x1c: {  	s0 =	smul.u32 $0x28, s28;
	_ =	sdelay $0x1  }
0x1d: {  	s29 =	sadd.s32 s0, s10  }
0x1e: {  	s0 =	sshll.u32 s29, $0x4  }
0x1f: {  	s1 =	sadd.s32 s6, s0  }
0x20: {  	[tilespmem:s30], [sflag:$0x3] =	stream.linear.gather [hbm4b:s1+s30], $0x1400, $0x38;
	[tilespmem:$0x1E800] =	vst v63  }
0x21: {  	_ =	swait.ge [sflag:s15], $0x1400  }
0x22: {  	[sflag:s15] =	ssyncset.done $0x0  }
0x23: {  	s0 =	sadd.s32 s7, s0;
	[sflag:s15] =	ssyncadd.s32 $0xFFFFEC00  }
0x24: {  	[tilespmem:s16], [sflag:$0x3] =	stream.linear.gather [hbm4b:s0+s30], $0x1400, $0x38;
	[tilespmem:$0x1E800] =	vst v63  }
0x25: {  	_ =	swait.ge [sflag:s15], $0x1400  }
0x26: {  	[sflag:s15] =	ssyncset.done $0x0  }
0x27: {  	s31 =	sshll.u32 s29, $0xA;
	[sflag:s15] =	ssyncadd.s32 $0xFFFFEC00  }
0x28: {  	[tilespmem:s18], [sflag:$0x1] =	stream.indirect.gather [hbm4b:s2+s17], $0x80, s30, s17, $0xb8;
	[tilespmem:$0x1E800] =	vst v63  }
0x29: {  	s13 =	sadd.s32 s5, s31;
	s0 =	simm.s32 $0x0  }
0x2a: {  	[tilespmem:s19], [sflag:$0x1] =	stream.linear.gather [hbm4b:s13+s30], $0x2000, $0x38;
	[tilespmem:$0x1E800] =	vst v63  }
.LBB2_3:
0x2b: {  	s8 =	sshllo.u32 s0, $0x1  }
0x2c: {  	s1 =	sshll.u32 s8, $0x7;
	s8 =	sadd.s32 s29, s8  }
0x2d: {  	[tilespmem:s20], [sflag:$0x2] =	stream.indirect.gather [hbm4b:s2+s17], $0x80, s1, s17, $0xb8;
	[tilespmem:$0x1E800] =	vst v63  }
0x2e: {  	s8 =	sshll.u32 s8, $0xA  }
0x2f: {  	s8 =	sand.u32 $0x1FFFFC00, s8  }
0x30: {  	s8 =	sadd.s32 s5, s8  }
0x31: {  	[tilespmem:s21], [sflag:$0x2] =	stream.linear.gather [hbm4b:s8+s30], $0x2000, $0x38;
	[tilespmem:$0x1E800] =	vst v63  }
0x32: {  	_ =	swait.ge [sflag:s22], $0x2000  }
0x33: {  	[sflag:s22] =	ssyncset.done $0x0  }
0x34: {  	[sflag:s22] =	ssyncadd.s32 $0xFFFFE000  }
0x35: {  	_ =	swait.ge [sflag:s22], $0x2000  }
0x36: {  	[sflag:s22] =	ssyncset.done $0x0  }
0x37: {  	s8 =	simm.s32 $0x0;
	[sflag:s22] =	ssyncadd.s32 $0xFFFFE000  }
0x38: {  	v6 =	vld [tilespmem:s8+$0x2800]  }
0x39: {  	v11 =	vld [tilespmem:s8+$0x2810]  }
0x3a: {  	v5 =	vld [tilespmem:s8+$0x2820]  }
0x3b: {  	v4 =	vld [tilespmem:s8+$0x2830]  }
0x3c: {  	v3 =	vld [tilespmem:s8+$0x2840]  }
0x3d: {  	v2 =	vld [tilespmem:s8+$0x2850]  }
0x3e: {  	v1 =	vld [tilespmem:s8+$0x2860]  }
0x3f: {  	v0 =	vld [tilespmem:s8+$0x2870]  }
0x40: {  	v12 =	vld [tilespmem:s8+$0x4800]  }
0x41: {  	v13 =	vld [tilespmem:s8+$0x4810]  }
0x42: {  	v10 =	vld [tilespmem:s8+$0x4820]  }
0x43: {  	v9 =	vld [tilespmem:s8+$0x4830]  }
0x44: {  	v8 =	vld [tilespmem:s8+$0x4840]  }
0x45: {  	v7 =	vld [tilespmem:s8+$0x4850];
	v12 =	vadd.f32 v12, v6  }
0x46: {  	s12 =	sshll.u32 s0, $0x1;
	s13 =	simm.s32 $0x200;
	v11 =	vadd.f32 v13, v11;
	v6 =	vld [tilespmem:s8+$0x4860]  }
.LBB2_4:
0x47: {  	s9 =	sshra.s32 s13, $0x2;
	p0 =	sne.s32 s13, $0x7E00;
	v12 =	vmax.f32 v12, $0.0e+00;
	v5 =	vadd.f32 v10, v5;
	v10 =	vld [tilespmem:s8+$0x4870]  }
0x48: {  	v13 =	vld [tilespmem:s9+$0x2800];
	[tilespmem:s8+$0x4800] =	vst v12;
	v11 =	vmax.f32 v11, $0.0e+00;
	v4 =	vadd.f32 v9, v4  }
0x49: {  	v14 =	vld [tilespmem:s9+$0x2810];
	[tilespmem:s8+$0x4810] =	vst v11;
	v9 =	vmax.f32 v5, $0.0e+00;
	v3 =	vadd.f32 v8, v3  }
0x4a: {  	v5 =	vld [tilespmem:s9+$0x2820];
	[tilespmem:s8+$0x4820] =	vst v9;
	v8 =	vmax.f32 v4, $0.0e+00;
	v2 =	vadd.f32 v7, v2  }
0x4b: {  	v4 =	vld [tilespmem:s9+$0x2830];
	[tilespmem:s8+$0x4830] =	vst v8;
	v7 =	vmax.f32 v3, $0.0e+00;
	v1 =	vadd.f32 v6, v1  }
0x4c: {  	v3 =	vld [tilespmem:s9+$0x2840];
	[tilespmem:s8+$0x4840] =	vst v7;
	v6 =	vmax.f32 v2, $0.0e+00;
	v0 =	vadd.f32 v10, v0  }
0x4d: {  	v2 =	vld [tilespmem:s9+$0x2850];
	[tilespmem:s8+$0x4850] =	vst v6;
	v6 =	vmax.f32 v1, $0.0e+00  }
0x4e: {  	v1 =	vld [tilespmem:s9+$0x2860];
	[tilespmem:s8+$0x4860] =	vst v6;
	v6 =	vmax.f32 v0, $0.0e+00  }
0x4f: {  	v0 =	vld [tilespmem:s9+$0x2870];
	[tilespmem:s8+$0x4870] =	vst v6;
	s8 =	smov.u32 s9  }
0x50: {  	v6 =	vld [tilespmem:s8+$0x4800]  }
0x51: {  	v11 =	vld [tilespmem:s8+$0x4810]  }
.Ltmp0:
0x52: {  	v10 =	vld [tilespmem:s8+$0x4820];
	(pc) =	sbr.rel @p0 .LBB2_4-.Ltmp0, $4  }
0x53: {  	v9 =	vld [tilespmem:s8+$0x4830]  }
0x54: {  	v8 =	vld [tilespmem:s8+$0x4840]  }
0x55: {  	v12 =	vadd.f32 v6, v13;
	v7 =	vld [tilespmem:s8+$0x4850]  }
0x56: {  	s13 =	sadd.s32 $0x200, s13;
	v11 =	vadd.f32 v11, v14;
	v6 =	vld [tilespmem:s8+$0x4860]  }
0x57: {  	v12 =	vmax.f32 v12, $0.0e+00;
	v5 =	vadd.f32 v10, v5;
	v10 =	vld [tilespmem:s8+$0x4870]  }
0x58: {  	[tilespmem:s8+$0x4800] =	vst v12;
	v11 =	vmax.f32 v11, $0.0e+00;
	v4 =	vadd.f32 v9, v4  }
0x59: {  	[tilespmem:s8+$0x4810] =	vst v11;
	v5 =	vmax.f32 v5, $0.0e+00;
	v3 =	vadd.f32 v8, v3  }
0x5a: {  	[tilespmem:s8+$0x4820] =	vst v5;
	v4 =	vmax.f32 v4, $0.0e+00;
	v2 =	vadd.f32 v7, v2  }
0x5b: {  	[tilespmem:s8+$0x4830] =	vst v4;
	v3 =	vmax.f32 v3, $0.0e+00;
	v1 =	vadd.f32 v6, v1  }
0x5c: {  	[tilespmem:s8+$0x4840] =	vst v3;
	v2 =	vmax.f32 v2, $0.0e+00;
	v0 =	vadd.f32 v10, v0  }
0x5d: {  	s9 =	sshll.u32 s0, $0x8;
	[tilespmem:s8+$0x4850] =	vst v2;
	v1 =	vmax.f32 v1, $0.0e+00  }
0x5e: {  	s9 =	sand.u32 $0x3FFFFF00, s9;
	[tilespmem:s8+$0x4860] =	vst v1;
	v0 =	vmax.f32 v0, $0.0e+00  }
0x5f: {  	s13 =	sadd.s32 $0x2, s12;
	s9 =	sadd.s32 $0x1400, s9;
	[tilespmem:s8+$0x4870] =	vst v0  }
0x60: {  	[spmem:s3] =	stream.indirect.scatter.add.f32 [tilespmem:s19], [sflag:$0x3], $0x80, s9, s17, $0xb8;
	[tilespmem:$0x1E800] =	vst v63  }
0x61: {  	s12 =	sshll.u32 s13, $0x7;
	s8 =	sadd.s32 s29, s13;
	_ =	swait.ge [sflag:s15], $0x2000  }
0x62: {  	s9 =	sand.u32 $0x3FFFFF80, s12;
	s8 =	sshll.u32 s8, $0xA;
	[sflag:s15] =	ssyncset.done $0x0  }
0x63: {  	s8 =	sand.u32 $0x1FFFFC00, s8;
	[sflag:s15] =	ssyncadd.s32 $0xFFFFE000  }
0x64: {  	[tilespmem:s18], [sflag:$0x1] =	stream.indirect.gather [hbm4b:s2+s17], $0x80, s9, s17, $0xb8;
	[tilespmem:$0x1E800] =	vst v63  }
0x65: {  	s13 =	simm.s32 $0x0;
	s8 =	sadd.s32 s5, s8  }
0x66: {  	[tilespmem:s19], [sflag:$0x1] =	stream.linear.gather [hbm4b:s8+s13], $0x2000, $0x38;
	[tilespmem:$0x1E800] =	vst v63  }
0x67: {  	_ =	swait.ge [sflag:s23], $0x2000  }
0x68: {  	[sflag:s23] =	ssyncset.done $0x0  }
0x69: {  	[sflag:s23] =	ssyncadd.s32 $0xFFFFE000  }
0x6a: {  	_ =	swait.ge [sflag:s23], $0x2000  }
0x6b: {  	[sflag:s23] =	ssyncset.done $0x0  }
0x6c: {  	s8 =	simm.s32 $0x0;
	[sflag:s23] =	ssyncadd.s32 $0xFFFFE000  }
0x6d: {  	v6 =	vld [tilespmem:s8+$0x6800]  }
0x6e: {  	v11 =	vld [tilespmem:s8+$0x6810]  }
0x6f: {  	v5 =	vld [tilespmem:s8+$0x6820]  }
0x70: {  	v4 =	vld [tilespmem:s8+$0x6830]  }
0x71: {  	v3 =	vld [tilespmem:s8+$0x6840]  }
0x72: {  	v2 =	vld [tilespmem:s8+$0x6850]  }
0x73: {  	v1 =	vld [tilespmem:s8+$0x6860]  }
0x74: {  	v0 =	vld [tilespmem:s8+$0x6870]  }
0x75: {  	v12 =	vld [tilespmem:s8+$0x8800]  }
0x76: {  	v13 =	vld [tilespmem:s8+$0x8810]  }
0x77: {  	v10 =	vld [tilespmem:s8+$0x8820]  }
0x78: {  	v9 =	vld [tilespmem:s8+$0x8830]  }
0x79: {  	v8 =	vld [tilespmem:s8+$0x8840]  }
0x7a: {  	v7 =	vld [tilespmem:s8+$0x8850];
	v12 =	vadd.f32 v12, v6  }
0x7b: {  	s12 =	simm.s32 $0x200;
	v11 =	vadd.f32 v13, v11;
	v6 =	vld [tilespmem:s8+$0x8860]  }
.LBB2_6:
0x7c: {  	s9 =	sshra.s32 s12, $0x2;
	p0 =	sne.s32 s12, $0x7E00;
	v12 =	vmax.f32 v12, $0.0e+00;
	v5 =	vadd.f32 v10, v5;
	v10 =	vld [tilespmem:s8+$0x8870]  }
0x7d: {  	v13 =	vld [tilespmem:s9+$0x6800];
	[tilespmem:s8+$0x8800] =	vst v12;
	v11 =	vmax.f32 v11, $0.0e+00;
	v4 =	vadd.f32 v9, v4  }
0x7e: {  	v14 =	vld [tilespmem:s9+$0x6810];
	[tilespmem:s8+$0x8810] =	vst v11;
	v9 =	vmax.f32 v5, $0.0e+00;
	v3 =	vadd.f32 v8, v3  }
0x7f: {  	v5 =	vld [tilespmem:s9+$0x6820];
	[tilespmem:s8+$0x8820] =	vst v9;
	v8 =	vmax.f32 v4, $0.0e+00;
	v2 =	vadd.f32 v7, v2  }
0x80: {  	v4 =	vld [tilespmem:s9+$0x6830];
	[tilespmem:s8+$0x8830] =	vst v8;
	v7 =	vmax.f32 v3, $0.0e+00;
	v1 =	vadd.f32 v6, v1  }
0x81: {  	v3 =	vld [tilespmem:s9+$0x6840];
	[tilespmem:s8+$0x8840] =	vst v7;
	v6 =	vmax.f32 v2, $0.0e+00;
	v0 =	vadd.f32 v10, v0  }
0x82: {  	v2 =	vld [tilespmem:s9+$0x6850];
	[tilespmem:s8+$0x8850] =	vst v6;
	v6 =	vmax.f32 v1, $0.0e+00  }
0x83: {  	v1 =	vld [tilespmem:s9+$0x6860];
	[tilespmem:s8+$0x8860] =	vst v6;
	v6 =	vmax.f32 v0, $0.0e+00  }
0x84: {  	v0 =	vld [tilespmem:s9+$0x6870];
	[tilespmem:s8+$0x8870] =	vst v6;
	s8 =	smov.u32 s9  }
0x85: {  	v6 =	vld [tilespmem:s8+$0x8800]  }
0x86: {  	v11 =	vld [tilespmem:s8+$0x8810]  }
.Ltmp1:
0x87: {  	v10 =	vld [tilespmem:s8+$0x8820];
	(pc) =	sbr.rel @p0 .LBB2_6-.Ltmp1, $4  }
0x88: {  	v9 =	vld [tilespmem:s8+$0x8830]  }
0x89: {  	v8 =	vld [tilespmem:s8+$0x8840]  }
0x8a: {  	v12 =	vadd.f32 v6, v13;
	v7 =	vld [tilespmem:s8+$0x8850]  }
0x8b: {  	s12 =	sadd.s32 $0x200, s12;
	v11 =	vadd.f32 v11, v14;
	v6 =	vld [tilespmem:s8+$0x8860]  }
0x8c: {  	v12 =	vmax.f32 v12, $0.0e+00;
	v5 =	vadd.f32 v10, v5;
	v63 =	vld [tilespmem:s8+$0x8870]  }
0x8d: {  	[tilespmem:s8+$0x8800] =	vst v12;
	v11 =	vmax.f32 v11, $0.0e+00;
	v4 =	vadd.f32 v9, v4  }
0x8e: {  	[tilespmem:s8+$0x8810] =	vst v11;
	v5 =	vmax.f32 v5, $0.0e+00;
	v3 =	vadd.f32 v8, v3  }
0x8f: {  	[tilespmem:s8+$0x8820] =	vst v5;
	v4 =	vmax.f32 v4, $0.0e+00;
	v2 =	vadd.f32 v7, v2  }
0x90: {  	[tilespmem:s8+$0x8830] =	vst v4;
	v3 =	vmax.f32 v3, $0.0e+00;
	v1 =	vadd.f32 v6, v1  }
0x91: {  	[tilespmem:s8+$0x8840] =	vst v3;
	v2 =	vmax.f32 v2, $0.0e+00;
	v0 =	vadd.f32 v63, v0  }
0x92: {  	s0 =	sadd.s32 $0x1, s0;
	[tilespmem:s8+$0x8850] =	vst v2;
	v1 =	vmax.f32 v1, $0.0e+00  }
0x93: {  	p0 =	sne.s32 s0, $0x13;
	[tilespmem:s8+$0x8860] =	vst v1;
	v0 =	vmax.f32 v0, $0.0e+00  }
.Ltmp2:
0x94: {  	s1 =	sadd.s32 $0x1400, s1;
	[tilespmem:s8+$0x8870] =	vst v0;
	(pc) =	sbr.rel @p0 .LBB2_3-.Ltmp2, $4  }
0x95: {  	[spmem:s3] =	stream.indirect.scatter.add.f32 [tilespmem:s21], [sflag:$0x3], $0x80, s1, s17, $0xb8;
	[tilespmem:$0x1E800] =	vst v63  }
0x96: {  	_ =	swait.ge [sflag:s15], $0x2000  }
0x97: {  	[sflag:s15] =	ssyncset.done $0x0  }
0x98: {  	[sflag:s15] =	ssyncadd.s32 $0xFFFFE000  }
0x99: {  	[tilespmem:s20], [sflag:$0x2] =	stream.indirect.gather [hbm4b:s2+s17], $0x80, s24, s17, $0xb8;
	[tilespmem:$0x1E800] =	vst v63  }
0x9a: {  	s0 =	sand.u32 $0x1FFFFC00, s31  }
0x9b: {  	s0 =	sadd.s32 s5, s0  }
0x9c: {  	s1 =	simm.s32 $0x0;
	s0 =	sadd.s32 $0x9C00, s0  }
0x9d: {  	[tilespmem:s21], [sflag:$0x2] =	stream.linear.gather [hbm4b:s0+s1], $0x2000, $0x38;
	[tilespmem:$0x1E800] =	vst v63  }
0x9e: {  	_ =	swait.ge [sflag:s22], $0x2000  }
0x9f: {  	[sflag:s22] =	ssyncset.done $0x0  }
0xa0: {  	[sflag:s22] =	ssyncadd.s32 $0xFFFFE000  }
0xa1: {  	_ =	swait.ge [sflag:s22], $0x2000  }
0xa2: {  	[sflag:s22] =	ssyncset.done $0x0  }
0xa3: {  	s0 =	simm.s32 $0x0;
	[sflag:s22] =	ssyncadd.s32 $0xFFFFE000  }
0xa4: {  	v6 =	vld [tilespmem:s0+$0x2800]  }
0xa5: {  	v11 =	vld [tilespmem:s0+$0x2810]  }
0xa6: {  	v5 =	vld [tilespmem:s0+$0x2820]  }
0xa7: {  	v4 =	vld [tilespmem:s0+$0x2830]  }
0xa8: {  	v3 =	vld [tilespmem:s0+$0x2840]  }
0xa9: {  	v2 =	vld [tilespmem:s0+$0x2850]  }
0xaa: {  	v1 =	vld [tilespmem:s0+$0x2860]  }
0xab: {  	v0 =	vld [tilespmem:s0+$0x2870]  }
0xac: {  	v12 =	vld [tilespmem:s0+$0x4800]  }
0xad: {  	v13 =	vld [tilespmem:s0+$0x4810]  }
0xae: {  	v10 =	vld [tilespmem:s0+$0x4820]  }
0xaf: {  	v9 =	vld [tilespmem:s0+$0x4830]  }
0xb0: {  	v8 =	vld [tilespmem:s0+$0x4840]  }
0xb1: {  	v7 =	vld [tilespmem:s0+$0x4850];
	v12 =	vadd.f32 v12, v6  }
0xb2: {  	s1 =	simm.s32 $0x200;
	v11 =	vadd.f32 v13, v11;
	v6 =	vld [tilespmem:s0+$0x4860]  }
.LBB2_9:
0xb3: {  	s8 =	sshra.s32 s1, $0x2;
	p0 =	sne.s32 s1, $0x7E00;
	v12 =	vmax.f32 v12, $0.0e+00;
	v5 =	vadd.f32 v10, v5;
	v10 =	vld [tilespmem:s0+$0x4870]  }
0xb4: {  	v13 =	vld [tilespmem:s8+$0x2800];
	[tilespmem:s0+$0x4800] =	vst v12;
	v11 =	vmax.f32 v11, $0.0e+00;
	v4 =	vadd.f32 v9, v4  }
0xb5: {  	v14 =	vld [tilespmem:s8+$0x2810];
	[tilespmem:s0+$0x4810] =	vst v11;
	v9 =	vmax.f32 v5, $0.0e+00;
	v3 =	vadd.f32 v8, v3  }
0xb6: {  	v5 =	vld [tilespmem:s8+$0x2820];
	[tilespmem:s0+$0x4820] =	vst v9;
	v8 =	vmax.f32 v4, $0.0e+00;
	v2 =	vadd.f32 v7, v2  }
0xb7: {  	v4 =	vld [tilespmem:s8+$0x2830];
	[tilespmem:s0+$0x4830] =	vst v8;
	v7 =	vmax.f32 v3, $0.0e+00;
	v1 =	vadd.f32 v6, v1  }
0xb8: {  	v3 =	vld [tilespmem:s8+$0x2840];
	[tilespmem:s0+$0x4840] =	vst v7;
	v6 =	vmax.f32 v2, $0.0e+00;
	v0 =	vadd.f32 v10, v0  }
0xb9: {  	v2 =	vld [tilespmem:s8+$0x2850];
	[tilespmem:s0+$0x4850] =	vst v6;
	v6 =	vmax.f32 v1, $0.0e+00  }
0xba: {  	v1 =	vld [tilespmem:s8+$0x2860];
	[tilespmem:s0+$0x4860] =	vst v6;
	v6 =	vmax.f32 v0, $0.0e+00  }
0xbb: {  	v0 =	vld [tilespmem:s8+$0x2870];
	[tilespmem:s0+$0x4870] =	vst v6;
	s0 =	smov.u32 s8  }
0xbc: {  	v6 =	vld [tilespmem:s0+$0x4800]  }
0xbd: {  	v11 =	vld [tilespmem:s0+$0x4810]  }
.Ltmp3:
0xbe: {  	v10 =	vld [tilespmem:s0+$0x4820];
	(pc) =	sbr.rel @p0 .LBB2_9-.Ltmp3, $4  }
0xbf: {  	v9 =	vld [tilespmem:s0+$0x4830]  }
0xc0: {  	v8 =	vld [tilespmem:s0+$0x4840]  }
0xc1: {  	v12 =	vadd.f32 v6, v13;
	v7 =	vld [tilespmem:s0+$0x4850]  }
0xc2: {  	s1 =	sadd.s32 $0x200, s1;
	v11 =	vadd.f32 v11, v14;
	v6 =	vld [tilespmem:s0+$0x4860]  }
0xc3: {  	v12 =	vmax.f32 v12, $0.0e+00;
	v5 =	vadd.f32 v10, v5;
	v10 =	vld [tilespmem:s0+$0x4870]  }
0xc4: {  	[tilespmem:s0+$0x4800] =	vst v12;
	v11 =	vmax.f32 v11, $0.0e+00;
	v4 =	vadd.f32 v9, v4  }
0xc5: {  	[tilespmem:s0+$0x4810] =	vst v11;
	v5 =	vmax.f32 v5, $0.0e+00;
	v3 =	vadd.f32 v8, v3  }
0xc6: {  	[tilespmem:s0+$0x4820] =	vst v5;
	v4 =	vmax.f32 v4, $0.0e+00;
	v2 =	vadd.f32 v7, v2  }
0xc7: {  	[tilespmem:s0+$0x4830] =	vst v4;
	v3 =	vmax.f32 v3, $0.0e+00;
	v1 =	vadd.f32 v6, v1  }
0xc8: {  	[tilespmem:s0+$0x4840] =	vst v3;
	v2 =	vmax.f32 v2, $0.0e+00;
	v0 =	vadd.f32 v10, v0  }
0xc9: {  	[tilespmem:s0+$0x4850] =	vst v2;
	v1 =	vmax.f32 v1, $0.0e+00  }
0xca: {  	[tilespmem:s0+$0x4860] =	vst v1;
	v0 =	vmax.f32 v0, $0.0e+00  }
0xcb: {  	[tilespmem:s0+$0x4870] =	vst v0  }
0xcc: {  	[spmem:s3] =	stream.indirect.scatter.add.f32 [tilespmem:s19], [sflag:$0x3], $0x80, s25, s17, $0xb8;
	[tilespmem:$0x1E800] =	vst v63  }
0xcd: {  	_ =	swait.ge [sflag:s15], $0x2000  }
0xce: {  	[sflag:s15] =	ssyncset.done $0x0  }
0xcf: {  	[sflag:s15] =	ssyncadd.s32 $0xFFFFE000  }
0xd0: {  	_ =	swait.ge [sflag:s23], $0x2000  }
0xd1: {  	[sflag:s23] =	ssyncset.done $0x0  }
0xd2: {  	[sflag:s23] =	ssyncadd.s32 $0xFFFFE000  }
0xd3: {  	_ =	swait.ge [sflag:s23], $0x2000  }
0xd4: {  	[sflag:s23] =	ssyncset.done $0x0  }
0xd5: {  	s0 =	simm.s32 $0x0;
	[sflag:s23] =	ssyncadd.s32 $0xFFFFE000  }
0xd6: {  	v6 =	vld [tilespmem:s0+$0x6800]  }
0xd7: {  	v11 =	vld [tilespmem:s0+$0x6810]  }
0xd8: {  	v5 =	vld [tilespmem:s0+$0x6820]  }
0xd9: {  	v4 =	vld [tilespmem:s0+$0x6830]  }
0xda: {  	v3 =	vld [tilespmem:s0+$0x6840]  }
0xdb: {  	v2 =	vld [tilespmem:s0+$0x6850]  }
0xdc: {  	v1 =	vld [tilespmem:s0+$0x6860]  }
0xdd: {  	v0 =	vld [tilespmem:s0+$0x6870]  }
0xde: {  	v12 =	vld [tilespmem:s0+$0x8800]  }
0xdf: {  	v13 =	vld [tilespmem:s0+$0x8810]  }
0xe0: {  	v10 =	vld [tilespmem:s0+$0x8820]  }
0xe1: {  	v9 =	vld [tilespmem:s0+$0x8830]  }
0xe2: {  	v8 =	vld [tilespmem:s0+$0x8840]  }
0xe3: {  	v7 =	vld [tilespmem:s0+$0x8850];
	v12 =	vadd.f32 v12, v6  }
0xe4: {  	s1 =	simm.s32 $0x200;
	v11 =	vadd.f32 v13, v11;
	v6 =	vld [tilespmem:s0+$0x8860]  }
.LBB2_11:
0xe5: {  	s8 =	sshra.s32 s1, $0x2;
	p0 =	sne.s32 s1, $0x7E00;
	v12 =	vmax.f32 v12, $0.0e+00;
	v5 =	vadd.f32 v10, v5;
	v10 =	vld [tilespmem:s0+$0x8870]  }
0xe6: {  	v13 =	vld [tilespmem:s8+$0x6800];
	[tilespmem:s0+$0x8800] =	vst v12;
	v11 =	vmax.f32 v11, $0.0e+00;
	v4 =	vadd.f32 v9, v4  }
0xe7: {  	v14 =	vld [tilespmem:s8+$0x6810];
	[tilespmem:s0+$0x8810] =	vst v11;
	v9 =	vmax.f32 v5, $0.0e+00;
	v3 =	vadd.f32 v8, v3  }
0xe8: {  	v5 =	vld [tilespmem:s8+$0x6820];
	[tilespmem:s0+$0x8820] =	vst v9;
	v8 =	vmax.f32 v4, $0.0e+00;
	v2 =	vadd.f32 v7, v2  }
0xe9: {  	v4 =	vld [tilespmem:s8+$0x6830];
	[tilespmem:s0+$0x8830] =	vst v8;
	v7 =	vmax.f32 v3, $0.0e+00;
	v1 =	vadd.f32 v6, v1  }
0xea: {  	v3 =	vld [tilespmem:s8+$0x6840];
	[tilespmem:s0+$0x8840] =	vst v7;
	v6 =	vmax.f32 v2, $0.0e+00;
	v0 =	vadd.f32 v10, v0  }
0xeb: {  	v2 =	vld [tilespmem:s8+$0x6850];
	[tilespmem:s0+$0x8850] =	vst v6;
	v6 =	vmax.f32 v1, $0.0e+00  }
0xec: {  	v1 =	vld [tilespmem:s8+$0x6860];
	[tilespmem:s0+$0x8860] =	vst v6;
	v6 =	vmax.f32 v0, $0.0e+00  }
0xed: {  	v0 =	vld [tilespmem:s8+$0x6870];
	[tilespmem:s0+$0x8870] =	vst v6;
	s0 =	smov.u32 s8  }
0xee: {  	v6 =	vld [tilespmem:s0+$0x8800]  }
0xef: {  	v11 =	vld [tilespmem:s0+$0x8810]  }
.Ltmp4:
0xf0: {  	v10 =	vld [tilespmem:s0+$0x8820];
	(pc) =	sbr.rel @p0 .LBB2_11-.Ltmp4, $4  }
0xf1: {  	v9 =	vld [tilespmem:s0+$0x8830]  }
0xf2: {  	v8 =	vld [tilespmem:s0+$0x8840]  }
0xf3: {  	v12 =	vadd.f32 v6, v13;
	v7 =	vld [tilespmem:s0+$0x8850]  }
0xf4: {  	s1 =	sadd.s32 $0x200, s1;
	v11 =	vadd.f32 v11, v14;
	v6 =	vld [tilespmem:s0+$0x8860]  }
0xf5: {  	v12 =	vmax.f32 v12, $0.0e+00;
	v5 =	vadd.f32 v10, v5;
	v63 =	vld [tilespmem:s0+$0x8870]  }
0xf6: {  	[tilespmem:s0+$0x8800] =	vst v12;
	v11 =	vmax.f32 v11, $0.0e+00;
	v4 =	vadd.f32 v9, v4  }
0xf7: {  	[tilespmem:s0+$0x8810] =	vst v11;
	v5 =	vmax.f32 v5, $0.0e+00;
	v3 =	vadd.f32 v8, v3  }
0xf8: {  	[tilespmem:s0+$0x8820] =	vst v5;
	v4 =	vmax.f32 v4, $0.0e+00;
	v2 =	vadd.f32 v7, v2  }
0xf9: {  	[tilespmem:s0+$0x8830] =	vst v4;
	v3 =	vmax.f32 v3, $0.0e+00;
	v1 =	vadd.f32 v6, v1  }
0xfa: {  	[tilespmem:s0+$0x8840] =	vst v3;
	v2 =	vmax.f32 v2, $0.0e+00;
	v0 =	vadd.f32 v63, v0  }
0xfb: {  	s28 =	sadd.s32 $0x1, s28;
	[tilespmem:s0+$0x8850] =	vst v2;
	v1 =	vmax.f32 v1, $0.0e+00  }
0xfc: {  	p0 =	sne.s32 s28, s11;
	[tilespmem:s0+$0x8860] =	vst v1;
	v0 =	vmax.f32 v0, $0.0e+00  }
.Ltmp5:
0xfd: {  	[tilespmem:s0+$0x8870] =	vst v0;
	(pc) =	sbr.rel @p0 .LBB2_2-.Ltmp5, $4  }
0xfe: {  	[spmem:s3] =	stream.indirect.scatter.add.f32 [tilespmem:s21], [sflag:$0x3], $0x80, s26, s17, $0xb8;
	[tilespmem:$0x1E800] =	vst v63  }
0xff: {  	_ =	swait.ge [sflag:s15], $0x2000  }
0x100: {  	[sflag:s15] =	ssyncset.done $0x0  }
0x101: {  	[sflag:s15] =	ssyncadd.s32 $0xFFFFE000  }
0x102: {  	[bflag:$0x0] =	sbarrier.arrive $0xFFFF  }
0x103: {  	s0 =	rddreg [dreg:$0x5]  }
0x104: {  	s1 =	rddreg [dreg:$0x7]  }
0x105: {  	[hbm:s0], [sflag:s14] =	dma.local [spmem:s1], $0x2800  }
0x106: {  	_ =	swait.ge [sflag:s15], $0x2800  }
0x107: {  	s4 =	sadd.s32 $0x1, s4;
	s31 =	rddreg [dreg:$0x6]  }
0x108: {  	p0 =	sne.s32 s4, s31  }
.Ltmp6:
0x109: {  	_ = 	snop;
	(pc) =	sbr.rel @p0 .LBB2_1-.Ltmp6, $3  }
0x10a: {  	_ =	sdelay $0x1  }
0x10b: {  	[sflag:s15] =	ssyncset.done $0x0  }
0x10c: {  	s9 =	smov.u32 s14;
	[sflag:s15] =	ssyncadd.s32 $0xFFFFD800  }
0x10d: {  	_ =	sfence.sel $0x180000  }
0x10e: {  	[bflag:$0x0] =	sbarrier.arrive $0xFFFF  }
0x10f: {  	_ =	strace $0x90000047  }
0x110: {  	s0 =	stileid.u32;
	[bflag:$0x2] =	sbarrier.arrive $0xFFFF  }
0x111: {  	p0 =	sne.s32 s0, $0x0;
	s0 =	rddreg [dreg:$0x3]  }
0x112: {  	s0 =	sadd.s32 @!p0 $0x100000, s0  }
0x113: {  	[sflag:s0] =	ssyncadd.tile.s32 @!p0 $0x1;
	_ =	shalt  }
.Lfunc_end2:
_tile_overlayer_lowered:
.L_overlay_start_2:
0x114: {  	(tag) =	ssettag $0x2  }
0x115: {  	s0 =	rddreg [dreg:$0x0];
	s2 =	stileid.u32  }
0x116: {  	s1 =	rddreg [dreg:$0x1];
	p0 =	sne.s32 s2, $0x0  }
0x117: {  	s3 =	rddreg [dreg:$0x2];
	[bflag:$0x3] =	sbarrier.arrive $0xFFFF;
	s2 =	simm.s32 @!p0 $0x1C03  }
0x118: {  	[timem:s3], [sflag:s2] =	dma.local @!p0 [hbm:s0], s1  }
0x119: {  	s0 =	simm.s32 @!p0 $0x3  }
0x11a: {  	_ =	swait.ge @!p0 [sflag:s0], s1  }
0x11b: {  	s1 =	ssub.s32 @!p0 $0x0, s1;
	[sflag:s0] =	ssyncset.done @!p0 $0x0  }
0x11c: {  	[sflag:s0] =	ssyncadd.s32 @!p0 s1  }
0x11d: {  	[bflag:$0x3] =	sbarrier.arrive $0xFFFF  }
0x11e: {  	_ =	shalt  }

</sc_bundles>
